<compile_context>
chip_gen: v7x
topology: tpu7x:2x2x1
jax: 0.10.2.dev20260603
libtpu: 0.0.44.dev20260713+nightly
codegen_flags: <defaults>
</compile_context>

<pallas_src>
import functools

import jax
import jax.numpy as jnp
from jax import lax
from jax.experimental import pallas as pl
from jax.experimental.pallas import tpu as pltpu
from jax.experimental.pallas import tpu_sc as plsc

LANES = 16
NC = 1
NW = 16 * NC


def _dense_relu_kernel(x_ref, w_ref, b_ref, o_ref):
    acc = jnp.dot(x_ref[...], w_ref[...], preferred_element_type=jnp.float32)
    o_ref[...] = jnp.maximum(acc + b_ref[...], 0.0)


def _dense_relu(x, W, b, block_rows):
    n, d = x.shape
    h = W.shape[1]
    assert n % block_rows == 0
    return pl.pallas_call(
        _dense_relu_kernel,
        grid=(n // block_rows,),
        in_specs=[
            pl.BlockSpec((block_rows, d), lambda i: (i, 0)),
            pl.BlockSpec((d, h), lambda i: (0, 0)),
            pl.BlockSpec((1, h), lambda i: (0, 0)),
        ],
        out_specs=pl.BlockSpec((block_rows, h), lambda i: (i, 0)),
        out_shape=jax.ShapeDtypeStruct((n, h), jnp.float32),
    )(x, W, b.reshape(1, h))


def _make_accumulate(n, K, H, per_w, C):
    assert per_w * NW >= n and per_w % C == 0
    n_chunks = per_w // C
    CK = C * K
    G = CK // 128
    assert G * 128 == CK
    HV = H // LANES
    mesh = plsc.VectorSubcoreMesh(core_axis_name="c", subcore_axis_name="s",
                                  num_cores=NC)

    @functools.partial(
        pl.kernel,
        out_type=jax.ShapeDtypeStruct((n, 2 * H), jnp.float32),
        mesh=mesh,
        compiler_params=pltpu.CompilerParams(use_tc_tiling_on_sc=False),
        scratch_types=[
            pltpu.VMEM((4 * CK,), jnp.int32),
            pltpu.VMEM((4 * CK,), jnp.float32),
            pltpu.VMEM((4 * C, H), jnp.float32),
            pltpu.VMEM((3 * CK, H), jnp.float32),
            pltpu.VMEM((2 * C, 2 * H), jnp.float32),
            pltpu.SemaphoreType.DMA,
            pltpu.SemaphoreType.DMA,
            pltpu.SemaphoreType.DMA,
            pltpu.SemaphoreType.DMA,
            pltpu.SemaphoreType.DMA,
        ],
    )
    def acc(h_hbm, idx_hbm, dsq_hbm, out_hbm,
            idx_v, dsq_v, own_v, rows_v, out_v,
            lin_s, gat_s0, gat_s1, out_s0, out_s1):
        wid = lax.axis_index("s") * NC + lax.axis_index("c")
        base0 = wid * per_w

        def chunk_base(c):
            return jnp.minimum(base0 + c * C, n - C)

        def lin_descs(c):
            base = chunk_base(c)
            o = (c % 4) * CK
            oc = (c % 4) * C
            return (
                (idx_hbm.at[pl.ds(base * K, CK)], idx_v.at[pl.ds(o, CK)]),
                (dsq_hbm.at[pl.ds(base * K, CK)], dsq_v.at[pl.ds(o, CK)]),
                (h_hbm.at[pl.ds(base, C)], own_v.at[pl.ds(oc, C)]),
            )

        def issue_linear(c):
            for src, dst in lin_descs(c):
                pltpu.async_copy(src, dst, lin_s)

        def wait_linear(c):
            for src, dst in lin_descs(c):
                pltpu.make_async_copy(src, dst, lin_s).wait()

        def gat_descs(c):
            oi = (c % 4) * CK
            o = (c % 3) * CK
            return [
                (h_hbm.at[idx_v.at[pl.ds(oi + g * 128, 128)]],
                 rows_v.at[pl.ds(o + g * 128, 128)])
                for g in range(G)
            ]

        def issue_gathers(c, sem):
            for src, dst in gat_descs(c):
                pltpu.async_copy(src, dst, sem)

        def wait_gathers(c, sem):
            for src, dst in gat_descs(c):
                pltpu.make_async_copy(src, dst, sem).wait()

        def out_desc(c, par):
            return (out_v.at[pl.ds(par * C, C)],
                    out_hbm.at[pl.ds(chunk_base(c), C)])

        def compute(c):
            o = (c % 3) * CK
            ol = (c % 4) * CK
            oc = (c % 4) * C
            oo = (c % 2) * C

            @plsc.parallel_loop(0, C, 1)
            def node_body(i):
                wvec = jnp.exp(dsq_v[pl.ds(ol + i * K, K)] * (-10.0))
                rb = o + i * K
                s = [jnp.zeros((LANES,), jnp.float32) for _ in range(HV)]
                m = [jnp.full((LANES,), -jnp.inf, jnp.float32)
                     for _ in range(HV)]
                for k in range(K):
                    wk = wvec[k]
                    for j in range(HV):
                        wg = rows_v[rb + k, pl.ds(j * LANES, LANES)] * wk
                        s[j] = s[j] + wg
                        m[j] = jnp.maximum(m[j], wg)
                for j in range(HV):
                    ow = own_v[oc + i, pl.ds(j * LANES, LANES)]
                    out_v[oo + i, pl.ds(j * LANES, LANES)] = (
                        s[j] * (1.0 / K) - ow)
                    out_v[oo + i, pl.ds(H + j * LANES, LANES)] = m[j] - ow

        issue_linear(0)
        wait_linear(0)
        issue_gathers(0, gat_s0)
        issue_linear(1)
        wait_linear(1)
        issue_gathers(1, gat_s1)
        issue_linear(2)

        def chunk_body(c, carry):
            @pl.when(c < n_chunks - 2)
            def _():
                wait_linear(c + 2)

            for par, gsem in ((0, gat_s0), (1, gat_s1)):
                @pl.when(c % 2 == par)
                def _(par=par, gsem=gsem):
                    wait_gathers(c, gsem)

                    @pl.when(c < n_chunks - 2)
                    def _():
                        issue_gathers(c + 2, gsem)

            @pl.when(c < n_chunks - 3)
            def _():
                issue_linear(c + 3)

            for par, sem in ((0, out_s0), (1, out_s1)):
                @pl.when(jnp.logical_and(c >= 2, c % 2 == par))
                def _(par=par, sem=sem):
                    src, dst = out_desc(c - 2, par)
                    pltpu.make_async_copy(src, dst, sem).wait()

            compute(c)

            for par, sem in ((0, out_s0), (1, out_s1)):
                @pl.when(c % 2 == par)
                def _(par=par, sem=sem):
                    src, dst = out_desc(c, par)
                    pltpu.async_copy(src, dst, sem)
            return carry

        lax.fori_loop(0, n_chunks, chunk_body, 0)
        for c in (n_chunks - 2, n_chunks - 1):
            src, dst = out_desc(c, c % 2)
            pltpu.make_async_copy(src, dst, out_s0 if c % 2 == 0 else out_s1).wait()

    return acc


def kernel(x, neighbor_indices, distancesq, W0, b0, W1, b1):
    n, d = x.shape
    K = neighbor_indices.shape[1]
    H = W0.shape[1]

    C = 32
    per_w = -(-n // (NW * C)) * C

    idx_flat = neighbor_indices.reshape(-1)
    dsq_flat = distancesq.reshape(-1)

    acc = _make_accumulate(n, K, H, per_w, C)

    h0 = _dense_relu(x, W0, b0, block_rows=5000)
    f1 = acc(h0, idx_flat, dsq_flat)
    h1 = _dense_relu(f1, W1, b1, block_rows=5000)
    f2 = acc(h1, idx_flat, dsq_flat)
    return jnp.concatenate([f1, f2, x], axis=-1)

# --- scband reference (transcript-rebuilt; emitter-appended) ---
"""Pipeline reference for scband-distance-weighted-message-passing-36094905155955 (READ-ONLY COPY).

The authoritative reference and input builder live on the scoring server;
editing this copy changes nothing except your own understanding.
"""

import jax, jax.numpy as jnp
import numpy as np


def accumulate_knn(distancesq, features, indices):
    # HGCalML AccumulateKnn semantics: weight = exp(-d), mean over K neighbours
    # (divided by K, not sum of weights) and weighted max, concatenated.
    w = jnp.exp(-distancesq)                       # [N, K]
    gathered = jnp.take(features, indices, axis=0) # [N, K, F]
    weighted = gathered * w[:, :, None]            # [N, K, F]
    fmean = jnp.mean(weighted, axis=1)             # [N, F]
    fmax = jnp.max(weighted, axis=1)               # [N, F]
    midx = jnp.argmax(weighted, axis=1)            # [N, F]
    return jnp.concatenate([fmean, fmax], axis=1), midx


def setup_inputs(seed: int = 0) -> dict:
    key = jax.random.key(seed)
    k1, k2, k3, k4, k5 = jax.random.split(key, 5)
    N, K, D = 50000, 16, 128
    H = 64
    x = jax.random.normal(k1, (N, D), dtype=jnp.float32)
    neighbor_indices = jax.random.randint(k2, (N, K), 0, N, dtype=jnp.int32)
    distancesq = jax.random.uniform(k3, (N, K), dtype=jnp.float32)
    # Dense layer 0: input D=128 -> 64 ; Dense layer 1: input 2*64=128 -> 64
    W0 = jax.random.normal(k4, (D, H), dtype=jnp.float32) * 0.05
    b0 = jnp.zeros((H,), dtype=jnp.float32)
    W1 = jax.random.normal(k5, (2 * H, H), dtype=jnp.float32) * 0.05
    b1 = jnp.zeros((H,), dtype=jnp.float32)
    return {"x": x, "neighbor_indices": neighbor_indices, "distancesq": distancesq,
            "W0": W0, "b0": b0, "W1": W1, "b1": b1}


def reference(x, neighbor_indices, distancesq, W0, b0, W1, b1):
    allfeat = []
    features = x
    for (W, b) in [(W0, b0), (W1, b1)]:
        features = jax.nn.relu(features @ W + b)
        prev_feat = features
        f, _ = accumulate_knn(10.0 * distancesq, features, neighbor_indices)
        f = jnp.reshape(f, (-1, prev_feat.shape[1] * 2))
        f = f - jnp.tile(prev_feat, (1, 2))
        allfeat.append(f)
        features = f
    return jnp.concatenate(allfeat + [x], axis=-1)

if __name__ == "__main__":
    import jax
    _d = setup_inputs()
    print(jax.jit(kernel)(*tuple(_d.values())))

</pallas_src>

<mosaic_0001>
#map = affine_map<(d0, d1) -> (0, 0)>
#map1 = affine_map<(d0, d1) -> (0)>
module attributes {stable_mosaic.version = 14 : i64} {
  func.func @acc(%arg0: i32, %arg1: i32, %arg2: memref<50000x64xf32, #tpu.memory_space<hbm>>, %arg3: memref<800000xi32, #tpu.memory_space<hbm>>, %arg4: memref<800000xf32, #tpu.memory_space<hbm>>, %arg5: memref<50000x128xf32, #tpu.memory_space<hbm>>, %arg6: memref<2048xi32, #tpu.memory_space<vmem>>, %arg7: memref<2048xf32, #tpu.memory_space<vmem>>, %arg8: memref<128x64xf32, #tpu.memory_space<vmem>>, %arg9: memref<1536x64xf32, #tpu.memory_space<vmem>>, %arg10: memref<64x128xf32, #tpu.memory_space<vmem>>, %arg11: memref<!tpu.dma_semaphore, #tpu.memory_space<semaphore_mem>>, %arg12: memref<!tpu.dma_semaphore, #tpu.memory_space<semaphore_mem>>, %arg13: memref<!tpu.dma_semaphore, #tpu.memory_space<semaphore_mem>>, %arg14: memref<!tpu.dma_semaphore, #tpu.memory_space<semaphore_mem>>, %arg15: memref<!tpu.dma_semaphore, #tpu.memory_space<semaphore_mem>>) attributes {dimension_semantics = [#tpu.dimension_semantics<core_parallel>, #tpu.dimension_semantics<subcore_parallel>], iteration_bounds = array<i64: 1, 16>, scalar_prefetch = 0 : i64, scratch_operands = 10 : i64, tpu.core_type = #tpu.core_type<sc_vector_subcore>, window_params = [{transform_indices = #map}, {transform_indices = #map1}, {transform_indices = #map1}, {transform_indices = #map}]} {
    %mul3A = arith.constant 1 : i32
    %mul3A_0 = arith.muli %arg1, %mul3A : i32
    %add3A = arith.addi %mul3A_0, %arg0 : i32
    %mul3A_1 = arith.constant 3136 : i32
    %mul3A_2 = arith.muli %add3A, %mul3A_1 : i32
    %add3A_3 = arith.constant 0 : i32
    %add3A_4 = arith.addi %mul3A_2, %add3A_3 : i32
    %min3A = arith.constant 49968 : i32
    %min3A_5 = arith.minsi %add3A_4, %min3A : i32
    %mul3A_6 = arith.constant 16 : i32
    %mul3A_7 = arith.muli %min3A_5, %mul3A_6 : i32
    %mul3A_8 = arith.constant 16 : i32
    %mul3A_9 = arith.muli %min3A_5, %mul3A_8 : i32
    %dma_start3A = arith.constant 0 : i32
    %dma_start3A_10 = tpu.memref_slice %arg6[%dma_start3A] : memref<2048xi32, #tpu.memory_space<vmem>> -> memref<512xi32, #tpu.memory_space<vmem>>
    %dma_start3A_11 = tpu.memref_slice %arg3[%mul3A_7] : memref<800000xi32, #tpu.memory_space<hbm>> -> memref<512xi32, #tpu.memory_space<hbm>>
    %dma_start3A_12 = arith.constant 0 : i32
    %dma_start3A_13 = tpu.memref_slice %arg6[%dma_start3A_12] : memref<2048xi32, #tpu.memory_space<vmem>> -> memref<512xi32, #tpu.memory_space<vmem>>
    %dma_start3A_14 = tpu.memref_slice %arg3[%mul3A_7] : memref<800000xi32, #tpu.memory_space<hbm>> -> memref<512xi32, #tpu.memory_space<hbm>>
    tpu.enqueue_dma source(%dma_start3A_14 : memref<512xi32, #tpu.memory_space<hbm>>) target(%dma_start3A_13 : memref<512xi32, #tpu.memory_space<vmem>>) target_semaphore(%arg11 : memref<!tpu.dma_semaphore, #tpu.memory_space<semaphore_mem>>)
    %dma_start3A_15 = arith.constant 0 : i32
    %dma_start3A_16 = tpu.memref_slice %arg7[%dma_start3A_15] : memref<2048xf32, #tpu.memory_space<vmem>> -> memref<512xf32, #tpu.memory_space<vmem>>
    %dma_start3A_17 = tpu.memref_slice %arg4[%mul3A_9] : memref<800000xf32, #tpu.memory_space<hbm>> -> memref<512xf32, #tpu.memory_space<hbm>>
    %dma_start3A_18 = arith.constant 0 : i32
    %dma_start3A_19 = tpu.memref_slice %arg7[%dma_start3A_18] : memref<2048xf32, #tpu.memory_space<vmem>> -> memref<512xf32, #tpu.memory_space<vmem>>
    %dma_start3A_20 = tpu.memref_slice %arg4[%mul3A_9] : memref<800000xf32, #tpu.memory_space<hbm>> -> memref<512xf32, #tpu.memory_space<hbm>>
    tpu.enqueue_dma source(%dma_start3A_20 : memref<512xf32, #tpu.memory_space<hbm>>) target(%dma_start3A_19 : memref<512xf32, #tpu.memory_space<vmem>>) target_semaphore(%arg11 : memref<!tpu.dma_semaphore, #tpu.memory_space<semaphore_mem>>)
    %dma_start3A_21 = arith.constant 0 : i32
    %dma_start3A_22 = arith.constant 0 : i32
    %dma_start3A_23 = tpu.memref_slice %arg8[%dma_start3A_21, %dma_start3A_22] : memref<128x64xf32, #tpu.memory_space<vmem>> -> memref<32x64xf32, #tpu.memory_space<vmem>>
    %dma_start3A_24 = arith.constant 0 : i32
    %dma_start3A_25 = tpu.memref_slice %arg2[%min3A_5, %dma_start3A_24] : memref<50000x64xf32, #tpu.memory_space<hbm>> -> memref<32x64xf32, #tpu.memory_space<hbm>>
    %dma_start3A_26 = arith.constant 0 : i32
    %dma_start3A_27 = arith.constant 0 : i32
    %dma_start3A_28 = tpu.memref_slice %arg8[%dma_start3A_26, %dma_start3A_27] : memref<128x64xf32, #tpu.memory_space<vmem>> -> memref<32x64xf32, #tpu.memory_space<vmem>>
    %dma_start3A_29 = arith.constant 0 : i32
    %dma_start3A_30 = tpu.memref_slice %arg2[%min3A_5, %dma_start3A_29] : memref<50000x64xf32, #tpu.memory_space<hbm>> -> memref<32x64xf32, #tpu.memory_space<hbm>>
    tpu.enqueue_dma source(%dma_start3A_30 : memref<32x64xf32, #tpu.memory_space<hbm>>) target(%dma_start3A_28 : memref<32x64xf32, #tpu.memory_space<vmem>>) target_semaphore(%arg11 : memref<!tpu.dma_semaphore, #tpu.memory_space<semaphore_mem>>)
    %add3A_31 = arith.constant 0 : i32
    %add3A_32 = arith.addi %mul3A_2, %add3A_31 : i32
    %min3A_33 = arith.constant 49968 : i32
    %min3A_34 = arith.minsi %add3A_32, %min3A_33 : i32
    %mul3A_35 = arith.constant 16 : i32
    %mul3A_36 = arith.muli %min3A_34, %mul3A_35 : i32
    %mul3A_37 = arith.constant 16 : i32
    %mul3A_38 = arith.muli %min3A_34, %mul3A_37 : i32
    %dma_wait3A = arith.constant 0 : i32
    %dma_wait3A_39 = tpu.memref_slice %arg6[%dma_wait3A] : memref<2048xi32, #tpu.memory_space<vmem>> -> memref<512xi32, #tpu.memory_space<vmem>>
    %dma_wait3A_40 = tpu.memref_slice %arg3[%mul3A_36] : memref<800000xi32, #tpu.memory_space<hbm>> -> memref<512xi32, #tpu.memory_space<hbm>>
    %dma_wait3A_41 = arith.constant 0 : i32
    %dma_wait3A_42 = tpu.memref_slice %arg6[%dma_wait3A_41] : memref<2048xi32, #tpu.memory_space<vmem>> -> memref<512xi32, #tpu.memory_space<vmem>>
    %dma_wait3A_43 = tpu.memref_slice %arg3[%mul3A_36] : memref<800000xi32, #tpu.memory_space<hbm>> -> memref<512xi32, #tpu.memory_space<hbm>>
    tpu.wait_dma2 semaphore(%arg11 : memref<!tpu.dma_semaphore, #tpu.memory_space<semaphore_mem>>) src(%dma_wait3A_43 : memref<512xi32, #tpu.memory_space<hbm>>) dst(%dma_wait3A_42 : memref<512xi32, #tpu.memory_space<vmem>>)
    %dma_wait3A_44 = arith.constant 0 : i32
    %dma_wait3A_45 = tpu.memref_slice %arg7[%dma_wait3A_44] : memref<2048xf32, #tpu.memory_space<vmem>> -> memref<512xf32, #tpu.memory_space<vmem>>
    %dma_wait3A_46 = tpu.memref_slice %arg4[%mul3A_38] : memref<800000xf32, #tpu.memory_space<hbm>> -> memref<512xf32, #tpu.memory_space<hbm>>
    %dma_wait3A_47 = arith.constant 0 : i32
    %dma_wait3A_48 = tpu.memref_slice %arg7[%dma_wait3A_47] : memref<2048xf32, #tpu.memory_space<vmem>> -> memref<512xf32, #tpu.memory_space<vmem>>
    %dma_wait3A_49 = tpu.memref_slice %arg4[%mul3A_38] : memref<800000xf32, #tpu.memory_space<hbm>> -> memref<512xf32, #tpu.memory_space<hbm>>
    tpu.wait_dma2 semaphore(%arg11 : memref<!tpu.dma_semaphore, #tpu.memory_space<semaphore_mem>>) src(%dma_wait3A_49 : memref<512xf32, #tpu.memory_space<hbm>>) dst(%dma_wait3A_48 : memref<512xf32, #tpu.memory_space<vmem>>)
    %dma_wait3A_50 = arith.constant 0 : i32
    %dma_wait3A_51 = arith.constant 0 : i32
    %dma_wait3A_52 = tpu.memref_slice %arg8[%dma_wait3A_50, %dma_wait3A_51] : memref<128x64xf32, #tpu.memory_space<vmem>> -> memref<32x64xf32, #tpu.memory_space<vmem>>
    %dma_wait3A_53 = arith.constant 0 : i32
    %dma_wait3A_54 = tpu.memref_slice %arg2[%min3A_34, %dma_wait3A_53] : memref<50000x64xf32, #tpu.memory_space<hbm>> -> memref<32x64xf32, #tpu.memory_space<hbm>>
    %dma_wait3A_55 = arith.constant 0 : i32
    %dma_wait3A_56 = arith.constant 0 : i32
    %dma_wait3A_57 = tpu.memref_slice %arg8[%dma_wait3A_55, %dma_wait3A_56] : memref<128x64xf32, #tpu.memory_space<vmem>> -> memref<32x64xf32, #tpu.memory_space<vmem>>
    %dma_wait3A_58 = arith.constant 0 : i32
    %dma_wait3A_59 = tpu.memref_slice %arg2[%min3A_34, %dma_wait3A_58] : memref<50000x64xf32, #tpu.memory_space<hbm>> -> memref<32x64xf32, #tpu.memory_space<hbm>>
    tpu.wait_dma2 semaphore(%arg11 : memref<!tpu.dma_semaphore, #tpu.memory_space<semaphore_mem>>) src(%dma_wait3A_59 : memref<32x64xf32, #tpu.memory_space<hbm>>) dst(%dma_wait3A_57 : memref<32x64xf32, #tpu.memory_space<vmem>>)
    %dma_start3A_60 = arith.constant 0 : i32
    %dma_start3A_61 = arith.constant 0 : i32
    %dma_start3A_62 = tpu.memref_slice %arg9[%dma_start3A_60, %dma_start3A_61] : memref<1536x64xf32, #tpu.memory_space<vmem>> -> memref<128x64xf32, #tpu.memory_space<vmem>>
    %dma_start3A_63 = arith.constant 0 : i32
    %dma_start3A_64 = tpu.memref_slice %arg6[%dma_start3A_63] : memref<2048xi32, #tpu.memory_space<vmem>> -> memref<128xi32, #tpu.memory_space<vmem>>
    %dma_start3A_65 = arith.constant 0 : i32
    %dma_start3A_66 = arith.constant 0 : i32
    %dma_start3A_67 = tpu.memref_slice %arg2[%dma_start3A_65, %dma_start3A_66] : memref<50000x64xf32, #tpu.memory_space<hbm>> -> memref<50000x64xf32, #tpu.memory_space<hbm>>
    tpu.enqueue_indirect_dma source(%dma_start3A_67 : memref<50000x64xf32, #tpu.memory_space<hbm>>) target(%dma_start3A_62 : memref<128x64xf32, #tpu.memory_space<vmem>>) offsets(%dma_start3A_64 : memref<128xi32, #tpu.memory_space<vmem>>) semaphore(%arg12 : memref<!tpu.dma_semaphore, #tpu.memory_space<semaphore_mem>>)
    %dma_start3A_68 = arith.constant 128 : i32
    %dma_start3A_69 = arith.constant 0 : i32
    %dma_start3A_70 = tpu.memref_slice %arg9[%dma_start3A_68, %dma_start3A_69] : memref<1536x64xf32, #tpu.memory_space<vmem>> -> memref<128x64xf32, #tpu.memory_space<vmem>>
    %dma_start3A_71 = arith.constant 128 : i32
    %dma_start3A_72 = tpu.memref_slice %arg6[%dma_start3A_71] : memref<2048xi32, #tpu.memory_space<vmem>> -> memref<128xi32, #tpu.memory_space<vmem>>
    %dma_start3A_73 = arith.constant 0 : i32
    %dma_start3A_74 = arith.constant 0 : i32
    %dma_start3A_75 = tpu.memref_slice %arg2[%dma_start3A_73, %dma_start3A_74] : memref<50000x64xf32, #tpu.memory_space<hbm>> -> memref<50000x64xf32, #tpu.memory_space<hbm>>
    tpu.enqueue_indirect_dma source(%dma_start3A_75 : memref<50000x64xf32, #tpu.memory_space<hbm>>) target(%dma_start3A_70 : memref<128x64xf32, #tpu.memory_space<vmem>>) offsets(%dma_start3A_72 : memref<128xi32, #tpu.memory_space<vmem>>) semaphore(%arg12 : memref<!tpu.dma_semaphore, #tpu.memory_space<semaphore_mem>>)
    %dma_start3A_76 = arith.constant 256 : i32
    %dma_start3A_77 = arith.constant 0 : i32
    %dma_start3A_78 = tpu.memref_slice %arg9[%dma_start3A_76, %dma_start3A_77] : memref<1536x64xf32, #tpu.memory_space<vmem>> -> memref<128x64xf32, #tpu.memory_space<vmem>>
    %dma_start3A_79 = arith.constant 256 : i32
    %dma_start3A_80 = tpu.memref_slice %arg6[%dma_start3A_79] : memref<2048xi32, #tpu.memory_space<vmem>> -> memref<128xi32, #tpu.memory_space<vmem>>
    %dma_start3A_81 = arith.constant 0 : i32
    %dma_start3A_82 = arith.constant 0 : i32
    %dma_start3A_83 = tpu.memref_slice %arg2[%dma_start3A_81, %dma_start3A_82] : memref<50000x64xf32, #tpu.memory_space<hbm>> -> memref<50000x64xf32, #tpu.memory_space<hbm>>
    tpu.enqueue_indirect_dma source(%dma_start3A_83 : memref<50000x64xf32, #tpu.memory_space<hbm>>) target(%dma_start3A_78 : memref<128x64xf32, #tpu.memory_space<vmem>>) offsets(%dma_start3A_80 : memref<128xi32, #tpu.memory_space<vmem>>) semaphore(%arg12 : memref<!tpu.dma_semaphore, #tpu.memory_space<semaphore_mem>>)
    %dma_start3A_84 = arith.constant 384 : i32
    %dma_start3A_85 = arith.constant 0 : i32
    %dma_start3A_86 = tpu.memref_slice %arg9[%dma_start3A_84, %dma_start3A_85] : memref<1536x64xf32, #tpu.memory_space<vmem>> -> memref<128x64xf32, #tpu.memory_space<vmem>>
    %dma_start3A_87 = arith.constant 384 : i32
    %dma_start3A_88 = tpu.memref_slice %arg6[%dma_start3A_87] : memref<2048xi32, #tpu.memory_space<vmem>> -> memref<128xi32, #tpu.memory_space<vmem>>
    %dma_start3A_89 = arith.constant 0 : i32
    %dma_start3A_90 = arith.constant 0 : i32
    %dma_start3A_91 = tpu.memref_slice %arg2[%dma_start3A_89, %dma_start3A_90] : memref<50000x64xf32, #tpu.memory_space<hbm>> -> memref<50000x64xf32, #tpu.memory_space<hbm>>
    tpu.enqueue_indirect_dma source(%dma_start3A_91 : memref<50000x64xf32, #tpu.memory_space<hbm>>) target(%dma_start3A_86 : memref<128x64xf32, #tpu.memory_space<vmem>>) offsets(%dma_start3A_88 : memref<128xi32, #tpu.memory_space<vmem>>) semaphore(%arg12 : memref<!tpu.dma_semaphore, #tpu.memory_space<semaphore_mem>>)
    %add3A_92 = arith.constant 32 : i32
    %add3A_93 = arith.addi %mul3A_2, %add3A_92 : i32
    %min3A_94 = arith.constant 49968 : i32
    %min3A_95 = arith.minsi %add3A_93, %min3A_94 : i32
    %mul3A_96 = arith.constant 16 : i32
    %mul3A_97 = arith.muli %min3A_95, %mul3A_96 : i32
    %mul3A_98 = arith.constant 16 : i32
    %mul3A_99 = arith.muli %min3A_95, %mul3A_98 : i32
    %dma_start3A_100 = arith.constant 512 : i32
    %dma_start3A_101 = tpu.memref_slice %arg6[%dma_start3A_100] : memref<2048xi32, #tpu.memory_space<vmem>> -> memref<512xi32, #tpu.memory_space<vmem>>
    %dma_start3A_102 = tpu.memref_slice %arg3[%mul3A_97] : memref<800000xi32, #tpu.memory_space<hbm>> -> memref<512xi32, #tpu.memory_space<hbm>>
    %dma_start3A_103 = arith.constant 512 : i32
    %dma_start3A_104 = tpu.memref_slice %arg6[%dma_start3A_103] : memref<2048xi32, #tpu.memory_space<vmem>> -> memref<512xi32, #tpu.memory_space<vmem>>
    %dma_start3A_105 = tpu.memref_slice %arg3[%mul3A_97] : memref<800000xi32, #tpu.memory_space<hbm>> -> memref<512xi32, #tpu.memory_space<hbm>>
    tpu.enqueue_dma source(%dma_start3A_105 : memref<512xi32, #tpu.memory_space<hbm>>) target(%dma_start3A_104 : memref<512xi32, #tpu.memory_space<vmem>>) target_semaphore(%arg11 : memref<!tpu.dma_semaphore, #tpu.memory_space<semaphore_mem>>)
    %dma_start3A_106 = arith.constant 512 : i32
    %dma_start3A_107 = tpu.memref_slice %arg7[%dma_start3A_106] : memref<2048xf32, #tpu.memory_space<vmem>> -> memref<512xf32, #tpu.memory_space<vmem>>
    %dma_start3A_108 = tpu.memref_slice %arg4[%mul3A_99] : memref<800000xf32, #tpu.memory_space<hbm>> -> memref<512xf32, #tpu.memory_space<hbm>>
    %dma_start3A_109 = arith.constant 512 : i32
    %dma_start3A_110 = tpu.memref_slice %arg7[%dma_start3A_109] : memref<2048xf32, #tpu.memory_space<vmem>> -> memref<512xf32, #tpu.memory_space<vmem>>
    %dma_start3A_111 = tpu.memref_slice %arg4[%mul3A_99] : memref<800000xf32, #tpu.memory_space<hbm>> -> memref<512xf32, #tpu.memory_space<hbm>>
    tpu.enqueue_dma source(%dma_start3A_111 : memref<512xf32, #tpu.memory_space<hbm>>) target(%dma_start3A_110 : memref<512xf32, #tpu.memory_space<vmem>>) target_semaphore(%arg11 : memref<!tpu.dma_semaphore, #tpu.memory_space<semaphore_mem>>)
    %dma_start3A_112 = arith.constant 32 : i32
    %dma_start3A_113 = arith.constant 0 : i32
    %dma_start3A_114 = tpu.memref_slice %arg8[%dma_start3A_112, %dma_start3A_113] : memref<128x64xf32, #tpu.memory_space<vmem>> -> memref<32x64xf32, #tpu.memory_space<vmem>>
    %dma_start3A_115 = arith.constant 0 : i32
    %dma_start3A_116 = tpu.memref_slice %arg2[%min3A_95, %dma_start3A_115] : memref<50000x64xf32, #tpu.memory_space<hbm>> -> memref<32x64xf32, #tpu.memory_space<hbm>>
    %dma_start3A_117 = arith.constant 32 : i32
    %dma_start3A_118 = arith.constant 0 : i32
    %dma_start3A_119 = tpu.memref_slice %arg8[%dma_start3A_117, %dma_start3A_118] : memref<128x64xf32, #tpu.memory_space<vmem>> -> memref<32x64xf32, #tpu.memory_space<vmem>>
    %dma_start3A_120 = arith.constant 0 : i32
    %dma_start3A_121 = tpu.memref_slice %arg2[%min3A_95, %dma_start3A_120] : memref<50000x64xf32, #tpu.memory_space<hbm>> -> memref<32x64xf32, #tpu.memory_space<hbm>>
    tpu.enqueue_dma source(%dma_start3A_121 : memref<32x64xf32, #tpu.memory_space<hbm>>) target(%dma_start3A_119 : memref<32x64xf32, #tpu.memory_space<vmem>>) target_semaphore(%arg11 : memref<!tpu.dma_semaphore, #tpu.memory_space<semaphore_mem>>)
    %add3A_122 = arith.constant 32 : i32
    %add3A_123 = arith.addi %mul3A_2, %add3A_122 : i32
    %min3A_124 = arith.constant 49968 : i32
    %min3A_125 = arith.minsi %add3A_123, %min3A_124 : i32
    %mul3A_126 = arith.constant 16 : i32
    %mul3A_127 = arith.muli %min3A_125, %mul3A_126 : i32
    %mul3A_128 = arith.constant 16 : i32
    %mul3A_129 = arith.muli %min3A_125, %mul3A_128 : i32
    %dma_wait3A_130 = arith.constant 512 : i32
    %dma_wait3A_131 = tpu.memref_slice %arg6[%dma_wait3A_130] : memref<2048xi32, #tpu.memory_space<vmem>> -> memref<512xi32, #tpu.memory_space<vmem>>
    %dma_wait3A_132 = tpu.memref_slice %arg3[%mul3A_127] : memref<800000xi32, #tpu.memory_space<hbm>> -> memref<512xi32, #tpu.memory_space<hbm>>
    %dma_wait3A_133 = arith.constant 512 : i32
    %dma_wait3A_134 = tpu.memref_slice %arg6[%dma_wait3A_133] : memref<2048xi32, #tpu.memory_space<vmem>> -> memref<512xi32, #tpu.memory_space<vmem>>
    %dma_wait3A_135 = tpu.memref_slice %arg3[%mul3A_127] : memref<800000xi32, #tpu.memory_space<hbm>> -> memref<512xi32, #tpu.memory_space<hbm>>
    tpu.wait_dma2 semaphore(%arg11 : memref<!tpu.dma_semaphore, #tpu.memory_space<semaphore_mem>>) src(%dma_wait3A_135 : memref<512xi32, #tpu.memory_space<hbm>>) dst(%dma_wait3A_134 : memref<512xi32, #tpu.memory_space<vmem>>)
    %dma_wait3A_136 = arith.constant 512 : i32
    %dma_wait3A_137 = tpu.memref_slice %arg7[%dma_wait3A_136] : memref<2048xf32, #tpu.memory_space<vmem>> -> memref<512xf32, #tpu.memory_space<vmem>>
    %dma_wait3A_138 = tpu.memref_slice %arg4[%mul3A_129] : memref<800000xf32, #tpu.memory_space<hbm>> -> memref<512xf32, #tpu.memory_space<hbm>>
    %dma_wait3A_139 = arith.constant 512 : i32
    %dma_wait3A_140 = tpu.memref_slice %arg7[%dma_wait3A_139] : memref<2048xf32, #tpu.memory_space<vmem>> -> memref<512xf32, #tpu.memory_space<vmem>>
    %dma_wait3A_141 = tpu.memref_slice %arg4[%mul3A_129] : memref<800000xf32, #tpu.memory_space<hbm>> -> memref<512xf32, #tpu.memory_space<hbm>>
    tpu.wait_dma2 semaphore(%arg11 : memref<!tpu.dma_semaphore, #tpu.memory_space<semaphore_mem>>) src(%dma_wait3A_141 : memref<512xf32, #tpu.memory_space<hbm>>) dst(%dma_wait3A_140 : memref<512xf32, #tpu.memory_space<vmem>>)
    %dma_wait3A_142 = arith.constant 32 : i32
    %dma_wait3A_143 = arith.constant 0 : i32
    %dma_wait3A_144 = tpu.memref_slice %arg8[%dma_wait3A_142, %dma_wait3A_143] : memref<128x64xf32, #tpu.memory_space<vmem>> -> memref<32x64xf32, #tpu.memory_space<vmem>>
    %dma_wait3A_145 = arith.constant 0 : i32
    %dma_wait3A_146 = tpu.memref_slice %arg2[%min3A_125, %dma_wait3A_145] : memref<50000x64xf32, #tpu.memory_space<hbm>> -> memref<32x64xf32, #tpu.memory_space<hbm>>
    %dma_wait3A_147 = arith.constant 32 : i32
    %dma_wait3A_148 = arith.constant 0 : i32
    %dma_wait3A_149 = tpu.memref_slice %arg8[%dma_wait3A_147, %dma_wait3A_148] : memref<128x64xf32, #tpu.memory_space<vmem>> -> memref<32x64xf32, #tpu.memory_space<vmem>>
    %dma_wait3A_150 = arith.constant 0 : i32
    %dma_wait3A_151 = tpu.memref_slice %arg2[%min3A_125, %dma_wait3A_150] : memref<50000x64xf32, #tpu.memory_space<hbm>> -> memref<32x64xf32, #tpu.memory_space<hbm>>
    tpu.wait_dma2 semaphore(%arg11 : memref<!tpu.dma_semaphore, #tpu.memory_space<semaphore_mem>>) src(%dma_wait3A_151 : memref<32x64xf32, #tpu.memory_space<hbm>>) dst(%dma_wait3A_149 : memref<32x64xf32, #tpu.memory_space<vmem>>)
    %dma_start3A_152 = arith.constant 512 : i32
    %dma_start3A_153 = arith.constant 0 : i32
    %dma_start3A_154 = tpu.memref_slice %arg9[%dma_start3A_152, %dma_start3A_153] : memref<1536x64xf32, #tpu.memory_space<vmem>> -> memref<128x64xf32, #tpu.memory_space<vmem>>
    %dma_start3A_155 = arith.constant 512 : i32
    %dma_start3A_156 = tpu.memref_slice %arg6[%dma_start3A_155] : memref<2048xi32, #tpu.memory_space<vmem>> -> memref<128xi32, #tpu.memory_space<vmem>>
    %dma_start3A_157 = arith.constant 0 : i32
    %dma_start3A_158 = arith.constant 0 : i32
    %dma_start3A_159 = tpu.memref_slice %arg2[%dma_start3A_157, %dma_start3A_158] : memref<50000x64xf32, #tpu.memory_space<hbm>> -> memref<50000x64xf32, #tpu.memory_space<hbm>>
    tpu.enqueue_indirect_dma source(%dma_start3A_159 : memref<50000x64xf32, #tpu.memory_space<hbm>>) target(%dma_start3A_154 : memref<128x64xf32, #tpu.memory_space<vmem>>) offsets(%dma_start3A_156 : memref<128xi32, #tpu.memory_space<vmem>>) semaphore(%arg13 : memref<!tpu.dma_semaphore, #tpu.memory_space<semaphore_mem>>)
    %dma_start3A_160 = arith.constant 640 : i32
    %dma_start3A_161 = arith.constant 0 : i32
    %dma_start3A_162 = tpu.memref_slice %arg9[%dma_start3A_160, %dma_start3A_161] : memref<1536x64xf32, #tpu.memory_space<vmem>> -> memref<128x64xf32, #tpu.memory_space<vmem>>
    %dma_start3A_163 = arith.constant 640 : i32
    %dma_start3A_164 = tpu.memref_slice %arg6[%dma_start3A_163] : memref<2048xi32, #tpu.memory_space<vmem>> -> memref<128xi32, #tpu.memory_space<vmem>>
    %dma_start3A_165 = arith.constant 0 : i32
    %dma_start3A_166 = arith.constant 0 : i32
    %dma_start3A_167 = tpu.memref_slice %arg2[%dma_start3A_165, %dma_start3A_166] : memref<50000x64xf32, #tpu.memory_space<hbm>> -> memref<50000x64xf32, #tpu.memory_space<hbm>>
    tpu.enqueue_indirect_dma source(%dma_start3A_167 : memref<50000x64xf32, #tpu.memory_space<hbm>>) target(%dma_start3A_162 : memref<128x64xf32, #tpu.memory_space<vmem>>) offsets(%dma_start3A_164 : memref<128xi32, #tpu.memory_space<vmem>>) semaphore(%arg13 : memref<!tpu.dma_semaphore, #tpu.memory_space<semaphore_mem>>)
    %dma_start3A_168 = arith.constant 768 : i32
    %dma_start3A_169 = arith.constant 0 : i32
    %dma_start3A_170 = tpu.memref_slice %arg9[%dma_start3A_168, %dma_start3A_169] : memref<1536x64xf32, #tpu.memory_space<vmem>> -> memref<128x64xf32, #tpu.memory_space<vmem>>
    %dma_start3A_171 = arith.constant 768 : i32
    %dma_start3A_172 = tpu.memref_slice %arg6[%dma_start3A_171] : memref<2048xi32, #tpu.memory_space<vmem>> -> memref<128xi32, #tpu.memory_space<vmem>>
    %dma_start3A_173 = arith.constant 0 : i32
    %dma_start3A_174 = arith.constant 0 : i32
    %dma_start3A_175 = tpu.memref_slice %arg2[%dma_start3A_173, %dma_start3A_174] : memref<50000x64xf32, #tpu.memory_space<hbm>> -> memref<50000x64xf32, #tpu.memory_space<hbm>>
    tpu.enqueue_indirect_dma source(%dma_start3A_175 : memref<50000x64xf32, #tpu.memory_space<hbm>>) target(%dma_start3A_170 : memref<128x64xf32, #tpu.memory_space<vmem>>) offsets(%dma_start3A_172 : memref<128xi32, #tpu.memory_space<vmem>>) semaphore(%arg13 : memref<!tpu.dma_semaphore, #tpu.memory_space<semaphore_mem>>)
    %dma_start3A_176 = arith.constant 896 : i32
    %dma_start3A_177 = arith.constant 0 : i32
    %dma_start3A_178 = tpu.memref_slice %arg9[%dma_start3A_176, %dma_start3A_177] : memref<1536x64xf32, #tpu.memory_space<vmem>> -> memref<128x64xf32, #tpu.memory_space<vmem>>
    %dma_start3A_179 = arith.constant 896 : i32
    %dma_start3A_180 = tpu.memref_slice %arg6[%dma_start3A_179] : memref<2048xi32, #tpu.memory_space<vmem>> -> memref<128xi32, #tpu.memory_space<vmem>>
    %dma_start3A_181 = arith.constant 0 : i32
    %dma_start3A_182 = arith.constant 0 : i32
    %dma_start3A_183 = tpu.memref_slice %arg2[%dma_start3A_181, %dma_start3A_182] : memref<50000x64xf32, #tpu.memory_space<hbm>> -> memref<50000x64xf32, #tpu.memory_space<hbm>>
    tpu.enqueue_indirect_dma source(%dma_start3A_183 : memref<50000x64xf32, #tpu.memory_space<hbm>>) target(%dma_start3A_178 : memref<128x64xf32, #tpu.memory_space<vmem>>) offsets(%dma_start3A_180 : memref<128xi32, #tpu.memory_space<vmem>>) semaphore(%arg13 : memref<!tpu.dma_semaphore, #tpu.memory_space<semaphore_mem>>)
    %add3A_184 = arith.constant 64 : i32
    %add3A_185 = arith.addi %mul3A_2, %add3A_184 : i32
    %min3A_186 = arith.constant 49968 : i32
    %min3A_187 = arith.minsi %add3A_185, %min3A_186 : i32
    %mul3A_188 = arith.constant 16 : i32
    %mul3A_189 = arith.muli %min3A_187, %mul3A_188 : i32
    %mul3A_190 = arith.constant 16 : i32
    %mul3A_191 = arith.muli %min3A_187, %mul3A_190 : i32
    %dma_start3A_192 = arith.constant 1024 : i32
    %dma_start3A_193 = tpu.memref_slice %arg6[%dma_start3A_192] : memref<2048xi32, #tpu.memory_space<vmem>> -> memref<512xi32, #tpu.memory_space<vmem>>
    %dma_start3A_194 = tpu.memref_slice %arg3[%mul3A_189] : memref<800000xi32, #tpu.memory_space<hbm>> -> memref<512xi32, #tpu.memory_space<hbm>>
    %dma_start3A_195 = arith.constant 1024 : i32
    %dma_start3A_196 = tpu.memref_slice %arg6[%dma_start3A_195] : memref<2048xi32, #tpu.memory_space<vmem>> -> memref<512xi32, #tpu.memory_space<vmem>>
    %dma_start3A_197 = tpu.memref_slice %arg3[%mul3A_189] : memref<800000xi32, #tpu.memory_space<hbm>> -> memref<512xi32, #tpu.memory_space<hbm>>
    tpu.enqueue_dma source(%dma_start3A_197 : memref<512xi32, #tpu.memory_space<hbm>>) target(%dma_start3A_196 : memref<512xi32, #tpu.memory_space<vmem>>) target_semaphore(%arg11 : memref<!tpu.dma_semaphore, #tpu.memory_space<semaphore_mem>>)
    %dma_start3A_198 = arith.constant 1024 : i32
    %dma_start3A_199 = tpu.memref_slice %arg7[%dma_start3A_198] : memref<2048xf32, #tpu.memory_space<vmem>> -> memref<512xf32, #tpu.memory_space<vmem>>
    %dma_start3A_200 = tpu.memref_slice %arg4[%mul3A_191] : memref<800000xf32, #tpu.memory_space<hbm>> -> memref<512xf32, #tpu.memory_space<hbm>>
    %dma_start3A_201 = arith.constant 1024 : i32
    %dma_start3A_202 = tpu.memref_slice %arg7[%dma_start3A_201] : memref<2048xf32, #tpu.memory_space<vmem>> -> memref<512xf32, #tpu.memory_space<vmem>>
    %dma_start3A_203 = tpu.memref_slice %arg4[%mul3A_191] : memref<800000xf32, #tpu.memory_space<hbm>> -> memref<512xf32, #tpu.memory_space<hbm>>
    tpu.enqueue_dma source(%dma_start3A_203 : memref<512xf32, #tpu.memory_space<hbm>>) target(%dma_start3A_202 : memref<512xf32, #tpu.memory_space<vmem>>) target_semaphore(%arg11 : memref<!tpu.dma_semaphore, #tpu.memory_space<semaphore_mem>>)
    %dma_start3A_204 = arith.constant 64 : i32
    %dma_start3A_205 = arith.constant 0 : i32
    %dma_start3A_206 = tpu.memref_slice %arg8[%dma_start3A_204, %dma_start3A_205] : memref<128x64xf32, #tpu.memory_space<vmem>> -> memref<32x64xf32, #tpu.memory_space<vmem>>
    %dma_start3A_207 = arith.constant 0 : i32
    %dma_start3A_208 = tpu.memref_slice %arg2[%min3A_187, %dma_start3A_207] : memref<50000x64xf32, #tpu.memory_space<hbm>> -> memref<32x64xf32, #tpu.memory_space<hbm>>
    %dma_start3A_209 = arith.constant 64 : i32
    %dma_start3A_210 = arith.constant 0 : i32
    %dma_start3A_211 = tpu.memref_slice %arg8[%dma_start3A_209, %dma_start3A_210] : memref<128x64xf32, #tpu.memory_space<vmem>> -> memref<32x64xf32, #tpu.memory_space<vmem>>
    %dma_start3A_212 = arith.constant 0 : i32
    %dma_start3A_213 = tpu.memref_slice %arg2[%min3A_187, %dma_start3A_212] : memref<50000x64xf32, #tpu.memory_space<hbm>> -> memref<32x64xf32, #tpu.memory_space<hbm>>
    tpu.enqueue_dma source(%dma_start3A_213 : memref<32x64xf32, #tpu.memory_space<hbm>>) target(%dma_start3A_211 : memref<32x64xf32, #tpu.memory_space<vmem>>) target_semaphore(%arg11 : memref<!tpu.dma_semaphore, #tpu.memory_space<semaphore_mem>>)
    %scan3A = arith.constant 0 : i32
    %scan3A_214 = arith.constant 0 : i32
    %scan3A_215 = arith.constant 98 : i32
    %scan3A_216 = arith.addi %scan3A_214, %scan3A_215 : i32
    %scan3A_217 = arith.constant 1 : i32
    scf.for %scan3A_247 = %scan3A_214 to %scan3A_216 step %scan3A_217  : i32 {
      %lt3A = arith.constant 96 : i32
      %lt3A_248 = arith.cmpi slt, %scan3A_247, %lt3A : i32
      %convert_element_type3A = arith.extui %lt3A_248 : i1 to i32
      %cond3A = arith.constant 0 : i32
      %cond3A_249 = arith.cmpi ne, %convert_element_type3A, %cond3A : i32
      scf.if %cond3A_249 {
        %add3A_454 = arith.constant 2 : i32
        %add3A_455 = arith.addi %scan3A_247, %add3A_454 : i32
        %mul3A_456 = arith.constant 32 : i32
        %mul3A_457 = arith.muli %add3A_455, %mul3A_456 : i32
        %add3A_458 = arith.addi %mul3A_2, %mul3A_457 : i32
        %min3A_459 = arith.constant 49968 : i32
        %min3A_460 = arith.minsi %add3A_458, %min3A_459 : i32
        %jit3A_461 = arith.constant 4 : i32
        %eq3A_462 = arith.constant 0 : i32
        %eq3A_463 = arith.cmpi eq, %jit3A_461, %eq3A_462 : i32
        %jit3A_464 = arith.constant 1 : i32
        %select_n3A_465 = arith.select %eq3A_463, %jit3A_464, %jit3A_461 : i32
        %rem3A_466 = arith.remsi %add3A_455, %select_n3A_465 : i32
        %ne3A_467 = arith.constant 0 : i32
        %ne3A_468 = arith.cmpi ne, %rem3A_466, %ne3A_467 : i32
        %lt3A_469 = arith.constant 0 : i32
        %lt3A_470 = arith.cmpi slt, %rem3A_466, %lt3A_469 : i32
        %lt3A_471 = arith.constant 0 : i32
        %lt3A_472 = arith.cmpi slt, %select_n3A_465, %lt3A_471 : i32
        %ne3A_473 = arith.xori %lt3A_470, %lt3A_472 : i1
        %and3A_474 = arith.andi %ne3A_473, %ne3A_468 : i1
        %add3A_475 = arith.addi %rem3A_466, %select_n3A_465 : i32
        %select_n3A_476 = arith.select %and3A_474, %add3A_475, %rem3A_466 : i32
        %mul3A_477 = arith.constant 512 : i32
        %mul3A_478 = arith.muli %select_n3A_476, %mul3A_477 : i32
        %jit3A_479 = arith.constant 4 : i32
        %eq3A_480 = arith.constant 0 : i32
        %eq3A_481 = arith.cmpi eq, %jit3A_479, %eq3A_480 : i32
        %jit3A_482 = arith.constant 1 : i32
        %select_n3A_483 = arith.select %eq3A_481, %jit3A_482, %jit3A_479 : i32
        %rem3A_484 = arith.remsi %add3A_455, %select_n3A_483 : i32
        %ne3A_485 = arith.constant 0 : i32
        %ne3A_486 = arith.cmpi ne, %rem3A_484, %ne3A_485 : i32
        %lt3A_487 = arith.constant 0 : i32
        %lt3A_488 = arith.cmpi slt, %rem3A_484, %lt3A_487 : i32
        %lt3A_489 = arith.constant 0 : i32
        %lt3A_490 = arith.cmpi slt, %select_n3A_483, %lt3A_489 : i32
        %ne3A_491 = arith.xori %lt3A_488, %lt3A_490 : i1
        %and3A_492 = arith.andi %ne3A_491, %ne3A_486 : i1
        %add3A_493 = arith.addi %rem3A_484, %select_n3A_483 : i32
        %select_n3A_494 = arith.select %and3A_492, %add3A_493, %rem3A_484 : i32
        %mul3A_495 = arith.constant 32 : i32
        %mul3A_496 = arith.muli %select_n3A_494, %mul3A_495 : i32
        %mul3A_497 = arith.constant 16 : i32
        %mul3A_498 = arith.muli %min3A_460, %mul3A_497 : i32
        %mul3A_499 = arith.constant 16 : i32
        %mul3A_500 = arith.muli %min3A_460, %mul3A_499 : i32
        %dma_wait3A_501 = tpu.memref_slice %arg6[%mul3A_478] : memref<2048xi32, #tpu.memory_space<vmem>> -> memref<512xi32, #tpu.memory_space<vmem>>
        %dma_wait3A_502 = tpu.memref_slice %arg3[%mul3A_498] : memref<800000xi32, #tpu.memory_space<hbm>> -> memref<512xi32, #tpu.memory_space<hbm>>
        %dma_wait3A_503 = tpu.memref_slice %arg6[%mul3A_478] : memref<2048xi32, #tpu.memory_space<vmem>> -> memref<512xi32, #tpu.memory_space<vmem>>
        %dma_wait3A_504 = tpu.memref_slice %arg3[%mul3A_498] : memref<800000xi32, #tpu.memory_space<hbm>> -> memref<512xi32, #tpu.memory_space<hbm>>
        tpu.wait_dma2 semaphore(%arg11 : memref<!tpu.dma_semaphore, #tpu.memory_space<semaphore_mem>>) src(%dma_wait3A_504 : memref<512xi32, #tpu.memory_space<hbm>>) dst(%dma_wait3A_503 : memref<512xi32, #tpu.memory_space<vmem>>)
        %dma_wait3A_505 = tpu.memref_slice %arg7[%mul3A_478] : memref<2048xf32, #tpu.memory_space<vmem>> -> memref<512xf32, #tpu.memory_space<vmem>>
        %dma_wait3A_506 = tpu.memref_slice %arg4[%mul3A_500] : memref<800000xf32, #tpu.memory_space<hbm>> -> memref<512xf32, #tpu.memory_space<hbm>>
        %dma_wait3A_507 = tpu.memref_slice %arg7[%mul3A_478] : memref<2048xf32, #tpu.memory_space<vmem>> -> memref<512xf32, #tpu.memory_space<vmem>>
        %dma_wait3A_508 = tpu.memref_slice %arg4[%mul3A_500] : memref<800000xf32, #tpu.memory_space<hbm>> -> memref<512xf32, #tpu.memory_space<hbm>>
        tpu.wait_dma2 semaphore(%arg11 : memref<!tpu.dma_semaphore, #tpu.memory_space<semaphore_mem>>) src(%dma_wait3A_508 : memref<512xf32, #tpu.memory_space<hbm>>) dst(%dma_wait3A_507 : memref<512xf32, #tpu.memory_space<vmem>>)
        %dma_wait3A_509 = arith.constant 0 : i32
        %dma_wait3A_510 = tpu.memref_slice %arg8[%mul3A_496, %dma_wait3A_509] : memref<128x64xf32, #tpu.memory_space<vmem>> -> memref<32x64xf32, #tpu.memory_space<vmem>>
        %dma_wait3A_511 = arith.constant 0 : i32
        %dma_wait3A_512 = tpu.memref_slice %arg2[%min3A_460, %dma_wait3A_511] : memref<50000x64xf32, #tpu.memory_space<hbm>> -> memref<32x64xf32, #tpu.memory_space<hbm>>
        %dma_wait3A_513 = arith.constant 0 : i32
        %dma_wait3A_514 = tpu.memref_slice %arg8[%mul3A_496, %dma_wait3A_513] : memref<128x64xf32, #tpu.memory_space<vmem>> -> memref<32x64xf32, #tpu.memory_space<vmem>>
        %dma_wait3A_515 = arith.constant 0 : i32
        %dma_wait3A_516 = tpu.memref_slice %arg2[%min3A_460, %dma_wait3A_515] : memref<50000x64xf32, #tpu.memory_space<hbm>> -> memref<32x64xf32, #tpu.memory_space<hbm>>
        tpu.wait_dma2 semaphore(%arg11 : memref<!tpu.dma_semaphore, #tpu.memory_space<semaphore_mem>>) src(%dma_wait3A_516 : memref<32x64xf32, #tpu.memory_space<hbm>>) dst(%dma_wait3A_514 : memref<32x64xf32, #tpu.memory_space<vmem>>)
      } else {
      }
      %jit3A = arith.constant 2 : i32
      %eq3A = arith.constant 0 : i32
      %eq3A_250 = arith.cmpi eq, %jit3A, %eq3A : i32
      %jit3A_251 = arith.constant 1 : i32
      %select_n3A = arith.select %eq3A_250, %jit3A_251, %jit3A : i32
      %rem3A = arith.remsi %scan3A_247, %select_n3A : i32
      %ne3A = arith.constant 0 : i32
      %ne3A_252 = arith.cmpi ne, %rem3A, %ne3A : i32
      %lt3A_253 = arith.constant 0 : i32
      %lt3A_254 = arith.cmpi slt, %rem3A, %lt3A_253 : i32
      %lt3A_255 = arith.constant 0 : i32
      %lt3A_256 = arith.cmpi slt, %select_n3A, %lt3A_255 : i32
      %ne3A_257 = arith.xori %lt3A_254, %lt3A_256 : i1
      %and3A = arith.andi %ne3A_257, %ne3A_252 : i1
      %add3A_258 = arith.addi %rem3A, %select_n3A : i32
      %select_n3A_259 = arith.select %and3A, %add3A_258, %rem3A : i32
      %eq3A_260 = arith.constant 0 : i32
      %eq3A_261 = arith.cmpi eq, %select_n3A_259, %eq3A_260 : i32
      %convert_element_type3A_262 = arith.extui %eq3A_261 : i1 to i32
      %cond3A_263 = arith.constant 0 : i32
      %cond3A_264 = arith.cmpi ne, %convert_element_type3A_262, %cond3A_263 : i32
      scf.if %cond3A_264 {
        %jit3A_454 = arith.constant 4 : i32
        %eq3A_455 = arith.constant 0 : i32
        %eq3A_456 = arith.cmpi eq, %jit3A_454, %eq3A_455 : i32
        %jit3A_457 = arith.constant 1 : i32
        %select_n3A_458 = arith.select %eq3A_456, %jit3A_457, %jit3A_454 : i32
        %rem3A_459 = arith.remsi %scan3A_247, %select_n3A_458 : i32
        %ne3A_460 = arith.constant 0 : i32
        %ne3A_461 = arith.cmpi ne, %rem3A_459, %ne3A_460 : i32
        %lt3A_462 = arith.constant 0 : i32
        %lt3A_463 = arith.cmpi slt, %rem3A_459, %lt3A_462 : i32
        %lt3A_464 = arith.constant 0 : i32
        %lt3A_465 = arith.cmpi slt, %select_n3A_458, %lt3A_464 : i32
        %ne3A_466 = arith.xori %lt3A_463, %lt3A_465 : i1
        %and3A_467 = arith.andi %ne3A_466, %ne3A_461 : i1
        %add3A_468 = arith.addi %rem3A_459, %select_n3A_458 : i32
        %select_n3A_469 = arith.select %and3A_467, %add3A_468, %rem3A_459 : i32
        %mul3A_470 = arith.constant 512 : i32
        %mul3A_471 = arith.muli %select_n3A_469, %mul3A_470 : i32
        %jit3A_472 = arith.constant 3 : i32
        %eq3A_473 = arith.constant 0 : i32
        %eq3A_474 = arith.cmpi eq, %jit3A_472, %eq3A_473 : i32
        %jit3A_475 = arith.constant 1 : i32
        %select_n3A_476 = arith.select %eq3A_474, %jit3A_475, %jit3A_472 : i32
        %rem3A_477 = arith.remsi %scan3A_247, %select_n3A_476 : i32
        %ne3A_478 = arith.constant 0 : i32
        %ne3A_479 = arith.cmpi ne, %rem3A_477, %ne3A_478 : i32
        %lt3A_480 = arith.constant 0 : i32
        %lt3A_481 = arith.cmpi slt, %rem3A_477, %lt3A_480 : i32
        %lt3A_482 = arith.constant 0 : i32
        %lt3A_483 = arith.cmpi slt, %select_n3A_476, %lt3A_482 : i32
        %ne3A_484 = arith.xori %lt3A_481, %lt3A_483 : i1
        %and3A_485 = arith.andi %ne3A_484, %ne3A_479 : i1
        %add3A_486 = arith.addi %rem3A_477, %select_n3A_476 : i32
        %select_n3A_487 = arith.select %and3A_485, %add3A_486, %rem3A_477 : i32
        %mul3A_488 = arith.constant 512 : i32
        %mul3A_489 = arith.muli %select_n3A_487, %mul3A_488 : i32
        %add3A_490 = arith.constant 0 : i32
        %add3A_491 = arith.addi %mul3A_471, %add3A_490 : i32
        %add3A_492 = arith.constant 0 : i32
        %add3A_493 = arith.addi %mul3A_489, %add3A_492 : i32
        %add3A_494 = arith.constant 128 : i32
        %add3A_495 = arith.addi %mul3A_471, %add3A_494 : i32
        %add3A_496 = arith.constant 128 : i32
        %add3A_497 = arith.addi %mul3A_489, %add3A_496 : i32
        %add3A_498 = arith.constant 256 : i32
        %add3A_499 = arith.addi %mul3A_471, %add3A_498 : i32
        %add3A_500 = arith.constant 256 : i32
        %add3A_501 = arith.addi %mul3A_489, %add3A_500 : i32
        %add3A_502 = arith.constant 384 : i32
        %add3A_503 = arith.addi %mul3A_471, %add3A_502 : i32
        %add3A_504 = arith.constant 384 : i32
        %add3A_505 = arith.addi %mul3A_489, %add3A_504 : i32
        %dma_wait3A_506 = arith.constant 0 : i32
        %dma_wait3A_507 = tpu.memref_slice %arg9[%add3A_493, %dma_wait3A_506] : memref<1536x64xf32, #tpu.memory_space<vmem>> -> memref<128x64xf32, #tpu.memory_space<vmem>>
        %dma_wait3A_508 = tpu.memref_slice %arg6[%add3A_491] : memref<2048xi32, #tpu.memory_space<vmem>> -> memref<128xi32, #tpu.memory_space<vmem>>
        %dma_wait3A_509 = arith.constant 0 : i32
        %dma_wait3A_510 = arith.constant 0 : i32
        %dma_wait3A_511 = tpu.memref_slice %arg2[%dma_wait3A_509, %dma_wait3A_510] : memref<50000x64xf32, #tpu.memory_space<hbm>> -> memref<50000x64xf32, #tpu.memory_space<hbm>>
        tpu.wait_indirect_dma semaphore(%arg12 : memref<!tpu.dma_semaphore, #tpu.memory_space<semaphore_mem>>) src(%dma_wait3A_511 : memref<50000x64xf32, #tpu.memory_space<hbm>>) dst(%dma_wait3A_507 : memref<128x64xf32, #tpu.memory_space<vmem>>)
        %dma_wait3A_512 = arith.constant 0 : i32
        %dma_wait3A_513 = tpu.memref_slice %arg9[%add3A_497, %dma_wait3A_512] : memref<1536x64xf32, #tpu.memory_space<vmem>> -> memref<128x64xf32, #tpu.memory_space<vmem>>
        %dma_wait3A_514 = tpu.memref_slice %arg6[%add3A_495] : memref<2048xi32, #tpu.memory_space<vmem>> -> memref<128xi32, #tpu.memory_space<vmem>>
        %dma_wait3A_515 = arith.constant 0 : i32
        %dma_wait3A_516 = arith.constant 0 : i32
        %dma_wait3A_517 = tpu.memref_slice %arg2[%dma_wait3A_515, %dma_wait3A_516] : memref<50000x64xf32, #tpu.memory_space<hbm>> -> memref<50000x64xf32, #tpu.memory_space<hbm>>
        tpu.wait_indirect_dma semaphore(%arg12 : memref<!tpu.dma_semaphore, #tpu.memory_space<semaphore_mem>>) src(%dma_wait3A_517 : memref<50000x64xf32, #tpu.memory_space<hbm>>) dst(%dma_wait3A_513 : memref<128x64xf32, #tpu.memory_space<vmem>>)
        %dma_wait3A_518 = arith.constant 0 : i32
        %dma_wait3A_519 = tpu.memref_slice %arg9[%add3A_501, %dma_wait3A_518] : memref<1536x64xf32, #tpu.memory_space<vmem>> -> memref<128x64xf32, #tpu.memory_space<vmem>>
        %dma_wait3A_520 = tpu.memref_slice %arg6[%add3A_499] : memref<2048xi32, #tpu.memory_space<vmem>> -> memref<128xi32, #tpu.memory_space<vmem>>
        %dma_wait3A_521 = arith.constant 0 : i32
        %dma_wait3A_522 = arith.constant 0 : i32
        %dma_wait3A_523 = tpu.memref_slice %arg2[%dma_wait3A_521, %dma_wait3A_522] : memref<50000x64xf32, #tpu.memory_space<hbm>> -> memref<50000x64xf32, #tpu.memory_space<hbm>>
        tpu.wait_indirect_dma semaphore(%arg12 : memref<!tpu.dma_semaphore, #tpu.memory_space<semaphore_mem>>) src(%dma_wait3A_523 : memref<50000x64xf32, #tpu.memory_space<hbm>>) dst(%dma_wait3A_519 : memref<128x64xf32, #tpu.memory_space<vmem>>)
        %dma_wait3A_524 = arith.constant 0 : i32
        %dma_wait3A_525 = tpu.memref_slice %arg9[%add3A_505, %dma_wait3A_524] : memref<1536x64xf32, #tpu.memory_space<vmem>> -> memref<128x64xf32, #tpu.memory_space<vmem>>
        %dma_wait3A_526 = tpu.memref_slice %arg6[%add3A_503] : memref<2048xi32, #tpu.memory_space<vmem>> -> memref<128xi32, #tpu.memory_space<vmem>>
        %dma_wait3A_527 = arith.constant 0 : i32
        %dma_wait3A_528 = arith.constant 0 : i32
        %dma_wait3A_529 = tpu.memref_slice %arg2[%dma_wait3A_527, %dma_wait3A_528] : memref<50000x64xf32, #tpu.memory_space<hbm>> -> memref<50000x64xf32, #tpu.memory_space<hbm>>
        tpu.wait_indirect_dma semaphore(%arg12 : memref<!tpu.dma_semaphore, #tpu.memory_space<semaphore_mem>>) src(%dma_wait3A_529 : memref<50000x64xf32, #tpu.memory_space<hbm>>) dst(%dma_wait3A_525 : memref<128x64xf32, #tpu.memory_space<vmem>>)
        %lt3A_530 = arith.constant 96 : i32
        %lt3A_531 = arith.cmpi slt, %scan3A_247, %lt3A_530 : i32
        %convert_element_type3A_532 = arith.extui %lt3A_531 : i1 to i32
        %cond3A_533 = arith.constant 0 : i32
        %cond3A_534 = arith.cmpi ne, %convert_element_type3A_532, %cond3A_533 : i32
        scf.if %cond3A_534 {
          %add3A_535 = arith.constant 2 : i32
          %add3A_536 = arith.addi %scan3A_247, %add3A_535 : i32
          %jit3A_537 = arith.constant 4 : i32
          %eq3A_538 = arith.constant 0 : i32
          %eq3A_539 = arith.cmpi eq, %jit3A_537, %eq3A_538 : i32
          %jit3A_540 = arith.constant 1 : i32
          %select_n3A_541 = arith.select %eq3A_539, %jit3A_540, %jit3A_537 : i32
          %rem3A_542 = arith.remsi %add3A_536, %select_n3A_541 : i32
          %ne3A_543 = arith.constant 0 : i32
          %ne3A_544 = arith.cmpi ne, %rem3A_542, %ne3A_543 : i32
          %lt3A_545 = arith.constant 0 : i32
          %lt3A_546 = arith.cmpi slt, %rem3A_542, %lt3A_545 : i32
          %lt3A_547 = arith.constant 0 : i32
          %lt3A_548 = arith.cmpi slt, %select_n3A_541, %lt3A_547 : i32
          %ne3A_549 = arith.xori %lt3A_546, %lt3A_548 : i1
          %and3A_550 = arith.andi %ne3A_549, %ne3A_544 : i1
          %add3A_551 = arith.addi %rem3A_542, %select_n3A_541 : i32
          %select_n3A_552 = arith.select %and3A_550, %add3A_551, %rem3A_542 : i32
          %mul3A_553 = arith.constant 512 : i32
          %mul3A_554 = arith.muli %select_n3A_552, %mul3A_553 : i32
          %jit3A_555 = arith.constant 3 : i32
          %eq3A_556 = arith.constant 0 : i32
          %eq3A_557 = arith.cmpi eq, %jit3A_555, %eq3A_556 : i32
          %jit3A_558 = arith.constant 1 : i32
          %select_n3A_559 = arith.select %eq3A_557, %jit3A_558, %jit3A_555 : i32
          %rem3A_560 = arith.remsi %add3A_536, %select_n3A_559 : i32
          %ne3A_561 = arith.constant 0 : i32
          %ne3A_562 = arith.cmpi ne, %rem3A_560, %ne3A_561 : i32
          %lt3A_563 = arith.constant 0 : i32
          %lt3A_564 = arith.cmpi slt, %rem3A_560, %lt3A_563 : i32
          %lt3A_565 = arith.constant 0 : i32
          %lt3A_566 = arith.cmpi slt, %select_n3A_559, %lt3A_565 : i32
          %ne3A_567 = arith.xori %lt3A_564, %lt3A_566 : i1
          %and3A_568 = arith.andi %ne3A_567, %ne3A_562 : i1
          %add3A_569 = arith.addi %rem3A_560, %select_n3A_559 : i32
          %select_n3A_570 = arith.select %and3A_568, %add3A_569, %rem3A_560 : i32
          %mul3A_571 = arith.constant 512 : i32
          %mul3A_572 = arith.muli %select_n3A_570, %mul3A_571 : i32
          %add3A_573 = arith.constant 0 : i32
          %add3A_574 = arith.addi %mul3A_554, %add3A_573 : i32
          %add3A_575 = arith.constant 0 : i32
          %add3A_576 = arith.addi %mul3A_572, %add3A_575 : i32
          %add3A_577 = arith.constant 128 : i32
          %add3A_578 = arith.addi %mul3A_554, %add3A_577 : i32
          %add3A_579 = arith.constant 128 : i32
          %add3A_580 = arith.addi %mul3A_572, %add3A_579 : i32
          %add3A_581 = arith.constant 256 : i32
          %add3A_582 = arith.addi %mul3A_554, %add3A_581 : i32
          %add3A_583 = arith.constant 256 : i32
          %add3A_584 = arith.addi %mul3A_572, %add3A_583 : i32
          %add3A_585 = arith.constant 384 : i32
          %add3A_586 = arith.addi %mul3A_554, %add3A_585 : i32
          %add3A_587 = arith.constant 384 : i32
          %add3A_588 = arith.addi %mul3A_572, %add3A_587 : i32
          %dma_start3A_589 = arith.constant 0 : i32
          %dma_start3A_590 = tpu.memref_slice %arg9[%add3A_576, %dma_start3A_589] : memref<1536x64xf32, #tpu.memory_space<vmem>> -> memref<128x64xf32, #tpu.memory_space<vmem>>
          %dma_start3A_591 = tpu.memref_slice %arg6[%add3A_574] : memref<2048xi32, #tpu.memory_space<vmem>> -> memref<128xi32, #tpu.memory_space<vmem>>
          %dma_start3A_592 = arith.constant 0 : i32
          %dma_start3A_593 = arith.constant 0 : i32
          %dma_start3A_594 = tpu.memref_slice %arg2[%dma_start3A_592, %dma_start3A_593] : memref<50000x64xf32, #tpu.memory_space<hbm>> -> memref<50000x64xf32, #tpu.memory_space<hbm>>
          tpu.enqueue_indirect_dma source(%dma_start3A_594 : memref<50000x64xf32, #tpu.memory_space<hbm>>) target(%dma_start3A_590 : memref<128x64xf32, #tpu.memory_space<vmem>>) offsets(%dma_start3A_591 : memref<128xi32, #tpu.memory_space<vmem>>) semaphore(%arg12 : memref<!tpu.dma_semaphore, #tpu.memory_space<semaphore_mem>>)
          %dma_start3A_595 = arith.constant 0 : i32
          %dma_start3A_596 = tpu.memref_slice %arg9[%add3A_580, %dma_start3A_595] : memref<1536x64xf32, #tpu.memory_space<vmem>> -> memref<128x64xf32, #tpu.memory_space<vmem>>
          %dma_start3A_597 = tpu.memref_slice %arg6[%add3A_578] : memref<2048xi32, #tpu.memory_space<vmem>> -> memref<128xi32, #tpu.memory_space<vmem>>
          %dma_start3A_598 = arith.constant 0 : i32
          %dma_start3A_599 = arith.constant 0 : i32
          %dma_start3A_600 = tpu.memref_slice %arg2[%dma_start3A_598, %dma_start3A_599] : memref<50000x64xf32, #tpu.memory_space<hbm>> -> memref<50000x64xf32, #tpu.memory_space<hbm>>
          tpu.enqueue_indirect_dma source(%dma_start3A_600 : memref<50000x64xf32, #tpu.memory_space<hbm>>) target(%dma_start3A_596 : memref<128x64xf32, #tpu.memory_space<vmem>>) offsets(%dma_start3A_597 : memref<128xi32, #tpu.memory_space<vmem>>) semaphore(%arg12 : memref<!tpu.dma_semaphore, #tpu.memory_space<semaphore_mem>>)
          %dma_start3A_601 = arith.constant 0 : i32
          %dma_start3A_602 = tpu.memref_slice %arg9[%add3A_584, %dma_start3A_601] : memref<1536x64xf32, #tpu.memory_space<vmem>> -> memref<128x64xf32, #tpu.memory_space<vmem>>
          %dma_start3A_603 = tpu.memref_slice %arg6[%add3A_582] : memref<2048xi32, #tpu.memory_space<vmem>> -> memref<128xi32, #tpu.memory_space<vmem>>
          %dma_start3A_604 = arith.constant 0 : i32
          %dma_start3A_605 = arith.constant 0 : i32
          %dma_start3A_606 = tpu.memref_slice %arg2[%dma_start3A_604, %dma_start3A_605] : memref<50000x64xf32, #tpu.memory_space<hbm>> -> memref<50000x64xf32, #tpu.memory_space<hbm>>
          tpu.enqueue_indirect_dma source(%dma_start3A_606 : memref<50000x64xf32, #tpu.memory_space<hbm>>) target(%dma_start3A_602 : memref<128x64xf32, #tpu.memory_space<vmem>>) offsets(%dma_start3A_603 : memref<128xi32, #tpu.memory_space<vmem>>) semaphore(%arg12 : memref<!tpu.dma_semaphore, #tpu.memory_space<semaphore_mem>>)
          %dma_start3A_607 = arith.constant 0 : i32
          %dma_start3A_608 = tpu.memref_slice %arg9[%add3A_588, %dma_start3A_607] : memref<1536x64xf32, #tpu.memory_space<vmem>> -> memref<128x64xf32, #tpu.memory_space<vmem>>
          %dma_start3A_609 = tpu.memref_slice %arg6[%add3A_586] : memref<2048xi32, #tpu.memory_space<vmem>> -> memref<128xi32, #tpu.memory_space<vmem>>
          %dma_start3A_610 = arith.constant 0 : i32
          %dma_start3A_611 = arith.constant 0 : i32
          %dma_start3A_612 = tpu.memref_slice %arg2[%dma_start3A_610, %dma_start3A_611] : memref<50000x64xf32, #tpu.memory_space<hbm>> -> memref<50000x64xf32, #tpu.memory_space<hbm>>
          tpu.enqueue_indirect_dma source(%dma_start3A_612 : memref<50000x64xf32, #tpu.memory_space<hbm>>) target(%dma_start3A_608 : memref<128x64xf32, #tpu.memory_space<vmem>>) offsets(%dma_start3A_609 : memref<128xi32, #tpu.memory_space<vmem>>) semaphore(%arg12 : memref<!tpu.dma_semaphore, #tpu.memory_space<semaphore_mem>>)
        } else {
        }
      } else {
      }
      %jit3A_265 = arith.constant 2 : i32
      %eq3A_266 = arith.constant 0 : i32
      %eq3A_267 = arith.cmpi eq, %jit3A_265, %eq3A_266 : i32
      %jit3A_268 = arith.constant 1 : i32
      %select_n3A_269 = arith.select %eq3A_267, %jit3A_268, %jit3A_265 : i32
      %rem3A_270 = arith.remsi %scan3A_247, %select_n3A_269 : i32
      %ne3A_271 = arith.constant 0 : i32
      %ne3A_272 = arith.cmpi ne, %rem3A_270, %ne3A_271 : i32
      %lt3A_273 = arith.constant 0 : i32
      %lt3A_274 = arith.cmpi slt, %rem3A_270, %lt3A_273 : i32
      %lt3A_275 = arith.constant 0 : i32
      %lt3A_276 = arith.cmpi slt, %select_n3A_269, %lt3A_275 : i32
      %ne3A_277 = arith.xori %lt3A_274, %lt3A_276 : i1
      %and3A_278 = arith.andi %ne3A_277, %ne3A_272 : i1
      %add3A_279 = arith.addi %rem3A_270, %select_n3A_269 : i32
      %select_n3A_280 = arith.select %and3A_278, %add3A_279, %rem3A_270 : i32
      %eq3A_281 = arith.constant 1 : i32
      %eq3A_282 = arith.cmpi eq, %select_n3A_280, %eq3A_281 : i32
      %convert_element_type3A_283 = arith.extui %eq3A_282 : i1 to i32
      %cond3A_284 = arith.constant 0 : i32
      %cond3A_285 = arith.cmpi ne, %convert_element_type3A_283, %cond3A_284 : i32
      scf.if %cond3A_285 {
        %jit3A_454 = arith.constant 4 : i32
        %eq3A_455 = arith.constant 0 : i32
        %eq3A_456 = arith.cmpi eq, %jit3A_454, %eq3A_455 : i32
        %jit3A_457 = arith.constant 1 : i32
        %select_n3A_458 = arith.select %eq3A_456, %jit3A_457, %jit3A_454 : i32
        %rem3A_459 = arith.remsi %scan3A_247, %select_n3A_458 : i32
        %ne3A_460 = arith.constant 0 : i32
        %ne3A_461 = arith.cmpi ne, %rem3A_459, %ne3A_460 : i32
        %lt3A_462 = arith.constant 0 : i32
        %lt3A_463 = arith.cmpi slt, %rem3A_459, %lt3A_462 : i32
        %lt3A_464 = arith.constant 0 : i32
        %lt3A_465 = arith.cmpi slt, %select_n3A_458, %lt3A_464 : i32
        %ne3A_466 = arith.xori %lt3A_463, %lt3A_465 : i1
        %and3A_467 = arith.andi %ne3A_466, %ne3A_461 : i1
        %add3A_468 = arith.addi %rem3A_459, %select_n3A_458 : i32
        %select_n3A_469 = arith.select %and3A_467, %add3A_468, %rem3A_459 : i32
        %mul3A_470 = arith.constant 512 : i32
        %mul3A_471 = arith.muli %select_n3A_469, %mul3A_470 : i32
        %jit3A_472 = arith.constant 3 : i32
        %eq3A_473 = arith.constant 0 : i32
        %eq3A_474 = arith.cmpi eq, %jit3A_472, %eq3A_473 : i32
        %jit3A_475 = arith.constant 1 : i32
        %select_n3A_476 = arith.select %eq3A_474, %jit3A_475, %jit3A_472 : i32
        %rem3A_477 = arith.remsi %scan3A_247, %select_n3A_476 : i32
        %ne3A_478 = arith.constant 0 : i32
        %ne3A_479 = arith.cmpi ne, %rem3A_477, %ne3A_478 : i32
        %lt3A_480 = arith.constant 0 : i32
        %lt3A_481 = arith.cmpi slt, %rem3A_477, %lt3A_480 : i32
        %lt3A_482 = arith.constant 0 : i32
        %lt3A_483 = arith.cmpi slt, %select_n3A_476, %lt3A_482 : i32
        %ne3A_484 = arith.xori %lt3A_481, %lt3A_483 : i1
        %and3A_485 = arith.andi %ne3A_484, %ne3A_479 : i1
        %add3A_486 = arith.addi %rem3A_477, %select_n3A_476 : i32
        %select_n3A_487 = arith.select %and3A_485, %add3A_486, %rem3A_477 : i32
        %mul3A_488 = arith.constant 512 : i32
        %mul3A_489 = arith.muli %select_n3A_487, %mul3A_488 : i32
        %add3A_490 = arith.constant 0 : i32
        %add3A_491 = arith.addi %mul3A_471, %add3A_490 : i32
        %add3A_492 = arith.constant 0 : i32
        %add3A_493 = arith.addi %mul3A_489, %add3A_492 : i32
        %add3A_494 = arith.constant 128 : i32
        %add3A_495 = arith.addi %mul3A_471, %add3A_494 : i32
        %add3A_496 = arith.constant 128 : i32
        %add3A_497 = arith.addi %mul3A_489, %add3A_496 : i32
        %add3A_498 = arith.constant 256 : i32
        %add3A_499 = arith.addi %mul3A_471, %add3A_498 : i32
        %add3A_500 = arith.constant 256 : i32
        %add3A_501 = arith.addi %mul3A_489, %add3A_500 : i32
        %add3A_502 = arith.constant 384 : i32
        %add3A_503 = arith.addi %mul3A_471, %add3A_502 : i32
        %add3A_504 = arith.constant 384 : i32
        %add3A_505 = arith.addi %mul3A_489, %add3A_504 : i32
        %dma_wait3A_506 = arith.constant 0 : i32
        %dma_wait3A_507 = tpu.memref_slice %arg9[%add3A_493, %dma_wait3A_506] : memref<1536x64xf32, #tpu.memory_space<vmem>> -> memref<128x64xf32, #tpu.memory_space<vmem>>
        %dma_wait3A_508 = tpu.memref_slice %arg6[%add3A_491] : memref<2048xi32, #tpu.memory_space<vmem>> -> memref<128xi32, #tpu.memory_space<vmem>>
        %dma_wait3A_509 = arith.constant 0 : i32
        %dma_wait3A_510 = arith.constant 0 : i32
        %dma_wait3A_511 = tpu.memref_slice %arg2[%dma_wait3A_509, %dma_wait3A_510] : memref<50000x64xf32, #tpu.memory_space<hbm>> -> memref<50000x64xf32, #tpu.memory_space<hbm>>
        tpu.wait_indirect_dma semaphore(%arg13 : memref<!tpu.dma_semaphore, #tpu.memory_space<semaphore_mem>>) src(%dma_wait3A_511 : memref<50000x64xf32, #tpu.memory_space<hbm>>) dst(%dma_wait3A_507 : memref<128x64xf32, #tpu.memory_space<vmem>>)
        %dma_wait3A_512 = arith.constant 0 : i32
        %dma_wait3A_513 = tpu.memref_slice %arg9[%add3A_497, %dma_wait3A_512] : memref<1536x64xf32, #tpu.memory_space<vmem>> -> memref<128x64xf32, #tpu.memory_space<vmem>>
        %dma_wait3A_514 = tpu.memref_slice %arg6[%add3A_495] : memref<2048xi32, #tpu.memory_space<vmem>> -> memref<128xi32, #tpu.memory_space<vmem>>
        %dma_wait3A_515 = arith.constant 0 : i32
        %dma_wait3A_516 = arith.constant 0 : i32
        %dma_wait3A_517 = tpu.memref_slice %arg2[%dma_wait3A_515, %dma_wait3A_516] : memref<50000x64xf32, #tpu.memory_space<hbm>> -> memref<50000x64xf32, #tpu.memory_space<hbm>>
        tpu.wait_indirect_dma semaphore(%arg13 : memref<!tpu.dma_semaphore, #tpu.memory_space<semaphore_mem>>) src(%dma_wait3A_517 : memref<50000x64xf32, #tpu.memory_space<hbm>>) dst(%dma_wait3A_513 : memref<128x64xf32, #tpu.memory_space<vmem>>)
        %dma_wait3A_518 = arith.constant 0 : i32
        %dma_wait3A_519 = tpu.memref_slice %arg9[%add3A_501, %dma_wait3A_518] : memref<1536x64xf32, #tpu.memory_space<vmem>> -> memref<128x64xf32, #tpu.memory_space<vmem>>
        %dma_wait3A_520 = tpu.memref_slice %arg6[%add3A_499] : memref<2048xi32, #tpu.memory_space<vmem>> -> memref<128xi32, #tpu.memory_space<vmem>>
        %dma_wait3A_521 = arith.constant 0 : i32
        %dma_wait3A_522 = arith.constant 0 : i32
        %dma_wait3A_523 = tpu.memref_slice %arg2[%dma_wait3A_521, %dma_wait3A_522] : memref<50000x64xf32, #tpu.memory_space<hbm>> -> memref<50000x64xf32, #tpu.memory_space<hbm>>
        tpu.wait_indirect_dma semaphore(%arg13 : memref<!tpu.dma_semaphore, #tpu.memory_space<semaphore_mem>>) src(%dma_wait3A_523 : memref<50000x64xf32, #tpu.memory_space<hbm>>) dst(%dma_wait3A_519 : memref<128x64xf32, #tpu.memory_space<vmem>>)
        %dma_wait3A_524 = arith.constant 0 : i32
        %dma_wait3A_525 = tpu.memref_slice %arg9[%add3A_505, %dma_wait3A_524] : memref<1536x64xf32, #tpu.memory_space<vmem>> -> memref<128x64xf32, #tpu.memory_space<vmem>>
        %dma_wait3A_526 = tpu.memref_slice %arg6[%add3A_503] : memref<2048xi32, #tpu.memory_space<vmem>> -> memref<128xi32, #tpu.memory_space<vmem>>
        %dma_wait3A_527 = arith.constant 0 : i32
        %dma_wait3A_528 = arith.constant 0 : i32
        %dma_wait3A_529 = tpu.memref_slice %arg2[%dma_wait3A_527, %dma_wait3A_528] : memref<50000x64xf32, #tpu.memory_space<hbm>> -> memref<50000x64xf32, #tpu.memory_space<hbm>>
        tpu.wait_indirect_dma semaphore(%arg13 : memref<!tpu.dma_semaphore, #tpu.memory_space<semaphore_mem>>) src(%dma_wait3A_529 : memref<50000x64xf32, #tpu.memory_space<hbm>>) dst(%dma_wait3A_525 : memref<128x64xf32, #tpu.memory_space<vmem>>)
        %lt3A_530 = arith.constant 96 : i32
        %lt3A_531 = arith.cmpi slt, %scan3A_247, %lt3A_530 : i32
        %convert_element_type3A_532 = arith.extui %lt3A_531 : i1 to i32
        %cond3A_533 = arith.constant 0 : i32
        %cond3A_534 = arith.cmpi ne, %convert_element_type3A_532, %cond3A_533 : i32
        scf.if %cond3A_534 {
          %add3A_535 = arith.constant 2 : i32
          %add3A_536 = arith.addi %scan3A_247, %add3A_535 : i32
          %jit3A_537 = arith.constant 4 : i32
          %eq3A_538 = arith.constant 0 : i32
          %eq3A_539 = arith.cmpi eq, %jit3A_537, %eq3A_538 : i32
          %jit3A_540 = arith.constant 1 : i32
          %select_n3A_541 = arith.select %eq3A_539, %jit3A_540, %jit3A_537 : i32
          %rem3A_542 = arith.remsi %add3A_536, %select_n3A_541 : i32
          %ne3A_543 = arith.constant 0 : i32
          %ne3A_544 = arith.cmpi ne, %rem3A_542, %ne3A_543 : i32
          %lt3A_545 = arith.constant 0 : i32
          %lt3A_546 = arith.cmpi slt, %rem3A_542, %lt3A_545 : i32
          %lt3A_547 = arith.constant 0 : i32
          %lt3A_548 = arith.cmpi slt, %select_n3A_541, %lt3A_547 : i32
          %ne3A_549 = arith.xori %lt3A_546, %lt3A_548 : i1
          %and3A_550 = arith.andi %ne3A_549, %ne3A_544 : i1
          %add3A_551 = arith.addi %rem3A_542, %select_n3A_541 : i32
          %select_n3A_552 = arith.select %and3A_550, %add3A_551, %rem3A_542 : i32
          %mul3A_553 = arith.constant 512 : i32
          %mul3A_554 = arith.muli %select_n3A_552, %mul3A_553 : i32
          %jit3A_555 = arith.constant 3 : i32
          %eq3A_556 = arith.constant 0 : i32
          %eq3A_557 = arith.cmpi eq, %jit3A_555, %eq3A_556 : i32
          %jit3A_558 = arith.constant 1 : i32
          %select_n3A_559 = arith.select %eq3A_557, %jit3A_558, %jit3A_555 : i32
          %rem3A_560 = arith.remsi %add3A_536, %select_n3A_559 : i32
          %ne3A_561 = arith.constant 0 : i32
          %ne3A_562 = arith.cmpi ne, %rem3A_560, %ne3A_561 : i32
          %lt3A_563 = arith.constant 0 : i32
          %lt3A_564 = arith.cmpi slt, %rem3A_560, %lt3A_563 : i32
          %lt3A_565 = arith.constant 0 : i32
          %lt3A_566 = arith.cmpi slt, %select_n3A_559, %lt3A_565 : i32
          %ne3A_567 = arith.xori %lt3A_564, %lt3A_566 : i1
          %and3A_568 = arith.andi %ne3A_567, %ne3A_562 : i1
          %add3A_569 = arith.addi %rem3A_560, %select_n3A_559 : i32
          %select_n3A_570 = arith.select %and3A_568, %add3A_569, %rem3A_560 : i32
          %mul3A_571 = arith.constant 512 : i32
          %mul3A_572 = arith.muli %select_n3A_570, %mul3A_571 : i32
          %add3A_573 = arith.constant 0 : i32
          %add3A_574 = arith.addi %mul3A_554, %add3A_573 : i32
          %add3A_575 = arith.constant 0 : i32
          %add3A_576 = arith.addi %mul3A_572, %add3A_575 : i32
          %add3A_577 = arith.constant 128 : i32
          %add3A_578 = arith.addi %mul3A_554, %add3A_577 : i32
          %add3A_579 = arith.constant 128 : i32
          %add3A_580 = arith.addi %mul3A_572, %add3A_579 : i32
          %add3A_581 = arith.constant 256 : i32
          %add3A_582 = arith.addi %mul3A_554, %add3A_581 : i32
          %add3A_583 = arith.constant 256 : i32
          %add3A_584 = arith.addi %mul3A_572, %add3A_583 : i32
          %add3A_585 = arith.constant 384 : i32
          %add3A_586 = arith.addi %mul3A_554, %add3A_585 : i32
          %add3A_587 = arith.constant 384 : i32
          %add3A_588 = arith.addi %mul3A_572, %add3A_587 : i32
          %dma_start3A_589 = arith.constant 0 : i32
          %dma_start3A_590 = tpu.memref_slice %arg9[%add3A_576, %dma_start3A_589] : memref<1536x64xf32, #tpu.memory_space<vmem>> -> memref<128x64xf32, #tpu.memory_space<vmem>>
          %dma_start3A_591 = tpu.memref_slice %arg6[%add3A_574] : memref<2048xi32, #tpu.memory_space<vmem>> -> memref<128xi32, #tpu.memory_space<vmem>>
          %dma_start3A_592 = arith.constant 0 : i32
          %dma_start3A_593 = arith.constant 0 : i32
          %dma_start3A_594 = tpu.memref_slice %arg2[%dma_start3A_592, %dma_start3A_593] : memref<50000x64xf32, #tpu.memory_space<hbm>> -> memref<50000x64xf32, #tpu.memory_space<hbm>>
          tpu.enqueue_indirect_dma source(%dma_start3A_594 : memref<50000x64xf32, #tpu.memory_space<hbm>>) target(%dma_start3A_590 : memref<128x64xf32, #tpu.memory_space<vmem>>) offsets(%dma_start3A_591 : memref<128xi32, #tpu.memory_space<vmem>>) semaphore(%arg13 : memref<!tpu.dma_semaphore, #tpu.memory_space<semaphore_mem>>)
          %dma_start3A_595 = arith.constant 0 : i32
          %dma_start3A_596 = tpu.memref_slice %arg9[%add3A_580, %dma_start3A_595] : memref<1536x64xf32, #tpu.memory_space<vmem>> -> memref<128x64xf32, #tpu.memory_space<vmem>>
          %dma_start3A_597 = tpu.memref_slice %arg6[%add3A_578] : memref<2048xi32, #tpu.memory_space<vmem>> -> memref<128xi32, #tpu.memory_space<vmem>>
          %dma_start3A_598 = arith.constant 0 : i32
          %dma_start3A_599 = arith.constant 0 : i32
          %dma_start3A_600 = tpu.memref_slice %arg2[%dma_start3A_598, %dma_start3A_599] : memref<50000x64xf32, #tpu.memory_space<hbm>> -> memref<50000x64xf32, #tpu.memory_space<hbm>>
          tpu.enqueue_indirect_dma source(%dma_start3A_600 : memref<50000x64xf32, #tpu.memory_space<hbm>>) target(%dma_start3A_596 : memref<128x64xf32, #tpu.memory_space<vmem>>) offsets(%dma_start3A_597 : memref<128xi32, #tpu.memory_space<vmem>>) semaphore(%arg13 : memref<!tpu.dma_semaphore, #tpu.memory_space<semaphore_mem>>)
          %dma_start3A_601 = arith.constant 0 : i32
          %dma_start3A_602 = tpu.memref_slice %arg9[%add3A_584, %dma_start3A_601] : memref<1536x64xf32, #tpu.memory_space<vmem>> -> memref<128x64xf32, #tpu.memory_space<vmem>>
          %dma_start3A_603 = tpu.memref_slice %arg6[%add3A_582] : memref<2048xi32, #tpu.memory_space<vmem>> -> memref<128xi32, #tpu.memory_space<vmem>>
          %dma_start3A_604 = arith.constant 0 : i32
          %dma_start3A_605 = arith.constant 0 : i32
          %dma_start3A_606 = tpu.memref_slice %arg2[%dma_start3A_604, %dma_start3A_605] : memref<50000x64xf32, #tpu.memory_space<hbm>> -> memref<50000x64xf32, #tpu.memory_space<hbm>>
          tpu.enqueue_indirect_dma source(%dma_start3A_606 : memref<50000x64xf32, #tpu.memory_space<hbm>>) target(%dma_start3A_602 : memref<128x64xf32, #tpu.memory_space<vmem>>) offsets(%dma_start3A_603 : memref<128xi32, #tpu.memory_space<vmem>>) semaphore(%arg13 : memref<!tpu.dma_semaphore, #tpu.memory_space<semaphore_mem>>)
          %dma_start3A_607 = arith.constant 0 : i32
          %dma_start3A_608 = tpu.memref_slice %arg9[%add3A_588, %dma_start3A_607] : memref<1536x64xf32, #tpu.memory_space<vmem>> -> memref<128x64xf32, #tpu.memory_space<vmem>>
          %dma_start3A_609 = tpu.memref_slice %arg6[%add3A_586] : memref<2048xi32, #tpu.memory_space<vmem>> -> memref<128xi32, #tpu.memory_space<vmem>>
          %dma_start3A_610 = arith.constant 0 : i32
          %dma_start3A_611 = arith.constant 0 : i32
          %dma_start3A_612 = tpu.memref_slice %arg2[%dma_start3A_610, %dma_start3A_611] : memref<50000x64xf32, #tpu.memory_space<hbm>> -> memref<50000x64xf32, #tpu.memory_space<hbm>>
          tpu.enqueue_indirect_dma source(%dma_start3A_612 : memref<50000x64xf32, #tpu.memory_space<hbm>>) target(%dma_start3A_608 : memref<128x64xf32, #tpu.memory_space<vmem>>) offsets(%dma_start3A_609 : memref<128xi32, #tpu.memory_space<vmem>>) semaphore(%arg13 : memref<!tpu.dma_semaphore, #tpu.memory_space<semaphore_mem>>)
        } else {
        }
      } else {
      }
      %lt3A_286 = arith.constant 95 : i32
      %lt3A_287 = arith.cmpi slt, %scan3A_247, %lt3A_286 : i32
      %convert_element_type3A_288 = arith.extui %lt3A_287 : i1 to i32
      %cond3A_289 = arith.constant 0 : i32
      %cond3A_290 = arith.cmpi ne, %convert_element_type3A_288, %cond3A_289 : i32
      scf.if %cond3A_290 {
        %add3A_454 = arith.constant 3 : i32
        %add3A_455 = arith.addi %scan3A_247, %add3A_454 : i32
        %mul3A_456 = arith.constant 32 : i32
        %mul3A_457 = arith.muli %add3A_455, %mul3A_456 : i32
        %add3A_458 = arith.addi %mul3A_2, %mul3A_457 : i32
        %min3A_459 = arith.constant 49968 : i32
        %min3A_460 = arith.minsi %add3A_458, %min3A_459 : i32
        %jit3A_461 = arith.constant 4 : i32
        %eq3A_462 = arith.constant 0 : i32
        %eq3A_463 = arith.cmpi eq, %jit3A_461, %eq3A_462 : i32
        %jit3A_464 = arith.constant 1 : i32
        %select_n3A_465 = arith.select %eq3A_463, %jit3A_464, %jit3A_461 : i32
        %rem3A_466 = arith.remsi %add3A_455, %select_n3A_465 : i32
        %ne3A_467 = arith.constant 0 : i32
        %ne3A_468 = arith.cmpi ne, %rem3A_466, %ne3A_467 : i32
        %lt3A_469 = arith.constant 0 : i32
        %lt3A_470 = arith.cmpi slt, %rem3A_466, %lt3A_469 : i32
        %lt3A_471 = arith.constant 0 : i32
        %lt3A_472 = arith.cmpi slt, %select_n3A_465, %lt3A_471 : i32
        %ne3A_473 = arith.xori %lt3A_470, %lt3A_472 : i1
        %and3A_474 = arith.andi %ne3A_473, %ne3A_468 : i1
        %add3A_475 = arith.addi %rem3A_466, %select_n3A_465 : i32
        %select_n3A_476 = arith.select %and3A_474, %add3A_475, %rem3A_466 : i32
        %mul3A_477 = arith.constant 512 : i32
        %mul3A_478 = arith.muli %select_n3A_476, %mul3A_477 : i32
        %jit3A_479 = arith.constant 4 : i32
        %eq3A_480 = arith.constant 0 : i32
        %eq3A_481 = arith.cmpi eq, %jit3A_479, %eq3A_480 : i32
        %jit3A_482 = arith.constant 1 : i32
        %select_n3A_483 = arith.select %eq3A_481, %jit3A_482, %jit3A_479 : i32
        %rem3A_484 = arith.remsi %add3A_455, %select_n3A_483 : i32
        %ne3A_485 = arith.constant 0 : i32
        %ne3A_486 = arith.cmpi ne, %rem3A_484, %ne3A_485 : i32
        %lt3A_487 = arith.constant 0 : i32
        %lt3A_488 = arith.cmpi slt, %rem3A_484, %lt3A_487 : i32
        %lt3A_489 = arith.constant 0 : i32
        %lt3A_490 = arith.cmpi slt, %select_n3A_483, %lt3A_489 : i32
        %ne3A_491 = arith.xori %lt3A_488, %lt3A_490 : i1
        %and3A_492 = arith.andi %ne3A_491, %ne3A_486 : i1
        %add3A_493 = arith.addi %rem3A_484, %select_n3A_483 : i32
        %select_n3A_494 = arith.select %and3A_492, %add3A_493, %rem3A_484 : i32
        %mul3A_495 = arith.constant 32 : i32
        %mul3A_496 = arith.muli %select_n3A_494, %mul3A_495 : i32
        %mul3A_497 = arith.constant 16 : i32
        %mul3A_498 = arith.muli %min3A_460, %mul3A_497 : i32
        %mul3A_499 = arith.constant 16 : i32
        %mul3A_500 = arith.muli %min3A_460, %mul3A_499 : i32
        %dma_start3A_501 = tpu.memref_slice %arg6[%mul3A_478] : memref<2048xi32, #tpu.memory_space<vmem>> -> memref<512xi32, #tpu.memory_space<vmem>>
        %dma_start3A_502 = tpu.memref_slice %arg3[%mul3A_498] : memref<800000xi32, #tpu.memory_space<hbm>> -> memref<512xi32, #tpu.memory_space<hbm>>
        %dma_start3A_503 = tpu.memref_slice %arg6[%mul3A_478] : memref<2048xi32, #tpu.memory_space<vmem>> -> memref<512xi32, #tpu.memory_space<vmem>>
        %dma_start3A_504 = tpu.memref_slice %arg3[%mul3A_498] : memref<800000xi32, #tpu.memory_space<hbm>> -> memref<512xi32, #tpu.memory_space<hbm>>
        tpu.enqueue_dma source(%dma_start3A_504 : memref<512xi32, #tpu.memory_space<hbm>>) target(%dma_start3A_503 : memref<512xi32, #tpu.memory_space<vmem>>) target_semaphore(%arg11 : memref<!tpu.dma_semaphore, #tpu.memory_space<semaphore_mem>>)
        %dma_start3A_505 = tpu.memref_slice %arg7[%mul3A_478] : memref<2048xf32, #tpu.memory_space<vmem>> -> memref<512xf32, #tpu.memory_space<vmem>>
        %dma_start3A_506 = tpu.memref_slice %arg4[%mul3A_500] : memref<800000xf32, #tpu.memory_space<hbm>> -> memref<512xf32, #tpu.memory_space<hbm>>
        %dma_start3A_507 = tpu.memref_slice %arg7[%mul3A_478] : memref<2048xf32, #tpu.memory_space<vmem>> -> memref<512xf32, #tpu.memory_space<vmem>>
        %dma_start3A_508 = tpu.memref_slice %arg4[%mul3A_500] : memref<800000xf32, #tpu.memory_space<hbm>> -> memref<512xf32, #tpu.memory_space<hbm>>
        tpu.enqueue_dma source(%dma_start3A_508 : memref<512xf32, #tpu.memory_space<hbm>>) target(%dma_start3A_507 : memref<512xf32, #tpu.memory_space<vmem>>) target_semaphore(%arg11 : memref<!tpu.dma_semaphore, #tpu.memory_space<semaphore_mem>>)
        %dma_start3A_509 = arith.constant 0 : i32
        %dma_start3A_510 = tpu.memref_slice %arg8[%mul3A_496, %dma_start3A_509] : memref<128x64xf32, #tpu.memory_space<vmem>> -> memref<32x64xf32, #tpu.memory_space<vmem>>
        %dma_start3A_511 = arith.constant 0 : i32
        %dma_start3A_512 = tpu.memref_slice %arg2[%min3A_460, %dma_start3A_511] : memref<50000x64xf32, #tpu.memory_space<hbm>> -> memref<32x64xf32, #tpu.memory_space<hbm>>
        %dma_start3A_513 = arith.constant 0 : i32
        %dma_start3A_514 = tpu.memref_slice %arg8[%mul3A_496, %dma_start3A_513] : memref<128x64xf32, #tpu.memory_space<vmem>> -> memref<32x64xf32, #tpu.memory_space<vmem>>
        %dma_start3A_515 = arith.constant 0 : i32
        %dma_start3A_516 = tpu.memref_slice %arg2[%min3A_460, %dma_start3A_515] : memref<50000x64xf32, #tpu.memory_space<hbm>> -> memref<32x64xf32, #tpu.memory_space<hbm>>
        tpu.enqueue_dma source(%dma_start3A_516 : memref<32x64xf32, #tpu.memory_space<hbm>>) target(%dma_start3A_514 : memref<32x64xf32, #tpu.memory_space<vmem>>) target_semaphore(%arg11 : memref<!tpu.dma_semaphore, #tpu.memory_space<semaphore_mem>>)
      } else {
      }
      %ge3A = arith.constant 2 : i32
      %ge3A_291 = arith.cmpi sge, %scan3A_247, %ge3A : i32
      %jit3A_292 = arith.constant 2 : i32
      %eq3A_293 = arith.constant 0 : i32
      %eq3A_294 = arith.cmpi eq, %jit3A_292, %eq3A_293 : i32
      %jit3A_295 = arith.constant 1 : i32
      %select_n3A_296 = arith.select %eq3A_294, %jit3A_295, %jit3A_292 : i32
      %rem3A_297 = arith.remsi %scan3A_247, %select_n3A_296 : i32
      %ne3A_298 = arith.constant 0 : i32
      %ne3A_299 = arith.cmpi ne, %rem3A_297, %ne3A_298 : i32
      %lt3A_300 = arith.constant 0 : i32
      %lt3A_301 = arith.cmpi slt, %rem3A_297, %lt3A_300 : i32
      %lt3A_302 = arith.constant 0 : i32
      %lt3A_303 = arith.cmpi slt, %select_n3A_296, %lt3A_302 : i32
      %ne3A_304 = arith.xori %lt3A_301, %lt3A_303 : i1
      %and3A_305 = arith.andi %ne3A_304, %ne3A_299 : i1
      %add3A_306 = arith.addi %rem3A_297, %select_n3A_296 : i32
      %select_n3A_307 = arith.select %and3A_305, %add3A_306, %rem3A_297 : i32
      %eq3A_308 = arith.constant 0 : i32
      %eq3A_309 = arith.cmpi eq, %select_n3A_307, %eq3A_308 : i32
      %and3A_310 = arith.andi %ge3A_291, %eq3A_309 : i1
      %convert_element_type3A_311 = arith.extui %and3A_310 : i1 to i32
      %cond3A_312 = arith.constant 0 : i32
      %cond3A_313 = arith.cmpi ne, %convert_element_type3A_311, %cond3A_312 : i32
      scf.if %cond3A_313 {
        %sub3A = arith.constant 2 : i32
        %sub3A_454 = arith.subi %scan3A_247, %sub3A : i32
        %mul3A_455 = arith.constant 32 : i32
        %mul3A_456 = arith.muli %sub3A_454, %mul3A_455 : i32
        %add3A_457 = arith.addi %mul3A_2, %mul3A_456 : i32
        %min3A_458 = arith.constant 49968 : i32
        %min3A_459 = arith.minsi %add3A_457, %min3A_458 : i32
        %dma_wait3A_460 = arith.constant 0 : i32
        %dma_wait3A_461 = arith.constant 0 : i32
        %dma_wait3A_462 = tpu.memref_slice %arg10[%dma_wait3A_460, %dma_wait3A_461] : memref<64x128xf32, #tpu.memory_space<vmem>> -> memref<32x128xf32, #tpu.memory_space<vmem>>
        %dma_wait3A_463 = arith.constant 0 : i32
        %dma_wait3A_464 = tpu.memref_slice %arg5[%min3A_459, %dma_wait3A_463] : memref<50000x128xf32, #tpu.memory_space<hbm>> -> memref<32x128xf32, #tpu.memory_space<hbm>>
        %dma_wait3A_465 = arith.constant 0 : i32
        %dma_wait3A_466 = tpu.memref_slice %arg5[%min3A_459, %dma_wait3A_465] : memref<50000x128xf32, #tpu.memory_space<hbm>> -> memref<32x128xf32, #tpu.memory_space<hbm>>
        %dma_wait3A_467 = arith.constant 0 : i32
        %dma_wait3A_468 = arith.constant 0 : i32
        %dma_wait3A_469 = tpu.memref_slice %arg10[%dma_wait3A_467, %dma_wait3A_468] : memref<64x128xf32, #tpu.memory_space<vmem>> -> memref<32x128xf32, #tpu.memory_space<vmem>>
        tpu.wait_dma2 semaphore(%arg14 : memref<!tpu.dma_semaphore, #tpu.memory_space<semaphore_mem>>) src(%dma_wait3A_469 : memref<32x128xf32, #tpu.memory_space<vmem>>) dst(%dma_wait3A_466 : memref<32x128xf32, #tpu.memory_space<hbm>>)
      } else {
      }
      %ge3A_314 = arith.constant 2 : i32
      %ge3A_315 = arith.cmpi sge, %scan3A_247, %ge3A_314 : i32
      %jit3A_316 = arith.constant 2 : i32
      %eq3A_317 = arith.constant 0 : i32
      %eq3A_318 = arith.cmpi eq, %jit3A_316, %eq3A_317 : i32
      %jit3A_319 = arith.constant 1 : i32
      %select_n3A_320 = arith.select %eq3A_318, %jit3A_319, %jit3A_316 : i32
      %rem3A_321 = arith.remsi %scan3A_247, %select_n3A_320 : i32
      %ne3A_322 = arith.constant 0 : i32
      %ne3A_323 = arith.cmpi ne, %rem3A_321, %ne3A_322 : i32
      %lt3A_324 = arith.constant 0 : i32
      %lt3A_325 = arith.cmpi slt, %rem3A_321, %lt3A_324 : i32
      %lt3A_326 = arith.constant 0 : i32
      %lt3A_327 = arith.cmpi slt, %select_n3A_320, %lt3A_326 : i32
      %ne3A_328 = arith.xori %lt3A_325, %lt3A_327 : i1
      %and3A_329 = arith.andi %ne3A_328, %ne3A_323 : i1
      %add3A_330 = arith.addi %rem3A_321, %select_n3A_320 : i32
      %select_n3A_331 = arith.select %and3A_329, %add3A_330, %rem3A_321 : i32
      %eq3A_332 = arith.constant 1 : i32
      %eq3A_333 = arith.cmpi eq, %select_n3A_331, %eq3A_332 : i32
      %and3A_334 = arith.andi %ge3A_315, %eq3A_333 : i1
      %convert_element_type3A_335 = arith.extui %and3A_334 : i1 to i32
      %cond3A_336 = arith.constant 0 : i32
      %cond3A_337 = arith.cmpi ne, %convert_element_type3A_335, %cond3A_336 : i32
      scf.if %cond3A_337 {
        %sub3A = arith.constant 2 : i32
        %sub3A_454 = arith.subi %scan3A_247, %sub3A : i32
        %mul3A_455 = arith.constant 32 : i32
        %mul3A_456 = arith.muli %sub3A_454, %mul3A_455 : i32
        %add3A_457 = arith.addi %mul3A_2, %mul3A_456 : i32
        %min3A_458 = arith.constant 49968 : i32
        %min3A_459 = arith.minsi %add3A_457, %min3A_458 : i32
        %dma_wait3A_460 = arith.constant 32 : i32
        %dma_wait3A_461 = arith.constant 0 : i32
        %dma_wait3A_462 = tpu.memref_slice %arg10[%dma_wait3A_460, %dma_wait3A_461] : memref<64x128xf32, #tpu.memory_space<vmem>> -> memref<32x128xf32, #tpu.memory_space<vmem>>
        %dma_wait3A_463 = arith.constant 0 : i32
        %dma_wait3A_464 = tpu.memref_slice %arg5[%min3A_459, %dma_wait3A_463] : memref<50000x128xf32, #tpu.memory_space<hbm>> -> memref<32x128xf32, #tpu.memory_space<hbm>>
        %dma_wait3A_465 = arith.constant 0 : i32
        %dma_wait3A_466 = tpu.memref_slice %arg5[%min3A_459, %dma_wait3A_465] : memref<50000x128xf32, #tpu.memory_space<hbm>> -> memref<32x128xf32, #tpu.memory_space<hbm>>
        %dma_wait3A_467 = arith.constant 32 : i32
        %dma_wait3A_468 = arith.constant 0 : i32
        %dma_wait3A_469 = tpu.memref_slice %arg10[%dma_wait3A_467, %dma_wait3A_468] : memref<64x128xf32, #tpu.memory_space<vmem>> -> memref<32x128xf32, #tpu.memory_space<vmem>>
        tpu.wait_dma2 semaphore(%arg15 : memref<!tpu.dma_semaphore, #tpu.memory_space<semaphore_mem>>) src(%dma_wait3A_469 : memref<32x128xf32, #tpu.memory_space<vmem>>) dst(%dma_wait3A_466 : memref<32x128xf32, #tpu.memory_space<hbm>>)
      } else {
      }
      %jit3A_338 = arith.constant 3 : i32
      %eq3A_339 = arith.constant 0 : i32
      %eq3A_340 = arith.cmpi eq, %jit3A_338, %eq3A_339 : i32
      %jit3A_341 = arith.constant 1 : i32
      %select_n3A_342 = arith.select %eq3A_340, %jit3A_341, %jit3A_338 : i32
      %rem3A_343 = arith.remsi %scan3A_247, %select_n3A_342 : i32
      %ne3A_344 = arith.constant 0 : i32
      %ne3A_345 = arith.cmpi ne, %rem3A_343, %ne3A_344 : i32
      %lt3A_346 = arith.constant 0 : i32
      %lt3A_347 = arith.cmpi slt, %rem3A_343, %lt3A_346 : i32
      %lt3A_348 = arith.constant 0 : i32
      %lt3A_349 = arith.cmpi slt, %select_n3A_342, %lt3A_348 : i32
      %ne3A_350 = arith.xori %lt3A_347, %lt3A_349 : i1
      %and3A_351 = arith.andi %ne3A_350, %ne3A_345 : i1
      %add3A_352 = arith.addi %rem3A_343, %select_n3A_342 : i32
      %select_n3A_353 = arith.select %and3A_351, %add3A_352, %rem3A_343 : i32
      %mul3A_354 = arith.constant 512 : i32
      %mul3A_355 = arith.muli %select_n3A_353, %mul3A_354 : i32
      %jit3A_356 = arith.constant 4 : i32
      %eq3A_357 = arith.constant 0 : i32
      %eq3A_358 = arith.cmpi eq, %jit3A_356, %eq3A_357 : i32
      %jit3A_359 = arith.constant 1 : i32
      %select_n3A_360 = arith.select %eq3A_358, %jit3A_359, %jit3A_356 : i32
      %rem3A_361 = arith.remsi %scan3A_247, %select_n3A_360 : i32
      %ne3A_362 = arith.constant 0 : i32
      %ne3A_363 = arith.cmpi ne, %rem3A_361, %ne3A_362 : i32
      %lt3A_364 = arith.constant 0 : i32
      %lt3A_365 = arith.cmpi slt, %rem3A_361, %lt3A_364 : i32
      %lt3A_366 = arith.constant 0 : i32
      %lt3A_367 = arith.cmpi slt, %select_n3A_360, %lt3A_366 : i32
      %ne3A_368 = arith.xori %lt3A_365, %lt3A_367 : i1
      %and3A_369 = arith.andi %ne3A_368, %ne3A_363 : i1
      %add3A_370 = arith.addi %rem3A_361, %select_n3A_360 : i32
      %select_n3A_371 = arith.select %and3A_369, %add3A_370, %rem3A_361 : i32
      %mul3A_372 = arith.constant 512 : i32
      %mul3A_373 = arith.muli %select_n3A_371, %mul3A_372 : i32
      %jit3A_374 = arith.constant 4 : i32
      %eq3A_375 = arith.constant 0 : i32
      %eq3A_376 = arith.cmpi eq, %jit3A_374, %eq3A_375 : i32
      %jit3A_377 = arith.constant 1 : i32
      %select_n3A_378 = arith.select %eq3A_376, %jit3A_377, %jit3A_374 : i32
      %rem3A_379 = arith.remsi %scan3A_247, %select_n3A_378 : i32
      %ne3A_380 = arith.constant 0 : i32
      %ne3A_381 = arith.cmpi ne, %rem3A_379, %ne3A_380 : i32
      %lt3A_382 = arith.constant 0 : i32
      %lt3A_383 = arith.cmpi slt, %rem3A_379, %lt3A_382 : i32
      %lt3A_384 = arith.constant 0 : i32
      %lt3A_385 = arith.cmpi slt, %select_n3A_378, %lt3A_384 : i32
      %ne3A_386 = arith.xori %lt3A_383, %lt3A_385 : i1
      %and3A_387 = arith.andi %ne3A_386, %ne3A_381 : i1
      %add3A_388 = arith.addi %rem3A_379, %select_n3A_378 : i32
      %select_n3A_389 = arith.select %and3A_387, %add3A_388, %rem3A_379 : i32
      %mul3A_390 = arith.constant 32 : i32
      %mul3A_391 = arith.muli %select_n3A_389, %mul3A_390 : i32
      %jit3A_392 = arith.constant 2 : i32
      %eq3A_393 = arith.constant 0 : i32
      %eq3A_394 = arith.cmpi eq, %jit3A_392, %eq3A_393 : i32
      %jit3A_395 = arith.constant 1 : i32
      %select_n3A_396 = arith.select %eq3A_394, %jit3A_395, %jit3A_392 : i32
      %rem3A_397 = arith.remsi %scan3A_247, %select_n3A_396 : i32
      %ne3A_398 = arith.constant 0 : i32
      %ne3A_399 = arith.cmpi ne, %rem3A_397, %ne3A_398 : i32
      %lt3A_400 = arith.constant 0 : i32
      %lt3A_401 = arith.cmpi slt, %rem3A_397, %lt3A_400 : i32
      %lt3A_402 = arith.constant 0 : i32
      %lt3A_403 = arith.cmpi slt, %select_n3A_396, %lt3A_402 : i32
      %ne3A_404 = arith.xori %lt3A_401, %lt3A_403 : i1
      %and3A_405 = arith.andi %ne3A_404, %ne3A_399 : i1
      %add3A_406 = arith.addi %rem3A_397, %select_n3A_396 : i32
      %select_n3A_407 = arith.select %and3A_405, %add3A_406, %rem3A_397 : i32
      %mul3A_408 = arith.constant 32 : i32
      %mul3A_409 = arith.muli %select_n3A_407, %mul3A_408 : i32
      %parallel_loop3A = arith.constant 0 : i32
      %parallel_loop3A_410 = arith.constant 32 : i32
      %parallel_loop3A_411 = arith.constant 1 : i32
      scf.for %parallel_loop3A_454 = %parallel_loop3A to %parallel_loop3A_410 step %parallel_loop3A_411  : i32 {
        %parallel_loop3A_455 = arith.constant 16 : i32
        %parallel_loop3A_456 = arith.muli %parallel_loop3A_454, %parallel_loop3A_455 : i32
        %parallel_loop3A_457 = arith.addi %mul3A_373, %parallel_loop3A_456 : i32
        %parallel_loop3A_458 = arith.index_cast %parallel_loop3A_457 : i32 to index
        %parallel_loop3A_459 = tpu.vector_load %arg7[%parallel_loop3A_458] {strides = array<i32>} : memref<2048xf32, #tpu.memory_space<vmem>>, vector<16xf32>,
        %parallel_loop3A_460 = vector.shape_cast %parallel_loop3A_459 : vector<16xf32> to vector<16xf32>
        %parallel_loop3A_461 = arith.constant -1.000000e+01 : f32
        %parallel_loop3A_462 = vector.broadcast %parallel_loop3A_461 : f32 to vector<16xf32>
        %parallel_loop3A_463 = arith.mulf %parallel_loop3A_460, %parallel_loop3A_462 : vector<16xf32>
        %parallel_loop3A_464 = math.exp %parallel_loop3A_463 : vector<16xf32>
        %parallel_loop3A_465 = arith.constant 16 : i32
        %parallel_loop3A_466 = arith.muli %parallel_loop3A_454, %parallel_loop3A_465 : i32
        %parallel_loop3A_467 = arith.addi %mul3A_355, %parallel_loop3A_466 : i32
        %parallel_loop3A_468 = arith.constant 0.000000e+00 : f32
        %parallel_loop3A_469 = vector.broadcast %parallel_loop3A_468 : f32 to vector<16xf32>
        %parallel_loop3A_470 = arith.constant 0.000000e+00 : f32
        %parallel_loop3A_471 = vector.broadcast %parallel_loop3A_470 : f32 to vector<16xf32>
        %parallel_loop3A_472 = arith.constant 0.000000e+00 : f32
        %parallel_loop3A_473 = vector.broadcast %parallel_loop3A_472 : f32 to vector<16xf32>
        %parallel_loop3A_474 = arith.constant 0.000000e+00 : f32
        %parallel_loop3A_475 = vector.broadcast %parallel_loop3A_474 : f32 to vector<16xf32>
        %parallel_loop3A_476 = arith.constant 0xFF800000 : f32
        %parallel_loop3A_477 = vector.broadcast %parallel_loop3A_476 : f32 to vector<16xf32>
        %parallel_loop3A_478 = arith.constant 0xFF800000 : f32
        %parallel_loop3A_479 = vector.broadcast %parallel_loop3A_478 : f32 to vector<16xf32>
        %parallel_loop3A_480 = arith.constant 0xFF800000 : f32
        %parallel_loop3A_481 = vector.broadcast %parallel_loop3A_480 : f32 to vector<16xf32>
        %parallel_loop3A_482 = arith.constant 0xFF800000 : f32
        %parallel_loop3A_483 = vector.broadcast %parallel_loop3A_482 : f32 to vector<16xf32>
        %parallel_loop3A_484 = vector.extract_strided_slice %parallel_loop3A_464 {offsets = [0], sizes = [1], strides = [1]} : vector<16xf32> to vector<1xf32>
        %parallel_loop3A_485 = vector.extract %parallel_loop3A_484[0] : f32 from vector<1xf32>
        %parallel_loop3A_486 = arith.constant 0 : i32
        %parallel_loop3A_487 = arith.addi %parallel_loop3A_467, %parallel_loop3A_486 : i32
        %parallel_loop3A_488 = arith.index_cast %parallel_loop3A_487 : i32 to index
        %parallel_loop3A_489 = arith.constant 0 : index
        %parallel_loop3A_490 = tpu.vector_load %arg9[%parallel_loop3A_488, %parallel_loop3A_489] {strides = array<i32>} : memref<1536x64xf32, #tpu.memory_space<vmem>>, vector<1x16xf32>,
        %parallel_loop3A_491 = vector.shape_cast %parallel_loop3A_490 : vector<1x16xf32> to vector<16xf32>
        %parallel_loop3A_492 = vector.broadcast %parallel_loop3A_485 : f32 to vector<16xf32>
        %parallel_loop3A_493 = arith.mulf %parallel_loop3A_491, %parallel_loop3A_492 : vector<16xf32>
        %parallel_loop3A_494 = arith.addf %parallel_loop3A_469, %parallel_loop3A_493 : vector<16xf32>
        %parallel_loop3A_495 = arith.maximumf %parallel_loop3A_477, %parallel_loop3A_493 : vector<16xf32>
        %parallel_loop3A_496 = arith.constant 0 : i32
        %parallel_loop3A_497 = arith.addi %parallel_loop3A_467, %parallel_loop3A_496 : i32
        %parallel_loop3A_498 = arith.index_cast %parallel_loop3A_497 : i32 to index
        %parallel_loop3A_499 = arith.constant 16 : index
        %parallel_loop3A_500 = tpu.vector_load %arg9[%parallel_loop3A_498, %parallel_loop3A_499] {strides = array<i32>} : memref<1536x64xf32, #tpu.memory_space<vmem>>, vector<1x16xf32>,
        %parallel_loop3A_501 = vector.shape_cast %parallel_loop3A_500 : vector<1x16xf32> to vector<16xf32>
        %parallel_loop3A_502 = vector.broadcast %parallel_loop3A_485 : f32 to vector<16xf32>
        %parallel_loop3A_503 = arith.mulf %parallel_loop3A_501, %parallel_loop3A_502 : vector<16xf32>
        %parallel_loop3A_504 = arith.addf %parallel_loop3A_471, %parallel_loop3A_503 : vector<16xf32>
        %parallel_loop3A_505 = arith.maximumf %parallel_loop3A_479, %parallel_loop3A_503 : vector<16xf32>
        %parallel_loop3A_506 = arith.constant 0 : i32
        %parallel_loop3A_507 = arith.addi %parallel_loop3A_467, %parallel_loop3A_506 : i32
        %parallel_loop3A_508 = arith.index_cast %parallel_loop3A_507 : i32 to index
        %parallel_loop3A_509 = arith.constant 32 : index
        %parallel_loop3A_510 = tpu.vector_load %arg9[%parallel_loop3A_508, %parallel_loop3A_509] {strides = array<i32>} : memref<1536x64xf32, #tpu.memory_space<vmem>>, vector<1x16xf32>,
        %parallel_loop3A_511 = vector.shape_cast %parallel_loop3A_510 : vector<1x16xf32> to vector<16xf32>
        %parallel_loop3A_512 = vector.broadcast %parallel_loop3A_485 : f32 to vector<16xf32>
        %parallel_loop3A_513 = arith.mulf %parallel_loop3A_511, %parallel_loop3A_512 : vector<16xf32>
        %parallel_loop3A_514 = arith.addf %parallel_loop3A_473, %parallel_loop3A_513 : vector<16xf32>
        %parallel_loop3A_515 = arith.maximumf %parallel_loop3A_481, %parallel_loop3A_513 : vector<16xf32>
        %parallel_loop3A_516 = arith.constant 0 : i32
        %parallel_loop3A_517 = arith.addi %parallel_loop3A_467, %parallel_loop3A_516 : i32
        %parallel_loop3A_518 = arith.index_cast %parallel_loop3A_517 : i32 to index
        %parallel_loop3A_519 = arith.constant 48 : index
        %parallel_loop3A_520 = tpu.vector_load %arg9[%parallel_loop3A_518, %parallel_loop3A_519] {strides = array<i32>} : memref<1536x64xf32, #tpu.memory_space<vmem>>, vector<1x16xf32>,
        %parallel_loop3A_521 = vector.shape_cast %parallel_loop3A_520 : vector<1x16xf32> to vector<16xf32>
        %parallel_loop3A_522 = vector.broadcast %parallel_loop3A_485 : f32 to vector<16xf32>
        %parallel_loop3A_523 = arith.mulf %parallel_loop3A_521, %parallel_loop3A_522 : vector<16xf32>
        %parallel_loop3A_524 = arith.addf %parallel_loop3A_475, %parallel_loop3A_523 : vector<16xf32>
        %parallel_loop3A_525 = arith.maximumf %parallel_loop3A_483, %parallel_loop3A_523 : vector<16xf32>
        %parallel_loop3A_526 = vector.extract_strided_slice %parallel_loop3A_464 {offsets = [1], sizes = [1], strides = [1]} : vector<16xf32> to vector<1xf32>
        %parallel_loop3A_527 = vector.extract %parallel_loop3A_526[0] : f32 from vector<1xf32>
        %parallel_loop3A_528 = arith.constant 1 : i32
        %parallel_loop3A_529 = arith.addi %parallel_loop3A_467, %parallel_loop3A_528 : i32
        %parallel_loop3A_530 = arith.index_cast %parallel_loop3A_529 : i32 to index
        %parallel_loop3A_531 = arith.constant 0 : index
        %parallel_loop3A_532 = tpu.vector_load %arg9[%parallel_loop3A_530, %parallel_loop3A_531] {strides = array<i32>} : memref<1536x64xf32, #tpu.memory_space<vmem>>, vector<1x16xf32>,
        %parallel_loop3A_533 = vector.shape_cast %parallel_loop3A_532 : vector<1x16xf32> to vector<16xf32>
        %parallel_loop3A_534 = vector.broadcast %parallel_loop3A_527 : f32 to vector<16xf32>
        %parallel_loop3A_535 = arith.mulf %parallel_loop3A_533, %parallel_loop3A_534 : vector<16xf32>
        %parallel_loop3A_536 = arith.addf %parallel_loop3A_494, %parallel_loop3A_535 : vector<16xf32>
        %parallel_loop3A_537 = arith.maximumf %parallel_loop3A_495, %parallel_loop3A_535 : vector<16xf32>
        %parallel_loop3A_538 = arith.constant 1 : i32
        %parallel_loop3A_539 = arith.addi %parallel_loop3A_467, %parallel_loop3A_538 : i32
        %parallel_loop3A_540 = arith.index_cast %parallel_loop3A_539 : i32 to index
        %parallel_loop3A_541 = arith.constant 16 : index
        %parallel_loop3A_542 = tpu.vector_load %arg9[%parallel_loop3A_540, %parallel_loop3A_541] {strides = array<i32>} : memref<1536x64xf32, #tpu.memory_space<vmem>>, vector<1x16xf32>,
        %parallel_loop3A_543 = vector.shape_cast %parallel_loop3A_542 : vector<1x16xf32> to vector<16xf32>
        %parallel_loop3A_544 = vector.broadcast %parallel_loop3A_527 : f32 to vector<16xf32>
        %parallel_loop3A_545 = arith.mulf %parallel_loop3A_543, %parallel_loop3A_544 : vector<16xf32>
        %parallel_loop3A_546 = arith.addf %parallel_loop3A_504, %parallel_loop3A_545 : vector<16xf32>
        %parallel_loop3A_547 = arith.maximumf %parallel_loop3A_505, %parallel_loop3A_545 : vector<16xf32>
        %parallel_loop3A_548 = arith.constant 1 : i32
        %parallel_loop3A_549 = arith.addi %parallel_loop3A_467, %parallel_loop3A_548 : i32
        %parallel_loop3A_550 = arith.index_cast %parallel_loop3A_549 : i32 to index
        %parallel_loop3A_551 = arith.constant 32 : index
        %parallel_loop3A_552 = tpu.vector_load %arg9[%parallel_loop3A_550, %parallel_loop3A_551] {strides = array<i32>} : memref<1536x64xf32, #tpu.memory_space<vmem>>, vector<1x16xf32>,
        %parallel_loop3A_553 = vector.shape_cast %parallel_loop3A_552 : vector<1x16xf32> to vector<16xf32>
        %parallel_loop3A_554 = vector.broadcast %parallel_loop3A_527 : f32 to vector<16xf32>
        %parallel_loop3A_555 = arith.mulf %parallel_loop3A_553, %parallel_loop3A_554 : vector<16xf32>
        %parallel_loop3A_556 = arith.addf %parallel_loop3A_514, %parallel_loop3A_555 : vector<16xf32>
        %parallel_loop3A_557 = arith.maximumf %parallel_loop3A_515, %parallel_loop3A_555 : vector<16xf32>
        %parallel_loop3A_558 = arith.constant 1 : i32
        %parallel_loop3A_559 = arith.addi %parallel_loop3A_467, %parallel_loop3A_558 : i32
        %parallel_loop3A_560 = arith.index_cast %parallel_loop3A_559 : i32 to index
        %parallel_loop3A_561 = arith.constant 48 : index
        %parallel_loop3A_562 = tpu.vector_load %arg9[%parallel_loop3A_560, %parallel_loop3A_561] {strides = array<i32>} : memref<1536x64xf32, #tpu.memory_space<vmem>>, vector<1x16xf32>,
        %parallel_loop3A_563 = vector.shape_cast %parallel_loop3A_562 : vector<1x16xf32> to vector<16xf32>
        %parallel_loop3A_564 = vector.broadcast %parallel_loop3A_527 : f32 to vector<16xf32>
        %parallel_loop3A_565 = arith.mulf %parallel_loop3A_563, %parallel_loop3A_564 : vector<16xf32>
        %parallel_loop3A_566 = arith.addf %parallel_loop3A_524, %parallel_loop3A_565 : vector<16xf32>
        %parallel_loop3A_567 = arith.maximumf %parallel_loop3A_525, %parallel_loop3A_565 : vector<16xf32>
        %parallel_loop3A_568 = vector.extract_strided_slice %parallel_loop3A_464 {offsets = [2], sizes = [1], strides = [1]} : vector<16xf32> to vector<1xf32>
        %parallel_loop3A_569 = vector.extract %parallel_loop3A_568[0] : f32 from vector<1xf32>
        %parallel_loop3A_570 = arith.constant 2 : i32
        %parallel_loop3A_571 = arith.addi %parallel_loop3A_467, %parallel_loop3A_570 : i32
        %parallel_loop3A_572 = arith.index_cast %parallel_loop3A_571 : i32 to index
        %parallel_loop3A_573 = arith.constant 0 : index
        %parallel_loop3A_574 = tpu.vector_load %arg9[%parallel_loop3A_572, %parallel_loop3A_573] {strides = array<i32>} : memref<1536x64xf32, #tpu.memory_space<vmem>>, vector<1x16xf32>,
        %parallel_loop3A_575 = vector.shape_cast %parallel_loop3A_574 : vector<1x16xf32> to vector<16xf32>
        %parallel_loop3A_576 = vector.broadcast %parallel_loop3A_569 : f32 to vector<16xf32>
        %parallel_loop3A_577 = arith.mulf %parallel_loop3A_575, %parallel_loop3A_576 : vector<16xf32>
        %parallel_loop3A_578 = arith.addf %parallel_loop3A_536, %parallel_loop3A_577 : vector<16xf32>
        %parallel_loop3A_579 = arith.maximumf %parallel_loop3A_537, %parallel_loop3A_577 : vector<16xf32>
        %parallel_loop3A_580 = arith.constant 2 : i32
        %parallel_loop3A_581 = arith.addi %parallel_loop3A_467, %parallel_loop3A_580 : i32
        %parallel_loop3A_582 = arith.index_cast %parallel_loop3A_581 : i32 to index
        %parallel_loop3A_583 = arith.constant 16 : index
        %parallel_loop3A_584 = tpu.vector_load %arg9[%parallel_loop3A_582, %parallel_loop3A_583] {strides = array<i32>} : memref<1536x64xf32, #tpu.memory_space<vmem>>, vector<1x16xf32>,
        %parallel_loop3A_585 = vector.shape_cast %parallel_loop3A_584 : vector<1x16xf32> to vector<16xf32>
        %parallel_loop3A_586 = vector.broadcast %parallel_loop3A_569 : f32 to vector<16xf32>
        %parallel_loop3A_587 = arith.mulf %parallel_loop3A_585, %parallel_loop3A_586 : vector<16xf32>
        %parallel_loop3A_588 = arith.addf %parallel_loop3A_546, %parallel_loop3A_587 : vector<16xf32>
        %parallel_loop3A_589 = arith.maximumf %parallel_loop3A_547, %parallel_loop3A_587 : vector<16xf32>
        %parallel_loop3A_590 = arith.constant 2 : i32
        %parallel_loop3A_591 = arith.addi %parallel_loop3A_467, %parallel_loop3A_590 : i32
        %parallel_loop3A_592 = arith.index_cast %parallel_loop3A_591 : i32 to index
        %parallel_loop3A_593 = arith.constant 32 : index
        %parallel_loop3A_594 = tpu.vector_load %arg9[%parallel_loop3A_592, %parallel_loop3A_593] {strides = array<i32>} : memref<1536x64xf32, #tpu.memory_space<vmem>>, vector<1x16xf32>,
        %parallel_loop3A_595 = vector.shape_cast %parallel_loop3A_594 : vector<1x16xf32> to vector<16xf32>
        %parallel_loop3A_596 = vector.broadcast %parallel_loop3A_569 : f32 to vector<16xf32>
        %parallel_loop3A_597 = arith.mulf %parallel_loop3A_595, %parallel_loop3A_596 : vector<16xf32>
        %parallel_loop3A_598 = arith.addf %parallel_loop3A_556, %parallel_loop3A_597 : vector<16xf32>
        %parallel_loop3A_599 = arith.maximumf %parallel_loop3A_557, %parallel_loop3A_597 : vector<16xf32>
        %parallel_loop3A_600 = arith.constant 2 : i32
        %parallel_loop3A_601 = arith.addi %parallel_loop3A_467, %parallel_loop3A_600 : i32
        %parallel_loop3A_602 = arith.index_cast %parallel_loop3A_601 : i32 to index
        %parallel_loop3A_603 = arith.constant 48 : index
        %parallel_loop3A_604 = tpu.vector_load %arg9[%parallel_loop3A_602, %parallel_loop3A_603] {strides = array<i32>} : memref<1536x64xf32, #tpu.memory_space<vmem>>, vector<1x16xf32>,
        %parallel_loop3A_605 = vector.shape_cast %parallel_loop3A_604 : vector<1x16xf32> to vector<16xf32>
        %parallel_loop3A_606 = vector.broadcast %parallel_loop3A_569 : f32 to vector<16xf32>
        %parallel_loop3A_607 = arith.mulf %parallel_loop3A_605, %parallel_loop3A_606 : vector<16xf32>
        %parallel_loop3A_608 = arith.addf %parallel_loop3A_566, %parallel_loop3A_607 : vector<16xf32>
        %parallel_loop3A_609 = arith.maximumf %parallel_loop3A_567, %parallel_loop3A_607 : vector<16xf32>
        %parallel_loop3A_610 = vector.extract_strided_slice %parallel_loop3A_464 {offsets = [3], sizes = [1], strides = [1]} : vector<16xf32> to vector<1xf32>
        %parallel_loop3A_611 = vector.extract %parallel_loop3A_610[0] : f32 from vector<1xf32>
        %parallel_loop3A_612 = arith.constant 3 : i32
        %parallel_loop3A_613 = arith.addi %parallel_loop3A_467, %parallel_loop3A_612 : i32
        %parallel_loop3A_614 = arith.index_cast %parallel_loop3A_613 : i32 to index
        %parallel_loop3A_615 = arith.constant 0 : index
        %parallel_loop3A_616 = tpu.vector_load %arg9[%parallel_loop3A_614, %parallel_loop3A_615] {strides = array<i32>} : memref<1536x64xf32, #tpu.memory_space<vmem>>, vector<1x16xf32>,
        %parallel_loop3A_617 = vector.shape_cast %parallel_loop3A_616 : vector<1x16xf32> to vector<16xf32>
        %parallel_loop3A_618 = vector.broadcast %parallel_loop3A_611 : f32 to vector<16xf32>
        %parallel_loop3A_619 = arith.mulf %parallel_loop3A_617, %parallel_loop3A_618 : vector<16xf32>
        %parallel_loop3A_620 = arith.addf %parallel_loop3A_578, %parallel_loop3A_619 : vector<16xf32>
        %parallel_loop3A_621 = arith.maximumf %parallel_loop3A_579, %parallel_loop3A_619 : vector<16xf32>
        %parallel_loop3A_622 = arith.constant 3 : i32
        %parallel_loop3A_623 = arith.addi %parallel_loop3A_467, %parallel_loop3A_622 : i32
        %parallel_loop3A_624 = arith.index_cast %parallel_loop3A_623 : i32 to index
        %parallel_loop3A_625 = arith.constant 16 : index
        %parallel_loop3A_626 = tpu.vector_load %arg9[%parallel_loop3A_624, %parallel_loop3A_625] {strides = array<i32>} : memref<1536x64xf32, #tpu.memory_space<vmem>>, vector<1x16xf32>,
        %parallel_loop3A_627 = vector.shape_cast %parallel_loop3A_626 : vector<1x16xf32> to vector<16xf32>
        %parallel_loop3A_628 = vector.broadcast %parallel_loop3A_611 : f32 to vector<16xf32>
        %parallel_loop3A_629 = arith.mulf %parallel_loop3A_627, %parallel_loop3A_628 : vector<16xf32>
        %parallel_loop3A_630 = arith.addf %parallel_loop3A_588, %parallel_loop3A_629 : vector<16xf32>
        %parallel_loop3A_631 = arith.maximumf %parallel_loop3A_589, %parallel_loop3A_629 : vector<16xf32>
        %parallel_loop3A_632 = arith.constant 3 : i32
        %parallel_loop3A_633 = arith.addi %parallel_loop3A_467, %parallel_loop3A_632 : i32
        %parallel_loop3A_634 = arith.index_cast %parallel_loop3A_633 : i32 to index
        %parallel_loop3A_635 = arith.constant 32 : index
        %parallel_loop3A_636 = tpu.vector_load %arg9[%parallel_loop3A_634, %parallel_loop3A_635] {strides = array<i32>} : memref<1536x64xf32, #tpu.memory_space<vmem>>, vector<1x16xf32>,
        %parallel_loop3A_637 = vector.shape_cast %parallel_loop3A_636 : vector<1x16xf32> to vector<16xf32>
        %parallel_loop3A_638 = vector.broadcast %parallel_loop3A_611 : f32 to vector<16xf32>
        %parallel_loop3A_639 = arith.mulf %parallel_loop3A_637, %parallel_loop3A_638 : vector<16xf32>
        %parallel_loop3A_640 = arith.addf %parallel_loop3A_598, %parallel_loop3A_639 : vector<16xf32>
        %parallel_loop3A_641 = arith.maximumf %parallel_loop3A_599, %parallel_loop3A_639 : vector<16xf32>
        %parallel_loop3A_642 = arith.constant 3 : i32
        %parallel_loop3A_643 = arith.addi %parallel_loop3A_467, %parallel_loop3A_642 : i32
        %parallel_loop3A_644 = arith.index_cast %parallel_loop3A_643 : i32 to index
        %parallel_loop3A_645 = arith.constant 48 : index
        %parallel_loop3A_646 = tpu.vector_load %arg9[%parallel_loop3A_644, %parallel_loop3A_645] {strides = array<i32>} : memref<1536x64xf32, #tpu.memory_space<vmem>>, vector<1x16xf32>,
        %parallel_loop3A_647 = vector.shape_cast %parallel_loop3A_646 : vector<1x16xf32> to vector<16xf32>
        %parallel_loop3A_648 = vector.broadcast %parallel_loop3A_611 : f32 to vector<16xf32>
        %parallel_loop3A_649 = arith.mulf %parallel_loop3A_647, %parallel_loop3A_648 : vector<16xf32>
        %parallel_loop3A_650 = arith.addf %parallel_loop3A_608, %parallel_loop3A_649 : vector<16xf32>
        %parallel_loop3A_651 = arith.maximumf %parallel_loop3A_609, %parallel_loop3A_649 : vector<16xf32>
        %parallel_loop3A_652 = vector.extract_strided_slice %parallel_loop3A_464 {offsets = [4], sizes = [1], strides = [1]} : vector<16xf32> to vector<1xf32>
        %parallel_loop3A_653 = vector.extract %parallel_loop3A_652[0] : f32 from vector<1xf32>
        %parallel_loop3A_654 = arith.constant 4 : i32
        %parallel_loop3A_655 = arith.addi %parallel_loop3A_467, %parallel_loop3A_654 : i32
        %parallel_loop3A_656 = arith.index_cast %parallel_loop3A_655 : i32 to index
        %parallel_loop3A_657 = arith.constant 0 : index
        %parallel_loop3A_658 = tpu.vector_load %arg9[%parallel_loop3A_656, %parallel_loop3A_657] {strides = array<i32>} : memref<1536x64xf32, #tpu.memory_space<vmem>>, vector<1x16xf32>,
        %parallel_loop3A_659 = vector.shape_cast %parallel_loop3A_658 : vector<1x16xf32> to vector<16xf32>
        %parallel_loop3A_660 = vector.broadcast %parallel_loop3A_653 : f32 to vector<16xf32>
        %parallel_loop3A_661 = arith.mulf %parallel_loop3A_659, %parallel_loop3A_660 : vector<16xf32>
        %parallel_loop3A_662 = arith.addf %parallel_loop3A_620, %parallel_loop3A_661 : vector<16xf32>
        %parallel_loop3A_663 = arith.maximumf %parallel_loop3A_621, %parallel_loop3A_661 : vector<16xf32>
        %parallel_loop3A_664 = arith.constant 4 : i32
        %parallel_loop3A_665 = arith.addi %parallel_loop3A_467, %parallel_loop3A_664 : i32
        %parallel_loop3A_666 = arith.index_cast %parallel_loop3A_665 : i32 to index
        %parallel_loop3A_667 = arith.constant 16 : index
        %parallel_loop3A_668 = tpu.vector_load %arg9[%parallel_loop3A_666, %parallel_loop3A_667] {strides = array<i32>} : memref<1536x64xf32, #tpu.memory_space<vmem>>, vector<1x16xf32>,
        %parallel_loop3A_669 = vector.shape_cast %parallel_loop3A_668 : vector<1x16xf32> to vector<16xf32>
        %parallel_loop3A_670 = vector.broadcast %parallel_loop3A_653 : f32 to vector<16xf32>
        %parallel_loop3A_671 = arith.mulf %parallel_loop3A_669, %parallel_loop3A_670 : vector<16xf32>
        %parallel_loop3A_672 = arith.addf %parallel_loop3A_630, %parallel_loop3A_671 : vector<16xf32>
        %parallel_loop3A_673 = arith.maximumf %parallel_loop3A_631, %parallel_loop3A_671 : vector<16xf32>
        %parallel_loop3A_674 = arith.constant 4 : i32
        %parallel_loop3A_675 = arith.addi %parallel_loop3A_467, %parallel_loop3A_674 : i32
        %parallel_loop3A_676 = arith.index_cast %parallel_loop3A_675 : i32 to index
        %parallel_loop3A_677 = arith.constant 32 : index
        %parallel_loop3A_678 = tpu.vector_load %arg9[%parallel_loop3A_676, %parallel_loop3A_677] {strides = array<i32>} : memref<1536x64xf32, #tpu.memory_space<vmem>>, vector<1x16xf32>,
        %parallel_loop3A_679 = vector.shape_cast %parallel_loop3A_678 : vector<1x16xf32> to vector<16xf32>
        %parallel_loop3A_680 = vector.broadcast %parallel_loop3A_653 : f32 to vector<16xf32>
        %parallel_loop3A_681 = arith.mulf %parallel_loop3A_679, %parallel_loop3A_680 : vector<16xf32>
        %parallel_loop3A_682 = arith.addf %parallel_loop3A_640, %parallel_loop3A_681 : vector<16xf32>
        %parallel_loop3A_683 = arith.maximumf %parallel_loop3A_641, %parallel_loop3A_681 : vector<16xf32>
        %parallel_loop3A_684 = arith.constant 4 : i32
        %parallel_loop3A_685 = arith.addi %parallel_loop3A_467, %parallel_loop3A_684 : i32
        %parallel_loop3A_686 = arith.index_cast %parallel_loop3A_685 : i32 to index
        %parallel_loop3A_687 = arith.constant 48 : index
        %parallel_loop3A_688 = tpu.vector_load %arg9[%parallel_loop3A_686, %parallel_loop3A_687] {strides = array<i32>} : memref<1536x64xf32, #tpu.memory_space<vmem>>, vector<1x16xf32>,
        %parallel_loop3A_689 = vector.shape_cast %parallel_loop3A_688 : vector<1x16xf32> to vector<16xf32>
        %parallel_loop3A_690 = vector.broadcast %parallel_loop3A_653 : f32 to vector<16xf32>
        %parallel_loop3A_691 = arith.mulf %parallel_loop3A_689, %parallel_loop3A_690 : vector<16xf32>
        %parallel_loop3A_692 = arith.addf %parallel_loop3A_650, %parallel_loop3A_691 : vector<16xf32>
        %parallel_loop3A_693 = arith.maximumf %parallel_loop3A_651, %parallel_loop3A_691 : vector<16xf32>
        %parallel_loop3A_694 = vector.extract_strided_slice %parallel_loop3A_464 {offsets = [5], sizes = [1], strides = [1]} : vector<16xf32> to vector<1xf32>
        %parallel_loop3A_695 = vector.extract %parallel_loop3A_694[0] : f32 from vector<1xf32>
        %parallel_loop3A_696 = arith.constant 5 : i32
        %parallel_loop3A_697 = arith.addi %parallel_loop3A_467, %parallel_loop3A_696 : i32
        %parallel_loop3A_698 = arith.index_cast %parallel_loop3A_697 : i32 to index
        %parallel_loop3A_699 = arith.constant 0 : index
        %parallel_loop3A_700 = tpu.vector_load %arg9[%parallel_loop3A_698, %parallel_loop3A_699] {strides = array<i32>} : memref<1536x64xf32, #tpu.memory_space<vmem>>, vector<1x16xf32>,
        %parallel_loop3A_701 = vector.shape_cast %parallel_loop3A_700 : vector<1x16xf32> to vector<16xf32>
        %parallel_loop3A_702 = vector.broadcast %parallel_loop3A_695 : f32 to vector<16xf32>
        %parallel_loop3A_703 = arith.mulf %parallel_loop3A_701, %parallel_loop3A_702 : vector<16xf32>
        %parallel_loop3A_704 = arith.addf %parallel_loop3A_662, %parallel_loop3A_703 : vector<16xf32>
        %parallel_loop3A_705 = arith.maximumf %parallel_loop3A_663, %parallel_loop3A_703 : vector<16xf32>
        %parallel_loop3A_706 = arith.constant 5 : i32
        %parallel_loop3A_707 = arith.addi %parallel_loop3A_467, %parallel_loop3A_706 : i32
        %parallel_loop3A_708 = arith.index_cast %parallel_loop3A_707 : i32 to index
        %parallel_loop3A_709 = arith.constant 16 : index
        %parallel_loop3A_710 = tpu.vector_load %arg9[%parallel_loop3A_708, %parallel_loop3A_709] {strides = array<i32>} : memref<1536x64xf32, #tpu.memory_space<vmem>>, vector<1x16xf32>,
        %parallel_loop3A_711 = vector.shape_cast %parallel_loop3A_710 : vector<1x16xf32> to vector<16xf32>
        %parallel_loop3A_712 = vector.broadcast %parallel_loop3A_695 : f32 to vector<16xf32>
        %parallel_loop3A_713 = arith.mulf %parallel_loop3A_711, %parallel_loop3A_712 : vector<16xf32>
        %parallel_loop3A_714 = arith.addf %parallel_loop3A_672, %parallel_loop3A_713 : vector<16xf32>
        %parallel_loop3A_715 = arith.maximumf %parallel_loop3A_673, %parallel_loop3A_713 : vector<16xf32>
        %parallel_loop3A_716 = arith.constant 5 : i32
        %parallel_loop3A_717 = arith.addi %parallel_loop3A_467, %parallel_loop3A_716 : i32
        %parallel_loop3A_718 = arith.index_cast %parallel_loop3A_717 : i32 to index
        %parallel_loop3A_719 = arith.constant 32 : index
        %parallel_loop3A_720 = tpu.vector_load %arg9[%parallel_loop3A_718, %parallel_loop3A_719] {strides = array<i32>} : memref<1536x64xf32, #tpu.memory_space<vmem>>, vector<1x16xf32>,
        %parallel_loop3A_721 = vector.shape_cast %parallel_loop3A_720 : vector<1x16xf32> to vector<16xf32>
        %parallel_loop3A_722 = vector.broadcast %parallel_loop3A_695 : f32 to vector<16xf32>
        %parallel_loop3A_723 = arith.mulf %parallel_loop3A_721, %parallel_loop3A_722 : vector<16xf32>
        %parallel_loop3A_724 = arith.addf %parallel_loop3A_682, %parallel_loop3A_723 : vector<16xf32>
        %parallel_loop3A_725 = arith.maximumf %parallel_loop3A_683, %parallel_loop3A_723 : vector<16xf32>
        %parallel_loop3A_726 = arith.constant 5 : i32
        %parallel_loop3A_727 = arith.addi %parallel_loop3A_467, %parallel_loop3A_726 : i32
        %parallel_loop3A_728 = arith.index_cast %parallel_loop3A_727 : i32 to index
        %parallel_loop3A_729 = arith.constant 48 : index
        %parallel_loop3A_730 = tpu.vector_load %arg9[%parallel_loop3A_728, %parallel_loop3A_729] {strides = array<i32>} : memref<1536x64xf32, #tpu.memory_space<vmem>>, vector<1x16xf32>,
        %parallel_loop3A_731 = vector.shape_cast %parallel_loop3A_730 : vector<1x16xf32> to vector<16xf32>
        %parallel_loop3A_732 = vector.broadcast %parallel_loop3A_695 : f32 to vector<16xf32>
        %parallel_loop3A_733 = arith.mulf %parallel_loop3A_731, %parallel_loop3A_732 : vector<16xf32>
        %parallel_loop3A_734 = arith.addf %parallel_loop3A_692, %parallel_loop3A_733 : vector<16xf32>
        %parallel_loop3A_735 = arith.maximumf %parallel_loop3A_693, %parallel_loop3A_733 : vector<16xf32>
        %parallel_loop3A_736 = vector.extract_strided_slice %parallel_loop3A_464 {offsets = [6], sizes = [1], strides = [1]} : vector<16xf32> to vector<1xf32>
        %parallel_loop3A_737 = vector.extract %parallel_loop3A_736[0] : f32 from vector<1xf32>
        %parallel_loop3A_738 = arith.constant 6 : i32
        %parallel_loop3A_739 = arith.addi %parallel_loop3A_467, %parallel_loop3A_738 : i32
        %parallel_loop3A_740 = arith.index_cast %parallel_loop3A_739 : i32 to index
        %parallel_loop3A_741 = arith.constant 0 : index
        %parallel_loop3A_742 = tpu.vector_load %arg9[%parallel_loop3A_740, %parallel_loop3A_741] {strides = array<i32>} : memref<1536x64xf32, #tpu.memory_space<vmem>>, vector<1x16xf32>,
        %parallel_loop3A_743 = vector.shape_cast %parallel_loop3A_742 : vector<1x16xf32> to vector<16xf32>
        %parallel_loop3A_744 = vector.broadcast %parallel_loop3A_737 : f32 to vector<16xf32>
        %parallel_loop3A_745 = arith.mulf %parallel_loop3A_743, %parallel_loop3A_744 : vector<16xf32>
        %parallel_loop3A_746 = arith.addf %parallel_loop3A_704, %parallel_loop3A_745 : vector<16xf32>
        %parallel_loop3A_747 = arith.maximumf %parallel_loop3A_705, %parallel_loop3A_745 : vector<16xf32>
        %parallel_loop3A_748 = arith.constant 6 : i32
        %parallel_loop3A_749 = arith.addi %parallel_loop3A_467, %parallel_loop3A_748 : i32
        %parallel_loop3A_750 = arith.index_cast %parallel_loop3A_749 : i32 to index
        %parallel_loop3A_751 = arith.constant 16 : index
        %parallel_loop3A_752 = tpu.vector_load %arg9[%parallel_loop3A_750, %parallel_loop3A_751] {strides = array<i32>} : memref<1536x64xf32, #tpu.memory_space<vmem>>, vector<1x16xf32>,
        %parallel_loop3A_753 = vector.shape_cast %parallel_loop3A_752 : vector<1x16xf32> to vector<16xf32>
        %parallel_loop3A_754 = vector.broadcast %parallel_loop3A_737 : f32 to vector<16xf32>
        %parallel_loop3A_755 = arith.mulf %parallel_loop3A_753, %parallel_loop3A_754 : vector<16xf32>
        %parallel_loop3A_756 = arith.addf %parallel_loop3A_714, %parallel_loop3A_755 : vector<16xf32>
        %parallel_loop3A_757 = arith.maximumf %parallel_loop3A_715, %parallel_loop3A_755 : vector<16xf32>
        %parallel_loop3A_758 = arith.constant 6 : i32
        %parallel_loop3A_759 = arith.addi %parallel_loop3A_467, %parallel_loop3A_758 : i32
        %parallel_loop3A_760 = arith.index_cast %parallel_loop3A_759 : i32 to index
        %parallel_loop3A_761 = arith.constant 32 : index
        %parallel_loop3A_762 = tpu.vector_load %arg9[%parallel_loop3A_760, %parallel_loop3A_761] {strides = array<i32>} : memref<1536x64xf32, #tpu.memory_space<vmem>>, vector<1x16xf32>,
        %parallel_loop3A_763 = vector.shape_cast %parallel_loop3A_762 : vector<1x16xf32> to vector<16xf32>
        %parallel_loop3A_764 = vector.broadcast %parallel_loop3A_737 : f32 to vector<16xf32>
        %parallel_loop3A_765 = arith.mulf %parallel_loop3A_763, %parallel_loop3A_764 : vector<16xf32>
        %parallel_loop3A_766 = arith.addf %parallel_loop3A_724, %parallel_loop3A_765 : vector<16xf32>
        %parallel_loop3A_767 = arith.maximumf %parallel_loop3A_725, %parallel_loop3A_765 : vector<16xf32>
        %parallel_loop3A_768 = arith.constant 6 : i32
        %parallel_loop3A_769 = arith.addi %parallel_loop3A_467, %parallel_loop3A_768 : i32
        %parallel_loop3A_770 = arith.index_cast %parallel_loop3A_769 : i32 to index
        %parallel_loop3A_771 = arith.constant 48 : index
        %parallel_loop3A_772 = tpu.vector_load %arg9[%parallel_loop3A_770, %parallel_loop3A_771] {strides = array<i32>} : memref<1536x64xf32, #tpu.memory_space<vmem>>, vector<1x16xf32>,
        %parallel_loop3A_773 = vector.shape_cast %parallel_loop3A_772 : vector<1x16xf32> to vector<16xf32>
        %parallel_loop3A_774 = vector.broadcast %parallel_loop3A_737 : f32 to vector<16xf32>
        %parallel_loop3A_775 = arith.mulf %parallel_loop3A_773, %parallel_loop3A_774 : vector<16xf32>
        %parallel_loop3A_776 = arith.addf %parallel_loop3A_734, %parallel_loop3A_775 : vector<16xf32>
        %parallel_loop3A_777 = arith.maximumf %parallel_loop3A_735, %parallel_loop3A_775 : vector<16xf32>
        %parallel_loop3A_778 = vector.extract_strided_slice %parallel_loop3A_464 {offsets = [7], sizes = [1], strides = [1]} : vector<16xf32> to vector<1xf32>
        %parallel_loop3A_779 = vector.extract %parallel_loop3A_778[0] : f32 from vector<1xf32>
        %parallel_loop3A_780 = arith.constant 7 : i32
        %parallel_loop3A_781 = arith.addi %parallel_loop3A_467, %parallel_loop3A_780 : i32
        %parallel_loop3A_782 = arith.index_cast %parallel_loop3A_781 : i32 to index
        %parallel_loop3A_783 = arith.constant 0 : index
        %parallel_loop3A_784 = tpu.vector_load %arg9[%parallel_loop3A_782, %parallel_loop3A_783] {strides = array<i32>} : memref<1536x64xf32, #tpu.memory_space<vmem>>, vector<1x16xf32>,
        %parallel_loop3A_785 = vector.shape_cast %parallel_loop3A_784 : vector<1x16xf32> to vector<16xf32>
        %parallel_loop3A_786 = vector.broadcast %parallel_loop3A_779 : f32 to vector<16xf32>
        %parallel_loop3A_787 = arith.mulf %parallel_loop3A_785, %parallel_loop3A_786 : vector<16xf32>
        %parallel_loop3A_788 = arith.addf %parallel_loop3A_746, %parallel_loop3A_787 : vector<16xf32>
        %parallel_loop3A_789 = arith.maximumf %parallel_loop3A_747, %parallel_loop3A_787 : vector<16xf32>
        %parallel_loop3A_790 = arith.constant 7 : i32
        %parallel_loop3A_791 = arith.addi %parallel_loop3A_467, %parallel_loop3A_790 : i32
        %parallel_loop3A_792 = arith.index_cast %parallel_loop3A_791 : i32 to index
        %parallel_loop3A_793 = arith.constant 16 : index
        %parallel_loop3A_794 = tpu.vector_load %arg9[%parallel_loop3A_792, %parallel_loop3A_793] {strides = array<i32>} : memref<1536x64xf32, #tpu.memory_space<vmem>>, vector<1x16xf32>,
        %parallel_loop3A_795 = vector.shape_cast %parallel_loop3A_794 : vector<1x16xf32> to vector<16xf32>
        %parallel_loop3A_796 = vector.broadcast %parallel_loop3A_779 : f32 to vector<16xf32>
        %parallel_loop3A_797 = arith.mulf %parallel_loop3A_795, %parallel_loop3A_796 : vector<16xf32>
        %parallel_loop3A_798 = arith.addf %parallel_loop3A_756, %parallel_loop3A_797 : vector<16xf32>
        %parallel_loop3A_799 = arith.maximumf %parallel_loop3A_757, %parallel_loop3A_797 : vector<16xf32>
        %parallel_loop3A_800 = arith.constant 7 : i32
        %parallel_loop3A_801 = arith.addi %parallel_loop3A_467, %parallel_loop3A_800 : i32
        %parallel_loop3A_802 = arith.index_cast %parallel_loop3A_801 : i32 to index
        %parallel_loop3A_803 = arith.constant 32 : index
        %parallel_loop3A_804 = tpu.vector_load %arg9[%parallel_loop3A_802, %parallel_loop3A_803] {strides = array<i32>} : memref<1536x64xf32, #tpu.memory_space<vmem>>, vector<1x16xf32>,
        %parallel_loop3A_805 = vector.shape_cast %parallel_loop3A_804 : vector<1x16xf32> to vector<16xf32>
        %parallel_loop3A_806 = vector.broadcast %parallel_loop3A_779 : f32 to vector<16xf32>
        %parallel_loop3A_807 = arith.mulf %parallel_loop3A_805, %parallel_loop3A_806 : vector<16xf32>
        %parallel_loop3A_808 = arith.addf %parallel_loop3A_766, %parallel_loop3A_807 : vector<16xf32>
        %parallel_loop3A_809 = arith.maximumf %parallel_loop3A_767, %parallel_loop3A_807 : vector<16xf32>
        %parallel_loop3A_810 = arith.constant 7 : i32
        %parallel_loop3A_811 = arith.addi %parallel_loop3A_467, %parallel_loop3A_810 : i32
        %parallel_loop3A_812 = arith.index_cast %parallel_loop3A_811 : i32 to index
        %parallel_loop3A_813 = arith.constant 48 : index
        %parallel_loop3A_814 = tpu.vector_load %arg9[%parallel_loop3A_812, %parallel_loop3A_813] {strides = array<i32>} : memref<1536x64xf32, #tpu.memory_space<vmem>>, vector<1x16xf32>,
        %parallel_loop3A_815 = vector.shape_cast %parallel_loop3A_814 : vector<1x16xf32> to vector<16xf32>
        %parallel_loop3A_816 = vector.broadcast %parallel_loop3A_779 : f32 to vector<16xf32>
        %parallel_loop3A_817 = arith.mulf %parallel_loop3A_815, %parallel_loop3A_816 : vector<16xf32>
        %parallel_loop3A_818 = arith.addf %parallel_loop3A_776, %parallel_loop3A_817 : vector<16xf32>
        %parallel_loop3A_819 = arith.maximumf %parallel_loop3A_777, %parallel_loop3A_817 : vector<16xf32>
        %parallel_loop3A_820 = vector.extract_strided_slice %parallel_loop3A_464 {offsets = [8], sizes = [1], strides = [1]} : vector<16xf32> to vector<1xf32>
        %parallel_loop3A_821 = vector.extract %parallel_loop3A_820[0] : f32 from vector<1xf32>
        %parallel_loop3A_822 = arith.constant 8 : i32
        %parallel_loop3A_823 = arith.addi %parallel_loop3A_467, %parallel_loop3A_822 : i32
        %parallel_loop3A_824 = arith.index_cast %parallel_loop3A_823 : i32 to index
        %parallel_loop3A_825 = arith.constant 0 : index
        %parallel_loop3A_826 = tpu.vector_load %arg9[%parallel_loop3A_824, %parallel_loop3A_825] {strides = array<i32>} : memref<1536x64xf32, #tpu.memory_space<vmem>>, vector<1x16xf32>,
        %parallel_loop3A_827 = vector.shape_cast %parallel_loop3A_826 : vector<1x16xf32> to vector<16xf32>
        %parallel_loop3A_828 = vector.broadcast %parallel_loop3A_821 : f32 to vector<16xf32>
        %parallel_loop3A_829 = arith.mulf %parallel_loop3A_827, %parallel_loop3A_828 : vector<16xf32>
        %parallel_loop3A_830 = arith.addf %parallel_loop3A_788, %parallel_loop3A_829 : vector<16xf32>
        %parallel_loop3A_831 = arith.maximumf %parallel_loop3A_789, %parallel_loop3A_829 : vector<16xf32>
        %parallel_loop3A_832 = arith.constant 8 : i32
        %parallel_loop3A_833 = arith.addi %parallel_loop3A_467, %parallel_loop3A_832 : i32
        %parallel_loop3A_834 = arith.index_cast %parallel_loop3A_833 : i32 to index
        %parallel_loop3A_835 = arith.constant 16 : index
        %parallel_loop3A_836 = tpu.vector_load %arg9[%parallel_loop3A_834, %parallel_loop3A_835] {strides = array<i32>} : memref<1536x64xf32, #tpu.memory_space<vmem>>, vector<1x16xf32>,
        %parallel_loop3A_837 = vector.shape_cast %parallel_loop3A_836 : vector<1x16xf32> to vector<16xf32>
        %parallel_loop3A_838 = vector.broadcast %parallel_loop3A_821 : f32 to vector<16xf32>
        %parallel_loop3A_839 = arith.mulf %parallel_loop3A_837, %parallel_loop3A_838 : vector<16xf32>
        %parallel_loop3A_840 = arith.addf %parallel_loop3A_798, %parallel_loop3A_839 : vector<16xf32>
        %parallel_loop3A_841 = arith.maximumf %parallel_loop3A_799, %parallel_loop3A_839 : vector<16xf32>
        %parallel_loop3A_842 = arith.constant 8 : i32
        %parallel_loop3A_843 = arith.addi %parallel_loop3A_467, %parallel_loop3A_842 : i32
        %parallel_loop3A_844 = arith.index_cast %parallel_loop3A_843 : i32 to index
        %parallel_loop3A_845 = arith.constant 32 : index
        %parallel_loop3A_846 = tpu.vector_load %arg9[%parallel_loop3A_844, %parallel_loop3A_845] {strides = array<i32>} : memref<1536x64xf32, #tpu.memory_space<vmem>>, vector<1x16xf32>,
        %parallel_loop3A_847 = vector.shape_cast %parallel_loop3A_846 : vector<1x16xf32> to vector<16xf32>
        %parallel_loop3A_848 = vector.broadcast %parallel_loop3A_821 : f32 to vector<16xf32>
        %parallel_loop3A_849 = arith.mulf %parallel_loop3A_847, %parallel_loop3A_848 : vector<16xf32>
        %parallel_loop3A_850 = arith.addf %parallel_loop3A_808, %parallel_loop3A_849 : vector<16xf32>
        %parallel_loop3A_851 = arith.maximumf %parallel_loop3A_809, %parallel_loop3A_849 : vector<16xf32>
        %parallel_loop3A_852 = arith.constant 8 : i32
        %parallel_loop3A_853 = arith.addi %parallel_loop3A_467, %parallel_loop3A_852 : i32
        %parallel_loop3A_854 = arith.index_cast %parallel_loop3A_853 : i32 to index
        %parallel_loop3A_855 = arith.constant 48 : index
        %parallel_loop3A_856 = tpu.vector_load %arg9[%parallel_loop3A_854, %parallel_loop3A_855] {strides = array<i32>} : memref<1536x64xf32, #tpu.memory_space<vmem>>, vector<1x16xf32>,
        %parallel_loop3A_857 = vector.shape_cast %parallel_loop3A_856 : vector<1x16xf32> to vector<16xf32>
        %parallel_loop3A_858 = vector.broadcast %parallel_loop3A_821 : f32 to vector<16xf32>
        %parallel_loop3A_859 = arith.mulf %parallel_loop3A_857, %parallel_loop3A_858 : vector<16xf32>
        %parallel_loop3A_860 = arith.addf %parallel_loop3A_818, %parallel_loop3A_859 : vector<16xf32>
        %parallel_loop3A_861 = arith.maximumf %parallel_loop3A_819, %parallel_loop3A_859 : vector<16xf32>
        %parallel_loop3A_862 = vector.extract_strided_slice %parallel_loop3A_464 {offsets = [9], sizes = [1], strides = [1]} : vector<16xf32> to vector<1xf32>
        %parallel_loop3A_863 = vector.extract %parallel_loop3A_862[0] : f32 from vector<1xf32>
        %parallel_loop3A_864 = arith.constant 9 : i32
        %parallel_loop3A_865 = arith.addi %parallel_loop3A_467, %parallel_loop3A_864 : i32
        %parallel_loop3A_866 = arith.index_cast %parallel_loop3A_865 : i32 to index
        %parallel_loop3A_867 = arith.constant 0 : index
        %parallel_loop3A_868 = tpu.vector_load %arg9[%parallel_loop3A_866, %parallel_loop3A_867] {strides = array<i32>} : memref<1536x64xf32, #tpu.memory_space<vmem>>, vector<1x16xf32>,
        %parallel_loop3A_869 = vector.shape_cast %parallel_loop3A_868 : vector<1x16xf32> to vector<16xf32>
        %parallel_loop3A_870 = vector.broadcast %parallel_loop3A_863 : f32 to vector<16xf32>
        %parallel_loop3A_871 = arith.mulf %parallel_loop3A_869, %parallel_loop3A_870 : vector<16xf32>
        %parallel_loop3A_872 = arith.addf %parallel_loop3A_830, %parallel_loop3A_871 : vector<16xf32>
        %parallel_loop3A_873 = arith.maximumf %parallel_loop3A_831, %parallel_loop3A_871 : vector<16xf32>
        %parallel_loop3A_874 = arith.constant 9 : i32
        %parallel_loop3A_875 = arith.addi %parallel_loop3A_467, %parallel_loop3A_874 : i32
        %parallel_loop3A_876 = arith.index_cast %parallel_loop3A_875 : i32 to index
        %parallel_loop3A_877 = arith.constant 16 : index
        %parallel_loop3A_878 = tpu.vector_load %arg9[%parallel_loop3A_876, %parallel_loop3A_877] {strides = array<i32>} : memref<1536x64xf32, #tpu.memory_space<vmem>>, vector<1x16xf32>,
        %parallel_loop3A_879 = vector.shape_cast %parallel_loop3A_878 : vector<1x16xf32> to vector<16xf32>
        %parallel_loop3A_880 = vector.broadcast %parallel_loop3A_863 : f32 to vector<16xf32>
        %parallel_loop3A_881 = arith.mulf %parallel_loop3A_879, %parallel_loop3A_880 : vector<16xf32>
        %parallel_loop3A_882 = arith.addf %parallel_loop3A_840, %parallel_loop3A_881 : vector<16xf32>
        %parallel_loop3A_883 = arith.maximumf %parallel_loop3A_841, %parallel_loop3A_881 : vector<16xf32>
        %parallel_loop3A_884 = arith.constant 9 : i32
        %parallel_loop3A_885 = arith.addi %parallel_loop3A_467, %parallel_loop3A_884 : i32
        %parallel_loop3A_886 = arith.index_cast %parallel_loop3A_885 : i32 to index
        %parallel_loop3A_887 = arith.constant 32 : index
        %parallel_loop3A_888 = tpu.vector_load %arg9[%parallel_loop3A_886, %parallel_loop3A_887] {strides = array<i32>} : memref<1536x64xf32, #tpu.memory_space<vmem>>, vector<1x16xf32>,
        %parallel_loop3A_889 = vector.shape_cast %parallel_loop3A_888 : vector<1x16xf32> to vector<16xf32>
        %parallel_loop3A_890 = vector.broadcast %parallel_loop3A_863 : f32 to vector<16xf32>
        %parallel_loop3A_891 = arith.mulf %parallel_loop3A_889, %parallel_loop3A_890 : vector<16xf32>
        %parallel_loop3A_892 = arith.addf %parallel_loop3A_850, %parallel_loop3A_891 : vector<16xf32>
        %parallel_loop3A_893 = arith.maximumf %parallel_loop3A_851, %parallel_loop3A_891 : vector<16xf32>
        %parallel_loop3A_894 = arith.constant 9 : i32
        %parallel_loop3A_895 = arith.addi %parallel_loop3A_467, %parallel_loop3A_894 : i32
        %parallel_loop3A_896 = arith.index_cast %parallel_loop3A_895 : i32 to index
        %parallel_loop3A_897 = arith.constant 48 : index
        %parallel_loop3A_898 = tpu.vector_load %arg9[%parallel_loop3A_896, %parallel_loop3A_897] {strides = array<i32>} : memref<1536x64xf32, #tpu.memory_space<vmem>>, vector<1x16xf32>,
        %parallel_loop3A_899 = vector.shape_cast %parallel_loop3A_898 : vector<1x16xf32> to vector<16xf32>
        %parallel_loop3A_900 = vector.broadcast %parallel_loop3A_863 : f32 to vector<16xf32>
        %parallel_loop3A_901 = arith.mulf %parallel_loop3A_899, %parallel_loop3A_900 : vector<16xf32>
        %parallel_loop3A_902 = arith.addf %parallel_loop3A_860, %parallel_loop3A_901 : vector<16xf32>
        %parallel_loop3A_903 = arith.maximumf %parallel_loop3A_861, %parallel_loop3A_901 : vector<16xf32>
        %parallel_loop3A_904 = vector.extract_strided_slice %parallel_loop3A_464 {offsets = [10], sizes = [1], strides = [1]} : vector<16xf32> to vector<1xf32>
        %parallel_loop3A_905 = vector.extract %parallel_loop3A_904[0] : f32 from vector<1xf32>
        %parallel_loop3A_906 = arith.constant 10 : i32
        %parallel_loop3A_907 = arith.addi %parallel_loop3A_467, %parallel_loop3A_906 : i32
        %parallel_loop3A_908 = arith.index_cast %parallel_loop3A_907 : i32 to index
        %parallel_loop3A_909 = arith.constant 0 : index
        %parallel_loop3A_910 = tpu.vector_load %arg9[%parallel_loop3A_908, %parallel_loop3A_909] {strides = array<i32>} : memref<1536x64xf32, #tpu.memory_space<vmem>>, vector<1x16xf32>,
        %parallel_loop3A_911 = vector.shape_cast %parallel_loop3A_910 : vector<1x16xf32> to vector<16xf32>
        %parallel_loop3A_912 = vector.broadcast %parallel_loop3A_905 : f32 to vector<16xf32>
        %parallel_loop3A_913 = arith.mulf %parallel_loop3A_911, %parallel_loop3A_912 : vector<16xf32>
        %parallel_loop3A_914 = arith.addf %parallel_loop3A_872, %parallel_loop3A_913 : vector<16xf32>
        %parallel_loop3A_915 = arith.maximumf %parallel_loop3A_873, %parallel_loop3A_913 : vector<16xf32>
        %parallel_loop3A_916 = arith.constant 10 : i32
        %parallel_loop3A_917 = arith.addi %parallel_loop3A_467, %parallel_loop3A_916 : i32
        %parallel_loop3A_918 = arith.index_cast %parallel_loop3A_917 : i32 to index
        %parallel_loop3A_919 = arith.constant 16 : index
        %parallel_loop3A_920 = tpu.vector_load %arg9[%parallel_loop3A_918, %parallel_loop3A_919] {strides = array<i32>} : memref<1536x64xf32, #tpu.memory_space<vmem>>, vector<1x16xf32>,
        %parallel_loop3A_921 = vector.shape_cast %parallel_loop3A_920 : vector<1x16xf32> to vector<16xf32>
        %parallel_loop3A_922 = vector.broadcast %parallel_loop3A_905 : f32 to vector<16xf32>
        %parallel_loop3A_923 = arith.mulf %parallel_loop3A_921, %parallel_loop3A_922 : vector<16xf32>
        %parallel_loop3A_924 = arith.addf %parallel_loop3A_882, %parallel_loop3A_923 : vector<16xf32>
        %parallel_loop3A_925 = arith.maximumf %parallel_loop3A_883, %parallel_loop3A_923 : vector<16xf32>
        %parallel_loop3A_926 = arith.constant 10 : i32
        %parallel_loop3A_927 = arith.addi %parallel_loop3A_467, %parallel_loop3A_926 : i32
        %parallel_loop3A_928 = arith.index_cast %parallel_loop3A_927 : i32 to index
        %parallel_loop3A_929 = arith.constant 32 : index
        %parallel_loop3A_930 = tpu.vector_load %arg9[%parallel_loop3A_928, %parallel_loop3A_929] {strides = array<i32>} : memref<1536x64xf32, #tpu.memory_space<vmem>>, vector<1x16xf32>,
        %parallel_loop3A_931 = vector.shape_cast %parallel_loop3A_930 : vector<1x16xf32> to vector<16xf32>
        %parallel_loop3A_932 = vector.broadcast %parallel_loop3A_905 : f32 to vector<16xf32>
        %parallel_loop3A_933 = arith.mulf %parallel_loop3A_931, %parallel_loop3A_932 : vector<16xf32>
        %parallel_loop3A_934 = arith.addf %parallel_loop3A_892, %parallel_loop3A_933 : vector<16xf32>
        %parallel_loop3A_935 = arith.maximumf %parallel_loop3A_893, %parallel_loop3A_933 : vector<16xf32>
        %parallel_loop3A_936 = arith.constant 10 : i32
        %parallel_loop3A_937 = arith.addi %parallel_loop3A_467, %parallel_loop3A_936 : i32
        %parallel_loop3A_938 = arith.index_cast %parallel_loop3A_937 : i32 to index
        %parallel_loop3A_939 = arith.constant 48 : index
        %parallel_loop3A_940 = tpu.vector_load %arg9[%parallel_loop3A_938, %parallel_loop3A_939] {strides = array<i32>} : memref<1536x64xf32, #tpu.memory_space<vmem>>, vector<1x16xf32>,
        %parallel_loop3A_941 = vector.shape_cast %parallel_loop3A_940 : vector<1x16xf32> to vector<16xf32>
        %parallel_loop3A_942 = vector.broadcast %parallel_loop3A_905 : f32 to vector<16xf32>
        %parallel_loop3A_943 = arith.mulf %parallel_loop3A_941, %parallel_loop3A_942 : vector<16xf32>
        %parallel_loop3A_944 = arith.addf %parallel_loop3A_902, %parallel_loop3A_943 : vector<16xf32>
        %parallel_loop3A_945 = arith.maximumf %parallel_loop3A_903, %parallel_loop3A_943 : vector<16xf32>
        %parallel_loop3A_946 = vector.extract_strided_slice %parallel_loop3A_464 {offsets = [11], sizes = [1], strides = [1]} : vector<16xf32> to vector<1xf32>
        %parallel_loop3A_947 = vector.extract %parallel_loop3A_946[0] : f32 from vector<1xf32>
        %parallel_loop3A_948 = arith.constant 11 : i32
        %parallel_loop3A_949 = arith.addi %parallel_loop3A_467, %parallel_loop3A_948 : i32
        %parallel_loop3A_950 = arith.index_cast %parallel_loop3A_949 : i32 to index
        %parallel_loop3A_951 = arith.constant 0 : index
        %parallel_loop3A_952 = tpu.vector_load %arg9[%parallel_loop3A_950, %parallel_loop3A_951] {strides = array<i32>} : memref<1536x64xf32, #tpu.memory_space<vmem>>, vector<1x16xf32>,
        %parallel_loop3A_953 = vector.shape_cast %parallel_loop3A_952 : vector<1x16xf32> to vector<16xf32>
        %parallel_loop3A_954 = vector.broadcast %parallel_loop3A_947 : f32 to vector<16xf32>
        %parallel_loop3A_955 = arith.mulf %parallel_loop3A_953, %parallel_loop3A_954 : vector<16xf32>
        %parallel_loop3A_956 = arith.addf %parallel_loop3A_914, %parallel_loop3A_955 : vector<16xf32>
        %parallel_loop3A_957 = arith.maximumf %parallel_loop3A_915, %parallel_loop3A_955 : vector<16xf32>
        %parallel_loop3A_958 = arith.constant 11 : i32
        %parallel_loop3A_959 = arith.addi %parallel_loop3A_467, %parallel_loop3A_958 : i32
        %parallel_loop3A_960 = arith.index_cast %parallel_loop3A_959 : i32 to index
        %parallel_loop3A_961 = arith.constant 16 : index
        %parallel_loop3A_962 = tpu.vector_load %arg9[%parallel_loop3A_960, %parallel_loop3A_961] {strides = array<i32>} : memref<1536x64xf32, #tpu.memory_space<vmem>>, vector<1x16xf32>,
        %parallel_loop3A_963 = vector.shape_cast %parallel_loop3A_962 : vector<1x16xf32> to vector<16xf32>
        %parallel_loop3A_964 = vector.broadcast %parallel_loop3A_947 : f32 to vector<16xf32>
        %parallel_loop3A_965 = arith.mulf %parallel_loop3A_963, %parallel_loop3A_964 : vector<16xf32>
        %parallel_loop3A_966 = arith.addf %parallel_loop3A_924, %parallel_loop3A_965 : vector<16xf32>
        %parallel_loop3A_967 = arith.maximumf %parallel_loop3A_925, %parallel_loop3A_965 : vector<16xf32>
        %parallel_loop3A_968 = arith.constant 11 : i32
        %parallel_loop3A_969 = arith.addi %parallel_loop3A_467, %parallel_loop3A_968 : i32
        %parallel_loop3A_970 = arith.index_cast %parallel_loop3A_969 : i32 to index
        %parallel_loop3A_971 = arith.constant 32 : index
        %parallel_loop3A_972 = tpu.vector_load %arg9[%parallel_loop3A_970, %parallel_loop3A_971] {strides = array<i32>} : memref<1536x64xf32, #tpu.memory_space<vmem>>, vector<1x16xf32>,
        %parallel_loop3A_973 = vector.shape_cast %parallel_loop3A_972 : vector<1x16xf32> to vector<16xf32>
        %parallel_loop3A_974 = vector.broadcast %parallel_loop3A_947 : f32 to vector<16xf32>
        %parallel_loop3A_975 = arith.mulf %parallel_loop3A_973, %parallel_loop3A_974 : vector<16xf32>
        %parallel_loop3A_976 = arith.addf %parallel_loop3A_934, %parallel_loop3A_975 : vector<16xf32>
        %parallel_loop3A_977 = arith.maximumf %parallel_loop3A_935, %parallel_loop3A_975 : vector<16xf32>
        %parallel_loop3A_978 = arith.constant 11 : i32
        %parallel_loop3A_979 = arith.addi %parallel_loop3A_467, %parallel_loop3A_978 : i32
        %parallel_loop3A_980 = arith.index_cast %parallel_loop3A_979 : i32 to index
        %parallel_loop3A_981 = arith.constant 48 : index
        %parallel_loop3A_982 = tpu.vector_load %arg9[%parallel_loop3A_980, %parallel_loop3A_981] {strides = array<i32>} : memref<1536x64xf32, #tpu.memory_space<vmem>>, vector<1x16xf32>,
        %parallel_loop3A_983 = vector.shape_cast %parallel_loop3A_982 : vector<1x16xf32> to vector<16xf32>
        %parallel_loop3A_984 = vector.broadcast %parallel_loop3A_947 : f32 to vector<16xf32>
        %parallel_loop3A_985 = arith.mulf %parallel_loop3A_983, %parallel_loop3A_984 : vector<16xf32>
        %parallel_loop3A_986 = arith.addf %parallel_loop3A_944, %parallel_loop3A_985 : vector<16xf32>
        %parallel_loop3A_987 = arith.maximumf %parallel_loop3A_945, %parallel_loop3A_985 : vector<16xf32>
        %parallel_loop3A_988 = vector.extract_strided_slice %parallel_loop3A_464 {offsets = [12], sizes = [1], strides = [1]} : vector<16xf32> to vector<1xf32>
        %parallel_loop3A_989 = vector.extract %parallel_loop3A_988[0] : f32 from vector<1xf32>
        %parallel_loop3A_990 = arith.constant 12 : i32
        %parallel_loop3A_991 = arith.addi %parallel_loop3A_467, %parallel_loop3A_990 : i32
        %parallel_loop3A_992 = arith.index_cast %parallel_loop3A_991 : i32 to index
        %parallel_loop3A_993 = arith.constant 0 : index
        %parallel_loop3A_994 = tpu.vector_load %arg9[%parallel_loop3A_992, %parallel_loop3A_993] {strides = array<i32>} : memref<1536x64xf32, #tpu.memory_space<vmem>>, vector<1x16xf32>,
        %parallel_loop3A_995 = vector.shape_cast %parallel_loop3A_994 : vector<1x16xf32> to vector<16xf32>
        %parallel_loop3A_996 = vector.broadcast %parallel_loop3A_989 : f32 to vector<16xf32>
        %parallel_loop3A_997 = arith.mulf %parallel_loop3A_995, %parallel_loop3A_996 : vector<16xf32>
        %parallel_loop3A_998 = arith.addf %parallel_loop3A_956, %parallel_loop3A_997 : vector<16xf32>
        %parallel_loop3A_999 = arith.maximumf %parallel_loop3A_957, %parallel_loop3A_997 : vector<16xf32>
        %parallel_loop3A_1000 = arith.constant 12 : i32
        %parallel_loop3A_1001 = arith.addi %parallel_loop3A_467, %parallel_loop3A_1000 : i32
        %parallel_loop3A_1002 = arith.index_cast %parallel_loop3A_1001 : i32 to index
        %parallel_loop3A_1003 = arith.constant 16 : index
        %parallel_loop3A_1004 = tpu.vector_load %arg9[%parallel_loop3A_1002, %parallel_loop3A_1003] {strides = array<i32>} : memref<1536x64xf32, #tpu.memory_space<vmem>>, vector<1x16xf32>,
        %parallel_loop3A_1005 = vector.shape_cast %parallel_loop3A_1004 : vector<1x16xf32> to vector<16xf32>
        %parallel_loop3A_1006 = vector.broadcast %parallel_loop3A_989 : f32 to vector<16xf32>
        %parallel_loop3A_1007 = arith.mulf %parallel_loop3A_1005, %parallel_loop3A_1006 : vector<16xf32>
        %parallel_loop3A_1008 = arith.addf %parallel_loop3A_966, %parallel_loop3A_1007 : vector<16xf32>
        %parallel_loop3A_1009 = arith.maximumf %parallel_loop3A_967, %parallel_loop3A_1007 : vector<16xf32>
        %parallel_loop3A_1010 = arith.constant 12 : i32
        %parallel_loop3A_1011 = arith.addi %parallel_loop3A_467, %parallel_loop3A_1010 : i32
        %parallel_loop3A_1012 = arith.index_cast %parallel_loop3A_1011 : i32 to index
        %parallel_loop3A_1013 = arith.constant 32 : index
        %parallel_loop3A_1014 = tpu.vector_load %arg9[%parallel_loop3A_1012, %parallel_loop3A_1013] {strides = array<i32>} : memref<1536x64xf32, #tpu.memory_space<vmem>>, vector<1x16xf32>,
        %parallel_loop3A_1015 = vector.shape_cast %parallel_loop3A_1014 : vector<1x16xf32> to vector<16xf32>
        %parallel_loop3A_1016 = vector.broadcast %parallel_loop3A_989 : f32 to vector<16xf32>
        %parallel_loop3A_1017 = arith.mulf %parallel_loop3A_1015, %parallel_loop3A_1016 : vector<16xf32>
        %parallel_loop3A_1018 = arith.addf %parallel_loop3A_976, %parallel_loop3A_1017 : vector<16xf32>
        %parallel_loop3A_1019 = arith.maximumf %parallel_loop3A_977, %parallel_loop3A_1017 : vector<16xf32>
        %parallel_loop3A_1020 = arith.constant 12 : i32
        %parallel_loop3A_1021 = arith.addi %parallel_loop3A_467, %parallel_loop3A_1020 : i32
        %parallel_loop3A_1022 = arith.index_cast %parallel_loop3A_1021 : i32 to index
        %parallel_loop3A_1023 = arith.constant 48 : index
        %parallel_loop3A_1024 = tpu.vector_load %arg9[%parallel_loop3A_1022, %parallel_loop3A_1023] {strides = array<i32>} : memref<1536x64xf32, #tpu.memory_space<vmem>>, vector<1x16xf32>,
        %parallel_loop3A_1025 = vector.shape_cast %parallel_loop3A_1024 : vector<1x16xf32> to vector<16xf32>
        %parallel_loop3A_1026 = vector.broadcast %parallel_loop3A_989 : f32 to vector<16xf32>
        %parallel_loop3A_1027 = arith.mulf %parallel_loop3A_1025, %parallel_loop3A_1026 : vector<16xf32>
        %parallel_loop3A_1028 = arith.addf %parallel_loop3A_986, %parallel_loop3A_1027 : vector<16xf32>
        %parallel_loop3A_1029 = arith.maximumf %parallel_loop3A_987, %parallel_loop3A_1027 : vector<16xf32>
        %parallel_loop3A_1030 = vector.extract_strided_slice %parallel_loop3A_464 {offsets = [13], sizes = [1], strides = [1]} : vector<16xf32> to vector<1xf32>
        %parallel_loop3A_1031 = vector.extract %parallel_loop3A_1030[0] : f32 from vector<1xf32>
        %parallel_loop3A_1032 = arith.constant 13 : i32
        %parallel_loop3A_1033 = arith.addi %parallel_loop3A_467, %parallel_loop3A_1032 : i32
        %parallel_loop3A_1034 = arith.index_cast %parallel_loop3A_1033 : i32 to index
        %parallel_loop3A_1035 = arith.constant 0 : index
        %parallel_loop3A_1036 = tpu.vector_load %arg9[%parallel_loop3A_1034, %parallel_loop3A_1035] {strides = array<i32>} : memref<1536x64xf32, #tpu.memory_space<vmem>>, vector<1x16xf32>,
        %parallel_loop3A_1037 = vector.shape_cast %parallel_loop3A_1036 : vector<1x16xf32> to vector<16xf32>
        %parallel_loop3A_1038 = vector.broadcast %parallel_loop3A_1031 : f32 to vector<16xf32>
        %parallel_loop3A_1039 = arith.mulf %parallel_loop3A_1037, %parallel_loop3A_1038 : vector<16xf32>
        %parallel_loop3A_1040 = arith.addf %parallel_loop3A_998, %parallel_loop3A_1039 : vector<16xf32>
        %parallel_loop3A_1041 = arith.maximumf %parallel_loop3A_999, %parallel_loop3A_1039 : vector<16xf32>
        %parallel_loop3A_1042 = arith.constant 13 : i32
        %parallel_loop3A_1043 = arith.addi %parallel_loop3A_467, %parallel_loop3A_1042 : i32
        %parallel_loop3A_1044 = arith.index_cast %parallel_loop3A_1043 : i32 to index
        %parallel_loop3A_1045 = arith.constant 16 : index
        %parallel_loop3A_1046 = tpu.vector_load %arg9[%parallel_loop3A_1044, %parallel_loop3A_1045] {strides = array<i32>} : memref<1536x64xf32, #tpu.memory_space<vmem>>, vector<1x16xf32>,
        %parallel_loop3A_1047 = vector.shape_cast %parallel_loop3A_1046 : vector<1x16xf32> to vector<16xf32>
        %parallel_loop3A_1048 = vector.broadcast %parallel_loop3A_1031 : f32 to vector<16xf32>
        %parallel_loop3A_1049 = arith.mulf %parallel_loop3A_1047, %parallel_loop3A_1048 : vector<16xf32>
        %parallel_loop3A_1050 = arith.addf %parallel_loop3A_1008, %parallel_loop3A_1049 : vector<16xf32>
        %parallel_loop3A_1051 = arith.maximumf %parallel_loop3A_1009, %parallel_loop3A_1049 : vector<16xf32>
        %parallel_loop3A_1052 = arith.constant 13 : i32
        %parallel_loop3A_1053 = arith.addi %parallel_loop3A_467, %parallel_loop3A_1052 : i32
        %parallel_loop3A_1054 = arith.index_cast %parallel_loop3A_1053 : i32 to index
        %parallel_loop3A_1055 = arith.constant 32 : index
        %parallel_loop3A_1056 = tpu.vector_load %arg9[%parallel_loop3A_1054, %parallel_loop3A_1055] {strides = array<i32>} : memref<1536x64xf32, #tpu.memory_space<vmem>>, vector<1x16xf32>,
        %parallel_loop3A_1057 = vector.shape_cast %parallel_loop3A_1056 : vector<1x16xf32> to vector<16xf32>
        %parallel_loop3A_1058 = vector.broadcast %parallel_loop3A_1031 : f32 to vector<16xf32>
        %parallel_loop3A_1059 = arith.mulf %parallel_loop3A_1057, %parallel_loop3A_1058 : vector<16xf32>
        %parallel_loop3A_1060 = arith.addf %parallel_loop3A_1018, %parallel_loop3A_1059 : vector<16xf32>
        %parallel_loop3A_1061 = arith.maximumf %parallel_loop3A_1019, %parallel_loop3A_1059 : vector<16xf32>
        %parallel_loop3A_1062 = arith.constant 13 : i32
        %parallel_loop3A_1063 = arith.addi %parallel_loop3A_467, %parallel_loop3A_1062 : i32
        %parallel_loop3A_1064 = arith.index_cast %parallel_loop3A_1063 : i32 to index
        %parallel_loop3A_1065 = arith.constant 48 : index
        %parallel_loop3A_1066 = tpu.vector_load %arg9[%parallel_loop3A_1064, %parallel_loop3A_1065] {strides = array<i32>} : memref<1536x64xf32, #tpu.memory_space<vmem>>, vector<1x16xf32>,
        %parallel_loop3A_1067 = vector.shape_cast %parallel_loop3A_1066 : vector<1x16xf32> to vector<16xf32>
        %parallel_loop3A_1068 = vector.broadcast %parallel_loop3A_1031 : f32 to vector<16xf32>
        %parallel_loop3A_1069 = arith.mulf %parallel_loop3A_1067, %parallel_loop3A_1068 : vector<16xf32>
        %parallel_loop3A_1070 = arith.addf %parallel_loop3A_1028, %parallel_loop3A_1069 : vector<16xf32>
        %parallel_loop3A_1071 = arith.maximumf %parallel_loop3A_1029, %parallel_loop3A_1069 : vector<16xf32>
        %parallel_loop3A_1072 = vector.extract_strided_slice %parallel_loop3A_464 {offsets = [14], sizes = [1], strides = [1]} : vector<16xf32> to vector<1xf32>
        %parallel_loop3A_1073 = vector.extract %parallel_loop3A_1072[0] : f32 from vector<1xf32>
        %parallel_loop3A_1074 = arith.constant 14 : i32
        %parallel_loop3A_1075 = arith.addi %parallel_loop3A_467, %parallel_loop3A_1074 : i32
        %parallel_loop3A_1076 = arith.index_cast %parallel_loop3A_1075 : i32 to index
        %parallel_loop3A_1077 = arith.constant 0 : index
        %parallel_loop3A_1078 = tpu.vector_load %arg9[%parallel_loop3A_1076, %parallel_loop3A_1077] {strides = array<i32>} : memref<1536x64xf32, #tpu.memory_space<vmem>>, vector<1x16xf32>,
        %parallel_loop3A_1079 = vector.shape_cast %parallel_loop3A_1078 : vector<1x16xf32> to vector<16xf32>
        %parallel_loop3A_1080 = vector.broadcast %parallel_loop3A_1073 : f32 to vector<16xf32>
        %parallel_loop3A_1081 = arith.mulf %parallel_loop3A_1079, %parallel_loop3A_1080 : vector<16xf32>
        %parallel_loop3A_1082 = arith.addf %parallel_loop3A_1040, %parallel_loop3A_1081 : vector<16xf32>
        %parallel_loop3A_1083 = arith.maximumf %parallel_loop3A_1041, %parallel_loop3A_1081 : vector<16xf32>
        %parallel_loop3A_1084 = arith.constant 14 : i32
        %parallel_loop3A_1085 = arith.addi %parallel_loop3A_467, %parallel_loop3A_1084 : i32
        %parallel_loop3A_1086 = arith.index_cast %parallel_loop3A_1085 : i32 to index
        %parallel_loop3A_1087 = arith.constant 16 : index
        %parallel_loop3A_1088 = tpu.vector_load %arg9[%parallel_loop3A_1086, %parallel_loop3A_1087] {strides = array<i32>} : memref<1536x64xf32, #tpu.memory_space<vmem>>, vector<1x16xf32>,
        %parallel_loop3A_1089 = vector.shape_cast %parallel_loop3A_1088 : vector<1x16xf32> to vector<16xf32>
        %parallel_loop3A_1090 = vector.broadcast %parallel_loop3A_1073 : f32 to vector<16xf32>
        %parallel_loop3A_1091 = arith.mulf %parallel_loop3A_1089, %parallel_loop3A_1090 : vector<16xf32>
        %parallel_loop3A_1092 = arith.addf %parallel_loop3A_1050, %parallel_loop3A_1091 : vector<16xf32>
        %parallel_loop3A_1093 = arith.maximumf %parallel_loop3A_1051, %parallel_loop3A_1091 : vector<16xf32>
        %parallel_loop3A_1094 = arith.constant 14 : i32
        %parallel_loop3A_1095 = arith.addi %parallel_loop3A_467, %parallel_loop3A_1094 : i32
        %parallel_loop3A_1096 = arith.index_cast %parallel_loop3A_1095 : i32 to index
        %parallel_loop3A_1097 = arith.constant 32 : index
        %parallel_loop3A_1098 = tpu.vector_load %arg9[%parallel_loop3A_1096, %parallel_loop3A_1097] {strides = array<i32>} : memref<1536x64xf32, #tpu.memory_space<vmem>>, vector<1x16xf32>,
        %parallel_loop3A_1099 = vector.shape_cast %parallel_loop3A_1098 : vector<1x16xf32> to vector<16xf32>
        %parallel_loop3A_1100 = vector.broadcast %parallel_loop3A_1073 : f32 to vector<16xf32>
        %parallel_loop3A_1101 = arith.mulf %parallel_loop3A_1099, %parallel_loop3A_1100 : vector<16xf32>
        %parallel_loop3A_1102 = arith.addf %parallel_loop3A_1060, %parallel_loop3A_1101 : vector<16xf32>
        %parallel_loop3A_1103 = arith.maximumf %parallel_loop3A_1061, %parallel_loop3A_1101 : vector<16xf32>
        %parallel_loop3A_1104 = arith.constant 14 : i32
        %parallel_loop3A_1105 = arith.addi %parallel_loop3A_467, %parallel_loop3A_1104 : i32
        %parallel_loop3A_1106 = arith.index_cast %parallel_loop3A_1105 : i32 to index
        %parallel_loop3A_1107 = arith.constant 48 : index
        %parallel_loop3A_1108 = tpu.vector_load %arg9[%parallel_loop3A_1106, %parallel_loop3A_1107] {strides = array<i32>} : memref<1536x64xf32, #tpu.memory_space<vmem>>, vector<1x16xf32>,
        %parallel_loop3A_1109 = vector.shape_cast %parallel_loop3A_1108 : vector<1x16xf32> to vector<16xf32>
        %parallel_loop3A_1110 = vector.broadcast %parallel_loop3A_1073 : f32 to vector<16xf32>
        %parallel_loop3A_1111 = arith.mulf %parallel_loop3A_1109, %parallel_loop3A_1110 : vector<16xf32>
        %parallel_loop3A_1112 = arith.addf %parallel_loop3A_1070, %parallel_loop3A_1111 : vector<16xf32>
        %parallel_loop3A_1113 = arith.maximumf %parallel_loop3A_1071, %parallel_loop3A_1111 : vector<16xf32>
        %parallel_loop3A_1114 = vector.extract_strided_slice %parallel_loop3A_464 {offsets = [15], sizes = [1], strides = [1]} : vector<16xf32> to vector<1xf32>
        %parallel_loop3A_1115 = vector.extract %parallel_loop3A_1114[0] : f32 from vector<1xf32>
        %parallel_loop3A_1116 = arith.constant 15 : i32
        %parallel_loop3A_1117 = arith.addi %parallel_loop3A_467, %parallel_loop3A_1116 : i32
        %parallel_loop3A_1118 = arith.index_cast %parallel_loop3A_1117 : i32 to index
        %parallel_loop3A_1119 = arith.constant 0 : index
        %parallel_loop3A_1120 = tpu.vector_load %arg9[%parallel_loop3A_1118, %parallel_loop3A_1119] {strides = array<i32>} : memref<1536x64xf32, #tpu.memory_space<vmem>>, vector<1x16xf32>,
        %parallel_loop3A_1121 = vector.shape_cast %parallel_loop3A_1120 : vector<1x16xf32> to vector<16xf32>
        %parallel_loop3A_1122 = vector.broadcast %parallel_loop3A_1115 : f32 to vector<16xf32>
        %parallel_loop3A_1123 = arith.mulf %parallel_loop3A_1121, %parallel_loop3A_1122 : vector<16xf32>
        %parallel_loop3A_1124 = arith.addf %parallel_loop3A_1082, %parallel_loop3A_1123 : vector<16xf32>
        %parallel_loop3A_1125 = arith.maximumf %parallel_loop3A_1083, %parallel_loop3A_1123 : vector<16xf32>
        %parallel_loop3A_1126 = arith.constant 15 : i32
        %parallel_loop3A_1127 = arith.addi %parallel_loop3A_467, %parallel_loop3A_1126 : i32
        %parallel_loop3A_1128 = arith.index_cast %parallel_loop3A_1127 : i32 to index
        %parallel_loop3A_1129 = arith.constant 16 : index
        %parallel_loop3A_1130 = tpu.vector_load %arg9[%parallel_loop3A_1128, %parallel_loop3A_1129] {strides = array<i32>} : memref<1536x64xf32, #tpu.memory_space<vmem>>, vector<1x16xf32>,
        %parallel_loop3A_1131 = vector.shape_cast %parallel_loop3A_1130 : vector<1x16xf32> to vector<16xf32>
        %parallel_loop3A_1132 = vector.broadcast %parallel_loop3A_1115 : f32 to vector<16xf32>
        %parallel_loop3A_1133 = arith.mulf %parallel_loop3A_1131, %parallel_loop3A_1132 : vector<16xf32>
        %parallel_loop3A_1134 = arith.addf %parallel_loop3A_1092, %parallel_loop3A_1133 : vector<16xf32>
        %parallel_loop3A_1135 = arith.maximumf %parallel_loop3A_1093, %parallel_loop3A_1133 : vector<16xf32>
        %parallel_loop3A_1136 = arith.constant 15 : i32
        %parallel_loop3A_1137 = arith.addi %parallel_loop3A_467, %parallel_loop3A_1136 : i32
        %parallel_loop3A_1138 = arith.index_cast %parallel_loop3A_1137 : i32 to index
        %parallel_loop3A_1139 = arith.constant 32 : index
        %parallel_loop3A_1140 = tpu.vector_load %arg9[%parallel_loop3A_1138, %parallel_loop3A_1139] {strides = array<i32>} : memref<1536x64xf32, #tpu.memory_space<vmem>>, vector<1x16xf32>,
        %parallel_loop3A_1141 = vector.shape_cast %parallel_loop3A_1140 : vector<1x16xf32> to vector<16xf32>
        %parallel_loop3A_1142 = vector.broadcast %parallel_loop3A_1115 : f32 to vector<16xf32>
        %parallel_loop3A_1143 = arith.mulf %parallel_loop3A_1141, %parallel_loop3A_1142 : vector<16xf32>
        %parallel_loop3A_1144 = arith.addf %parallel_loop3A_1102, %parallel_loop3A_1143 : vector<16xf32>
        %parallel_loop3A_1145 = arith.maximumf %parallel_loop3A_1103, %parallel_loop3A_1143 : vector<16xf32>
        %parallel_loop3A_1146 = arith.constant 15 : i32
        %parallel_loop3A_1147 = arith.addi %parallel_loop3A_467, %parallel_loop3A_1146 : i32
        %parallel_loop3A_1148 = arith.index_cast %parallel_loop3A_1147 : i32 to index
        %parallel_loop3A_1149 = arith.constant 48 : index
        %parallel_loop3A_1150 = tpu.vector_load %arg9[%parallel_loop3A_1148, %parallel_loop3A_1149] {strides = array<i32>} : memref<1536x64xf32, #tpu.memory_space<vmem>>, vector<1x16xf32>,
        %parallel_loop3A_1151 = vector.shape_cast %parallel_loop3A_1150 : vector<1x16xf32> to vector<16xf32>
        %parallel_loop3A_1152 = vector.broadcast %parallel_loop3A_1115 : f32 to vector<16xf32>
        %parallel_loop3A_1153 = arith.mulf %parallel_loop3A_1151, %parallel_loop3A_1152 : vector<16xf32>
        %parallel_loop3A_1154 = arith.addf %parallel_loop3A_1112, %parallel_loop3A_1153 : vector<16xf32>
        %parallel_loop3A_1155 = arith.maximumf %parallel_loop3A_1113, %parallel_loop3A_1153 : vector<16xf32>
        %parallel_loop3A_1156 = arith.addi %mul3A_391, %parallel_loop3A_454 : i32
        %parallel_loop3A_1157 = arith.index_cast %parallel_loop3A_1156 : i32 to index
        %parallel_loop3A_1158 = arith.constant 0 : index
        %parallel_loop3A_1159 = tpu.vector_load %arg8[%parallel_loop3A_1157, %parallel_loop3A_1158] {strides = array<i32>} : memref<128x64xf32, #tpu.memory_space<vmem>>, vector<1x16xf32>,
        %parallel_loop3A_1160 = vector.shape_cast %parallel_loop3A_1159 : vector<1x16xf32> to vector<16xf32>
        %parallel_loop3A_1161 = arith.constant 6.250000e-02 : f32
        %parallel_loop3A_1162 = vector.broadcast %parallel_loop3A_1161 : f32 to vector<16xf32>
        %parallel_loop3A_1163 = arith.mulf %parallel_loop3A_1124, %parallel_loop3A_1162 : vector<16xf32>
        %parallel_loop3A_1164 = arith.subf %parallel_loop3A_1163, %parallel_loop3A_1160 : vector<16xf32>
        %parallel_loop3A_1165 = arith.addi %mul3A_409, %parallel_loop3A_454 : i32
        %parallel_loop3A_1166 = arith.index_cast %parallel_loop3A_1165 : i32 to index
        %parallel_loop3A_1167 = arith.constant 0 : index
        %parallel_loop3A_1168 = tpu.vector_load %arg10[%parallel_loop3A_1166, %parallel_loop3A_1167] {strides = array<i32>} : memref<64x128xf32, #tpu.memory_space<vmem>>, vector<1x16xf32>,
        %parallel_loop3A_1169 = vector.shape_cast %parallel_loop3A_1168 : vector<1x16xf32> to vector<16xf32>
        %parallel_loop3A_1170 = vector.shape_cast %parallel_loop3A_1164 : vector<16xf32> to vector<1x16xf32>
        tpu.vector_store %arg10[%parallel_loop3A_1166, %parallel_loop3A_1167], %parallel_loop3A_1170 {strides = array<i32>} : memref<64x128xf32, #tpu.memory_space<vmem>>, vector<1x16xf32>,
        %parallel_loop3A_1171 = arith.subf %parallel_loop3A_1125, %parallel_loop3A_1160 : vector<16xf32>
        %parallel_loop3A_1172 = arith.addi %mul3A_409, %parallel_loop3A_454 : i32
        %parallel_loop3A_1173 = arith.index_cast %parallel_loop3A_1172 : i32 to index
        %parallel_loop3A_1174 = arith.constant 64 : index
        %parallel_loop3A_1175 = tpu.vector_load %arg10[%parallel_loop3A_1173, %parallel_loop3A_1174] {strides = array<i32>} : memref<64x128xf32, #tpu.memory_space<vmem>>, vector<1x16xf32>,
        %parallel_loop3A_1176 = vector.shape_cast %parallel_loop3A_1175 : vector<1x16xf32> to vector<16xf32>
        %parallel_loop3A_1177 = vector.shape_cast %parallel_loop3A_1171 : vector<16xf32> to vector<1x16xf32>
        tpu.vector_store %arg10[%parallel_loop3A_1173, %parallel_loop3A_1174], %parallel_loop3A_1177 {strides = array<i32>} : memref<64x128xf32, #tpu.memory_space<vmem>>, vector<1x16xf32>,
        %parallel_loop3A_1178 = arith.addi %mul3A_391, %parallel_loop3A_454 : i32
        %parallel_loop3A_1179 = arith.index_cast %parallel_loop3A_1178 : i32 to index
        %parallel_loop3A_1180 = arith.constant 16 : index
        %parallel_loop3A_1181 = tpu.vector_load %arg8[%parallel_loop3A_1179, %parallel_loop3A_1180] {strides = array<i32>} : memref<128x64xf32, #tpu.memory_space<vmem>>, vector<1x16xf32>,
        %parallel_loop3A_1182 = vector.shape_cast %parallel_loop3A_1181 : vector<1x16xf32> to vector<16xf32>
        %parallel_loop3A_1183 = arith.constant 6.250000e-02 : f32
        %parallel_loop3A_1184 = vector.broadcast %parallel_loop3A_1183 : f32 to vector<16xf32>
        %parallel_loop3A_1185 = arith.mulf %parallel_loop3A_1134, %parallel_loop3A_1184 : vector<16xf32>
        %parallel_loop3A_1186 = arith.subf %parallel_loop3A_1185, %parallel_loop3A_1182 : vector<16xf32>
        %parallel_loop3A_1187 = arith.addi %mul3A_409, %parallel_loop3A_454 : i32
        %parallel_loop3A_1188 = arith.index_cast %parallel_loop3A_1187 : i32 to index
        %parallel_loop3A_1189 = arith.constant 16 : index
        %parallel_loop3A_1190 = tpu.vector_load %arg10[%parallel_loop3A_1188, %parallel_loop3A_1189] {strides = array<i32>} : memref<64x128xf32, #tpu.memory_space<vmem>>, vector<1x16xf32>,
        %parallel_loop3A_1191 = vector.shape_cast %parallel_loop3A_1190 : vector<1x16xf32> to vector<16xf32>
        %parallel_loop3A_1192 = vector.shape_cast %parallel_loop3A_1186 : vector<16xf32> to vector<1x16xf32>
        tpu.vector_store %arg10[%parallel_loop3A_1188, %parallel_loop3A_1189], %parallel_loop3A_1192 {strides = array<i32>} : memref<64x128xf32, #tpu.memory_space<vmem>>, vector<1x16xf32>,
        %parallel_loop3A_1193 = arith.subf %parallel_loop3A_1135, %parallel_loop3A_1182 : vector<16xf32>
        %parallel_loop3A_1194 = arith.addi %mul3A_409, %parallel_loop3A_454 : i32
        %parallel_loop3A_1195 = arith.index_cast %parallel_loop3A_1194 : i32 to index
        %parallel_loop3A_1196 = arith.constant 80 : index
        %parallel_loop3A_1197 = tpu.vector_load %arg10[%parallel_loop3A_1195, %parallel_loop3A_1196] {strides = array<i32>} : memref<64x128xf32, #tpu.memory_space<vmem>>, vector<1x16xf32>,
        %parallel_loop3A_1198 = vector.shape_cast %parallel_loop3A_1197 : vector<1x16xf32> to vector<16xf32>
        %parallel_loop3A_1199 = vector.shape_cast %parallel_loop3A_1193 : vector<16xf32> to vector<1x16xf32>
        tpu.vector_store %arg10[%parallel_loop3A_1195, %parallel_loop3A_1196], %parallel_loop3A_1199 {strides = array<i32>} : memref<64x128xf32, #tpu.memory_space<vmem>>, vector<1x16xf32>,
        %parallel_loop3A_1200 = arith.addi %mul3A_391, %parallel_loop3A_454 : i32
        %parallel_loop3A_1201 = arith.index_cast %parallel_loop3A_1200 : i32 to index
        %parallel_loop3A_1202 = arith.constant 32 : index
        %parallel_loop3A_1203 = tpu.vector_load %arg8[%parallel_loop3A_1201, %parallel_loop3A_1202] {strides = array<i32>} : memref<128x64xf32, #tpu.memory_space<vmem>>, vector<1x16xf32>,
        %parallel_loop3A_1204 = vector.shape_cast %parallel_loop3A_1203 : vector<1x16xf32> to vector<16xf32>
        %parallel_loop3A_1205 = arith.constant 6.250000e-02 : f32
        %parallel_loop3A_1206 = vector.broadcast %parallel_loop3A_1205 : f32 to vector<16xf32>
        %parallel_loop3A_1207 = arith.mulf %parallel_loop3A_1144, %parallel_loop3A_1206 : vector<16xf32>
        %parallel_loop3A_1208 = arith.subf %parallel_loop3A_1207, %parallel_loop3A_1204 : vector<16xf32>
        %parallel_loop3A_1209 = arith.addi %mul3A_409, %parallel_loop3A_454 : i32
        %parallel_loop3A_1210 = arith.index_cast %parallel_loop3A_1209 : i32 to index
        %parallel_loop3A_1211 = arith.constant 32 : index
        %parallel_loop3A_1212 = tpu.vector_load %arg10[%parallel_loop3A_1210, %parallel_loop3A_1211] {strides = array<i32>} : memref<64x128xf32, #tpu.memory_space<vmem>>, vector<1x16xf32>,
        %parallel_loop3A_1213 = vector.shape_cast %parallel_loop3A_1212 : vector<1x16xf32> to vector<16xf32>
        %parallel_loop3A_1214 = vector.shape_cast %parallel_loop3A_1208 : vector<16xf32> to vector<1x16xf32>
        tpu.vector_store %arg10[%parallel_loop3A_1210, %parallel_loop3A_1211], %parallel_loop3A_1214 {strides = array<i32>} : memref<64x128xf32, #tpu.memory_space<vmem>>, vector<1x16xf32>,
        %parallel_loop3A_1215 = arith.subf %parallel_loop3A_1145, %parallel_loop3A_1204 : vector<16xf32>
        %parallel_loop3A_1216 = arith.addi %mul3A_409, %parallel_loop3A_454 : i32
        %parallel_loop3A_1217 = arith.index_cast %parallel_loop3A_1216 : i32 to index
        %parallel_loop3A_1218 = arith.constant 96 : index
        %parallel_loop3A_1219 = tpu.vector_load %arg10[%parallel_loop3A_1217, %parallel_loop3A_1218] {strides = array<i32>} : memref<64x128xf32, #tpu.memory_space<vmem>>, vector<1x16xf32>,
        %parallel_loop3A_1220 = vector.shape_cast %parallel_loop3A_1219 : vector<1x16xf32> to vector<16xf32>
        %parallel_loop3A_1221 = vector.shape_cast %parallel_loop3A_1215 : vector<16xf32> to vector<1x16xf32>
        tpu.vector_store %arg10[%parallel_loop3A_1217, %parallel_loop3A_1218], %parallel_loop3A_1221 {strides = array<i32>} : memref<64x128xf32, #tpu.memory_space<vmem>>, vector<1x16xf32>,
        %parallel_loop3A_1222 = arith.addi %mul3A_391, %parallel_loop3A_454 : i32
        %parallel_loop3A_1223 = arith.index_cast %parallel_loop3A_1222 : i32 to index
        %parallel_loop3A_1224 = arith.constant 48 : index
        %parallel_loop3A_1225 = tpu.vector_load %arg8[%parallel_loop3A_1223, %parallel_loop3A_1224] {strides = array<i32>} : memref<128x64xf32, #tpu.memory_space<vmem>>, vector<1x16xf32>,
        %parallel_loop3A_1226 = vector.shape_cast %parallel_loop3A_1225 : vector<1x16xf32> to vector<16xf32>
        %parallel_loop3A_1227 = arith.constant 6.250000e-02 : f32
        %parallel_loop3A_1228 = vector.broadcast %parallel_loop3A_1227 : f32 to vector<16xf32>
        %parallel_loop3A_1229 = arith.mulf %parallel_loop3A_1154, %parallel_loop3A_1228 : vector<16xf32>
        %parallel_loop3A_1230 = arith.subf %parallel_loop3A_1229, %parallel_loop3A_1226 : vector<16xf32>
        %parallel_loop3A_1231 = arith.addi %mul3A_409, %parallel_loop3A_454 : i32
        %parallel_loop3A_1232 = arith.index_cast %parallel_loop3A_1231 : i32 to index
        %parallel_loop3A_1233 = arith.constant 48 : index
        %parallel_loop3A_1234 = tpu.vector_load %arg10[%parallel_loop3A_1232, %parallel_loop3A_1233] {strides = array<i32>} : memref<64x128xf32, #tpu.memory_space<vmem>>, vector<1x16xf32>,
        %parallel_loop3A_1235 = vector.shape_cast %parallel_loop3A_1234 : vector<1x16xf32> to vector<16xf32>
        %parallel_loop3A_1236 = vector.shape_cast %parallel_loop3A_1230 : vector<16xf32> to vector<1x16xf32>
        tpu.vector_store %arg10[%parallel_loop3A_1232, %parallel_loop3A_1233], %parallel_loop3A_1236 {strides = array<i32>} : memref<64x128xf32, #tpu.memory_space<vmem>>, vector<1x16xf32>,
        %parallel_loop3A_1237 = arith.subf %parallel_loop3A_1155, %parallel_loop3A_1226 : vector<16xf32>
        %parallel_loop3A_1238 = arith.addi %mul3A_409, %parallel_loop3A_454 : i32
        %parallel_loop3A_1239 = arith.index_cast %parallel_loop3A_1238 : i32 to index
        %parallel_loop3A_1240 = arith.constant 112 : index
        %parallel_loop3A_1241 = tpu.vector_load %arg10[%parallel_loop3A_1239, %parallel_loop3A_1240] {strides = array<i32>} : memref<64x128xf32, #tpu.memory_space<vmem>>, vector<1x16xf32>,
        %parallel_loop3A_1242 = vector.shape_cast %parallel_loop3A_1241 : vector<1x16xf32> to vector<16xf32>
        %parallel_loop3A_1243 = vector.shape_cast %parallel_loop3A_1237 : vector<16xf32> to vector<1x16xf32>
        tpu.vector_store %arg10[%parallel_loop3A_1239, %parallel_loop3A_1240], %parallel_loop3A_1243 {strides = array<i32>} : memref<64x128xf32, #tpu.memory_space<vmem>>, vector<1x16xf32>,
      } {sc.loop_unroll_factor = 1 : i64, sc.parallel_access}
      %jit3A_412 = arith.constant 2 : i32
      %eq3A_413 = arith.constant 0 : i32
      %eq3A_414 = arith.cmpi eq, %jit3A_412, %eq3A_413 : i32
      %jit3A_415 = arith.constant 1 : i32
      %select_n3A_416 = arith.select %eq3A_414, %jit3A_415, %jit3A_412 : i32
      %rem3A_417 = arith.remsi %scan3A_247, %select_n3A_416 : i32
      %ne3A_418 = arith.constant 0 : i32
      %ne3A_419 = arith.cmpi ne, %rem3A_417, %ne3A_418 : i32
      %lt3A_420 = arith.constant 0 : i32
      %lt3A_421 = arith.cmpi slt, %rem3A_417, %lt3A_420 : i32
      %lt3A_422 = arith.constant 0 : i32
      %lt3A_423 = arith.cmpi slt, %select_n3A_416, %lt3A_422 : i32
      %ne3A_424 = arith.xori %lt3A_421, %lt3A_423 : i1
      %and3A_425 = arith.andi %ne3A_424, %ne3A_419 : i1
      %add3A_426 = arith.addi %rem3A_417, %select_n3A_416 : i32
      %select_n3A_427 = arith.select %and3A_425, %add3A_426, %rem3A_417 : i32
      %eq3A_428 = arith.constant 0 : i32
      %eq3A_429 = arith.cmpi eq, %select_n3A_427, %eq3A_428 : i32
      %convert_element_type3A_430 = arith.extui %eq3A_429 : i1 to i32
      %cond3A_431 = arith.constant 0 : i32
      %cond3A_432 = arith.cmpi ne, %convert_element_type3A_430, %cond3A_431 : i32
      scf.if %cond3A_432 {
        %mul3A_454 = arith.constant 32 : i32
        %mul3A_455 = arith.muli %scan3A_247, %mul3A_454 : i32
        %add3A_456 = arith.addi %mul3A_2, %mul3A_455 : i32
        %min3A_457 = arith.constant 49968 : i32
        %min3A_458 = arith.minsi %add3A_456, %min3A_457 : i32
        %dma_start3A_459 = arith.constant 0 : i32
        %dma_start3A_460 = arith.constant 0 : i32
        %dma_start3A_461 = tpu.memref_slice %arg10[%dma_start3A_459, %dma_start3A_460] : memref<64x128xf32, #tpu.memory_space<vmem>> -> memref<32x128xf32, #tpu.memory_space<vmem>>
        %dma_start3A_462 = arith.constant 0 : i32
        %dma_start3A_463 = tpu.memref_slice %arg5[%min3A_458, %dma_start3A_462] : memref<50000x128xf32, #tpu.memory_space<hbm>> -> memref<32x128xf32, #tpu.memory_space<hbm>>
        %dma_start3A_464 = arith.constant 0 : i32
        %dma_start3A_465 = tpu.memref_slice %arg5[%min3A_458, %dma_start3A_464] : memref<50000x128xf32, #tpu.memory_space<hbm>> -> memref<32x128xf32, #tpu.memory_space<hbm>>
        %dma_start3A_466 = arith.constant 0 : i32
        %dma_start3A_467 = arith.constant 0 : i32
        %dma_start3A_468 = tpu.memref_slice %arg10[%dma_start3A_466, %dma_start3A_467] : memref<64x128xf32, #tpu.memory_space<vmem>> -> memref<32x128xf32, #tpu.memory_space<vmem>>
        tpu.enqueue_dma source(%dma_start3A_468 : memref<32x128xf32, #tpu.memory_space<vmem>>) target(%dma_start3A_465 : memref<32x128xf32, #tpu.memory_space<hbm>>) target_semaphore(%arg14 : memref<!tpu.dma_semaphore, #tpu.memory_space<semaphore_mem>>)
      } else {
      }
      %jit3A_433 = arith.constant 2 : i32
      %eq3A_434 = arith.constant 0 : i32
      %eq3A_435 = arith.cmpi eq, %jit3A_433, %eq3A_434 : i32
      %jit3A_436 = arith.constant 1 : i32
      %select_n3A_437 = arith.select %eq3A_435, %jit3A_436, %jit3A_433 : i32
      %rem3A_438 = arith.remsi %scan3A_247, %select_n3A_437 : i32
      %ne3A_439 = arith.constant 0 : i32
      %ne3A_440 = arith.cmpi ne, %rem3A_438, %ne3A_439 : i32
      %lt3A_441 = arith.constant 0 : i32
      %lt3A_442 = arith.cmpi slt, %rem3A_438, %lt3A_441 : i32
      %lt3A_443 = arith.constant 0 : i32
      %lt3A_444 = arith.cmpi slt, %select_n3A_437, %lt3A_443 : i32
      %ne3A_445 = arith.xori %lt3A_442, %lt3A_444 : i1
      %and3A_446 = arith.andi %ne3A_445, %ne3A_440 : i1
      %add3A_447 = arith.addi %rem3A_438, %select_n3A_437 : i32
      %select_n3A_448 = arith.select %and3A_446, %add3A_447, %rem3A_438 : i32
      %eq3A_449 = arith.constant 1 : i32
      %eq3A_450 = arith.cmpi eq, %select_n3A_448, %eq3A_449 : i32
      %convert_element_type3A_451 = arith.extui %eq3A_450 : i1 to i32
      %cond3A_452 = arith.constant 0 : i32
      %cond3A_453 = arith.cmpi ne, %convert_element_type3A_451, %cond3A_452 : i32
      scf.if %cond3A_453 {
        %mul3A_454 = arith.constant 32 : i32
        %mul3A_455 = arith.muli %scan3A_247, %mul3A_454 : i32
        %add3A_456 = arith.addi %mul3A_2, %mul3A_455 : i32
        %min3A_457 = arith.constant 49968 : i32
        %min3A_458 = arith.minsi %add3A_456, %min3A_457 : i32
        %dma_start3A_459 = arith.constant 32 : i32
        %dma_start3A_460 = arith.constant 0 : i32
        %dma_start3A_461 = tpu.memref_slice %arg10[%dma_start3A_459, %dma_start3A_460] : memref<64x128xf32, #tpu.memory_space<vmem>> -> memref<32x128xf32, #tpu.memory_space<vmem>>
        %dma_start3A_462 = arith.constant 0 : i32
        %dma_start3A_463 = tpu.memref_slice %arg5[%min3A_458, %dma_start3A_462] : memref<50000x128xf32, #tpu.memory_space<hbm>> -> memref<32x128xf32, #tpu.memory_space<hbm>>
        %dma_start3A_464 = arith.constant 0 : i32
        %dma_start3A_465 = tpu.memref_slice %arg5[%min3A_458, %dma_start3A_464] : memref<50000x128xf32, #tpu.memory_space<hbm>> -> memref<32x128xf32, #tpu.memory_space<hbm>>
        %dma_start3A_466 = arith.constant 32 : i32
        %dma_start3A_467 = arith.constant 0 : i32
        %dma_start3A_468 = tpu.memref_slice %arg10[%dma_start3A_466, %dma_start3A_467] : memref<64x128xf32, #tpu.memory_space<vmem>> -> memref<32x128xf32, #tpu.memory_space<vmem>>
        tpu.enqueue_dma source(%dma_start3A_468 : memref<32x128xf32, #tpu.memory_space<vmem>>) target(%dma_start3A_465 : memref<32x128xf32, #tpu.memory_space<hbm>>) target_semaphore(%arg15 : memref<!tpu.dma_semaphore, #tpu.memory_space<semaphore_mem>>)
      } else {
      }
    }
    %scan3A_218 = arith.constant 98 : i32
    %add3A_219 = arith.constant 3072 : i32
    %add3A_220 = arith.addi %mul3A_2, %add3A_219 : i32
    %min3A_221 = arith.constant 49968 : i32
    %min3A_222 = arith.minsi %add3A_220, %min3A_221 : i32
    %dma_wait3A_223 = arith.constant 0 : i32
    %dma_wait3A_224 = arith.constant 0 : i32
    %dma_wait3A_225 = tpu.memref_slice %arg10[%dma_wait3A_223, %dma_wait3A_224] : memref<64x128xf32, #tpu.memory_space<vmem>> -> memref<32x128xf32, #tpu.memory_space<vmem>>
    %dma_wait3A_226 = arith.constant 0 : i32
    %dma_wait3A_227 = tpu.memref_slice %arg5[%min3A_222, %dma_wait3A_226] : memref<50000x128xf32, #tpu.memory_space<hbm>> -> memref<32x128xf32, #tpu.memory_space<hbm>>
    %dma_wait3A_228 = arith.constant 0 : i32
    %dma_wait3A_229 = tpu.memref_slice %arg5[%min3A_222, %dma_wait3A_228] : memref<50000x128xf32, #tpu.memory_space<hbm>> -> memref<32x128xf32, #tpu.memory_space<hbm>>
    %dma_wait3A_230 = arith.constant 0 : i32
    %dma_wait3A_231 = arith.constant 0 : i32
    %dma_wait3A_232 = tpu.memref_slice %arg10[%dma_wait3A_230, %dma_wait3A_231] : memref<64x128xf32, #tpu.memory_space<vmem>> -> memref<32x128xf32, #tpu.memory_space<vmem>>
    tpu.wait_dma2 semaphore(%arg14 : memref<!tpu.dma_semaphore, #tpu.memory_space<semaphore_mem>>) src(%dma_wait3A_232 : memref<32x128xf32, #tpu.memory_space<vmem>>) dst(%dma_wait3A_229 : memref<32x128xf32, #tpu.memory_space<hbm>>)
    %add3A_233 = arith.constant 3104 : i32
    %add3A_234 = arith.addi %mul3A_2, %add3A_233 : i32
    %min3A_235 = arith.constant 49968 : i32
    %min3A_236 = arith.minsi %add3A_234, %min3A_235 : i32
    %dma_wait3A_237 = arith.constant 32 : i32
    %dma_wait3A_238 = arith.constant 0 : i32
    %dma_wait3A_239 = tpu.memref_slice %arg10[%dma_wait3A_237, %dma_wait3A_238] : memref<64x128xf32, #tpu.memory_space<vmem>> -> memref<32x128xf32, #tpu.memory_space<vmem>>
    %dma_wait3A_240 = arith.constant 0 : i32
    %dma_wait3A_241 = tpu.memref_slice %arg5[%min3A_236, %dma_wait3A_240] : memref<50000x128xf32, #tpu.memory_space<hbm>> -> memref<32x128xf32, #tpu.memory_space<hbm>>
    %dma_wait3A_242 = arith.constant 0 : i32
    %dma_wait3A_243 = tpu.memref_slice %arg5[%min3A_236, %dma_wait3A_242] : memref<50000x128xf32, #tpu.memory_space<hbm>> -> memref<32x128xf32, #tpu.memory_space<hbm>>
    %dma_wait3A_244 = arith.constant 32 : i32
    %dma_wait3A_245 = arith.constant 0 : i32
    %dma_wait3A_246 = tpu.memref_slice %arg10[%dma_wait3A_244, %dma_wait3A_245] : memref<64x128xf32, #tpu.memory_space<vmem>> -> memref<32x128xf32, #tpu.memory_space<vmem>>
    tpu.wait_dma2 semaphore(%arg15 : memref<!tpu.dma_semaphore, #tpu.memory_space<semaphore_mem>>) src(%dma_wait3A_246 : memref<32x128xf32, #tpu.memory_space<vmem>>) dst(%dma_wait3A_243 : memref<32x128xf32, #tpu.memory_space<hbm>>)
    return
  }
}

#map = affine_map<(d0, d1) -> (0, 0)>
#map1 = affine_map<(d0, d1) -> (0)>
module attributes {stable_mosaic.version = 14 : i64} {
  func.func @acc(%arg0: i32, %arg1: i32, %arg2: memref<50000x64xf32, #tpu.memory_space<hbm>>, %arg3: memref<800000xi32, #tpu.memory_space<hbm>>, %arg4: memref<800000xf32, #tpu.memory_space<hbm>>, %arg5: memref<50000x128xf32, #tpu.memory_space<hbm>>, %arg6: memref<2048xi32, #tpu.memory_space<vmem>>, %arg7: memref<2048xf32, #tpu.memory_space<vmem>>, %arg8: memref<128x64xf32, #tpu.memory_space<vmem>>, %arg9: memref<1536x64xf32, #tpu.memory_space<vmem>>, %arg10: memref<64x128xf32, #tpu.memory_space<vmem>>, %arg11: memref<!tpu.dma_semaphore, #tpu.memory_space<semaphore_mem>>, %arg12: memref<!tpu.dma_semaphore, #tpu.memory_space<semaphore_mem>>, %arg13: memref<!tpu.dma_semaphore, #tpu.memory_space<semaphore_mem>>, %arg14: memref<!tpu.dma_semaphore, #tpu.memory_space<semaphore_mem>>, %arg15: memref<!tpu.dma_semaphore, #tpu.memory_space<semaphore_mem>>) attributes {dimension_semantics = [#tpu.dimension_semantics<core_parallel>, #tpu.dimension_semantics<subcore_parallel>], iteration_bounds = array<i64: 1, 16>, scalar_prefetch = 0 : i64, scratch_operands = 10 : i64, tpu.core_type = #tpu.core_type<sc_vector_subcore>, window_params = [{transform_indices = #map}, {transform_indices = #map1}, {transform_indices = #map1}, {transform_indices = #map}]} {
    %mul3A = arith.constant 1 : i32
    %mul3A_0 = arith.muli %arg1, %mul3A : i32
    %add3A = arith.addi %mul3A_0, %arg0 : i32
    %mul3A_1 = arith.constant 3136 : i32
    %mul3A_2 = arith.muli %add3A, %mul3A_1 : i32
    %add3A_3 = arith.constant 0 : i32
    %add3A_4 = arith.addi %mul3A_2, %add3A_3 : i32
    %min3A = arith.constant 49968 : i32
    %min3A_5 = arith.minsi %add3A_4, %min3A : i32
    %mul3A_6 = arith.constant 16 : i32
    %mul3A_7 = arith.muli %min3A_5, %mul3A_6 : i32
    %mul3A_8 = arith.constant 16 : i32
    %mul3A_9 = arith.muli %min3A_5, %mul3A_8 : i32
    %dma_start3A = arith.constant 0 : i32
    %dma_start3A_10 = tpu.memref_slice %arg6[%dma_start3A] : memref<2048xi32, #tpu.memory_space<vmem>> -> memref<512xi32, #tpu.memory_space<vmem>>
    %dma_start3A_11 = tpu.memref_slice %arg3[%mul3A_7] : memref<800000xi32, #tpu.memory_space<hbm>> -> memref<512xi32, #tpu.memory_space<hbm>>
    %dma_start3A_12 = arith.constant 0 : i32
    %dma_start3A_13 = tpu.memref_slice %arg6[%dma_start3A_12] : memref<2048xi32, #tpu.memory_space<vmem>> -> memref<512xi32, #tpu.memory_space<vmem>>
    %dma_start3A_14 = tpu.memref_slice %arg3[%mul3A_7] : memref<800000xi32, #tpu.memory_space<hbm>> -> memref<512xi32, #tpu.memory_space<hbm>>
    tpu.enqueue_dma source(%dma_start3A_14 : memref<512xi32, #tpu.memory_space<hbm>>) target(%dma_start3A_13 : memref<512xi32, #tpu.memory_space<vmem>>) target_semaphore(%arg11 : memref<!tpu.dma_semaphore, #tpu.memory_space<semaphore_mem>>)
    %dma_start3A_15 = arith.constant 0 : i32
    %dma_start3A_16 = tpu.memref_slice %arg7[%dma_start3A_15] : memref<2048xf32, #tpu.memory_space<vmem>> -> memref<512xf32, #tpu.memory_space<vmem>>
    %dma_start3A_17 = tpu.memref_slice %arg4[%mul3A_9] : memref<800000xf32, #tpu.memory_space<hbm>> -> memref<512xf32, #tpu.memory_space<hbm>>
    %dma_start3A_18 = arith.constant 0 : i32
    %dma_start3A_19 = tpu.memref_slice %arg7[%dma_start3A_18] : memref<2048xf32, #tpu.memory_space<vmem>> -> memref<512xf32, #tpu.memory_space<vmem>>
    %dma_start3A_20 = tpu.memref_slice %arg4[%mul3A_9] : memref<800000xf32, #tpu.memory_space<hbm>> -> memref<512xf32, #tpu.memory_space<hbm>>
    tpu.enqueue_dma source(%dma_start3A_20 : memref<512xf32, #tpu.memory_space<hbm>>) target(%dma_start3A_19 : memref<512xf32, #tpu.memory_space<vmem>>) target_semaphore(%arg11 : memref<!tpu.dma_semaphore, #tpu.memory_space<semaphore_mem>>)
    %dma_start3A_21 = arith.constant 0 : i32
    %dma_start3A_22 = arith.constant 0 : i32
    %dma_start3A_23 = tpu.memref_slice %arg8[%dma_start3A_21, %dma_start3A_22] : memref<128x64xf32, #tpu.memory_space<vmem>> -> memref<32x64xf32, #tpu.memory_space<vmem>>
    %dma_start3A_24 = arith.constant 0 : i32
    %dma_start3A_25 = tpu.memref_slice %arg2[%min3A_5, %dma_start3A_24] : memref<50000x64xf32, #tpu.memory_space<hbm>> -> memref<32x64xf32, #tpu.memory_space<hbm>>
    %dma_start3A_26 = arith.constant 0 : i32
    %dma_start3A_27 = arith.constant 0 : i32
    %dma_start3A_28 = tpu.memref_slice %arg8[%dma_start3A_26, %dma_start3A_27] : memref<128x64xf32, #tpu.memory_space<vmem>> -> memref<32x64xf32, #tpu.memory_space<vmem>>
    %dma_start3A_29 = arith.constant 0 : i32
    %dma_start3A_30 = tpu.memref_slice %arg2[%min3A_5, %dma_start3A_29] : memref<50000x64xf32, #tpu.memory_space<hbm>> -> memref<32x64xf32, #tpu.memory_space<hbm>>
    tpu.enqueue_dma source(%dma_start3A_30 : memref<32x64xf32, #tpu.memory_space<hbm>>) target(%dma_start3A_28 : memref<32x64xf32, #tpu.memory_space<vmem>>) target_semaphore(%arg11 : memref<!tpu.dma_semaphore, #tpu.memory_space<semaphore_mem>>)
    %add3A_31 = arith.constant 0 : i32
    %add3A_32 = arith.addi %mul3A_2, %add3A_31 : i32
    %min3A_33 = arith.constant 49968 : i32
    %min3A_34 = arith.minsi %add3A_32, %min3A_33 : i32
    %mul3A_35 = arith.constant 16 : i32
    %mul3A_36 = arith.muli %min3A_34, %mul3A_35 : i32
    %mul3A_37 = arith.constant 16 : i32
    %mul3A_38 = arith.muli %min3A_34, %mul3A_37 : i32
    %dma_wait3A = arith.constant 0 : i32
    %dma_wait3A_39 = tpu.memref_slice %arg6[%dma_wait3A] : memref<2048xi32, #tpu.memory_space<vmem>> -> memref<512xi32, #tpu.memory_space<vmem>>
    %dma_wait3A_40 = tpu.memref_slice %arg3[%mul3A_36] : memref<800000xi32, #tpu.memory_space<hbm>> -> memref<512xi32, #tpu.memory_space<hbm>>
    %dma_wait3A_41 = arith.constant 0 : i32
    %dma_wait3A_42 = tpu.memref_slice %arg6[%dma_wait3A_41] : memref<2048xi32, #tpu.memory_space<vmem>> -> memref<512xi32, #tpu.memory_space<vmem>>
    %dma_wait3A_43 = tpu.memref_slice %arg3[%mul3A_36] : memref<800000xi32, #tpu.memory_space<hbm>> -> memref<512xi32, #tpu.memory_space<hbm>>
    tpu.wait_dma2 semaphore(%arg11 : memref<!tpu.dma_semaphore, #tpu.memory_space<semaphore_mem>>) src(%dma_wait3A_43 : memref<512xi32, #tpu.memory_space<hbm>>) dst(%dma_wait3A_42 : memref<512xi32, #tpu.memory_space<vmem>>)
    %dma_wait3A_44 = arith.constant 0 : i32
    %dma_wait3A_45 = tpu.memref_slice %arg7[%dma_wait3A_44] : memref<2048xf32, #tpu.memory_space<vmem>> -> memref<512xf32, #tpu.memory_space<vmem>>
    %dma_wait3A_46 = tpu.memref_slice %arg4[%mul3A_38] : memref<800000xf32, #tpu.memory_space<hbm>> -> memref<512xf32, #tpu.memory_space<hbm>>
    %dma_wait3A_47 = arith.constant 0 : i32
    %dma_wait3A_48 = tpu.memref_slice %arg7[%dma_wait3A_47] : memref<2048xf32, #tpu.memory_space<vmem>> -> memref<512xf32, #tpu.memory_space<vmem>>
    %dma_wait3A_49 = tpu.memref_slice %arg4[%mul3A_38] : memref<800000xf32, #tpu.memory_space<hbm>> -> memref<512xf32, #tpu.memory_space<hbm>>
    tpu.wait_dma2 semaphore(%arg11 : memref<!tpu.dma_semaphore, #tpu.memory_space<semaphore_mem>>) src(%dma_wait3A_49 : memref<512xf32, #tpu.memory_space<hbm>>) dst(%dma_wait3A_48 : memref<512xf32, #tpu.memory_space<vmem>>)
    %dma_wait3A_50 = arith.constant 0 : i32
    %dma_wait3A_51 = arith.constant 0 : i32
    %dma_wait3A_52 = tpu.memref_slice %arg8[%dma_wait3A_50, %dma_wait3A_51] : memref<128x64xf32, #tpu.memory_space<vmem>> -> memref<32x64xf32, #tpu.memory_space<vmem>>
    %dma_wait3A_53 = arith.constant 0 : i32
    %dma_wait3A_54 = tpu.memref_slice %arg2[%min3A_34, %dma_wait3A_53] : memref<50000x64xf32, #tpu.memory_space<hbm>> -> memref<32x64xf32, #tpu.memory_space<hbm>>
    %dma_wait3A_55 = arith.constant 0 : i32
    %dma_wait3A_56 = arith.constant 0 : i32
    %dma_wait3A_57 = tpu.memref_slice %arg8[%dma_wait3A_55, %dma_wait3A_56] : memref<128x64xf32, #tpu.memory_space<vmem>> -> memref<32x64xf32, #tpu.memory_space<vmem>>
    %dma_wait3A_58 = arith.constant 0 : i32
    %dma_wait3A_59 = tpu.memref_slice %arg2[%min3A_34, %dma_wait3A_58] : memref<50000x64xf32, #tpu.memory_space<hbm>> -> memref<32x64xf32, #tpu.memory_space<hbm>>
    tpu.wait_dma2 semaphore(%arg11 : memref<!tpu.dma_semaphore, #tpu.memory_space<semaphore_mem>>) src(%dma_wait3A_59 : memref<32x64xf32, #tpu.memory_space<hbm>>) dst(%dma_wait3A_57 : memref<32x64xf32, #tpu.memory_space<vmem>>)
    %dma_start3A_60 = arith.constant 0 : i32
    %dma_start3A_61 = arith.constant 0 : i32
    %dma_start3A_62 = tpu.memref_slice %arg9[%dma_start3A_60, %dma_start3A_61] : memref<1536x64xf32, #tpu.memory_space<vmem>> -> memref<128x64xf32, #tpu.memory_space<vmem>>
    %dma_start3A_63 = arith.constant 0 : i32
    %dma_start3A_64 = tpu.memref_slice %arg6[%dma_start3A_63] : memref<2048xi32, #tpu.memory_space<vmem>> -> memref<128xi32, #tpu.memory_space<vmem>>
    %dma_start3A_65 = arith.constant 0 : i32
    %dma_start3A_66 = arith.constant 0 : i32
    %dma_start3A_67 = tpu.memref_slice %arg2[%dma_start3A_65, %dma_start3A_66] : memref<50000x64xf32, #tpu.memory_space<hbm>> -> memref<50000x64xf32, #tpu.memory_space<hbm>>
    tpu.enqueue_indirect_dma source(%dma_start3A_67 : memref<50000x64xf32, #tpu.memory_space<hbm>>) target(%dma_start3A_62 : memref<128x64xf32, #tpu.memory_space<vmem>>) offsets(%dma_start3A_64 : memref<128xi32, #tpu.memory_space<vmem>>) semaphore(%arg12 : memref<!tpu.dma_semaphore, #tpu.memory_space<semaphore_mem>>)
    %dma_start3A_68 = arith.constant 128 : i32
    %dma_start3A_69 = arith.constant 0 : i32
    %dma_start3A_70 = tpu.memref_slice %arg9[%dma_start3A_68, %dma_start3A_69] : memref<1536x64xf32, #tpu.memory_space<vmem>> -> memref<128x64xf32, #tpu.memory_space<vmem>>
    %dma_start3A_71 = arith.constant 128 : i32
    %dma_start3A_72 = tpu.memref_slice %arg6[%dma_start3A_71] : memref<2048xi32, #tpu.memory_space<vmem>> -> memref<128xi32, #tpu.memory_space<vmem>>
    %dma_start3A_73 = arith.constant 0 : i32
    %dma_start3A_74 = arith.constant 0 : i32
    %dma_start3A_75 = tpu.memref_slice %arg2[%dma_start3A_73, %dma_start3A_74] : memref<50000x64xf32, #tpu.memory_space<hbm>> -> memref<50000x64xf32, #tpu.memory_space<hbm>>
    tpu.enqueue_indirect_dma source(%dma_start3A_75 : memref<50000x64xf32, #tpu.memory_space<hbm>>) target(%dma_start3A_70 : memref<128x64xf32, #tpu.memory_space<vmem>>) offsets(%dma_start3A_72 : memref<128xi32, #tpu.memory_space<vmem>>) semaphore(%arg12 : memref<!tpu.dma_semaphore, #tpu.memory_space<semaphore_mem>>)
    %dma_start3A_76 = arith.constant 256 : i32
    %dma_start3A_77 = arith.constant 0 : i32
    %dma_start3A_78 = tpu.memref_slice %arg9[%dma_start3A_76, %dma_start3A_77] : memref<1536x64xf32, #tpu.memory_space<vmem>> -> memref<128x64xf32, #tpu.memory_space<vmem>>
    %dma_start3A_79 = arith.constant 256 : i32
    %dma_start3A_80 = tpu.memref_slice %arg6[%dma_start3A_79] : memref<2048xi32, #tpu.memory_space<vmem>> -> memref<128xi32, #tpu.memory_space<vmem>>
    %dma_start3A_81 = arith.constant 0 : i32
    %dma_start3A_82 = arith.constant 0 : i32
    %dma_start3A_83 = tpu.memref_slice %arg2[%dma_start3A_81, %dma_start3A_82] : memref<50000x64xf32, #tpu.memory_space<hbm>> -> memref<50000x64xf32, #tpu.memory_space<hbm>>
    tpu.enqueue_indirect_dma source(%dma_start3A_83 : memref<50000x64xf32, #tpu.memory_space<hbm>>) target(%dma_start3A_78 : memref<128x64xf32, #tpu.memory_space<vmem>>) offsets(%dma_start3A_80 : memref<128xi32, #tpu.memory_space<vmem>>) semaphore(%arg12 : memref<!tpu.dma_semaphore, #tpu.memory_space<semaphore_mem>>)
    %dma_start3A_84 = arith.constant 384 : i32
    %dma_start3A_85 = arith.constant 0 : i32
    %dma_start3A_86 = tpu.memref_slice %arg9[%dma_start3A_84, %dma_start3A_85] : memref<1536x64xf32, #tpu.memory_space<vmem>> -> memref<128x64xf32, #tpu.memory_space<vmem>>
    %dma_start3A_87 = arith.constant 384 : i32
    %dma_start3A_88 = tpu.memref_slice %arg6[%dma_start3A_87] : memref<2048xi32, #tpu.memory_space<vmem>> -> memref<128xi32, #tpu.memory_space<vmem>>
    %dma_start3A_89 = arith.constant 0 : i32
    %dma_start3A_90 = arith.constant 0 : i32
    %dma_start3A_91 = tpu.memref_slice %arg2[%dma_start3A_89, %dma_start3A_90] : memref<50000x64xf32, #tpu.memory_space<hbm>> -> memref<50000x64xf32, #tpu.memory_space<hbm>>
    tpu.enqueue_indirect_dma source(%dma_start3A_91 : memref<50000x64xf32, #tpu.memory_space<hbm>>) target(%dma_start3A_86 : memref<128x64xf32, #tpu.memory_space<vmem>>) offsets(%dma_start3A_88 : memref<128xi32, #tpu.memory_space<vmem>>) semaphore(%arg12 : memref<!tpu.dma_semaphore, #tpu.memory_space<semaphore_mem>>)
    %add3A_92 = arith.constant 32 : i32
    %add3A_93 = arith.addi %mul3A_2, %add3A_92 : i32
    %min3A_94 = arith.constant 49968 : i32
    %min3A_95 = arith.minsi %add3A_93, %min3A_94 : i32
    %mul3A_96 = arith.constant 16 : i32
    %mul3A_97 = arith.muli %min3A_95, %mul3A_96 : i32
    %mul3A_98 = arith.constant 16 : i32
    %mul3A_99 = arith.muli %min3A_95, %mul3A_98 : i32
    %dma_start3A_100 = arith.constant 512 : i32
    %dma_start3A_101 = tpu.memref_slice %arg6[%dma_start3A_100] : memref<2048xi32, #tpu.memory_space<vmem>> -> memref<512xi32, #tpu.memory_space<vmem>>
    %dma_start3A_102 = tpu.memref_slice %arg3[%mul3A_97] : memref<800000xi32, #tpu.memory_space<hbm>> -> memref<512xi32, #tpu.memory_space<hbm>>
    %dma_start3A_103 = arith.constant 512 : i32
    %dma_start3A_104 = tpu.memref_slice %arg6[%dma_start3A_103] : memref<2048xi32, #tpu.memory_space<vmem>> -> memref<512xi32, #tpu.memory_space<vmem>>
    %dma_start3A_105 = tpu.memref_slice %arg3[%mul3A_97] : memref<800000xi32, #tpu.memory_space<hbm>> -> memref<512xi32, #tpu.memory_space<hbm>>
    tpu.enqueue_dma source(%dma_start3A_105 : memref<512xi32, #tpu.memory_space<hbm>>) target(%dma_start3A_104 : memref<512xi32, #tpu.memory_space<vmem>>) target_semaphore(%arg11 : memref<!tpu.dma_semaphore, #tpu.memory_space<semaphore_mem>>)
    %dma_start3A_106 = arith.constant 512 : i32
    %dma_start3A_107 = tpu.memref_slice %arg7[%dma_start3A_106] : memref<2048xf32, #tpu.memory_space<vmem>> -> memref<512xf32, #tpu.memory_space<vmem>>
    %dma_start3A_108 = tpu.memref_slice %arg4[%mul3A_99] : memref<800000xf32, #tpu.memory_space<hbm>> -> memref<512xf32, #tpu.memory_space<hbm>>
    %dma_start3A_109 = arith.constant 512 : i32
    %dma_start3A_110 = tpu.memref_slice %arg7[%dma_start3A_109] : memref<2048xf32, #tpu.memory_space<vmem>> -> memref<512xf32, #tpu.memory_space<vmem>>
    %dma_start3A_111 = tpu.memref_slice %arg4[%mul3A_99] : memref<800000xf32, #tpu.memory_space<hbm>> -> memref<512xf32, #tpu.memory_space<hbm>>
    tpu.enqueue_dma source(%dma_start3A_111 : memref<512xf32, #tpu.memory_space<hbm>>) target(%dma_start3A_110 : memref<512xf32, #tpu.memory_space<vmem>>) target_semaphore(%arg11 : memref<!tpu.dma_semaphore, #tpu.memory_space<semaphore_mem>>)
    %dma_start3A_112 = arith.constant 32 : i32
    %dma_start3A_113 = arith.constant 0 : i32
    %dma_start3A_114 = tpu.memref_slice %arg8[%dma_start3A_112, %dma_start3A_113] : memref<128x64xf32, #tpu.memory_space<vmem>> -> memref<32x64xf32, #tpu.memory_space<vmem>>
    %dma_start3A_115 = arith.constant 0 : i32
    %dma_start3A_116 = tpu.memref_slice %arg2[%min3A_95, %dma_start3A_115] : memref<50000x64xf32, #tpu.memory_space<hbm>> -> memref<32x64xf32, #tpu.memory_space<hbm>>
    %dma_start3A_117 = arith.constant 32 : i32
    %dma_start3A_118 = arith.constant 0 : i32
    %dma_start3A_119 = tpu.memref_slice %arg8[%dma_start3A_117, %dma_start3A_118] : memref<128x64xf32, #tpu.memory_space<vmem>> -> memref<32x64xf32, #tpu.memory_space<vmem>>
    %dma_start3A_120 = arith.constant 0 : i32
    %dma_start3A_121 = tpu.memref_slice %arg2[%min3A_95, %dma_start3A_120] : memref<50000x64xf32, #tpu.memory_space<hbm>> -> memref<32x64xf32, #tpu.memory_space<hbm>>
    tpu.enqueue_dma source(%dma_start3A_121 : memref<32x64xf32, #tpu.memory_space<hbm>>) target(%dma_start3A_119 : memref<32x64xf32, #tpu.memory_space<vmem>>) target_semaphore(%arg11 : memref<!tpu.dma_semaphore, #tpu.memory_space<semaphore_mem>>)
    %add3A_122 = arith.constant 32 : i32
    %add3A_123 = arith.addi %mul3A_2, %add3A_122 : i32
    %min3A_124 = arith.constant 49968 : i32
    %min3A_125 = arith.minsi %add3A_123, %min3A_124 : i32
    %mul3A_126 = arith.constant 16 : i32
    %mul3A_127 = arith.muli %min3A_125, %mul3A_126 : i32
    %mul3A_128 = arith.constant 16 : i32
    %mul3A_129 = arith.muli %min3A_125, %mul3A_128 : i32
    %dma_wait3A_130 = arith.constant 512 : i32
    %dma_wait3A_131 = tpu.memref_slice %arg6[%dma_wait3A_130] : memref<2048xi32, #tpu.memory_space<vmem>> -> memref<512xi32, #tpu.memory_space<vmem>>
    %dma_wait3A_132 = tpu.memref_slice %arg3[%mul3A_127] : memref<800000xi32, #tpu.memory_space<hbm>> -> memref<512xi32, #tpu.memory_space<hbm>>
    %dma_wait3A_133 = arith.constant 512 : i32
    %dma_wait3A_134 = tpu.memref_slice %arg6[%dma_wait3A_133] : memref<2048xi32, #tpu.memory_space<vmem>> -> memref<512xi32, #tpu.memory_space<vmem>>
    %dma_wait3A_135 = tpu.memref_slice %arg3[%mul3A_127] : memref<800000xi32, #tpu.memory_space<hbm>> -> memref<512xi32, #tpu.memory_space<hbm>>
    tpu.wait_dma2 semaphore(%arg11 : memref<!tpu.dma_semaphore, #tpu.memory_space<semaphore_mem>>) src(%dma_wait3A_135 : memref<512xi32, #tpu.memory_space<hbm>>) dst(%dma_wait3A_134 : memref<512xi32, #tpu.memory_space<vmem>>)
    %dma_wait3A_136 = arith.constant 512 : i32
    %dma_wait3A_137 = tpu.memref_slice %arg7[%dma_wait3A_136] : memref<2048xf32, #tpu.memory_space<vmem>> -> memref<512xf32, #tpu.memory_space<vmem>>
    %dma_wait3A_138 = tpu.memref_slice %arg4[%mul3A_129] : memref<800000xf32, #tpu.memory_space<hbm>> -> memref<512xf32, #tpu.memory_space<hbm>>
    %dma_wait3A_139 = arith.constant 512 : i32
    %dma_wait3A_140 = tpu.memref_slice %arg7[%dma_wait3A_139] : memref<2048xf32, #tpu.memory_space<vmem>> -> memref<512xf32, #tpu.memory_space<vmem>>
    %dma_wait3A_141 = tpu.memref_slice %arg4[%mul3A_129] : memref<800000xf32, #tpu.memory_space<hbm>> -> memref<512xf32, #tpu.memory_space<hbm>>
    tpu.wait_dma2 semaphore(%arg11 : memref<!tpu.dma_semaphore, #tpu.memory_space<semaphore_mem>>) src(%dma_wait3A_141 : memref<512xf32, #tpu.memory_space<hbm>>) dst(%dma_wait3A_140 : memref<512xf32, #tpu.memory_space<vmem>>)
    %dma_wait3A_142 = arith.constant 32 : i32
    %dma_wait3A_143 = arith.constant 0 : i32
    %dma_wait3A_144 = tpu.memref_slice %arg8[%dma_wait3A_142, %dma_wait3A_143] : memref<128x64xf32, #tpu.memory_space<vmem>> -> memref<32x64xf32, #tpu.memory_space<vmem>>
    %dma_wait3A_145 = arith.constant 0 : i32
    %dma_wait3A_146 = tpu.memref_slice %arg2[%min3A_125, %dma_wait3A_145] : memref<50000x64xf32, #tpu.memory_space<hbm>> -> memref<32x64xf32, #tpu.memory_space<hbm>>
    %dma_wait3A_147 = arith.constant 32 : i32
    %dma_wait3A_148 = arith.constant 0 : i32
    %dma_wait3A_149 = tpu.memref_slice %arg8[%dma_wait3A_147, %dma_wait3A_148] : memref<128x64xf32, #tpu.memory_space<vmem>> -> memref<32x64xf32, #tpu.memory_space<vmem>>
    %dma_wait3A_150 = arith.constant 0 : i32
    %dma_wait3A_151 = tpu.memref_slice %arg2[%min3A_125, %dma_wait3A_150] : memref<50000x64xf32, #tpu.memory_space<hbm>> -> memref<32x64xf32, #tpu.memory_space<hbm>>
    tpu.wait_dma2 semaphore(%arg11 : memref<!tpu.dma_semaphore, #tpu.memory_space<semaphore_mem>>) src(%dma_wait3A_151 : memref<32x64xf32, #tpu.memory_space<hbm>>) dst(%dma_wait3A_149 : memref<32x64xf32, #tpu.memory_space<vmem>>)
    %dma_start3A_152 = arith.constant 512 : i32
    %dma_start3A_153 = arith.constant 0 : i32
    %dma_start3A_154 = tpu.memref_slice %arg9[%dma_start3A_152, %dma_start3A_153] : memref<1536x64xf32, #tpu.memory_space<vmem>> -> memref<128x64xf32, #tpu.memory_space<vmem>>
    %dma_start3A_155 = arith.constant 512 : i32
    %dma_start3A_156 = tpu.memref_slice %arg6[%dma_start3A_155] : memref<2048xi32, #tpu.memory_space<vmem>> -> memref<128xi32, #tpu.memory_space<vmem>>
    %dma_start3A_157 = arith.constant 0 : i32
    %dma_start3A_158 = arith.constant 0 : i32
    %dma_start3A_159 = tpu.memref_slice %arg2[%dma_start3A_157, %dma_start3A_158] : memref<50000x64xf32, #tpu.memory_space<hbm>> -> memref<50000x64xf32, #tpu.memory_space<hbm>>
    tpu.enqueue_indirect_dma source(%dma_start3A_159 : memref<50000x64xf32, #tpu.memory_space<hbm>>) target(%dma_start3A_154 : memref<128x64xf32, #tpu.memory_space<vmem>>) offsets(%dma_start3A_156 : memref<128xi32, #tpu.memory_space<vmem>>) semaphore(%arg13 : memref<!tpu.dma_semaphore, #tpu.memory_space<semaphore_mem>>)
    %dma_start3A_160 = arith.constant 640 : i32
    %dma_start3A_161 = arith.constant 0 : i32
    %dma_start3A_162 = tpu.memref_slice %arg9[%dma_start3A_160, %dma_start3A_161] : memref<1536x64xf32, #tpu.memory_space<vmem>> -> memref<128x64xf32, #tpu.memory_space<vmem>>
    %dma_start3A_163 = arith.constant 640 : i32
    %dma_start3A_164 = tpu.memref_slice %arg6[%dma_start3A_163] : memref<2048xi32, #tpu.memory_space<vmem>> -> memref<128xi32, #tpu.memory_space<vmem>>
    %dma_start3A_165 = arith.constant 0 : i32
    %dma_start3A_166 = arith.constant 0 : i32
    %dma_start3A_167 = tpu.memref_slice %arg2[%dma_start3A_165, %dma_start3A_166] : memref<50000x64xf32, #tpu.memory_space<hbm>> -> memref<50000x64xf32, #tpu.memory_space<hbm>>
    tpu.enqueue_indirect_dma source(%dma_start3A_167 : memref<50000x64xf32, #tpu.memory_space<hbm>>) target(%dma_start3A_162 : memref<128x64xf32, #tpu.memory_space<vmem>>) offsets(%dma_start3A_164 : memref<128xi32, #tpu.memory_space<vmem>>) semaphore(%arg13 : memref<!tpu.dma_semaphore, #tpu.memory_space<semaphore_mem>>)
    %dma_start3A_168 = arith.constant 768 : i32
    %dma_start3A_169 = arith.constant 0 : i32
    %dma_start3A_170 = tpu.memref_slice %arg9[%dma_start3A_168, %dma_start3A_169] : memref<1536x64xf32, #tpu.memory_space<vmem>> -> memref<128x64xf32, #tpu.memory_space<vmem>>
    %dma_start3A_171 = arith.constant 768 : i32
    %dma_start3A_172 = tpu.memref_slice %arg6[%dma_start3A_171] : memref<2048xi32, #tpu.memory_space<vmem>> -> memref<128xi32, #tpu.memory_space<vmem>>
    %dma_start3A_173 = arith.constant 0 : i32
    %dma_start3A_174 = arith.constant 0 : i32
    %dma_start3A_175 = tpu.memref_slice %arg2[%dma_start3A_173, %dma_start3A_174] : memref<50000x64xf32, #tpu.memory_space<hbm>> -> memref<50000x64xf32, #tpu.memory_space<hbm>>
    tpu.enqueue_indirect_dma source(%dma_start3A_175 : memref<50000x64xf32, #tpu.memory_space<hbm>>) target(%dma_start3A_170 : memref<128x64xf32, #tpu.memory_space<vmem>>) offsets(%dma_start3A_172 : memref<128xi32, #tpu.memory_space<vmem>>) semaphore(%arg13 : memref<!tpu.dma_semaphore, #tpu.memory_space<semaphore_mem>>)
    %dma_start3A_176 = arith.constant 896 : i32
    %dma_start3A_177 = arith.constant 0 : i32
    %dma_start3A_178 = tpu.memref_slice %arg9[%dma_start3A_176, %dma_start3A_177] : memref<1536x64xf32, #tpu.memory_space<vmem>> -> memref<128x64xf32, #tpu.memory_space<vmem>>
    %dma_start3A_179 = arith.constant 896 : i32
    %dma_start3A_180 = tpu.memref_slice %arg6[%dma_start3A_179] : memref<2048xi32, #tpu.memory_space<vmem>> -> memref<128xi32, #tpu.memory_space<vmem>>
    %dma_start3A_181 = arith.constant 0 : i32
    %dma_start3A_182 = arith.constant 0 : i32
    %dma_start3A_183 = tpu.memref_slice %arg2[%dma_start3A_181, %dma_start3A_182] : memref<50000x64xf32, #tpu.memory_space<hbm>> -> memref<50000x64xf32, #tpu.memory_space<hbm>>
    tpu.enqueue_indirect_dma source(%dma_start3A_183 : memref<50000x64xf32, #tpu.memory_space<hbm>>) target(%dma_start3A_178 : memref<128x64xf32, #tpu.memory_space<vmem>>) offsets(%dma_start3A_180 : memref<128xi32, #tpu.memory_space<vmem>>) semaphore(%arg13 : memref<!tpu.dma_semaphore, #tpu.memory_space<semaphore_mem>>)
    %add3A_184 = arith.constant 64 : i32
    %add3A_185 = arith.addi %mul3A_2, %add3A_184 : i32
    %min3A_186 = arith.constant 49968 : i32
    %min3A_187 = arith.minsi %add3A_185, %min3A_186 : i32
    %mul3A_188 = arith.constant 16 : i32
    %mul3A_189 = arith.muli %min3A_187, %mul3A_188 : i32
    %mul3A_190 = arith.constant 16 : i32
    %mul3A_191 = arith.muli %min3A_187, %mul3A_190 : i32
    %dma_start3A_192 = arith.constant 1024 : i32
    %dma_start3A_193 = tpu.memref_slice %arg6[%dma_start3A_192] : memref<2048xi32, #tpu.memory_space<vmem>> -> memref<512xi32, #tpu.memory_space<vmem>>
    %dma_start3A_194 = tpu.memref_slice %arg3[%mul3A_189] : memref<800000xi32, #tpu.memory_space<hbm>> -> memref<512xi32, #tpu.memory_space<hbm>>
    %dma_start3A_195 = arith.constant 1024 : i32
    %dma_start3A_196 = tpu.memref_slice %arg6[%dma_start3A_195] : memref<2048xi32, #tpu.memory_space<vmem>> -> memref<512xi32, #tpu.memory_space<vmem>>
    %dma_start3A_197 = tpu.memref_slice %arg3[%mul3A_189] : memref<800000xi32, #tpu.memory_space<hbm>> -> memref<512xi32, #tpu.memory_space<hbm>>
    tpu.enqueue_dma source(%dma_start3A_197 : memref<512xi32, #tpu.memory_space<hbm>>) target(%dma_start3A_196 : memref<512xi32, #tpu.memory_space<vmem>>) target_semaphore(%arg11 : memref<!tpu.dma_semaphore, #tpu.memory_space<semaphore_mem>>)
    %dma_start3A_198 = arith.constant 1024 : i32
    %dma_start3A_199 = tpu.memref_slice %arg7[%dma_start3A_198] : memref<2048xf32, #tpu.memory_space<vmem>> -> memref<512xf32, #tpu.memory_space<vmem>>
    %dma_start3A_200 = tpu.memref_slice %arg4[%mul3A_191] : memref<800000xf32, #tpu.memory_space<hbm>> -> memref<512xf32, #tpu.memory_space<hbm>>
    %dma_start3A_201 = arith.constant 1024 : i32
    %dma_start3A_202 = tpu.memref_slice %arg7[%dma_start3A_201] : memref<2048xf32, #tpu.memory_space<vmem>> -> memref<512xf32, #tpu.memory_space<vmem>>
    %dma_start3A_203 = tpu.memref_slice %arg4[%mul3A_191] : memref<800000xf32, #tpu.memory_space<hbm>> -> memref<512xf32, #tpu.memory_space<hbm>>
    tpu.enqueue_dma source(%dma_start3A_203 : memref<512xf32, #tpu.memory_space<hbm>>) target(%dma_start3A_202 : memref<512xf32, #tpu.memory_space<vmem>>) target_semaphore(%arg11 : memref<!tpu.dma_semaphore, #tpu.memory_space<semaphore_mem>>)
    %dma_start3A_204 = arith.constant 64 : i32
    %dma_start3A_205 = arith.constant 0 : i32
    %dma_start3A_206 = tpu.memref_slice %arg8[%dma_start3A_204, %dma_start3A_205] : memref<128x64xf32, #tpu.memory_space<vmem>> -> memref<32x64xf32, #tpu.memory_space<vmem>>
    %dma_start3A_207 = arith.constant 0 : i32
    %dma_start3A_208 = tpu.memref_slice %arg2[%min3A_187, %dma_start3A_207] : memref<50000x64xf32, #tpu.memory_space<hbm>> -> memref<32x64xf32, #tpu.memory_space<hbm>>
    %dma_start3A_209 = arith.constant 64 : i32
    %dma_start3A_210 = arith.constant 0 : i32
    %dma_start3A_211 = tpu.memref_slice %arg8[%dma_start3A_209, %dma_start3A_210] : memref<128x64xf32, #tpu.memory_space<vmem>> -> memref<32x64xf32, #tpu.memory_space<vmem>>
    %dma_start3A_212 = arith.constant 0 : i32
    %dma_start3A_213 = tpu.memref_slice %arg2[%min3A_187, %dma_start3A_212] : memref<50000x64xf32, #tpu.memory_space<hbm>> -> memref<32x64xf32, #tpu.memory_space<hbm>>
    tpu.enqueue_dma source(%dma_start3A_213 : memref<32x64xf32, #tpu.memory_space<hbm>>) target(%dma_start3A_211 : memref<32x64xf32, #tpu.memory_space<vmem>>) target_semaphore(%arg11 : memref<!tpu.dma_semaphore, #tpu.memory_space<semaphore_mem>>)
    %scan3A = arith.constant 0 : i32
    %scan3A_214 = arith.constant 0 : i32
    %scan3A_215 = arith.constant 98 : i32
    %scan3A_216 = arith.addi %scan3A_214, %scan3A_215 : i32
    %scan3A_217 = arith.constant 1 : i32
    scf.for %scan3A_247 = %scan3A_214 to %scan3A_216 step %scan3A_217  : i32 {
      %lt3A = arith.constant 96 : i32
      %lt3A_248 = arith.cmpi slt, %scan3A_247, %lt3A : i32
      %convert_element_type3A = arith.extui %lt3A_248 : i1 to i32
      %cond3A = arith.constant 0 : i32
      %cond3A_249 = arith.cmpi ne, %convert_element_type3A, %cond3A : i32
      scf.if %cond3A_249 {
        %add3A_454 = arith.constant 2 : i32
        %add3A_455 = arith.addi %scan3A_247, %add3A_454 : i32
        %mul3A_456 = arith.constant 32 : i32
        %mul3A_457 = arith.muli %add3A_455, %mul3A_456 : i32
        %add3A_458 = arith.addi %mul3A_2, %mul3A_457 : i32
        %min3A_459 = arith.constant 49968 : i32
        %min3A_460 = arith.minsi %add3A_458, %min3A_459 : i32
        %jit3A_461 = arith.constant 4 : i32
        %eq3A_462 = arith.constant 0 : i32
        %eq3A_463 = arith.cmpi eq, %jit3A_461, %eq3A_462 : i32
        %jit3A_464 = arith.constant 1 : i32
        %select_n3A_465 = arith.select %eq3A_463, %jit3A_464, %jit3A_461 : i32
        %rem3A_466 = arith.remsi %add3A_455, %select_n3A_465 : i32
        %ne3A_467 = arith.constant 0 : i32
        %ne3A_468 = arith.cmpi ne, %rem3A_466, %ne3A_467 : i32
        %lt3A_469 = arith.constant 0 : i32
        %lt3A_470 = arith.cmpi slt, %rem3A_466, %lt3A_469 : i32
        %lt3A_471 = arith.constant 0 : i32
        %lt3A_472 = arith.cmpi slt, %select_n3A_465, %lt3A_471 : i32
        %ne3A_473 = arith.xori %lt3A_470, %lt3A_472 : i1
        %and3A_474 = arith.andi %ne3A_473, %ne3A_468 : i1
        %add3A_475 = arith.addi %rem3A_466, %select_n3A_465 : i32
        %select_n3A_476 = arith.select %and3A_474, %add3A_475, %rem3A_466 : i32
        %mul3A_477 = arith.constant 512 : i32
        %mul3A_478 = arith.muli %select_n3A_476, %mul3A_477 : i32
        %jit3A_479 = arith.constant 4 : i32
        %eq3A_480 = arith.constant 0 : i32
        %eq3A_481 = arith.cmpi eq, %jit3A_479, %eq3A_480 : i32
        %jit3A_482 = arith.constant 1 : i32
        %select_n3A_483 = arith.select %eq3A_481, %jit3A_482, %jit3A_479 : i32
        %rem3A_484 = arith.remsi %add3A_455, %select_n3A_483 : i32
        %ne3A_485 = arith.constant 0 : i32
        %ne3A_486 = arith.cmpi ne, %rem3A_484, %ne3A_485 : i32
        %lt3A_487 = arith.constant 0 : i32
        %lt3A_488 = arith.cmpi slt, %rem3A_484, %lt3A_487 : i32
        %lt3A_489 = arith.constant 0 : i32
        %lt3A_490 = arith.cmpi slt, %select_n3A_483, %lt3A_489 : i32
        %ne3A_491 = arith.xori %lt3A_488, %lt3A_490 : i1
        %and3A_492 = arith.andi %ne3A_491, %ne3A_486 : i1
        %add3A_493 = arith.addi %rem3A_484, %select_n3A_483 : i32
        %select_n3A_494 = arith.select %and3A_492, %add3A_493, %rem3A_484 : i32
        %mul3A_495 = arith.constant 32 : i32
        %mul3A_496 = arith.muli %select_n3A_494, %mul3A_495 : i32
        %mul3A_497 = arith.constant 16 : i32
        %mul3A_498 = arith.muli %min3A_460, %mul3A_497 : i32
        %mul3A_499 = arith.constant 16 : i32
        %mul3A_500 = arith.muli %min3A_460, %mul3A_499 : i32
        %dma_wait3A_501 = tpu.memref_slice %arg6[%mul3A_478] : memref<2048xi32, #tpu.memory_space<vmem>> -> memref<512xi32, #tpu.memory_space<vmem>>
        %dma_wait3A_502 = tpu.memref_slice %arg3[%mul3A_498] : memref<800000xi32, #tpu.memory_space<hbm>> -> memref<512xi32, #tpu.memory_space<hbm>>
        %dma_wait3A_503 = tpu.memref_slice %arg6[%mul3A_478] : memref<2048xi32, #tpu.memory_space<vmem>> -> memref<512xi32, #tpu.memory_space<vmem>>
        %dma_wait3A_504 = tpu.memref_slice %arg3[%mul3A_498] : memref<800000xi32, #tpu.memory_space<hbm>> -> memref<512xi32, #tpu.memory_space<hbm>>
        tpu.wait_dma2 semaphore(%arg11 : memref<!tpu.dma_semaphore, #tpu.memory_space<semaphore_mem>>) src(%dma_wait3A_504 : memref<512xi32, #tpu.memory_space<hbm>>) dst(%dma_wait3A_503 : memref<512xi32, #tpu.memory_space<vmem>>)
        %dma_wait3A_505 = tpu.memref_slice %arg7[%mul3A_478] : memref<2048xf32, #tpu.memory_space<vmem>> -> memref<512xf32, #tpu.memory_space<vmem>>
        %dma_wait3A_506 = tpu.memref_slice %arg4[%mul3A_500] : memref<800000xf32, #tpu.memory_space<hbm>> -> memref<512xf32, #tpu.memory_space<hbm>>
        %dma_wait3A_507 = tpu.memref_slice %arg7[%mul3A_478] : memref<2048xf32, #tpu.memory_space<vmem>> -> memref<512xf32, #tpu.memory_space<vmem>>
        %dma_wait3A_508 = tpu.memref_slice %arg4[%mul3A_500] : memref<800000xf32, #tpu.memory_space<hbm>> -> memref<512xf32, #tpu.memory_space<hbm>>
        tpu.wait_dma2 semaphore(%arg11 : memref<!tpu.dma_semaphore, #tpu.memory_space<semaphore_mem>>) src(%dma_wait3A_508 : memref<512xf32, #tpu.memory_space<hbm>>) dst(%dma_wait3A_507 : memref<512xf32, #tpu.memory_space<vmem>>)
        %dma_wait3A_509 = arith.constant 0 : i32
        %dma_wait3A_510 = tpu.memref_slice %arg8[%mul3A_496, %dma_wait3A_509] : memref<128x64xf32, #tpu.memory_space<vmem>> -> memref<32x64xf32, #tpu.memory_space<vmem>>
        %dma_wait3A_511 = arith.constant 0 : i32
        %dma_wait3A_512 = tpu.memref_slice %arg2[%min3A_460, %dma_wait3A_511] : memref<50000x64xf32, #tpu.memory_space<hbm>> -> memref<32x64xf32, #tpu.memory_space<hbm>>
        %dma_wait3A_513 = arith.constant 0 : i32
        %dma_wait3A_514 = tpu.memref_slice %arg8[%mul3A_496, %dma_wait3A_513] : memref<128x64xf32, #tpu.memory_space<vmem>> -> memref<32x64xf32, #tpu.memory_space<vmem>>
        %dma_wait3A_515 = arith.constant 0 : i32
        %dma_wait3A_516 = tpu.memref_slice %arg2[%min3A_460, %dma_wait3A_515] : memref<50000x64xf32, #tpu.memory_space<hbm>> -> memref<32x64xf32, #tpu.memory_space<hbm>>
        tpu.wait_dma2 semaphore(%arg11 : memref<!tpu.dma_semaphore, #tpu.memory_space<semaphore_mem>>) src(%dma_wait3A_516 : memref<32x64xf32, #tpu.memory_space<hbm>>) dst(%dma_wait3A_514 : memref<32x64xf32, #tpu.memory_space<vmem>>)
      } else {
      }
      %jit3A = arith.constant 2 : i32
      %eq3A = arith.constant 0 : i32
      %eq3A_250 = arith.cmpi eq, %jit3A, %eq3A : i32
      %jit3A_251 = arith.constant 1 : i32
      %select_n3A = arith.select %eq3A_250, %jit3A_251, %jit3A : i32
      %rem3A = arith.remsi %scan3A_247, %select_n3A : i32
      %ne3A = arith.constant 0 : i32
      %ne3A_252 = arith.cmpi ne, %rem3A, %ne3A : i32
      %lt3A_253 = arith.constant 0 : i32
      %lt3A_254 = arith.cmpi slt, %rem3A, %lt3A_253 : i32
      %lt3A_255 = arith.constant 0 : i32
      %lt3A_256 = arith.cmpi slt, %select_n3A, %lt3A_255 : i32
      %ne3A_257 = arith.xori %lt3A_254, %lt3A_256 : i1
      %and3A = arith.andi %ne3A_257, %ne3A_252 : i1
      %add3A_258 = arith.addi %rem3A, %select_n3A : i32
      %select_n3A_259 = arith.select %and3A, %add3A_258, %rem3A : i32
      %eq3A_260 = arith.constant 0 : i32
      %eq3A_261 = arith.cmpi eq, %select_n3A_259, %eq3A_260 : i32
      %convert_element_type3A_262 = arith.extui %eq3A_261 : i1 to i32
      %cond3A_263 = arith.constant 0 : i32
      %cond3A_264 = arith.cmpi ne, %convert_element_type3A_262, %cond3A_263 : i32
      scf.if %cond3A_264 {
        %jit3A_454 = arith.constant 4 : i32
        %eq3A_455 = arith.constant 0 : i32
        %eq3A_456 = arith.cmpi eq, %jit3A_454, %eq3A_455 : i32
        %jit3A_457 = arith.constant 1 : i32
        %select_n3A_458 = arith.select %eq3A_456, %jit3A_457, %jit3A_454 : i32
        %rem3A_459 = arith.remsi %scan3A_247, %select_n3A_458 : i32
        %ne3A_460 = arith.constant 0 : i32
        %ne3A_461 = arith.cmpi ne, %rem3A_459, %ne3A_460 : i32
        %lt3A_462 = arith.constant 0 : i32
        %lt3A_463 = arith.cmpi slt, %rem3A_459, %lt3A_462 : i32
        %lt3A_464 = arith.constant 0 : i32
        %lt3A_465 = arith.cmpi slt, %select_n3A_458, %lt3A_464 : i32
        %ne3A_466 = arith.xori %lt3A_463, %lt3A_465 : i1
        %and3A_467 = arith.andi %ne3A_466, %ne3A_461 : i1
        %add3A_468 = arith.addi %rem3A_459, %select_n3A_458 : i32
        %select_n3A_469 = arith.select %and3A_467, %add3A_468, %rem3A_459 : i32
        %mul3A_470 = arith.constant 512 : i32
        %mul3A_471 = arith.muli %select_n3A_469, %mul3A_470 : i32
        %jit3A_472 = arith.constant 3 : i32
        %eq3A_473 = arith.constant 0 : i32
        %eq3A_474 = arith.cmpi eq, %jit3A_472, %eq3A_473 : i32
        %jit3A_475 = arith.constant 1 : i32
        %select_n3A_476 = arith.select %eq3A_474, %jit3A_475, %jit3A_472 : i32
        %rem3A_477 = arith.remsi %scan3A_247, %select_n3A_476 : i32
        %ne3A_478 = arith.constant 0 : i32
        %ne3A_479 = arith.cmpi ne, %rem3A_477, %ne3A_478 : i32
        %lt3A_480 = arith.constant 0 : i32
        %lt3A_481 = arith.cmpi slt, %rem3A_477, %lt3A_480 : i32
        %lt3A_482 = arith.constant 0 : i32
        %lt3A_483 = arith.cmpi slt, %select_n3A_476, %lt3A_482 : i32
        %ne3A_484 = arith.xori %lt3A_481, %lt3A_483 : i1
        %and3A_485 = arith.andi %ne3A_484, %ne3A_479 : i1
        %add3A_486 = arith.addi %rem3A_477, %select_n3A_476 : i32
        %select_n3A_487 = arith.select %and3A_485, %add3A_486, %rem3A_477 : i32
        %mul3A_488 = arith.constant 512 : i32
        %mul3A_489 = arith.muli %select_n3A_487, %mul3A_488 : i32
        %add3A_490 = arith.constant 0 : i32
        %add3A_491 = arith.addi %mul3A_471, %add3A_490 : i32
        %add3A_492 = arith.constant 0 : i32
        %add3A_493 = arith.addi %mul3A_489, %add3A_492 : i32
        %add3A_494 = arith.constant 128 : i32
        %add3A_495 = arith.addi %mul3A_471, %add3A_494 : i32
        %add3A_496 = arith.constant 128 : i32
        %add3A_497 = arith.addi %mul3A_489, %add3A_496 : i32
        %add3A_498 = arith.constant 256 : i32
        %add3A_499 = arith.addi %mul3A_471, %add3A_498 : i32
        %add3A_500 = arith.constant 256 : i32
        %add3A_501 = arith.addi %mul3A_489, %add3A_500 : i32
        %add3A_502 = arith.constant 384 : i32
        %add3A_503 = arith.addi %mul3A_471, %add3A_502 : i32
        %add3A_504 = arith.constant 384 : i32
        %add3A_505 = arith.addi %mul3A_489, %add3A_504 : i32
        %dma_wait3A_506 = arith.constant 0 : i32
        %dma_wait3A_507 = tpu.memref_slice %arg9[%add3A_493, %dma_wait3A_506] : memref<1536x64xf32, #tpu.memory_space<vmem>> -> memref<128x64xf32, #tpu.memory_space<vmem>>
        %dma_wait3A_508 = tpu.memref_slice %arg6[%add3A_491] : memref<2048xi32, #tpu.memory_space<vmem>> -> memref<128xi32, #tpu.memory_space<vmem>>
        %dma_wait3A_509 = arith.constant 0 : i32
        %dma_wait3A_510 = arith.constant 0 : i32
        %dma_wait3A_511 = tpu.memref_slice %arg2[%dma_wait3A_509, %dma_wait3A_510] : memref<50000x64xf32, #tpu.memory_space<hbm>> -> memref<50000x64xf32, #tpu.memory_space<hbm>>
        tpu.wait_indirect_dma semaphore(%arg12 : memref<!tpu.dma_semaphore, #tpu.memory_space<semaphore_mem>>) src(%dma_wait3A_511 : memref<50000x64xf32, #tpu.memory_space<hbm>>) dst(%dma_wait3A_507 : memref<128x64xf32, #tpu.memory_space<vmem>>)
        %dma_wait3A_512 = arith.constant 0 : i32
        %dma_wait3A_513 = tpu.memref_slice %arg9[%add3A_497, %dma_wait3A_512] : memref<1536x64xf32, #tpu.memory_space<vmem>> -> memref<128x64xf32, #tpu.memory_space<vmem>>
        %dma_wait3A_514 = tpu.memref_slice %arg6[%add3A_495] : memref<2048xi32, #tpu.memory_space<vmem>> -> memref<128xi32, #tpu.memory_space<vmem>>
        %dma_wait3A_515 = arith.constant 0 : i32
        %dma_wait3A_516 = arith.constant 0 : i32
        %dma_wait3A_517 = tpu.memref_slice %arg2[%dma_wait3A_515, %dma_wait3A_516] : memref<50000x64xf32, #tpu.memory_space<hbm>> -> memref<50000x64xf32, #tpu.memory_space<hbm>>
        tpu.wait_indirect_dma semaphore(%arg12 : memref<!tpu.dma_semaphore, #tpu.memory_space<semaphore_mem>>) src(%dma_wait3A_517 : memref<50000x64xf32, #tpu.memory_space<hbm>>) dst(%dma_wait3A_513 : memref<128x64xf32, #tpu.memory_space<vmem>>)
        %dma_wait3A_518 = arith.constant 0 : i32
        %dma_wait3A_519 = tpu.memref_slice %arg9[%add3A_501, %dma_wait3A_518] : memref<1536x64xf32, #tpu.memory_space<vmem>> -> memref<128x64xf32, #tpu.memory_space<vmem>>
        %dma_wait3A_520 = tpu.memref_slice %arg6[%add3A_499] : memref<2048xi32, #tpu.memory_space<vmem>> -> memref<128xi32, #tpu.memory_space<vmem>>
        %dma_wait3A_521 = arith.constant 0 : i32
        %dma_wait3A_522 = arith.constant 0 : i32
        %dma_wait3A_523 = tpu.memref_slice %arg2[%dma_wait3A_521, %dma_wait3A_522] : memref<50000x64xf32, #tpu.memory_space<hbm>> -> memref<50000x64xf32, #tpu.memory_space<hbm>>
        tpu.wait_indirect_dma semaphore(%arg12 : memref<!tpu.dma_semaphore, #tpu.memory_space<semaphore_mem>>) src(%dma_wait3A_523 : memref<50000x64xf32, #tpu.memory_space<hbm>>) dst(%dma_wait3A_519 : memref<128x64xf32, #tpu.memory_space<vmem>>)
        %dma_wait3A_524 = arith.constant 0 : i32
        %dma_wait3A_525 = tpu.memref_slice %arg9[%add3A_505, %dma_wait3A_524] : memref<1536x64xf32, #tpu.memory_space<vmem>> -> memref<128x64xf32, #tpu.memory_space<vmem>>
        %dma_wait3A_526 = tpu.memref_slice %arg6[%add3A_503] : memref<2048xi32, #tpu.memory_space<vmem>> -> memref<128xi32, #tpu.memory_space<vmem>>
        %dma_wait3A_527 = arith.constant 0 : i32
        %dma_wait3A_528 = arith.constant 0 : i32
        %dma_wait3A_529 = tpu.memref_slice %arg2[%dma_wait3A_527, %dma_wait3A_528] : memref<50000x64xf32, #tpu.memory_space<hbm>> -> memref<50000x64xf32, #tpu.memory_space<hbm>>
        tpu.wait_indirect_dma semaphore(%arg12 : memref<!tpu.dma_semaphore, #tpu.memory_space<semaphore_mem>>) src(%dma_wait3A_529 : memref<50000x64xf32, #tpu.memory_space<hbm>>) dst(%dma_wait3A_525 : memref<128x64xf32, #tpu.memory_space<vmem>>)
        %lt3A_530 = arith.constant 96 : i32
        %lt3A_531 = arith.cmpi slt, %scan3A_247, %lt3A_530 : i32
        %convert_element_type3A_532 = arith.extui %lt3A_531 : i1 to i32
        %cond3A_533 = arith.constant 0 : i32
        %cond3A_534 = arith.cmpi ne, %convert_element_type3A_532, %cond3A_533 : i32
        scf.if %cond3A_534 {
          %add3A_535 = arith.constant 2 : i32
          %add3A_536 = arith.addi %scan3A_247, %add3A_535 : i32
          %jit3A_537 = arith.constant 4 : i32
          %eq3A_538 = arith.constant 0 : i32
          %eq3A_539 = arith.cmpi eq, %jit3A_537, %eq3A_538 : i32
          %jit3A_540 = arith.constant 1 : i32
          %select_n3A_541 = arith.select %eq3A_539, %jit3A_540, %jit3A_537 : i32
          %rem3A_542 = arith.remsi %add3A_536, %select_n3A_541 : i32
          %ne3A_543 = arith.constant 0 : i32
          %ne3A_544 = arith.cmpi ne, %rem3A_542, %ne3A_543 : i32
          %lt3A_545 = arith.constant 0 : i32
          %lt3A_546 = arith.cmpi slt, %rem3A_542, %lt3A_545 : i32
          %lt3A_547 = arith.constant 0 : i32
          %lt3A_548 = arith.cmpi slt, %select_n3A_541, %lt3A_547 : i32
          %ne3A_549 = arith.xori %lt3A_546, %lt3A_548 : i1
          %and3A_550 = arith.andi %ne3A_549, %ne3A_544 : i1
          %add3A_551 = arith.addi %rem3A_542, %select_n3A_541 : i32
          %select_n3A_552 = arith.select %and3A_550, %add3A_551, %rem3A_542 : i32
          %mul3A_553 = arith.constant 512 : i32
          %mul3A_554 = arith.muli %select_n3A_552, %mul3A_553 : i32
          %jit3A_555 = arith.constant 3 : i32
          %eq3A_556 = arith.constant 0 : i32
          %eq3A_557 = arith.cmpi eq, %jit3A_555, %eq3A_556 : i32
          %jit3A_558 = arith.constant 1 : i32
          %select_n3A_559 = arith.select %eq3A_557, %jit3A_558, %jit3A_555 : i32
          %rem3A_560 = arith.remsi %add3A_536, %select_n3A_559 : i32
          %ne3A_561 = arith.constant 0 : i32
          %ne3A_562 = arith.cmpi ne, %rem3A_560, %ne3A_561 : i32
          %lt3A_563 = arith.constant 0 : i32
          %lt3A_564 = arith.cmpi slt, %rem3A_560, %lt3A_563 : i32
          %lt3A_565 = arith.constant 0 : i32
          %lt3A_566 = arith.cmpi slt, %select_n3A_559, %lt3A_565 : i32
          %ne3A_567 = arith.xori %lt3A_564, %lt3A_566 : i1
          %and3A_568 = arith.andi %ne3A_567, %ne3A_562 : i1
          %add3A_569 = arith.addi %rem3A_560, %select_n3A_559 : i32
          %select_n3A_570 = arith.select %and3A_568, %add3A_569, %rem3A_560 : i32
          %mul3A_571 = arith.constant 512 : i32
          %mul3A_572 = arith.muli %select_n3A_570, %mul3A_571 : i32
          %add3A_573 = arith.constant 0 : i32
          %add3A_574 = arith.addi %mul3A_554, %add3A_573 : i32
          %add3A_575 = arith.constant 0 : i32
          %add3A_576 = arith.addi %mul3A_572, %add3A_575 : i32
          %add3A_577 = arith.constant 128 : i32
          %add3A_578 = arith.addi %mul3A_554, %add3A_577 : i32
          %add3A_579 = arith.constant 128 : i32
          %add3A_580 = arith.addi %mul3A_572, %add3A_579 : i32
          %add3A_581 = arith.constant 256 : i32
          %add3A_582 = arith.addi %mul3A_554, %add3A_581 : i32
          %add3A_583 = arith.constant 256 : i32
          %add3A_584 = arith.addi %mul3A_572, %add3A_583 : i32
          %add3A_585 = arith.constant 384 : i32
          %add3A_586 = arith.addi %mul3A_554, %add3A_585 : i32
          %add3A_587 = arith.constant 384 : i32
          %add3A_588 = arith.addi %mul3A_572, %add3A_587 : i32
          %dma_start3A_589 = arith.constant 0 : i32
          %dma_start3A_590 = tpu.memref_slice %arg9[%add3A_576, %dma_start3A_589] : memref<1536x64xf32, #tpu.memory_space<vmem>> -> memref<128x64xf32, #tpu.memory_space<vmem>>
          %dma_start3A_591 = tpu.memref_slice %arg6[%add3A_574] : memref<2048xi32, #tpu.memory_space<vmem>> -> memref<128xi32, #tpu.memory_space<vmem>>
          %dma_start3A_592 = arith.constant 0 : i32
          %dma_start3A_593 = arith.constant 0 : i32
          %dma_start3A_594 = tpu.memref_slice %arg2[%dma_start3A_592, %dma_start3A_593] : memref<50000x64xf32, #tpu.memory_space<hbm>> -> memref<50000x64xf32, #tpu.memory_space<hbm>>
          tpu.enqueue_indirect_dma source(%dma_start3A_594 : memref<50000x64xf32, #tpu.memory_space<hbm>>) target(%dma_start3A_590 : memref<128x64xf32, #tpu.memory_space<vmem>>) offsets(%dma_start3A_591 : memref<128xi32, #tpu.memory_space<vmem>>) semaphore(%arg12 : memref<!tpu.dma_semaphore, #tpu.memory_space<semaphore_mem>>)
          %dma_start3A_595 = arith.constant 0 : i32
          %dma_start3A_596 = tpu.memref_slice %arg9[%add3A_580, %dma_start3A_595] : memref<1536x64xf32, #tpu.memory_space<vmem>> -> memref<128x64xf32, #tpu.memory_space<vmem>>
          %dma_start3A_597 = tpu.memref_slice %arg6[%add3A_578] : memref<2048xi32, #tpu.memory_space<vmem>> -> memref<128xi32, #tpu.memory_space<vmem>>
          %dma_start3A_598 = arith.constant 0 : i32
          %dma_start3A_599 = arith.constant 0 : i32
          %dma_start3A_600 = tpu.memref_slice %arg2[%dma_start3A_598, %dma_start3A_599] : memref<50000x64xf32, #tpu.memory_space<hbm>> -> memref<50000x64xf32, #tpu.memory_space<hbm>>
          tpu.enqueue_indirect_dma source(%dma_start3A_600 : memref<50000x64xf32, #tpu.memory_space<hbm>>) target(%dma_start3A_596 : memref<128x64xf32, #tpu.memory_space<vmem>>) offsets(%dma_start3A_597 : memref<128xi32, #tpu.memory_space<vmem>>) semaphore(%arg12 : memref<!tpu.dma_semaphore, #tpu.memory_space<semaphore_mem>>)
          %dma_start3A_601 = arith.constant 0 : i32
          %dma_start3A_602 = tpu.memref_slice %arg9[%add3A_584, %dma_start3A_601] : memref<1536x64xf32, #tpu.memory_space<vmem>> -> memref<128x64xf32, #tpu.memory_space<vmem>>
          %dma_start3A_603 = tpu.memref_slice %arg6[%add3A_582] : memref<2048xi32, #tpu.memory_space<vmem>> -> memref<128xi32, #tpu.memory_space<vmem>>
          %dma_start3A_604 = arith.constant 0 : i32
          %dma_start3A_605 = arith.constant 0 : i32
          %dma_start3A_606 = tpu.memref_slice %arg2[%dma_start3A_604, %dma_start3A_605] : memref<50000x64xf32, #tpu.memory_space<hbm>> -> memref<50000x64xf32, #tpu.memory_space<hbm>>
          tpu.enqueue_indirect_dma source(%dma_start3A_606 : memref<50000x64xf32, #tpu.memory_space<hbm>>) target(%dma_start3A_602 : memref<128x64xf32, #tpu.memory_space<vmem>>) offsets(%dma_start3A_603 : memref<128xi32, #tpu.memory_space<vmem>>) semaphore(%arg12 : memref<!tpu.dma_semaphore, #tpu.memory_space<semaphore_mem>>)
          %dma_start3A_607 = arith.constant 0 : i32
          %dma_start3A_608 = tpu.memref_slice %arg9[%add3A_588, %dma_start3A_607] : memref<1536x64xf32, #tpu.memory_space<vmem>> -> memref<128x64xf32, #tpu.memory_space<vmem>>
          %dma_start3A_609 = tpu.memref_slice %arg6[%add3A_586] : memref<2048xi32, #tpu.memory_space<vmem>> -> memref<128xi32, #tpu.memory_space<vmem>>
          %dma_start3A_610 = arith.constant 0 : i32
          %dma_start3A_611 = arith.constant 0 : i32
          %dma_start3A_612 = tpu.memref_slice %arg2[%dma_start3A_610, %dma_start3A_611] : memref<50000x64xf32, #tpu.memory_space<hbm>> -> memref<50000x64xf32, #tpu.memory_space<hbm>>
          tpu.enqueue_indirect_dma source(%dma_start3A_612 : memref<50000x64xf32, #tpu.memory_space<hbm>>) target(%dma_start3A_608 : memref<128x64xf32, #tpu.memory_space<vmem>>) offsets(%dma_start3A_609 : memref<128xi32, #tpu.memory_space<vmem>>) semaphore(%arg12 : memref<!tpu.dma_semaphore, #tpu.memory_space<semaphore_mem>>)
        } else {
        }
      } else {
      }
      %jit3A_265 = arith.constant 2 : i32
      %eq3A_266 = arith.constant 0 : i32
      %eq3A_267 = arith.cmpi eq, %jit3A_265, %eq3A_266 : i32
      %jit3A_268 = arith.constant 1 : i32
      %select_n3A_269 = arith.select %eq3A_267, %jit3A_268, %jit3A_265 : i32
      %rem3A_270 = arith.remsi %scan3A_247, %select_n3A_269 : i32
      %ne3A_271 = arith.constant 0 : i32
      %ne3A_272 = arith.cmpi ne, %rem3A_270, %ne3A_271 : i32
      %lt3A_273 = arith.constant 0 : i32
      %lt3A_274 = arith.cmpi slt, %rem3A_270, %lt3A_273 : i32
      %lt3A_275 = arith.constant 0 : i32
      %lt3A_276 = arith.cmpi slt, %select_n3A_269, %lt3A_275 : i32
      %ne3A_277 = arith.xori %lt3A_274, %lt3A_276 : i1
      %and3A_278 = arith.andi %ne3A_277, %ne3A_272 : i1
      %add3A_279 = arith.addi %rem3A_270, %select_n3A_269 : i32
      %select_n3A_280 = arith.select %and3A_278, %add3A_279, %rem3A_270 : i32
      %eq3A_281 = arith.constant 1 : i32
      %eq3A_282 = arith.cmpi eq, %select_n3A_280, %eq3A_281 : i32
      %convert_element_type3A_283 = arith.extui %eq3A_282 : i1 to i32
      %cond3A_284 = arith.constant 0 : i32
      %cond3A_285 = arith.cmpi ne, %convert_element_type3A_283, %cond3A_284 : i32
      scf.if %cond3A_285 {
        %jit3A_454 = arith.constant 4 : i32
        %eq3A_455 = arith.constant 0 : i32
        %eq3A_456 = arith.cmpi eq, %jit3A_454, %eq3A_455 : i32
        %jit3A_457 = arith.constant 1 : i32
        %select_n3A_458 = arith.select %eq3A_456, %jit3A_457, %jit3A_454 : i32
        %rem3A_459 = arith.remsi %scan3A_247, %select_n3A_458 : i32
        %ne3A_460 = arith.constant 0 : i32
        %ne3A_461 = arith.cmpi ne, %rem3A_459, %ne3A_460 : i32
        %lt3A_462 = arith.constant 0 : i32
        %lt3A_463 = arith.cmpi slt, %rem3A_459, %lt3A_462 : i32
        %lt3A_464 = arith.constant 0 : i32
        %lt3A_465 = arith.cmpi slt, %select_n3A_458, %lt3A_464 : i32
        %ne3A_466 = arith.xori %lt3A_463, %lt3A_465 : i1
        %and3A_467 = arith.andi %ne3A_466, %ne3A_461 : i1
        %add3A_468 = arith.addi %rem3A_459, %select_n3A_458 : i32
        %select_n3A_469 = arith.select %and3A_467, %add3A_468, %rem3A_459 : i32
        %mul3A_470 = arith.constant 512 : i32
        %mul3A_471 = arith.muli %select_n3A_469, %mul3A_470 : i32
        %jit3A_472 = arith.constant 3 : i32
        %eq3A_473 = arith.constant 0 : i32
        %eq3A_474 = arith.cmpi eq, %jit3A_472, %eq3A_473 : i32
        %jit3A_475 = arith.constant 1 : i32
        %select_n3A_476 = arith.select %eq3A_474, %jit3A_475, %jit3A_472 : i32
        %rem3A_477 = arith.remsi %scan3A_247, %select_n3A_476 : i32
        %ne3A_478 = arith.constant 0 : i32
        %ne3A_479 = arith.cmpi ne, %rem3A_477, %ne3A_478 : i32
        %lt3A_480 = arith.constant 0 : i32
        %lt3A_481 = arith.cmpi slt, %rem3A_477, %lt3A_480 : i32
        %lt3A_482 = arith.constant 0 : i32
        %lt3A_483 = arith.cmpi slt, %select_n3A_476, %lt3A_482 : i32
        %ne3A_484 = arith.xori %lt3A_481, %lt3A_483 : i1
        %and3A_485 = arith.andi %ne3A_484, %ne3A_479 : i1
        %add3A_486 = arith.addi %rem3A_477, %select_n3A_476 : i32
        %select_n3A_487 = arith.select %and3A_485, %add3A_486, %rem3A_477 : i32
        %mul3A_488 = arith.constant 512 : i32
        %mul3A_489 = arith.muli %select_n3A_487, %mul3A_488 : i32
        %add3A_490 = arith.constant 0 : i32
        %add3A_491 = arith.addi %mul3A_471, %add3A_490 : i32
        %add3A_492 = arith.constant 0 : i32
        %add3A_493 = arith.addi %mul3A_489, %add3A_492 : i32
        %add3A_494 = arith.constant 128 : i32
        %add3A_495 = arith.addi %mul3A_471, %add3A_494 : i32
        %add3A_496 = arith.constant 128 : i32
        %add3A_497 = arith.addi %mul3A_489, %add3A_496 : i32
        %add3A_498 = arith.constant 256 : i32
        %add3A_499 = arith.addi %mul3A_471, %add3A_498 : i32
        %add3A_500 = arith.constant 256 : i32
        %add3A_501 = arith.addi %mul3A_489, %add3A_500 : i32
        %add3A_502 = arith.constant 384 : i32
        %add3A_503 = arith.addi %mul3A_471, %add3A_502 : i32
        %add3A_504 = arith.constant 384 : i32
        %add3A_505 = arith.addi %mul3A_489, %add3A_504 : i32
        %dma_wait3A_506 = arith.constant 0 : i32
        %dma_wait3A_507 = tpu.memref_slice %arg9[%add3A_493, %dma_wait3A_506] : memref<1536x64xf32, #tpu.memory_space<vmem>> -> memref<128x64xf32, #tpu.memory_space<vmem>>
        %dma_wait3A_508 = tpu.memref_slice %arg6[%add3A_491] : memref<2048xi32, #tpu.memory_space<vmem>> -> memref<128xi32, #tpu.memory_space<vmem>>
        %dma_wait3A_509 = arith.constant 0 : i32
        %dma_wait3A_510 = arith.constant 0 : i32
        %dma_wait3A_511 = tpu.memref_slice %arg2[%dma_wait3A_509, %dma_wait3A_510] : memref<50000x64xf32, #tpu.memory_space<hbm>> -> memref<50000x64xf32, #tpu.memory_space<hbm>>
        tpu.wait_indirect_dma semaphore(%arg13 : memref<!tpu.dma_semaphore, #tpu.memory_space<semaphore_mem>>) src(%dma_wait3A_511 : memref<50000x64xf32, #tpu.memory_space<hbm>>) dst(%dma_wait3A_507 : memref<128x64xf32, #tpu.memory_space<vmem>>)
        %dma_wait3A_512 = arith.constant 0 : i32
        %dma_wait3A_513 = tpu.memref_slice %arg9[%add3A_497, %dma_wait3A_512] : memref<1536x64xf32, #tpu.memory_space<vmem>> -> memref<128x64xf32, #tpu.memory_space<vmem>>
        %dma_wait3A_514 = tpu.memref_slice %arg6[%add3A_495] : memref<2048xi32, #tpu.memory_space<vmem>> -> memref<128xi32, #tpu.memory_space<vmem>>
        %dma_wait3A_515 = arith.constant 0 : i32
        %dma_wait3A_516 = arith.constant 0 : i32
        %dma_wait3A_517 = tpu.memref_slice %arg2[%dma_wait3A_515, %dma_wait3A_516] : memref<50000x64xf32, #tpu.memory_space<hbm>> -> memref<50000x64xf32, #tpu.memory_space<hbm>>
        tpu.wait_indirect_dma semaphore(%arg13 : memref<!tpu.dma_semaphore, #tpu.memory_space<semaphore_mem>>) src(%dma_wait3A_517 : memref<50000x64xf32, #tpu.memory_space<hbm>>) dst(%dma_wait3A_513 : memref<128x64xf32, #tpu.memory_space<vmem>>)
        %dma_wait3A_518 = arith.constant 0 : i32
        %dma_wait3A_519 = tpu.memref_slice %arg9[%add3A_501, %dma_wait3A_518] : memref<1536x64xf32, #tpu.memory_space<vmem>> -> memref<128x64xf32, #tpu.memory_space<vmem>>
        %dma_wait3A_520 = tpu.memref_slice %arg6[%add3A_499] : memref<2048xi32, #tpu.memory_space<vmem>> -> memref<128xi32, #tpu.memory_space<vmem>>
        %dma_wait3A_521 = arith.constant 0 : i32
        %dma_wait3A_522 = arith.constant 0 : i32
        %dma_wait3A_523 = tpu.memref_slice %arg2[%dma_wait3A_521, %dma_wait3A_522] : memref<50000x64xf32, #tpu.memory_space<hbm>> -> memref<50000x64xf32, #tpu.memory_space<hbm>>
        tpu.wait_indirect_dma semaphore(%arg13 : memref<!tpu.dma_semaphore, #tpu.memory_space<semaphore_mem>>) src(%dma_wait3A_523 : memref<50000x64xf32, #tpu.memory_space<hbm>>) dst(%dma_wait3A_519 : memref<128x64xf32, #tpu.memory_space<vmem>>)
        %dma_wait3A_524 = arith.constant 0 : i32
        %dma_wait3A_525 = tpu.memref_slice %arg9[%add3A_505, %dma_wait3A_524] : memref<1536x64xf32, #tpu.memory_space<vmem>> -> memref<128x64xf32, #tpu.memory_space<vmem>>
        %dma_wait3A_526 = tpu.memref_slice %arg6[%add3A_503] : memref<2048xi32, #tpu.memory_space<vmem>> -> memref<128xi32, #tpu.memory_space<vmem>>
        %dma_wait3A_527 = arith.constant 0 : i32
        %dma_wait3A_528 = arith.constant 0 : i32
        %dma_wait3A_529 = tpu.memref_slice %arg2[%dma_wait3A_527, %dma_wait3A_528] : memref<50000x64xf32, #tpu.memory_space<hbm>> -> memref<50000x64xf32, #tpu.memory_space<hbm>>
        tpu.wait_indirect_dma semaphore(%arg13 : memref<!tpu.dma_semaphore, #tpu.memory_space<semaphore_mem>>) src(%dma_wait3A_529 : memref<50000x64xf32, #tpu.memory_space<hbm>>) dst(%dma_wait3A_525 : memref<128x64xf32, #tpu.memory_space<vmem>>)
        %lt3A_530 = arith.constant 96 : i32
        %lt3A_531 = arith.cmpi slt, %scan3A_247, %lt3A_530 : i32
        %convert_element_type3A_532 = arith.extui %lt3A_531 : i1 to i32
        %cond3A_533 = arith.constant 0 : i32
        %cond3A_534 = arith.cmpi ne, %convert_element_type3A_532, %cond3A_533 : i32
        scf.if %cond3A_534 {
          %add3A_535 = arith.constant 2 : i32
          %add3A_536 = arith.addi %scan3A_247, %add3A_535 : i32
          %jit3A_537 = arith.constant 4 : i32
          %eq3A_538 = arith.constant 0 : i32
          %eq3A_539 = arith.cmpi eq, %jit3A_537, %eq3A_538 : i32
          %jit3A_540 = arith.constant 1 : i32
          %select_n3A_541 = arith.select %eq3A_539, %jit3A_540, %jit3A_537 : i32
          %rem3A_542 = arith.remsi %add3A_536, %select_n3A_541 : i32
          %ne3A_543 = arith.constant 0 : i32
          %ne3A_544 = arith.cmpi ne, %rem3A_542, %ne3A_543 : i32
          %lt3A_545 = arith.constant 0 : i32
          %lt3A_546 = arith.cmpi slt, %rem3A_542, %lt3A_545 : i32
          %lt3A_547 = arith.constant 0 : i32
          %lt3A_548 = arith.cmpi slt, %select_n3A_541, %lt3A_547 : i32
          %ne3A_549 = arith.xori %lt3A_546, %lt3A_548 : i1
          %and3A_550 = arith.andi %ne3A_549, %ne3A_544 : i1
          %add3A_551 = arith.addi %rem3A_542, %select_n3A_541 : i32
          %select_n3A_552 = arith.select %and3A_550, %add3A_551, %rem3A_542 : i32
          %mul3A_553 = arith.constant 512 : i32
          %mul3A_554 = arith.muli %select_n3A_552, %mul3A_553 : i32
          %jit3A_555 = arith.constant 3 : i32
          %eq3A_556 = arith.constant 0 : i32
          %eq3A_557 = arith.cmpi eq, %jit3A_555, %eq3A_556 : i32
          %jit3A_558 = arith.constant 1 : i32
          %select_n3A_559 = arith.select %eq3A_557, %jit3A_558, %jit3A_555 : i32
          %rem3A_560 = arith.remsi %add3A_536, %select_n3A_559 : i32
          %ne3A_561 = arith.constant 0 : i32
          %ne3A_562 = arith.cmpi ne, %rem3A_560, %ne3A_561 : i32
          %lt3A_563 = arith.constant 0 : i32
          %lt3A_564 = arith.cmpi slt, %rem3A_560, %lt3A_563 : i32
          %lt3A_565 = arith.constant 0 : i32
          %lt3A_566 = arith.cmpi slt, %select_n3A_559, %lt3A_565 : i32
          %ne3A_567 = arith.xori %lt3A_564, %lt3A_566 : i1
          %and3A_568 = arith.andi %ne3A_567, %ne3A_562 : i1
          %add3A_569 = arith.addi %rem3A_560, %select_n3A_559 : i32
          %select_n3A_570 = arith.select %and3A_568, %add3A_569, %rem3A_560 : i32
          %mul3A_571 = arith.constant 512 : i32
          %mul3A_572 = arith.muli %select_n3A_570, %mul3A_571 : i32
          %add3A_573 = arith.constant 0 : i32
          %add3A_574 = arith.addi %mul3A_554, %add3A_573 : i32
          %add3A_575 = arith.constant 0 : i32
          %add3A_576 = arith.addi %mul3A_572, %add3A_575 : i32
          %add3A_577 = arith.constant 128 : i32
          %add3A_578 = arith.addi %mul3A_554, %add3A_577 : i32
          %add3A_579 = arith.constant 128 : i32
          %add3A_580 = arith.addi %mul3A_572, %add3A_579 : i32
          %add3A_581 = arith.constant 256 : i32
          %add3A_582 = arith.addi %mul3A_554, %add3A_581 : i32
          %add3A_583 = arith.constant 256 : i32
          %add3A_584 = arith.addi %mul3A_572, %add3A_583 : i32
          %add3A_585 = arith.constant 384 : i32
          %add3A_586 = arith.addi %mul3A_554, %add3A_585 : i32
          %add3A_587 = arith.constant 384 : i32
          %add3A_588 = arith.addi %mul3A_572, %add3A_587 : i32
          %dma_start3A_589 = arith.constant 0 : i32
          %dma_start3A_590 = tpu.memref_slice %arg9[%add3A_576, %dma_start3A_589] : memref<1536x64xf32, #tpu.memory_space<vmem>> -> memref<128x64xf32, #tpu.memory_space<vmem>>
          %dma_start3A_591 = tpu.memref_slice %arg6[%add3A_574] : memref<2048xi32, #tpu.memory_space<vmem>> -> memref<128xi32, #tpu.memory_space<vmem>>
          %dma_start3A_592 = arith.constant 0 : i32
          %dma_start3A_593 = arith.constant 0 : i32
          %dma_start3A_594 = tpu.memref_slice %arg2[%dma_start3A_592, %dma_start3A_593] : memref<50000x64xf32, #tpu.memory_space<hbm>> -> memref<50000x64xf32, #tpu.memory_space<hbm>>
          tpu.enqueue_indirect_dma source(%dma_start3A_594 : memref<50000x64xf32, #tpu.memory_space<hbm>>) target(%dma_start3A_590 : memref<128x64xf32, #tpu.memory_space<vmem>>) offsets(%dma_start3A_591 : memref<128xi32, #tpu.memory_space<vmem>>) semaphore(%arg13 : memref<!tpu.dma_semaphore, #tpu.memory_space<semaphore_mem>>)
          %dma_start3A_595 = arith.constant 0 : i32
          %dma_start3A_596 = tpu.memref_slice %arg9[%add3A_580, %dma_start3A_595] : memref<1536x64xf32, #tpu.memory_space<vmem>> -> memref<128x64xf32, #tpu.memory_space<vmem>>
          %dma_start3A_597 = tpu.memref_slice %arg6[%add3A_578] : memref<2048xi32, #tpu.memory_space<vmem>> -> memref<128xi32, #tpu.memory_space<vmem>>
          %dma_start3A_598 = arith.constant 0 : i32
          %dma_start3A_599 = arith.constant 0 : i32
          %dma_start3A_600 = tpu.memref_slice %arg2[%dma_start3A_598, %dma_start3A_599] : memref<50000x64xf32, #tpu.memory_space<hbm>> -> memref<50000x64xf32, #tpu.memory_space<hbm>>
          tpu.enqueue_indirect_dma source(%dma_start3A_600 : memref<50000x64xf32, #tpu.memory_space<hbm>>) target(%dma_start3A_596 : memref<128x64xf32, #tpu.memory_space<vmem>>) offsets(%dma_start3A_597 : memref<128xi32, #tpu.memory_space<vmem>>) semaphore(%arg13 : memref<!tpu.dma_semaphore, #tpu.memory_space<semaphore_mem>>)
          %dma_start3A_601 = arith.constant 0 : i32
          %dma_start3A_602 = tpu.memref_slice %arg9[%add3A_584, %dma_start3A_601] : memref<1536x64xf32, #tpu.memory_space<vmem>> -> memref<128x64xf32, #tpu.memory_space<vmem>>
          %dma_start3A_603 = tpu.memref_slice %arg6[%add3A_582] : memref<2048xi32, #tpu.memory_space<vmem>> -> memref<128xi32, #tpu.memory_space<vmem>>
          %dma_start3A_604 = arith.constant 0 : i32
          %dma_start3A_605 = arith.constant 0 : i32
          %dma_start3A_606 = tpu.memref_slice %arg2[%dma_start3A_604, %dma_start3A_605] : memref<50000x64xf32, #tpu.memory_space<hbm>> -> memref<50000x64xf32, #tpu.memory_space<hbm>>
          tpu.enqueue_indirect_dma source(%dma_start3A_606 : memref<50000x64xf32, #tpu.memory_space<hbm>>) target(%dma_start3A_602 : memref<128x64xf32, #tpu.memory_space<vmem>>) offsets(%dma_start3A_603 : memref<128xi32, #tpu.memory_space<vmem>>) semaphore(%arg13 : memref<!tpu.dma_semaphore, #tpu.memory_space<semaphore_mem>>)
          %dma_start3A_607 = arith.constant 0 : i32
          %dma_start3A_608 = tpu.memref_slice %arg9[%add3A_588, %dma_start3A_607] : memref<1536x64xf32, #tpu.memory_space<vmem>> -> memref<128x64xf32, #tpu.memory_space<vmem>>
          %dma_start3A_609 = tpu.memref_slice %arg6[%add3A_586] : memref<2048xi32, #tpu.memory_space<vmem>> -> memref<128xi32, #tpu.memory_space<vmem>>
          %dma_start3A_610 = arith.constant 0 : i32
          %dma_start3A_611 = arith.constant 0 : i32
          %dma_start3A_612 = tpu.memref_slice %arg2[%dma_start3A_610, %dma_start3A_611] : memref<50000x64xf32, #tpu.memory_space<hbm>> -> memref<50000x64xf32, #tpu.memory_space<hbm>>
          tpu.enqueue_indirect_dma source(%dma_start3A_612 : memref<50000x64xf32, #tpu.memory_space<hbm>>) target(%dma_start3A_608 : memref<128x64xf32, #tpu.memory_space<vmem>>) offsets(%dma_start3A_609 : memref<128xi32, #tpu.memory_space<vmem>>) semaphore(%arg13 : memref<!tpu.dma_semaphore, #tpu.memory_space<semaphore_mem>>)
        } else {
        }
      } else {
      }
      %lt3A_286 = arith.constant 95 : i32
      %lt3A_287 = arith.cmpi slt, %scan3A_247, %lt3A_286 : i32
      %convert_element_type3A_288 = arith.extui %lt3A_287 : i1 to i32
      %cond3A_289 = arith.constant 0 : i32
      %cond3A_290 = arith.cmpi ne, %convert_element_type3A_288, %cond3A_289 : i32
      scf.if %cond3A_290 {
        %add3A_454 = arith.constant 3 : i32
        %add3A_455 = arith.addi %scan3A_247, %add3A_454 : i32
        %mul3A_456 = arith.constant 32 : i32
        %mul3A_457 = arith.muli %add3A_455, %mul3A_456 : i32
        %add3A_458 = arith.addi %mul3A_2, %mul3A_457 : i32
        %min3A_459 = arith.constant 49968 : i32
        %min3A_460 = arith.minsi %add3A_458, %min3A_459 : i32
        %jit3A_461 = arith.constant 4 : i32
        %eq3A_462 = arith.constant 0 : i32
        %eq3A_463 = arith.cmpi eq, %jit3A_461, %eq3A_462 : i32
        %jit3A_464 = arith.constant 1 : i32
        %select_n3A_465 = arith.select %eq3A_463, %jit3A_464, %jit3A_461 : i32
        %rem3A_466 = arith.remsi %add3A_455, %select_n3A_465 : i32
        %ne3A_467 = arith.constant 0 : i32
        %ne3A_468 = arith.cmpi ne, %rem3A_466, %ne3A_467 : i32
        %lt3A_469 = arith.constant 0 : i32
        %lt3A_470 = arith.cmpi slt, %rem3A_466, %lt3A_469 : i32
        %lt3A_471 = arith.constant 0 : i32
        %lt3A_472 = arith.cmpi slt, %select_n3A_465, %lt3A_471 : i32
        %ne3A_473 = arith.xori %lt3A_470, %lt3A_472 : i1
        %and3A_474 = arith.andi %ne3A_473, %ne3A_468 : i1
        %add3A_475 = arith.addi %rem3A_466, %select_n3A_465 : i32
        %select_n3A_476 = arith.select %and3A_474, %add3A_475, %rem3A_466 : i32
        %mul3A_477 = arith.constant 512 : i32
        %mul3A_478 = arith.muli %select_n3A_476, %mul3A_477 : i32
        %jit3A_479 = arith.constant 4 : i32
        %eq3A_480 = arith.constant 0 : i32
        %eq3A_481 = arith.cmpi eq, %jit3A_479, %eq3A_480 : i32
        %jit3A_482 = arith.constant 1 : i32
        %select_n3A_483 = arith.select %eq3A_481, %jit3A_482, %jit3A_479 : i32
        %rem3A_484 = arith.remsi %add3A_455, %select_n3A_483 : i32
        %ne3A_485 = arith.constant 0 : i32
        %ne3A_486 = arith.cmpi ne, %rem3A_484, %ne3A_485 : i32
        %lt3A_487 = arith.constant 0 : i32
        %lt3A_488 = arith.cmpi slt, %rem3A_484, %lt3A_487 : i32
        %lt3A_489 = arith.constant 0 : i32
        %lt3A_490 = arith.cmpi slt, %select_n3A_483, %lt3A_489 : i32
        %ne3A_491 = arith.xori %lt3A_488, %lt3A_490 : i1
        %and3A_492 = arith.andi %ne3A_491, %ne3A_486 : i1
        %add3A_493 = arith.addi %rem3A_484, %select_n3A_483 : i32
        %select_n3A_494 = arith.select %and3A_492, %add3A_493, %rem3A_484 : i32
        %mul3A_495 = arith.constant 32 : i32
        %mul3A_496 = arith.muli %select_n3A_494, %mul3A_495 : i32
        %mul3A_497 = arith.constant 16 : i32
        %mul3A_498 = arith.muli %min3A_460, %mul3A_497 : i32
        %mul3A_499 = arith.constant 16 : i32
        %mul3A_500 = arith.muli %min3A_460, %mul3A_499 : i32
        %dma_start3A_501 = tpu.memref_slice %arg6[%mul3A_478] : memref<2048xi32, #tpu.memory_space<vmem>> -> memref<512xi32, #tpu.memory_space<vmem>>
        %dma_start3A_502 = tpu.memref_slice %arg3[%mul3A_498] : memref<800000xi32, #tpu.memory_space<hbm>> -> memref<512xi32, #tpu.memory_space<hbm>>
        %dma_start3A_503 = tpu.memref_slice %arg6[%mul3A_478] : memref<2048xi32, #tpu.memory_space<vmem>> -> memref<512xi32, #tpu.memory_space<vmem>>
        %dma_start3A_504 = tpu.memref_slice %arg3[%mul3A_498] : memref<800000xi32, #tpu.memory_space<hbm>> -> memref<512xi32, #tpu.memory_space<hbm>>
        tpu.enqueue_dma source(%dma_start3A_504 : memref<512xi32, #tpu.memory_space<hbm>>) target(%dma_start3A_503 : memref<512xi32, #tpu.memory_space<vmem>>) target_semaphore(%arg11 : memref<!tpu.dma_semaphore, #tpu.memory_space<semaphore_mem>>)
        %dma_start3A_505 = tpu.memref_slice %arg7[%mul3A_478] : memref<2048xf32, #tpu.memory_space<vmem>> -> memref<512xf32, #tpu.memory_space<vmem>>
        %dma_start3A_506 = tpu.memref_slice %arg4[%mul3A_500] : memref<800000xf32, #tpu.memory_space<hbm>> -> memref<512xf32, #tpu.memory_space<hbm>>
        %dma_start3A_507 = tpu.memref_slice %arg7[%mul3A_478] : memref<2048xf32, #tpu.memory_space<vmem>> -> memref<512xf32, #tpu.memory_space<vmem>>
        %dma_start3A_508 = tpu.memref_slice %arg4[%mul3A_500] : memref<800000xf32, #tpu.memory_space<hbm>> -> memref<512xf32, #tpu.memory_space<hbm>>
        tpu.enqueue_dma source(%dma_start3A_508 : memref<512xf32, #tpu.memory_space<hbm>>) target(%dma_start3A_507 : memref<512xf32, #tpu.memory_space<vmem>>) target_semaphore(%arg11 : memref<!tpu.dma_semaphore, #tpu.memory_space<semaphore_mem>>)
        %dma_start3A_509 = arith.constant 0 : i32
        %dma_start3A_510 = tpu.memref_slice %arg8[%mul3A_496, %dma_start3A_509] : memref<128x64xf32, #tpu.memory_space<vmem>> -> memref<32x64xf32, #tpu.memory_space<vmem>>
        %dma_start3A_511 = arith.constant 0 : i32
        %dma_start3A_512 = tpu.memref_slice %arg2[%min3A_460, %dma_start3A_511] : memref<50000x64xf32, #tpu.memory_space<hbm>> -> memref<32x64xf32, #tpu.memory_space<hbm>>
        %dma_start3A_513 = arith.constant 0 : i32
        %dma_start3A_514 = tpu.memref_slice %arg8[%mul3A_496, %dma_start3A_513] : memref<128x64xf32, #tpu.memory_space<vmem>> -> memref<32x64xf32, #tpu.memory_space<vmem>>
        %dma_start3A_515 = arith.constant 0 : i32
        %dma_start3A_516 = tpu.memref_slice %arg2[%min3A_460, %dma_start3A_515] : memref<50000x64xf32, #tpu.memory_space<hbm>> -> memref<32x64xf32, #tpu.memory_space<hbm>>
        tpu.enqueue_dma source(%dma_start3A_516 : memref<32x64xf32, #tpu.memory_space<hbm>>) target(%dma_start3A_514 : memref<32x64xf32, #tpu.memory_space<vmem>>) target_semaphore(%arg11 : memref<!tpu.dma_semaphore, #tpu.memory_space<semaphore_mem>>)
      } else {
      }
      %ge3A = arith.constant 2 : i32
      %ge3A_291 = arith.cmpi sge, %scan3A_247, %ge3A : i32
      %jit3A_292 = arith.constant 2 : i32
      %eq3A_293 = arith.constant 0 : i32
      %eq3A_294 = arith.cmpi eq, %jit3A_292, %eq3A_293 : i32
      %jit3A_295 = arith.constant 1 : i32
      %select_n3A_296 = arith.select %eq3A_294, %jit3A_295, %jit3A_292 : i32
      %rem3A_297 = arith.remsi %scan3A_247, %select_n3A_296 : i32
      %ne3A_298 = arith.constant 0 : i32
      %ne3A_299 = arith.cmpi ne, %rem3A_297, %ne3A_298 : i32
      %lt3A_300 = arith.constant 0 : i32
      %lt3A_301 = arith.cmpi slt, %rem3A_297, %lt3A_300 : i32
      %lt3A_302 = arith.constant 0 : i32
      %lt3A_303 = arith.cmpi slt, %select_n3A_296, %lt3A_302 : i32
      %ne3A_304 = arith.xori %lt3A_301, %lt3A_303 : i1
      %and3A_305 = arith.andi %ne3A_304, %ne3A_299 : i1
      %add3A_306 = arith.addi %rem3A_297, %select_n3A_296 : i32
      %select_n3A_307 = arith.select %and3A_305, %add3A_306, %rem3A_297 : i32
      %eq3A_308 = arith.constant 0 : i32
      %eq3A_309 = arith.cmpi eq, %select_n3A_307, %eq3A_308 : i32
      %and3A_310 = arith.andi %ge3A_291, %eq3A_309 : i1
      %convert_element_type3A_311 = arith.extui %and3A_310 : i1 to i32
      %cond3A_312 = arith.constant 0 : i32
      %cond3A_313 = arith.cmpi ne, %convert_element_type3A_311, %cond3A_312 : i32
      scf.if %cond3A_313 {
        %sub3A = arith.constant 2 : i32
        %sub3A_454 = arith.subi %scan3A_247, %sub3A : i32
        %mul3A_455 = arith.constant 32 : i32
        %mul3A_456 = arith.muli %sub3A_454, %mul3A_455 : i32
        %add3A_457 = arith.addi %mul3A_2, %mul3A_456 : i32
        %min3A_458 = arith.constant 49968 : i32
        %min3A_459 = arith.minsi %add3A_457, %min3A_458 : i32
        %dma_wait3A_460 = arith.constant 0 : i32
        %dma_wait3A_461 = arith.constant 0 : i32
        %dma_wait3A_462 = tpu.memref_slice %arg10[%dma_wait3A_460, %dma_wait3A_461] : memref<64x128xf32, #tpu.memory_space<vmem>> -> memref<32x128xf32, #tpu.memory_space<vmem>>
        %dma_wait3A_463 = arith.constant 0 : i32
        %dma_wait3A_464 = tpu.memref_slice %arg5[%min3A_459, %dma_wait3A_463] : memref<50000x128xf32, #tpu.memory_space<hbm>> -> memref<32x128xf32, #tpu.memory_space<hbm>>
        %dma_wait3A_465 = arith.constant 0 : i32
        %dma_wait3A_466 = tpu.memref_slice %arg5[%min3A_459, %dma_wait3A_465] : memref<50000x128xf32, #tpu.memory_space<hbm>> -> memref<32x128xf32, #tpu.memory_space<hbm>>
        %dma_wait3A_467 = arith.constant 0 : i32
        %dma_wait3A_468 = arith.constant 0 : i32
        %dma_wait3A_469 = tpu.memref_slice %arg10[%dma_wait3A_467, %dma_wait3A_468] : memref<64x128xf32, #tpu.memory_space<vmem>> -> memref<32x128xf32, #tpu.memory_space<vmem>>
        tpu.wait_dma2 semaphore(%arg14 : memref<!tpu.dma_semaphore, #tpu.memory_space<semaphore_mem>>) src(%dma_wait3A_469 : memref<32x128xf32, #tpu.memory_space<vmem>>) dst(%dma_wait3A_466 : memref<32x128xf32, #tpu.memory_space<hbm>>)
      } else {
      }
      %ge3A_314 = arith.constant 2 : i32
      %ge3A_315 = arith.cmpi sge, %scan3A_247, %ge3A_314 : i32
      %jit3A_316 = arith.constant 2 : i32
      %eq3A_317 = arith.constant 0 : i32
      %eq3A_318 = arith.cmpi eq, %jit3A_316, %eq3A_317 : i32
      %jit3A_319 = arith.constant 1 : i32
      %select_n3A_320 = arith.select %eq3A_318, %jit3A_319, %jit3A_316 : i32
      %rem3A_321 = arith.remsi %scan3A_247, %select_n3A_320 : i32
      %ne3A_322 = arith.constant 0 : i32
      %ne3A_323 = arith.cmpi ne, %rem3A_321, %ne3A_322 : i32
      %lt3A_324 = arith.constant 0 : i32
      %lt3A_325 = arith.cmpi slt, %rem3A_321, %lt3A_324 : i32
      %lt3A_326 = arith.constant 0 : i32
      %lt3A_327 = arith.cmpi slt, %select_n3A_320, %lt3A_326 : i32
      %ne3A_328 = arith.xori %lt3A_325, %lt3A_327 : i1
      %and3A_329 = arith.andi %ne3A_328, %ne3A_323 : i1
      %add3A_330 = arith.addi %rem3A_321, %select_n3A_320 : i32
      %select_n3A_331 = arith.select %and3A_329, %add3A_330, %rem3A_321 : i32
      %eq3A_332 = arith.constant 1 : i32
      %eq3A_333 = arith.cmpi eq, %select_n3A_331, %eq3A_332 : i32
      %and3A_334 = arith.andi %ge3A_315, %eq3A_333 : i1
      %convert_element_type3A_335 = arith.extui %and3A_334 : i1 to i32
      %cond3A_336 = arith.constant 0 : i32
      %cond3A_337 = arith.cmpi ne, %convert_element_type3A_335, %cond3A_336 : i32
      scf.if %cond3A_337 {
        %sub3A = arith.constant 2 : i32
        %sub3A_454 = arith.subi %scan3A_247, %sub3A : i32
        %mul3A_455 = arith.constant 32 : i32
        %mul3A_456 = arith.muli %sub3A_454, %mul3A_455 : i32
        %add3A_457 = arith.addi %mul3A_2, %mul3A_456 : i32
        %min3A_458 = arith.constant 49968 : i32
        %min3A_459 = arith.minsi %add3A_457, %min3A_458 : i32
        %dma_wait3A_460 = arith.constant 32 : i32
        %dma_wait3A_461 = arith.constant 0 : i32
        %dma_wait3A_462 = tpu.memref_slice %arg10[%dma_wait3A_460, %dma_wait3A_461] : memref<64x128xf32, #tpu.memory_space<vmem>> -> memref<32x128xf32, #tpu.memory_space<vmem>>
        %dma_wait3A_463 = arith.constant 0 : i32
        %dma_wait3A_464 = tpu.memref_slice %arg5[%min3A_459, %dma_wait3A_463] : memref<50000x128xf32, #tpu.memory_space<hbm>> -> memref<32x128xf32, #tpu.memory_space<hbm>>
        %dma_wait3A_465 = arith.constant 0 : i32
        %dma_wait3A_466 = tpu.memref_slice %arg5[%min3A_459, %dma_wait3A_465] : memref<50000x128xf32, #tpu.memory_space<hbm>> -> memref<32x128xf32, #tpu.memory_space<hbm>>
        %dma_wait3A_467 = arith.constant 32 : i32
        %dma_wait3A_468 = arith.constant 0 : i32
        %dma_wait3A_469 = tpu.memref_slice %arg10[%dma_wait3A_467, %dma_wait3A_468] : memref<64x128xf32, #tpu.memory_space<vmem>> -> memref<32x128xf32, #tpu.memory_space<vmem>>
        tpu.wait_dma2 semaphore(%arg15 : memref<!tpu.dma_semaphore, #tpu.memory_space<semaphore_mem>>) src(%dma_wait3A_469 : memref<32x128xf32, #tpu.memory_space<vmem>>) dst(%dma_wait3A_466 : memref<32x128xf32, #tpu.memory_space<hbm>>)
      } else {
      }
      %jit3A_338 = arith.constant 3 : i32
      %eq3A_339 = arith.constant 0 : i32
      %eq3A_340 = arith.cmpi eq, %jit3A_338, %eq3A_339 : i32
      %jit3A_341 = arith.constant 1 : i32
      %select_n3A_342 = arith.select %eq3A_340, %jit3A_341, %jit3A_338 : i32
      %rem3A_343 = arith.remsi %scan3A_247, %select_n3A_342 : i32
      %ne3A_344 = arith.constant 0 : i32
      %ne3A_345 = arith.cmpi ne, %rem3A_343, %ne3A_344 : i32
      %lt3A_346 = arith.constant 0 : i32
      %lt3A_347 = arith.cmpi slt, %rem3A_343, %lt3A_346 : i32
      %lt3A_348 = arith.constant 0 : i32
      %lt3A_349 = arith.cmpi slt, %select_n3A_342, %lt3A_348 : i32
      %ne3A_350 = arith.xori %lt3A_347, %lt3A_349 : i1
      %and3A_351 = arith.andi %ne3A_350, %ne3A_345 : i1
      %add3A_352 = arith.addi %rem3A_343, %select_n3A_342 : i32
      %select_n3A_353 = arith.select %and3A_351, %add3A_352, %rem3A_343 : i32
      %mul3A_354 = arith.constant 512 : i32
      %mul3A_355 = arith.muli %select_n3A_353, %mul3A_354 : i32
      %jit3A_356 = arith.constant 4 : i32
      %eq3A_357 = arith.constant 0 : i32
      %eq3A_358 = arith.cmpi eq, %jit3A_356, %eq3A_357 : i32
      %jit3A_359 = arith.constant 1 : i32
      %select_n3A_360 = arith.select %eq3A_358, %jit3A_359, %jit3A_356 : i32
      %rem3A_361 = arith.remsi %scan3A_247, %select_n3A_360 : i32
      %ne3A_362 = arith.constant 0 : i32
      %ne3A_363 = arith.cmpi ne, %rem3A_361, %ne3A_362 : i32
      %lt3A_364 = arith.constant 0 : i32
      %lt3A_365 = arith.cmpi slt, %rem3A_361, %lt3A_364 : i32
      %lt3A_366 = arith.constant 0 : i32
      %lt3A_367 = arith.cmpi slt, %select_n3A_360, %lt3A_366 : i32
      %ne3A_368 = arith.xori %lt3A_365, %lt3A_367 : i1
      %and3A_369 = arith.andi %ne3A_368, %ne3A_363 : i1
      %add3A_370 = arith.addi %rem3A_361, %select_n3A_360 : i32
      %select_n3A_371 = arith.select %and3A_369, %add3A_370, %rem3A_361 : i32
      %mul3A_372 = arith.constant 512 : i32
      %mul3A_373 = arith.muli %select_n3A_371, %mul3A_372 : i32
      %jit3A_374 = arith.constant 4 : i32
      %eq3A_375 = arith.constant 0 : i32
      %eq3A_376 = arith.cmpi eq, %jit3A_374, %eq3A_375 : i32
      %jit3A_377 = arith.constant 1 : i32
      %select_n3A_378 = arith.select %eq3A_376, %jit3A_377, %jit3A_374 : i32
      %rem3A_379 = arith.remsi %scan3A_247, %select_n3A_378 : i32
      %ne3A_380 = arith.constant 0 : i32
      %ne3A_381 = arith.cmpi ne, %rem3A_379, %ne3A_380 : i32
      %lt3A_382 = arith.constant 0 : i32
      %lt3A_383 = arith.cmpi slt, %rem3A_379, %lt3A_382 : i32
      %lt3A_384 = arith.constant 0 : i32
      %lt3A_385 = arith.cmpi slt, %select_n3A_378, %lt3A_384 : i32
      %ne3A_386 = arith.xori %lt3A_383, %lt3A_385 : i1
      %and3A_387 = arith.andi %ne3A_386, %ne3A_381 : i1
      %add3A_388 = arith.addi %rem3A_379, %select_n3A_378 : i32
      %select_n3A_389 = arith.select %and3A_387, %add3A_388, %rem3A_379 : i32
      %mul3A_390 = arith.constant 32 : i32
      %mul3A_391 = arith.muli %select_n3A_389, %mul3A_390 : i32
      %jit3A_392 = arith.constant 2 : i32
      %eq3A_393 = arith.constant 0 : i32
      %eq3A_394 = arith.cmpi eq, %jit3A_392, %eq3A_393 : i32
      %jit3A_395 = arith.constant 1 : i32
      %select_n3A_396 = arith.select %eq3A_394, %jit3A_395, %jit3A_392 : i32
      %rem3A_397 = arith.remsi %scan3A_247, %select_n3A_396 : i32
      %ne3A_398 = arith.constant 0 : i32
      %ne3A_399 = arith.cmpi ne, %rem3A_397, %ne3A_398 : i32
      %lt3A_400 = arith.constant 0 : i32
      %lt3A_401 = arith.cmpi slt, %rem3A_397, %lt3A_400 : i32
      %lt3A_402 = arith.constant 0 : i32
      %lt3A_403 = arith.cmpi slt, %select_n3A_396, %lt3A_402 : i32
      %ne3A_404 = arith.xori %lt3A_401, %lt3A_403 : i1
      %and3A_405 = arith.andi %ne3A_404, %ne3A_399 : i1
      %add3A_406 = arith.addi %rem3A_397, %select_n3A_396 : i32
      %select_n3A_407 = arith.select %and3A_405, %add3A_406, %rem3A_397 : i32
      %mul3A_408 = arith.constant 32 : i32
      %mul3A_409 = arith.muli %select_n3A_407, %mul3A_408 : i32
      %parallel_loop3A = arith.constant 0 : i32
      %parallel_loop3A_410 = arith.constant 32 : i32
      %parallel_loop3A_411 = arith.constant 1 : i32
      scf.for %parallel_loop3A_454 = %parallel_loop3A to %parallel_loop3A_410 step %parallel_loop3A_411  : i32 {
        %parallel_loop3A_455 = arith.constant 16 : i32
        %parallel_loop3A_456 = arith.muli %parallel_loop3A_454, %parallel_loop3A_455 : i32
        %parallel_loop3A_457 = arith.addi %mul3A_373, %parallel_loop3A_456 : i32
        %parallel_loop3A_458 = arith.index_cast %parallel_loop3A_457 : i32 to index
        %parallel_loop3A_459 = tpu.vector_load %arg7[%parallel_loop3A_458] {strides = array<i32>} : memref<2048xf32, #tpu.memory_space<vmem>>, vector<16xf32>,
        %parallel_loop3A_460 = vector.shape_cast %parallel_loop3A_459 : vector<16xf32> to vector<16xf32>
        %parallel_loop3A_461 = arith.constant -1.000000e+01 : f32
        %parallel_loop3A_462 = vector.broadcast %parallel_loop3A_461 : f32 to vector<16xf32>
        %parallel_loop3A_463 = arith.mulf %parallel_loop3A_460, %parallel_loop3A_462 : vector<16xf32>
        %parallel_loop3A_464 = math.exp %parallel_loop3A_463 : vector<16xf32>
        %parallel_loop3A_465 = arith.constant 16 : i32
        %parallel_loop3A_466 = arith.muli %parallel_loop3A_454, %parallel_loop3A_465 : i32
        %parallel_loop3A_467 = arith.addi %mul3A_355, %parallel_loop3A_466 : i32
        %parallel_loop3A_468 = arith.constant 0.000000e+00 : f32
        %parallel_loop3A_469 = vector.broadcast %parallel_loop3A_468 : f32 to vector<16xf32>
        %parallel_loop3A_470 = arith.constant 0.000000e+00 : f32
        %parallel_loop3A_471 = vector.broadcast %parallel_loop3A_470 : f32 to vector<16xf32>
        %parallel_loop3A_472 = arith.constant 0.000000e+00 : f32
        %parallel_loop3A_473 = vector.broadcast %parallel_loop3A_472 : f32 to vector<16xf32>
        %parallel_loop3A_474 = arith.constant 0.000000e+00 : f32
        %parallel_loop3A_475 = vector.broadcast %parallel_loop3A_474 : f32 to vector<16xf32>
        %parallel_loop3A_476 = arith.constant 0xFF800000 : f32
        %parallel_loop3A_477 = vector.broadcast %parallel_loop3A_476 : f32 to vector<16xf32>
        %parallel_loop3A_478 = arith.constant 0xFF800000 : f32
        %parallel_loop3A_479 = vector.broadcast %parallel_loop3A_478 : f32 to vector<16xf32>
        %parallel_loop3A_480 = arith.constant 0xFF800000 : f32
        %parallel_loop3A_481 = vector.broadcast %parallel_loop3A_480 : f32 to vector<16xf32>
        %parallel_loop3A_482 = arith.constant 0xFF800000 : f32
        %parallel_loop3A_483 = vector.broadcast %parallel_loop3A_482 : f32 to vector<16xf32>
        %parallel_loop3A_484 = vector.extract_strided_slice %parallel_loop3A_464 {offsets = [0], sizes = [1], strides = [1]} : vector<16xf32> to vector<1xf32>
        %parallel_loop3A_485 = vector.extract %parallel_loop3A_484[0] : f32 from vector<1xf32>
        %parallel_loop3A_486 = arith.constant 0 : i32
        %parallel_loop3A_487 = arith.addi %parallel_loop3A_467, %parallel_loop3A_486 : i32
        %parallel_loop3A_488 = arith.index_cast %parallel_loop3A_487 : i32 to index
        %parallel_loop3A_489 = arith.constant 0 : index
        %parallel_loop3A_490 = tpu.vector_load %arg9[%parallel_loop3A_488, %parallel_loop3A_489] {strides = array<i32>} : memref<1536x64xf32, #tpu.memory_space<vmem>>, vector<1x16xf32>,
        %parallel_loop3A_491 = vector.shape_cast %parallel_loop3A_490 : vector<1x16xf32> to vector<16xf32>
        %parallel_loop3A_492 = vector.broadcast %parallel_loop3A_485 : f32 to vector<16xf32>
        %parallel_loop3A_493 = arith.mulf %parallel_loop3A_491, %parallel_loop3A_492 : vector<16xf32>
        %parallel_loop3A_494 = arith.addf %parallel_loop3A_469, %parallel_loop3A_493 : vector<16xf32>
        %parallel_loop3A_495 = arith.maximumf %parallel_loop3A_477, %parallel_loop3A_493 : vector<16xf32>
        %parallel_loop3A_496 = arith.constant 0 : i32
        %parallel_loop3A_497 = arith.addi %parallel_loop3A_467, %parallel_loop3A_496 : i32
        %parallel_loop3A_498 = arith.index_cast %parallel_loop3A_497 : i32 to index
        %parallel_loop3A_499 = arith.constant 16 : index
        %parallel_loop3A_500 = tpu.vector_load %arg9[%parallel_loop3A_498, %parallel_loop3A_499] {strides = array<i32>} : memref<1536x64xf32, #tpu.memory_space<vmem>>, vector<1x16xf32>,
        %parallel_loop3A_501 = vector.shape_cast %parallel_loop3A_500 : vector<1x16xf32> to vector<16xf32>
        %parallel_loop3A_502 = vector.broadcast %parallel_loop3A_485 : f32 to vector<16xf32>
        %parallel_loop3A_503 = arith.mulf %parallel_loop3A_501, %parallel_loop3A_502 : vector<16xf32>
        %parallel_loop3A_504 = arith.addf %parallel_loop3A_471, %parallel_loop3A_503 : vector<16xf32>
        %parallel_loop3A_505 = arith.maximumf %parallel_loop3A_479, %parallel_loop3A_503 : vector<16xf32>
        %parallel_loop3A_506 = arith.constant 0 : i32
        %parallel_loop3A_507 = arith.addi %parallel_loop3A_467, %parallel_loop3A_506 : i32
        %parallel_loop3A_508 = arith.index_cast %parallel_loop3A_507 : i32 to index
        %parallel_loop3A_509 = arith.constant 32 : index
        %parallel_loop3A_510 = tpu.vector_load %arg9[%parallel_loop3A_508, %parallel_loop3A_509] {strides = array<i32>} : memref<1536x64xf32, #tpu.memory_space<vmem>>, vector<1x16xf32>,
        %parallel_loop3A_511 = vector.shape_cast %parallel_loop3A_510 : vector<1x16xf32> to vector<16xf32>
        %parallel_loop3A_512 = vector.broadcast %parallel_loop3A_485 : f32 to vector<16xf32>
        %parallel_loop3A_513 = arith.mulf %parallel_loop3A_511, %parallel_loop3A_512 : vector<16xf32>
        %parallel_loop3A_514 = arith.addf %parallel_loop3A_473, %parallel_loop3A_513 : vector<16xf32>
        %parallel_loop3A_515 = arith.maximumf %parallel_loop3A_481, %parallel_loop3A_513 : vector<16xf32>
        %parallel_loop3A_516 = arith.constant 0 : i32
        %parallel_loop3A_517 = arith.addi %parallel_loop3A_467, %parallel_loop3A_516 : i32
        %parallel_loop3A_518 = arith.index_cast %parallel_loop3A_517 : i32 to index
        %parallel_loop3A_519 = arith.constant 48 : index
        %parallel_loop3A_520 = tpu.vector_load %arg9[%parallel_loop3A_518, %parallel_loop3A_519] {strides = array<i32>} : memref<1536x64xf32, #tpu.memory_space<vmem>>, vector<1x16xf32>,
        %parallel_loop3A_521 = vector.shape_cast %parallel_loop3A_520 : vector<1x16xf32> to vector<16xf32>
        %parallel_loop3A_522 = vector.broadcast %parallel_loop3A_485 : f32 to vector<16xf32>
        %parallel_loop3A_523 = arith.mulf %parallel_loop3A_521, %parallel_loop3A_522 : vector<16xf32>
        %parallel_loop3A_524 = arith.addf %parallel_loop3A_475, %parallel_loop3A_523 : vector<16xf32>
        %parallel_loop3A_525 = arith.maximumf %parallel_loop3A_483, %parallel_loop3A_523 : vector<16xf32>
        %parallel_loop3A_526 = vector.extract_strided_slice %parallel_loop3A_464 {offsets = [1], sizes = [1], strides = [1]} : vector<16xf32> to vector<1xf32>
        %parallel_loop3A_527 = vector.extract %parallel_loop3A_526[0] : f32 from vector<1xf32>
        %parallel_loop3A_528 = arith.constant 1 : i32
        %parallel_loop3A_529 = arith.addi %parallel_loop3A_467, %parallel_loop3A_528 : i32
        %parallel_loop3A_530 = arith.index_cast %parallel_loop3A_529 : i32 to index
        %parallel_loop3A_531 = arith.constant 0 : index
        %parallel_loop3A_532 = tpu.vector_load %arg9[%parallel_loop3A_530, %parallel_loop3A_531] {strides = array<i32>} : memref<1536x64xf32, #tpu.memory_space<vmem>>, vector<1x16xf32>,
        %parallel_loop3A_533 = vector.shape_cast %parallel_loop3A_532 : vector<1x16xf32> to vector<16xf32>
        %parallel_loop3A_534 = vector.broadcast %parallel_loop3A_527 : f32 to vector<16xf32>
        %parallel_loop3A_535 = arith.mulf %parallel_loop3A_533, %parallel_loop3A_534 : vector<16xf32>
        %parallel_loop3A_536 = arith.addf %parallel_loop3A_494, %parallel_loop3A_535 : vector<16xf32>
        %parallel_loop3A_537 = arith.maximumf %parallel_loop3A_495, %parallel_loop3A_535 : vector<16xf32>
        %parallel_loop3A_538 = arith.constant 1 : i32
        %parallel_loop3A_539 = arith.addi %parallel_loop3A_467, %parallel_loop3A_538 : i32
        %parallel_loop3A_540 = arith.index_cast %parallel_loop3A_539 : i32 to index
        %parallel_loop3A_541 = arith.constant 16 : index
        %parallel_loop3A_542 = tpu.vector_load %arg9[%parallel_loop3A_540, %parallel_loop3A_541] {strides = array<i32>} : memref<1536x64xf32, #tpu.memory_space<vmem>>, vector<1x16xf32>,
        %parallel_loop3A_543 = vector.shape_cast %parallel_loop3A_542 : vector<1x16xf32> to vector<16xf32>
        %parallel_loop3A_544 = vector.broadcast %parallel_loop3A_527 : f32 to vector<16xf32>
        %parallel_loop3A_545 = arith.mulf %parallel_loop3A_543, %parallel_loop3A_544 : vector<16xf32>
        %parallel_loop3A_546 = arith.addf %parallel_loop3A_504, %parallel_loop3A_545 : vector<16xf32>
        %parallel_loop3A_547 = arith.maximumf %parallel_loop3A_505, %parallel_loop3A_545 : vector<16xf32>
        %parallel_loop3A_548 = arith.constant 1 : i32
        %parallel_loop3A_549 = arith.addi %parallel_loop3A_467, %parallel_loop3A_548 : i32
        %parallel_loop3A_550 = arith.index_cast %parallel_loop3A_549 : i32 to index
        %parallel_loop3A_551 = arith.constant 32 : index
        %parallel_loop3A_552 = tpu.vector_load %arg9[%parallel_loop3A_550, %parallel_loop3A_551] {strides = array<i32>} : memref<1536x64xf32, #tpu.memory_space<vmem>>, vector<1x16xf32>,
        %parallel_loop3A_553 = vector.shape_cast %parallel_loop3A_552 : vector<1x16xf32> to vector<16xf32>
        %parallel_loop3A_554 = vector.broadcast %parallel_loop3A_527 : f32 to vector<16xf32>
        %parallel_loop3A_555 = arith.mulf %parallel_loop3A_553, %parallel_loop3A_554 : vector<16xf32>
        %parallel_loop3A_556 = arith.addf %parallel_loop3A_514, %parallel_loop3A_555 : vector<16xf32>
        %parallel_loop3A_557 = arith.maximumf %parallel_loop3A_515, %parallel_loop3A_555 : vector<16xf32>
        %parallel_loop3A_558 = arith.constant 1 : i32
        %parallel_loop3A_559 = arith.addi %parallel_loop3A_467, %parallel_loop3A_558 : i32
        %parallel_loop3A_560 = arith.index_cast %parallel_loop3A_559 : i32 to index
        %parallel_loop3A_561 = arith.constant 48 : index
        %parallel_loop3A_562 = tpu.vector_load %arg9[%parallel_loop3A_560, %parallel_loop3A_561] {strides = array<i32>} : memref<1536x64xf32, #tpu.memory_space<vmem>>, vector<1x16xf32>,
        %parallel_loop3A_563 = vector.shape_cast %parallel_loop3A_562 : vector<1x16xf32> to vector<16xf32>
        %parallel_loop3A_564 = vector.broadcast %parallel_loop3A_527 : f32 to vector<16xf32>
        %parallel_loop3A_565 = arith.mulf %parallel_loop3A_563, %parallel_loop3A_564 : vector<16xf32>
        %parallel_loop3A_566 = arith.addf %parallel_loop3A_524, %parallel_loop3A_565 : vector<16xf32>
        %parallel_loop3A_567 = arith.maximumf %parallel_loop3A_525, %parallel_loop3A_565 : vector<16xf32>
        %parallel_loop3A_568 = vector.extract_strided_slice %parallel_loop3A_464 {offsets = [2], sizes = [1], strides = [1]} : vector<16xf32> to vector<1xf32>
        %parallel_loop3A_569 = vector.extract %parallel_loop3A_568[0] : f32 from vector<1xf32>
        %parallel_loop3A_570 = arith.constant 2 : i32
        %parallel_loop3A_571 = arith.addi %parallel_loop3A_467, %parallel_loop3A_570 : i32
        %parallel_loop3A_572 = arith.index_cast %parallel_loop3A_571 : i32 to index
        %parallel_loop3A_573 = arith.constant 0 : index
        %parallel_loop3A_574 = tpu.vector_load %arg9[%parallel_loop3A_572, %parallel_loop3A_573] {strides = array<i32>} : memref<1536x64xf32, #tpu.memory_space<vmem>>, vector<1x16xf32>,
        %parallel_loop3A_575 = vector.shape_cast %parallel_loop3A_574 : vector<1x16xf32> to vector<16xf32>
        %parallel_loop3A_576 = vector.broadcast %parallel_loop3A_569 : f32 to vector<16xf32>
        %parallel_loop3A_577 = arith.mulf %parallel_loop3A_575, %parallel_loop3A_576 : vector<16xf32>
        %parallel_loop3A_578 = arith.addf %parallel_loop3A_536, %parallel_loop3A_577 : vector<16xf32>
        %parallel_loop3A_579 = arith.maximumf %parallel_loop3A_537, %parallel_loop3A_577 : vector<16xf32>
        %parallel_loop3A_580 = arith.constant 2 : i32
        %parallel_loop3A_581 = arith.addi %parallel_loop3A_467, %parallel_loop3A_580 : i32
        %parallel_loop3A_582 = arith.index_cast %parallel_loop3A_581 : i32 to index
        %parallel_loop3A_583 = arith.constant 16 : index
        %parallel_loop3A_584 = tpu.vector_load %arg9[%parallel_loop3A_582, %parallel_loop3A_583] {strides = array<i32>} : memref<1536x64xf32, #tpu.memory_space<vmem>>, vector<1x16xf32>,
        %parallel_loop3A_585 = vector.shape_cast %parallel_loop3A_584 : vector<1x16xf32> to vector<16xf32>
        %parallel_loop3A_586 = vector.broadcast %parallel_loop3A_569 : f32 to vector<16xf32>
        %parallel_loop3A_587 = arith.mulf %parallel_loop3A_585, %parallel_loop3A_586 : vector<16xf32>
        %parallel_loop3A_588 = arith.addf %parallel_loop3A_546, %parallel_loop3A_587 : vector<16xf32>
        %parallel_loop3A_589 = arith.maximumf %parallel_loop3A_547, %parallel_loop3A_587 : vector<16xf32>
        %parallel_loop3A_590 = arith.constant 2 : i32
        %parallel_loop3A_591 = arith.addi %parallel_loop3A_467, %parallel_loop3A_590 : i32
        %parallel_loop3A_592 = arith.index_cast %parallel_loop3A_591 : i32 to index
        %parallel_loop3A_593 = arith.constant 32 : index
        %parallel_loop3A_594 = tpu.vector_load %arg9[%parallel_loop3A_592, %parallel_loop3A_593] {strides = array<i32>} : memref<1536x64xf32, #tpu.memory_space<vmem>>, vector<1x16xf32>,
        %parallel_loop3A_595 = vector.shape_cast %parallel_loop3A_594 : vector<1x16xf32> to vector<16xf32>
        %parallel_loop3A_596 = vector.broadcast %parallel_loop3A_569 : f32 to vector<16xf32>
        %parallel_loop3A_597 = arith.mulf %parallel_loop3A_595, %parallel_loop3A_596 : vector<16xf32>
        %parallel_loop3A_598 = arith.addf %parallel_loop3A_556, %parallel_loop3A_597 : vector<16xf32>
        %parallel_loop3A_599 = arith.maximumf %parallel_loop3A_557, %parallel_loop3A_597 : vector<16xf32>
        %parallel_loop3A_600 = arith.constant 2 : i32
        %parallel_loop3A_601 = arith.addi %parallel_loop3A_467, %parallel_loop3A_600 : i32
        %parallel_loop3A_602 = arith.index_cast %parallel_loop3A_601 : i32 to index
        %parallel_loop3A_603 = arith.constant 48 : index
        %parallel_loop3A_604 = tpu.vector_load %arg9[%parallel_loop3A_602, %parallel_loop3A_603] {strides = array<i32>} : memref<1536x64xf32, #tpu.memory_space<vmem>>, vector<1x16xf32>,
        %parallel_loop3A_605 = vector.shape_cast %parallel_loop3A_604 : vector<1x16xf32> to vector<16xf32>
        %parallel_loop3A_606 = vector.broadcast %parallel_loop3A_569 : f32 to vector<16xf32>
        %parallel_loop3A_607 = arith.mulf %parallel_loop3A_605, %parallel_loop3A_606 : vector<16xf32>
        %parallel_loop3A_608 = arith.addf %parallel_loop3A_566, %parallel_loop3A_607 : vector<16xf32>
        %parallel_loop3A_609 = arith.maximumf %parallel_loop3A_567, %parallel_loop3A_607 : vector<16xf32>
        %parallel_loop3A_610 = vector.extract_strided_slice %parallel_loop3A_464 {offsets = [3], sizes = [1], strides = [1]} : vector<16xf32> to vector<1xf32>
        %parallel_loop3A_611 = vector.extract %parallel_loop3A_610[0] : f32 from vector<1xf32>
        %parallel_loop3A_612 = arith.constant 3 : i32
        %parallel_loop3A_613 = arith.addi %parallel_loop3A_467, %parallel_loop3A_612 : i32
        %parallel_loop3A_614 = arith.index_cast %parallel_loop3A_613 : i32 to index
        %parallel_loop3A_615 = arith.constant 0 : index
        %parallel_loop3A_616 = tpu.vector_load %arg9[%parallel_loop3A_614, %parallel_loop3A_615] {strides = array<i32>} : memref<1536x64xf32, #tpu.memory_space<vmem>>, vector<1x16xf32>,
        %parallel_loop3A_617 = vector.shape_cast %parallel_loop3A_616 : vector<1x16xf32> to vector<16xf32>
        %parallel_loop3A_618 = vector.broadcast %parallel_loop3A_611 : f32 to vector<16xf32>
        %parallel_loop3A_619 = arith.mulf %parallel_loop3A_617, %parallel_loop3A_618 : vector<16xf32>
        %parallel_loop3A_620 = arith.addf %parallel_loop3A_578, %parallel_loop3A_619 : vector<16xf32>
        %parallel_loop3A_621 = arith.maximumf %parallel_loop3A_579, %parallel_loop3A_619 : vector<16xf32>
        %parallel_loop3A_622 = arith.constant 3 : i32
        %parallel_loop3A_623 = arith.addi %parallel_loop3A_467, %parallel_loop3A_622 : i32
        %parallel_loop3A_624 = arith.index_cast %parallel_loop3A_623 : i32 to index
        %parallel_loop3A_625 = arith.constant 16 : index
        %parallel_loop3A_626 = tpu.vector_load %arg9[%parallel_loop3A_624, %parallel_loop3A_625] {strides = array<i32>} : memref<1536x64xf32, #tpu.memory_space<vmem>>, vector<1x16xf32>,
        %parallel_loop3A_627 = vector.shape_cast %parallel_loop3A_626 : vector<1x16xf32> to vector<16xf32>
        %parallel_loop3A_628 = vector.broadcast %parallel_loop3A_611 : f32 to vector<16xf32>
        %parallel_loop3A_629 = arith.mulf %parallel_loop3A_627, %parallel_loop3A_628 : vector<16xf32>
        %parallel_loop3A_630 = arith.addf %parallel_loop3A_588, %parallel_loop3A_629 : vector<16xf32>
        %parallel_loop3A_631 = arith.maximumf %parallel_loop3A_589, %parallel_loop3A_629 : vector<16xf32>
        %parallel_loop3A_632 = arith.constant 3 : i32
        %parallel_loop3A_633 = arith.addi %parallel_loop3A_467, %parallel_loop3A_632 : i32
        %parallel_loop3A_634 = arith.index_cast %parallel_loop3A_633 : i32 to index
        %parallel_loop3A_635 = arith.constant 32 : index
        %parallel_loop3A_636 = tpu.vector_load %arg9[%parallel_loop3A_634, %parallel_loop3A_635] {strides = array<i32>} : memref<1536x64xf32, #tpu.memory_space<vmem>>, vector<1x16xf32>,
        %parallel_loop3A_637 = vector.shape_cast %parallel_loop3A_636 : vector<1x16xf32> to vector<16xf32>
        %parallel_loop3A_638 = vector.broadcast %parallel_loop3A_611 : f32 to vector<16xf32>
        %parallel_loop3A_639 = arith.mulf %parallel_loop3A_637, %parallel_loop3A_638 : vector<16xf32>
        %parallel_loop3A_640 = arith.addf %parallel_loop3A_598, %parallel_loop3A_639 : vector<16xf32>
        %parallel_loop3A_641 = arith.maximumf %parallel_loop3A_599, %parallel_loop3A_639 : vector<16xf32>
        %parallel_loop3A_642 = arith.constant 3 : i32
        %parallel_loop3A_643 = arith.addi %parallel_loop3A_467, %parallel_loop3A_642 : i32
        %parallel_loop3A_644 = arith.index_cast %parallel_loop3A_643 : i32 to index
        %parallel_loop3A_645 = arith.constant 48 : index
        %parallel_loop3A_646 = tpu.vector_load %arg9[%parallel_loop3A_644, %parallel_loop3A_645] {strides = array<i32>} : memref<1536x64xf32, #tpu.memory_space<vmem>>, vector<1x16xf32>,
        %parallel_loop3A_647 = vector.shape_cast %parallel_loop3A_646 : vector<1x16xf32> to vector<16xf32>
        %parallel_loop3A_648 = vector.broadcast %parallel_loop3A_611 : f32 to vector<16xf32>
        %parallel_loop3A_649 = arith.mulf %parallel_loop3A_647, %parallel_loop3A_648 : vector<16xf32>
        %parallel_loop3A_650 = arith.addf %parallel_loop3A_608, %parallel_loop3A_649 : vector<16xf32>
        %parallel_loop3A_651 = arith.maximumf %parallel_loop3A_609, %parallel_loop3A_649 : vector<16xf32>
        %parallel_loop3A_652 = vector.extract_strided_slice %parallel_loop3A_464 {offsets = [4], sizes = [1], strides = [1]} : vector<16xf32> to vector<1xf32>
        %parallel_loop3A_653 = vector.extract %parallel_loop3A_652[0] : f32 from vector<1xf32>
        %parallel_loop3A_654 = arith.constant 4 : i32
        %parallel_loop3A_655 = arith.addi %parallel_loop3A_467, %parallel_loop3A_654 : i32
        %parallel_loop3A_656 = arith.index_cast %parallel_loop3A_655 : i32 to index
        %parallel_loop3A_657 = arith.constant 0 : index
        %parallel_loop3A_658 = tpu.vector_load %arg9[%parallel_loop3A_656, %parallel_loop3A_657] {strides = array<i32>} : memref<1536x64xf32, #tpu.memory_space<vmem>>, vector<1x16xf32>,
        %parallel_loop3A_659 = vector.shape_cast %parallel_loop3A_658 : vector<1x16xf32> to vector<16xf32>
        %parallel_loop3A_660 = vector.broadcast %parallel_loop3A_653 : f32 to vector<16xf32>
        %parallel_loop3A_661 = arith.mulf %parallel_loop3A_659, %parallel_loop3A_660 : vector<16xf32>
        %parallel_loop3A_662 = arith.addf %parallel_loop3A_620, %parallel_loop3A_661 : vector<16xf32>
        %parallel_loop3A_663 = arith.maximumf %parallel_loop3A_621, %parallel_loop3A_661 : vector<16xf32>
        %parallel_loop3A_664 = arith.constant 4 : i32
        %parallel_loop3A_665 = arith.addi %parallel_loop3A_467, %parallel_loop3A_664 : i32
        %parallel_loop3A_666 = arith.index_cast %parallel_loop3A_665 : i32 to index
        %parallel_loop3A_667 = arith.constant 16 : index
        %parallel_loop3A_668 = tpu.vector_load %arg9[%parallel_loop3A_666, %parallel_loop3A_667] {strides = array<i32>} : memref<1536x64xf32, #tpu.memory_space<vmem>>, vector<1x16xf32>,
        %parallel_loop3A_669 = vector.shape_cast %parallel_loop3A_668 : vector<1x16xf32> to vector<16xf32>
        %parallel_loop3A_670 = vector.broadcast %parallel_loop3A_653 : f32 to vector<16xf32>
        %parallel_loop3A_671 = arith.mulf %parallel_loop3A_669, %parallel_loop3A_670 : vector<16xf32>
        %parallel_loop3A_672 = arith.addf %parallel_loop3A_630, %parallel_loop3A_671 : vector<16xf32>
        %parallel_loop3A_673 = arith.maximumf %parallel_loop3A_631, %parallel_loop3A_671 : vector<16xf32>
        %parallel_loop3A_674 = arith.constant 4 : i32
        %parallel_loop3A_675 = arith.addi %parallel_loop3A_467, %parallel_loop3A_674 : i32
        %parallel_loop3A_676 = arith.index_cast %parallel_loop3A_675 : i32 to index
        %parallel_loop3A_677 = arith.constant 32 : index
        %parallel_loop3A_678 = tpu.vector_load %arg9[%parallel_loop3A_676, %parallel_loop3A_677] {strides = array<i32>} : memref<1536x64xf32, #tpu.memory_space<vmem>>, vector<1x16xf32>,
        %parallel_loop3A_679 = vector.shape_cast %parallel_loop3A_678 : vector<1x16xf32> to vector<16xf32>
        %parallel_loop3A_680 = vector.broadcast %parallel_loop3A_653 : f32 to vector<16xf32>
        %parallel_loop3A_681 = arith.mulf %parallel_loop3A_679, %parallel_loop3A_680 : vector<16xf32>
        %parallel_loop3A_682 = arith.addf %parallel_loop3A_640, %parallel_loop3A_681 : vector<16xf32>
        %parallel_loop3A_683 = arith.maximumf %parallel_loop3A_641, %parallel_loop3A_681 : vector<16xf32>
        %parallel_loop3A_684 = arith.constant 4 : i32
        %parallel_loop3A_685 = arith.addi %parallel_loop3A_467, %parallel_loop3A_684 : i32
        %parallel_loop3A_686 = arith.index_cast %parallel_loop3A_685 : i32 to index
        %parallel_loop3A_687 = arith.constant 48 : index
        %parallel_loop3A_688 = tpu.vector_load %arg9[%parallel_loop3A_686, %parallel_loop3A_687] {strides = array<i32>} : memref<1536x64xf32, #tpu.memory_space<vmem>>, vector<1x16xf32>,
        %parallel_loop3A_689 = vector.shape_cast %parallel_loop3A_688 : vector<1x16xf32> to vector<16xf32>
        %parallel_loop3A_690 = vector.broadcast %parallel_loop3A_653 : f32 to vector<16xf32>
        %parallel_loop3A_691 = arith.mulf %parallel_loop3A_689, %parallel_loop3A_690 : vector<16xf32>
        %parallel_loop3A_692 = arith.addf %parallel_loop3A_650, %parallel_loop3A_691 : vector<16xf32>
        %parallel_loop3A_693 = arith.maximumf %parallel_loop3A_651, %parallel_loop3A_691 : vector<16xf32>
        %parallel_loop3A_694 = vector.extract_strided_slice %parallel_loop3A_464 {offsets = [5], sizes = [1], strides = [1]} : vector<16xf32> to vector<1xf32>
        %parallel_loop3A_695 = vector.extract %parallel_loop3A_694[0] : f32 from vector<1xf32>
        %parallel_loop3A_696 = arith.constant 5 : i32
        %parallel_loop3A_697 = arith.addi %parallel_loop3A_467, %parallel_loop3A_696 : i32
        %parallel_loop3A_698 = arith.index_cast %parallel_loop3A_697 : i32 to index
        %parallel_loop3A_699 = arith.constant 0 : index
        %parallel_loop3A_700 = tpu.vector_load %arg9[%parallel_loop3A_698, %parallel_loop3A_699] {strides = array<i32>} : memref<1536x64xf32, #tpu.memory_space<vmem>>, vector<1x16xf32>,
        %parallel_loop3A_701 = vector.shape_cast %parallel_loop3A_700 : vector<1x16xf32> to vector<16xf32>
        %parallel_loop3A_702 = vector.broadcast %parallel_loop3A_695 : f32 to vector<16xf32>
        %parallel_loop3A_703 = arith.mulf %parallel_loop3A_701, %parallel_loop3A_702 : vector<16xf32>
        %parallel_loop3A_704 = arith.addf %parallel_loop3A_662, %parallel_loop3A_703 : vector<16xf32>
        %parallel_loop3A_705 = arith.maximumf %parallel_loop3A_663, %parallel_loop3A_703 : vector<16xf32>
        %parallel_loop3A_706 = arith.constant 5 : i32
        %parallel_loop3A_707 = arith.addi %parallel_loop3A_467, %parallel_loop3A_706 : i32
        %parallel_loop3A_708 = arith.index_cast %parallel_loop3A_707 : i32 to index
        %parallel_loop3A_709 = arith.constant 16 : index
        %parallel_loop3A_710 = tpu.vector_load %arg9[%parallel_loop3A_708, %parallel_loop3A_709] {strides = array<i32>} : memref<1536x64xf32, #tpu.memory_space<vmem>>, vector<1x16xf32>,
        %parallel_loop3A_711 = vector.shape_cast %parallel_loop3A_710 : vector<1x16xf32> to vector<16xf32>
        %parallel_loop3A_712 = vector.broadcast %parallel_loop3A_695 : f32 to vector<16xf32>
        %parallel_loop3A_713 = arith.mulf %parallel_loop3A_711, %parallel_loop3A_712 : vector<16xf32>
        %parallel_loop3A_714 = arith.addf %parallel_loop3A_672, %parallel_loop3A_713 : vector<16xf32>
        %parallel_loop3A_715 = arith.maximumf %parallel_loop3A_673, %parallel_loop3A_713 : vector<16xf32>
        %parallel_loop3A_716 = arith.constant 5 : i32
        %parallel_loop3A_717 = arith.addi %parallel_loop3A_467, %parallel_loop3A_716 : i32
        %parallel_loop3A_718 = arith.index_cast %parallel_loop3A_717 : i32 to index
        %parallel_loop3A_719 = arith.constant 32 : index
        %parallel_loop3A_720 = tpu.vector_load %arg9[%parallel_loop3A_718, %parallel_loop3A_719] {strides = array<i32>} : memref<1536x64xf32, #tpu.memory_space<vmem>>, vector<1x16xf32>,
        %parallel_loop3A_721 = vector.shape_cast %parallel_loop3A_720 : vector<1x16xf32> to vector<16xf32>
        %parallel_loop3A_722 = vector.broadcast %parallel_loop3A_695 : f32 to vector<16xf32>
        %parallel_loop3A_723 = arith.mulf %parallel_loop3A_721, %parallel_loop3A_722 : vector<16xf32>
        %parallel_loop3A_724 = arith.addf %parallel_loop3A_682, %parallel_loop3A_723 : vector<16xf32>
        %parallel_loop3A_725 = arith.maximumf %parallel_loop3A_683, %parallel_loop3A_723 : vector<16xf32>
        %parallel_loop3A_726 = arith.constant 5 : i32
        %parallel_loop3A_727 = arith.addi %parallel_loop3A_467, %parallel_loop3A_726 : i32
        %parallel_loop3A_728 = arith.index_cast %parallel_loop3A_727 : i32 to index
        %parallel_loop3A_729 = arith.constant 48 : index
        %parallel_loop3A_730 = tpu.vector_load %arg9[%parallel_loop3A_728, %parallel_loop3A_729] {strides = array<i32>} : memref<1536x64xf32, #tpu.memory_space<vmem>>, vector<1x16xf32>,
        %parallel_loop3A_731 = vector.shape_cast %parallel_loop3A_730 : vector<1x16xf32> to vector<16xf32>
        %parallel_loop3A_732 = vector.broadcast %parallel_loop3A_695 : f32 to vector<16xf32>
        %parallel_loop3A_733 = arith.mulf %parallel_loop3A_731, %parallel_loop3A_732 : vector<16xf32>
        %parallel_loop3A_734 = arith.addf %parallel_loop3A_692, %parallel_loop3A_733 : vector<16xf32>
        %parallel_loop3A_735 = arith.maximumf %parallel_loop3A_693, %parallel_loop3A_733 : vector<16xf32>
        %parallel_loop3A_736 = vector.extract_strided_slice %parallel_loop3A_464 {offsets = [6], sizes = [1], strides = [1]} : vector<16xf32> to vector<1xf32>
        %parallel_loop3A_737 = vector.extract %parallel_loop3A_736[0] : f32 from vector<1xf32>
        %parallel_loop3A_738 = arith.constant 6 : i32
        %parallel_loop3A_739 = arith.addi %parallel_loop3A_467, %parallel_loop3A_738 : i32
        %parallel_loop3A_740 = arith.index_cast %parallel_loop3A_739 : i32 to index
        %parallel_loop3A_741 = arith.constant 0 : index
        %parallel_loop3A_742 = tpu.vector_load %arg9[%parallel_loop3A_740, %parallel_loop3A_741] {strides = array<i32>} : memref<1536x64xf32, #tpu.memory_space<vmem>>, vector<1x16xf32>,
        %parallel_loop3A_743 = vector.shape_cast %parallel_loop3A_742 : vector<1x16xf32> to vector<16xf32>
        %parallel_loop3A_744 = vector.broadcast %parallel_loop3A_737 : f32 to vector<16xf32>
        %parallel_loop3A_745 = arith.mulf %parallel_loop3A_743, %parallel_loop3A_744 : vector<16xf32>
        %parallel_loop3A_746 = arith.addf %parallel_loop3A_704, %parallel_loop3A_745 : vector<16xf32>
        %parallel_loop3A_747 = arith.maximumf %parallel_loop3A_705, %parallel_loop3A_745 : vector<16xf32>
        %parallel_loop3A_748 = arith.constant 6 : i32
        %parallel_loop3A_749 = arith.addi %parallel_loop3A_467, %parallel_loop3A_748 : i32
        %parallel_loop3A_750 = arith.index_cast %parallel_loop3A_749 : i32 to index
        %parallel_loop3A_751 = arith.constant 16 : index
        %parallel_loop3A_752 = tpu.vector_load %arg9[%parallel_loop3A_750, %parallel_loop3A_751] {strides = array<i32>} : memref<1536x64xf32, #tpu.memory_space<vmem>>, vector<1x16xf32>,
        %parallel_loop3A_753 = vector.shape_cast %parallel_loop3A_752 : vector<1x16xf32> to vector<16xf32>
        %parallel_loop3A_754 = vector.broadcast %parallel_loop3A_737 : f32 to vector<16xf32>
        %parallel_loop3A_755 = arith.mulf %parallel_loop3A_753, %parallel_loop3A_754 : vector<16xf32>
        %parallel_loop3A_756 = arith.addf %parallel_loop3A_714, %parallel_loop3A_755 : vector<16xf32>
        %parallel_loop3A_757 = arith.maximumf %parallel_loop3A_715, %parallel_loop3A_755 : vector<16xf32>
        %parallel_loop3A_758 = arith.constant 6 : i32
        %parallel_loop3A_759 = arith.addi %parallel_loop3A_467, %parallel_loop3A_758 : i32
        %parallel_loop3A_760 = arith.index_cast %parallel_loop3A_759 : i32 to index
        %parallel_loop3A_761 = arith.constant 32 : index
        %parallel_loop3A_762 = tpu.vector_load %arg9[%parallel_loop3A_760, %parallel_loop3A_761] {strides = array<i32>} : memref<1536x64xf32, #tpu.memory_space<vmem>>, vector<1x16xf32>,
        %parallel_loop3A_763 = vector.shape_cast %parallel_loop3A_762 : vector<1x16xf32> to vector<16xf32>
        %parallel_loop3A_764 = vector.broadcast %parallel_loop3A_737 : f32 to vector<16xf32>
        %parallel_loop3A_765 = arith.mulf %parallel_loop3A_763, %parallel_loop3A_764 : vector<16xf32>
        %parallel_loop3A_766 = arith.addf %parallel_loop3A_724, %parallel_loop3A_765 : vector<16xf32>
        %parallel_loop3A_767 = arith.maximumf %parallel_loop3A_725, %parallel_loop3A_765 : vector<16xf32>
        %parallel_loop3A_768 = arith.constant 6 : i32
        %parallel_loop3A_769 = arith.addi %parallel_loop3A_467, %parallel_loop3A_768 : i32
        %parallel_loop3A_770 = arith.index_cast %parallel_loop3A_769 : i32 to index
        %parallel_loop3A_771 = arith.constant 48 : index
        %parallel_loop3A_772 = tpu.vector_load %arg9[%parallel_loop3A_770, %parallel_loop3A_771] {strides = array<i32>} : memref<1536x64xf32, #tpu.memory_space<vmem>>, vector<1x16xf32>,
        %parallel_loop3A_773 = vector.shape_cast %parallel_loop3A_772 : vector<1x16xf32> to vector<16xf32>
        %parallel_loop3A_774 = vector.broadcast %parallel_loop3A_737 : f32 to vector<16xf32>
        %parallel_loop3A_775 = arith.mulf %parallel_loop3A_773, %parallel_loop3A_774 : vector<16xf32>
        %parallel_loop3A_776 = arith.addf %parallel_loop3A_734, %parallel_loop3A_775 : vector<16xf32>
        %parallel_loop3A_777 = arith.maximumf %parallel_loop3A_735, %parallel_loop3A_775 : vector<16xf32>
        %parallel_loop3A_778 = vector.extract_strided_slice %parallel_loop3A_464 {offsets = [7], sizes = [1], strides = [1]} : vector<16xf32> to vector<1xf32>
        %parallel_loop3A_779 = vector.extract %parallel_loop3A_778[0] : f32 from vector<1xf32>
        %parallel_loop3A_780 = arith.constant 7 : i32
        %parallel_loop3A_781 = arith.addi %parallel_loop3A_467, %parallel_loop3A_780 : i32
        %parallel_loop3A_782 = arith.index_cast %parallel_loop3A_781 : i32 to index
        %parallel_loop3A_783 = arith.constant 0 : index
        %parallel_loop3A_784 = tpu.vector_load %arg9[%parallel_loop3A_782, %parallel_loop3A_783] {strides = array<i32>} : memref<1536x64xf32, #tpu.memory_space<vmem>>, vector<1x16xf32>,
        %parallel_loop3A_785 = vector.shape_cast %parallel_loop3A_784 : vector<1x16xf32> to vector<16xf32>
        %parallel_loop3A_786 = vector.broadcast %parallel_loop3A_779 : f32 to vector<16xf32>
        %parallel_loop3A_787 = arith.mulf %parallel_loop3A_785, %parallel_loop3A_786 : vector<16xf32>
        %parallel_loop3A_788 = arith.addf %parallel_loop3A_746, %parallel_loop3A_787 : vector<16xf32>
        %parallel_loop3A_789 = arith.maximumf %parallel_loop3A_747, %parallel_loop3A_787 : vector<16xf32>
        %parallel_loop3A_790 = arith.constant 7 : i32
        %parallel_loop3A_791 = arith.addi %parallel_loop3A_467, %parallel_loop3A_790 : i32
        %parallel_loop3A_792 = arith.index_cast %parallel_loop3A_791 : i32 to index
        %parallel_loop3A_793 = arith.constant 16 : index
        %parallel_loop3A_794 = tpu.vector_load %arg9[%parallel_loop3A_792, %parallel_loop3A_793] {strides = array<i32>} : memref<1536x64xf32, #tpu.memory_space<vmem>>, vector<1x16xf32>,
        %parallel_loop3A_795 = vector.shape_cast %parallel_loop3A_794 : vector<1x16xf32> to vector<16xf32>
        %parallel_loop3A_796 = vector.broadcast %parallel_loop3A_779 : f32 to vector<16xf32>
        %parallel_loop3A_797 = arith.mulf %parallel_loop3A_795, %parallel_loop3A_796 : vector<16xf32>
        %parallel_loop3A_798 = arith.addf %parallel_loop3A_756, %parallel_loop3A_797 : vector<16xf32>
        %parallel_loop3A_799 = arith.maximumf %parallel_loop3A_757, %parallel_loop3A_797 : vector<16xf32>
        %parallel_loop3A_800 = arith.constant 7 : i32
        %parallel_loop3A_801 = arith.addi %parallel_loop3A_467, %parallel_loop3A_800 : i32
        %parallel_loop3A_802 = arith.index_cast %parallel_loop3A_801 : i32 to index
        %parallel_loop3A_803 = arith.constant 32 : index
        %parallel_loop3A_804 = tpu.vector_load %arg9[%parallel_loop3A_802, %parallel_loop3A_803] {strides = array<i32>} : memref<1536x64xf32, #tpu.memory_space<vmem>>, vector<1x16xf32>,
        %parallel_loop3A_805 = vector.shape_cast %parallel_loop3A_804 : vector<1x16xf32> to vector<16xf32>
        %parallel_loop3A_806 = vector.broadcast %parallel_loop3A_779 : f32 to vector<16xf32>
        %parallel_loop3A_807 = arith.mulf %parallel_loop3A_805, %parallel_loop3A_806 : vector<16xf32>
        %parallel_loop3A_808 = arith.addf %parallel_loop3A_766, %parallel_loop3A_807 : vector<16xf32>
        %parallel_loop3A_809 = arith.maximumf %parallel_loop3A_767, %parallel_loop3A_807 : vector<16xf32>
        %parallel_loop3A_810 = arith.constant 7 : i32
        %parallel_loop3A_811 = arith.addi %parallel_loop3A_467, %parallel_loop3A_810 : i32
        %parallel_loop3A_812 = arith.index_cast %parallel_loop3A_811 : i32 to index
        %parallel_loop3A_813 = arith.constant 48 : index
        %parallel_loop3A_814 = tpu.vector_load %arg9[%parallel_loop3A_812, %parallel_loop3A_813] {strides = array<i32>} : memref<1536x64xf32, #tpu.memory_space<vmem>>, vector<1x16xf32>,
        %parallel_loop3A_815 = vector.shape_cast %parallel_loop3A_814 : vector<1x16xf32> to vector<16xf32>
        %parallel_loop3A_816 = vector.broadcast %parallel_loop3A_779 : f32 to vector<16xf32>
        %parallel_loop3A_817 = arith.mulf %parallel_loop3A_815, %parallel_loop3A_816 : vector<16xf32>
        %parallel_loop3A_818 = arith.addf %parallel_loop3A_776, %parallel_loop3A_817 : vector<16xf32>
        %parallel_loop3A_819 = arith.maximumf %parallel_loop3A_777, %parallel_loop3A_817 : vector<16xf32>
        %parallel_loop3A_820 = vector.extract_strided_slice %parallel_loop3A_464 {offsets = [8], sizes = [1], strides = [1]} : vector<16xf32> to vector<1xf32>
        %parallel_loop3A_821 = vector.extract %parallel_loop3A_820[0] : f32 from vector<1xf32>
        %parallel_loop3A_822 = arith.constant 8 : i32
        %parallel_loop3A_823 = arith.addi %parallel_loop3A_467, %parallel_loop3A_822 : i32
        %parallel_loop3A_824 = arith.index_cast %parallel_loop3A_823 : i32 to index
        %parallel_loop3A_825 = arith.constant 0 : index
        %parallel_loop3A_826 = tpu.vector_load %arg9[%parallel_loop3A_824, %parallel_loop3A_825] {strides = array<i32>} : memref<1536x64xf32, #tpu.memory_space<vmem>>, vector<1x16xf32>,
        %parallel_loop3A_827 = vector.shape_cast %parallel_loop3A_826 : vector<1x16xf32> to vector<16xf32>
        %parallel_loop3A_828 = vector.broadcast %parallel_loop3A_821 : f32 to vector<16xf32>
        %parallel_loop3A_829 = arith.mulf %parallel_loop3A_827, %parallel_loop3A_828 : vector<16xf32>
        %parallel_loop3A_830 = arith.addf %parallel_loop3A_788, %parallel_loop3A_829 : vector<16xf32>
        %parallel_loop3A_831 = arith.maximumf %parallel_loop3A_789, %parallel_loop3A_829 : vector<16xf32>
        %parallel_loop3A_832 = arith.constant 8 : i32
        %parallel_loop3A_833 = arith.addi %parallel_loop3A_467, %parallel_loop3A_832 : i32
        %parallel_loop3A_834 = arith.index_cast %parallel_loop3A_833 : i32 to index
        %parallel_loop3A_835 = arith.constant 16 : index
        %parallel_loop3A_836 = tpu.vector_load %arg9[%parallel_loop3A_834, %parallel_loop3A_835] {strides = array<i32>} : memref<1536x64xf32, #tpu.memory_space<vmem>>, vector<1x16xf32>,
        %parallel_loop3A_837 = vector.shape_cast %parallel_loop3A_836 : vector<1x16xf32> to vector<16xf32>
        %parallel_loop3A_838 = vector.broadcast %parallel_loop3A_821 : f32 to vector<16xf32>
        %parallel_loop3A_839 = arith.mulf %parallel_loop3A_837, %parallel_loop3A_838 : vector<16xf32>
        %parallel_loop3A_840 = arith.addf %parallel_loop3A_798, %parallel_loop3A_839 : vector<16xf32>
        %parallel_loop3A_841 = arith.maximumf %parallel_loop3A_799, %parallel_loop3A_839 : vector<16xf32>
        %parallel_loop3A_842 = arith.constant 8 : i32
        %parallel_loop3A_843 = arith.addi %parallel_loop3A_467, %parallel_loop3A_842 : i32
        %parallel_loop3A_844 = arith.index_cast %parallel_loop3A_843 : i32 to index
        %parallel_loop3A_845 = arith.constant 32 : index
        %parallel_loop3A_846 = tpu.vector_load %arg9[%parallel_loop3A_844, %parallel_loop3A_845] {strides = array<i32>} : memref<1536x64xf32, #tpu.memory_space<vmem>>, vector<1x16xf32>,
        %parallel_loop3A_847 = vector.shape_cast %parallel_loop3A_846 : vector<1x16xf32> to vector<16xf32>
        %parallel_loop3A_848 = vector.broadcast %parallel_loop3A_821 : f32 to vector<16xf32>
        %parallel_loop3A_849 = arith.mulf %parallel_loop3A_847, %parallel_loop3A_848 : vector<16xf32>
        %parallel_loop3A_850 = arith.addf %parallel_loop3A_808, %parallel_loop3A_849 : vector<16xf32>
        %parallel_loop3A_851 = arith.maximumf %parallel_loop3A_809, %parallel_loop3A_849 : vector<16xf32>
        %parallel_loop3A_852 = arith.constant 8 : i32
        %parallel_loop3A_853 = arith.addi %parallel_loop3A_467, %parallel_loop3A_852 : i32
        %parallel_loop3A_854 = arith.index_cast %parallel_loop3A_853 : i32 to index
        %parallel_loop3A_855 = arith.constant 48 : index
        %parallel_loop3A_856 = tpu.vector_load %arg9[%parallel_loop3A_854, %parallel_loop3A_855] {strides = array<i32>} : memref<1536x64xf32, #tpu.memory_space<vmem>>, vector<1x16xf32>,
        %parallel_loop3A_857 = vector.shape_cast %parallel_loop3A_856 : vector<1x16xf32> to vector<16xf32>
        %parallel_loop3A_858 = vector.broadcast %parallel_loop3A_821 : f32 to vector<16xf32>
        %parallel_loop3A_859 = arith.mulf %parallel_loop3A_857, %parallel_loop3A_858 : vector<16xf32>
        %parallel_loop3A_860 = arith.addf %parallel_loop3A_818, %parallel_loop3A_859 : vector<16xf32>
        %parallel_loop3A_861 = arith.maximumf %parallel_loop3A_819, %parallel_loop3A_859 : vector<16xf32>
        %parallel_loop3A_862 = vector.extract_strided_slice %parallel_loop3A_464 {offsets = [9], sizes = [1], strides = [1]} : vector<16xf32> to vector<1xf32>
        %parallel_loop3A_863 = vector.extract %parallel_loop3A_862[0] : f32 from vector<1xf32>
        %parallel_loop3A_864 = arith.constant 9 : i32
        %parallel_loop3A_865 = arith.addi %parallel_loop3A_467, %parallel_loop3A_864 : i32
        %parallel_loop3A_866 = arith.index_cast %parallel_loop3A_865 : i32 to index
        %parallel_loop3A_867 = arith.constant 0 : index
        %parallel_loop3A_868 = tpu.vector_load %arg9[%parallel_loop3A_866, %parallel_loop3A_867] {strides = array<i32>} : memref<1536x64xf32, #tpu.memory_space<vmem>>, vector<1x16xf32>,
        %parallel_loop3A_869 = vector.shape_cast %parallel_loop3A_868 : vector<1x16xf32> to vector<16xf32>
        %parallel_loop3A_870 = vector.broadcast %parallel_loop3A_863 : f32 to vector<16xf32>
        %parallel_loop3A_871 = arith.mulf %parallel_loop3A_869, %parallel_loop3A_870 : vector<16xf32>
        %parallel_loop3A_872 = arith.addf %parallel_loop3A_830, %parallel_loop3A_871 : vector<16xf32>
        %parallel_loop3A_873 = arith.maximumf %parallel_loop3A_831, %parallel_loop3A_871 : vector<16xf32>
        %parallel_loop3A_874 = arith.constant 9 : i32
        %parallel_loop3A_875 = arith.addi %parallel_loop3A_467, %parallel_loop3A_874 : i32
        %parallel_loop3A_876 = arith.index_cast %parallel_loop3A_875 : i32 to index
        %parallel_loop3A_877 = arith.constant 16 : index
        %parallel_loop3A_878 = tpu.vector_load %arg9[%parallel_loop3A_876, %parallel_loop3A_877] {strides = array<i32>} : memref<1536x64xf32, #tpu.memory_space<vmem>>, vector<1x16xf32>,
        %parallel_loop3A_879 = vector.shape_cast %parallel_loop3A_878 : vector<1x16xf32> to vector<16xf32>
        %parallel_loop3A_880 = vector.broadcast %parallel_loop3A_863 : f32 to vector<16xf32>
        %parallel_loop3A_881 = arith.mulf %parallel_loop3A_879, %parallel_loop3A_880 : vector<16xf32>
        %parallel_loop3A_882 = arith.addf %parallel_loop3A_840, %parallel_loop3A_881 : vector<16xf32>
        %parallel_loop3A_883 = arith.maximumf %parallel_loop3A_841, %parallel_loop3A_881 : vector<16xf32>
        %parallel_loop3A_884 = arith.constant 9 : i32
        %parallel_loop3A_885 = arith.addi %parallel_loop3A_467, %parallel_loop3A_884 : i32
        %parallel_loop3A_886 = arith.index_cast %parallel_loop3A_885 : i32 to index
        %parallel_loop3A_887 = arith.constant 32 : index
        %parallel_loop3A_888 = tpu.vector_load %arg9[%parallel_loop3A_886, %parallel_loop3A_887] {strides = array<i32>} : memref<1536x64xf32, #tpu.memory_space<vmem>>, vector<1x16xf32>,
        %parallel_loop3A_889 = vector.shape_cast %parallel_loop3A_888 : vector<1x16xf32> to vector<16xf32>
        %parallel_loop3A_890 = vector.broadcast %parallel_loop3A_863 : f32 to vector<16xf32>
        %parallel_loop3A_891 = arith.mulf %parallel_loop3A_889, %parallel_loop3A_890 : vector<16xf32>
        %parallel_loop3A_892 = arith.addf %parallel_loop3A_850, %parallel_loop3A_891 : vector<16xf32>
        %parallel_loop3A_893 = arith.maximumf %parallel_loop3A_851, %parallel_loop3A_891 : vector<16xf32>
        %parallel_loop3A_894 = arith.constant 9 : i32
        %parallel_loop3A_895 = arith.addi %parallel_loop3A_467, %parallel_loop3A_894 : i32
        %parallel_loop3A_896 = arith.index_cast %parallel_loop3A_895 : i32 to index
        %parallel_loop3A_897 = arith.constant 48 : index
        %parallel_loop3A_898 = tpu.vector_load %arg9[%parallel_loop3A_896, %parallel_loop3A_897] {strides = array<i32>} : memref<1536x64xf32, #tpu.memory_space<vmem>>, vector<1x16xf32>,
        %parallel_loop3A_899 = vector.shape_cast %parallel_loop3A_898 : vector<1x16xf32> to vector<16xf32>
        %parallel_loop3A_900 = vector.broadcast %parallel_loop3A_863 : f32 to vector<16xf32>
        %parallel_loop3A_901 = arith.mulf %parallel_loop3A_899, %parallel_loop3A_900 : vector<16xf32>
        %parallel_loop3A_902 = arith.addf %parallel_loop3A_860, %parallel_loop3A_901 : vector<16xf32>
        %parallel_loop3A_903 = arith.maximumf %parallel_loop3A_861, %parallel_loop3A_901 : vector<16xf32>
        %parallel_loop3A_904 = vector.extract_strided_slice %parallel_loop3A_464 {offsets = [10], sizes = [1], strides = [1]} : vector<16xf32> to vector<1xf32>
        %parallel_loop3A_905 = vector.extract %parallel_loop3A_904[0] : f32 from vector<1xf32>
        %parallel_loop3A_906 = arith.constant 10 : i32
        %parallel_loop3A_907 = arith.addi %parallel_loop3A_467, %parallel_loop3A_906 : i32
        %parallel_loop3A_908 = arith.index_cast %parallel_loop3A_907 : i32 to index
        %parallel_loop3A_909 = arith.constant 0 : index
        %parallel_loop3A_910 = tpu.vector_load %arg9[%parallel_loop3A_908, %parallel_loop3A_909] {strides = array<i32>} : memref<1536x64xf32, #tpu.memory_space<vmem>>, vector<1x16xf32>,
        %parallel_loop3A_911 = vector.shape_cast %parallel_loop3A_910 : vector<1x16xf32> to vector<16xf32>
        %parallel_loop3A_912 = vector.broadcast %parallel_loop3A_905 : f32 to vector<16xf32>
        %parallel_loop3A_913 = arith.mulf %parallel_loop3A_911, %parallel_loop3A_912 : vector<16xf32>
        %parallel_loop3A_914 = arith.addf %parallel_loop3A_872, %parallel_loop3A_913 : vector<16xf32>
        %parallel_loop3A_915 = arith.maximumf %parallel_loop3A_873, %parallel_loop3A_913 : vector<16xf32>
        %parallel_loop3A_916 = arith.constant 10 : i32
        %parallel_loop3A_917 = arith.addi %parallel_loop3A_467, %parallel_loop3A_916 : i32
        %parallel_loop3A_918 = arith.index_cast %parallel_loop3A_917 : i32 to index
        %parallel_loop3A_919 = arith.constant 16 : index
        %parallel_loop3A_920 = tpu.vector_load %arg9[%parallel_loop3A_918, %parallel_loop3A_919] {strides = array<i32>} : memref<1536x64xf32, #tpu.memory_space<vmem>>, vector<1x16xf32>,
        %parallel_loop3A_921 = vector.shape_cast %parallel_loop3A_920 : vector<1x16xf32> to vector<16xf32>
        %parallel_loop3A_922 = vector.broadcast %parallel_loop3A_905 : f32 to vector<16xf32>
        %parallel_loop3A_923 = arith.mulf %parallel_loop3A_921, %parallel_loop3A_922 : vector<16xf32>
        %parallel_loop3A_924 = arith.addf %parallel_loop3A_882, %parallel_loop3A_923 : vector<16xf32>
        %parallel_loop3A_925 = arith.maximumf %parallel_loop3A_883, %parallel_loop3A_923 : vector<16xf32>
        %parallel_loop3A_926 = arith.constant 10 : i32
        %parallel_loop3A_927 = arith.addi %parallel_loop3A_467, %parallel_loop3A_926 : i32
        %parallel_loop3A_928 = arith.index_cast %parallel_loop3A_927 : i32 to index
        %parallel_loop3A_929 = arith.constant 32 : index
        %parallel_loop3A_930 = tpu.vector_load %arg9[%parallel_loop3A_928, %parallel_loop3A_929] {strides = array<i32>} : memref<1536x64xf32, #tpu.memory_space<vmem>>, vector<1x16xf32>,
        %parallel_loop3A_931 = vector.shape_cast %parallel_loop3A_930 : vector<1x16xf32> to vector<16xf32>
        %parallel_loop3A_932 = vector.broadcast %parallel_loop3A_905 : f32 to vector<16xf32>
        %parallel_loop3A_933 = arith.mulf %parallel_loop3A_931, %parallel_loop3A_932 : vector<16xf32>
        %parallel_loop3A_934 = arith.addf %parallel_loop3A_892, %parallel_loop3A_933 : vector<16xf32>
        %parallel_loop3A_935 = arith.maximumf %parallel_loop3A_893, %parallel_loop3A_933 : vector<16xf32>
        %parallel_loop3A_936 = arith.constant 10 : i32
        %parallel_loop3A_937 = arith.addi %parallel_loop3A_467, %parallel_loop3A_936 : i32
        %parallel_loop3A_938 = arith.index_cast %parallel_loop3A_937 : i32 to index
        %parallel_loop3A_939 = arith.constant 48 : index
        %parallel_loop3A_940 = tpu.vector_load %arg9[%parallel_loop3A_938, %parallel_loop3A_939] {strides = array<i32>} : memref<1536x64xf32, #tpu.memory_space<vmem>>, vector<1x16xf32>,
        %parallel_loop3A_941 = vector.shape_cast %parallel_loop3A_940 : vector<1x16xf32> to vector<16xf32>
        %parallel_loop3A_942 = vector.broadcast %parallel_loop3A_905 : f32 to vector<16xf32>
        %parallel_loop3A_943 = arith.mulf %parallel_loop3A_941, %parallel_loop3A_942 : vector<16xf32>
        %parallel_loop3A_944 = arith.addf %parallel_loop3A_902, %parallel_loop3A_943 : vector<16xf32>
        %parallel_loop3A_945 = arith.maximumf %parallel_loop3A_903, %parallel_loop3A_943 : vector<16xf32>
        %parallel_loop3A_946 = vector.extract_strided_slice %parallel_loop3A_464 {offsets = [11], sizes = [1], strides = [1]} : vector<16xf32> to vector<1xf32>
        %parallel_loop3A_947 = vector.extract %parallel_loop3A_946[0] : f32 from vector<1xf32>
        %parallel_loop3A_948 = arith.constant 11 : i32
        %parallel_loop3A_949 = arith.addi %parallel_loop3A_467, %parallel_loop3A_948 : i32
        %parallel_loop3A_950 = arith.index_cast %parallel_loop3A_949 : i32 to index
        %parallel_loop3A_951 = arith.constant 0 : index
        %parallel_loop3A_952 = tpu.vector_load %arg9[%parallel_loop3A_950, %parallel_loop3A_951] {strides = array<i32>} : memref<1536x64xf32, #tpu.memory_space<vmem>>, vector<1x16xf32>,
        %parallel_loop3A_953 = vector.shape_cast %parallel_loop3A_952 : vector<1x16xf32> to vector<16xf32>
        %parallel_loop3A_954 = vector.broadcast %parallel_loop3A_947 : f32 to vector<16xf32>
        %parallel_loop3A_955 = arith.mulf %parallel_loop3A_953, %parallel_loop3A_954 : vector<16xf32>
        %parallel_loop3A_956 = arith.addf %parallel_loop3A_914, %parallel_loop3A_955 : vector<16xf32>
        %parallel_loop3A_957 = arith.maximumf %parallel_loop3A_915, %parallel_loop3A_955 : vector<16xf32>
        %parallel_loop3A_958 = arith.constant 11 : i32
        %parallel_loop3A_959 = arith.addi %parallel_loop3A_467, %parallel_loop3A_958 : i32
        %parallel_loop3A_960 = arith.index_cast %parallel_loop3A_959 : i32 to index
        %parallel_loop3A_961 = arith.constant 16 : index
        %parallel_loop3A_962 = tpu.vector_load %arg9[%parallel_loop3A_960, %parallel_loop3A_961] {strides = array<i32>} : memref<1536x64xf32, #tpu.memory_space<vmem>>, vector<1x16xf32>,
        %parallel_loop3A_963 = vector.shape_cast %parallel_loop3A_962 : vector<1x16xf32> to vector<16xf32>
        %parallel_loop3A_964 = vector.broadcast %parallel_loop3A_947 : f32 to vector<16xf32>
        %parallel_loop3A_965 = arith.mulf %parallel_loop3A_963, %parallel_loop3A_964 : vector<16xf32>
        %parallel_loop3A_966 = arith.addf %parallel_loop3A_924, %parallel_loop3A_965 : vector<16xf32>
        %parallel_loop3A_967 = arith.maximumf %parallel_loop3A_925, %parallel_loop3A_965 : vector<16xf32>
        %parallel_loop3A_968 = arith.constant 11 : i32
        %parallel_loop3A_969 = arith.addi %parallel_loop3A_467, %parallel_loop3A_968 : i32
        %parallel_loop3A_970 = arith.index_cast %parallel_loop3A_969 : i32 to index
        %parallel_loop3A_971 = arith.constant 32 : index
        %parallel_loop3A_972 = tpu.vector_load %arg9[%parallel_loop3A_970, %parallel_loop3A_971] {strides = array<i32>} : memref<1536x64xf32, #tpu.memory_space<vmem>>, vector<1x16xf32>,
        %parallel_loop3A_973 = vector.shape_cast %parallel_loop3A_972 : vector<1x16xf32> to vector<16xf32>
        %parallel_loop3A_974 = vector.broadcast %parallel_loop3A_947 : f32 to vector<16xf32>
        %parallel_loop3A_975 = arith.mulf %parallel_loop3A_973, %parallel_loop3A_974 : vector<16xf32>
        %parallel_loop3A_976 = arith.addf %parallel_loop3A_934, %parallel_loop3A_975 : vector<16xf32>
        %parallel_loop3A_977 = arith.maximumf %parallel_loop3A_935, %parallel_loop3A_975 : vector<16xf32>
        %parallel_loop3A_978 = arith.constant 11 : i32
        %parallel_loop3A_979 = arith.addi %parallel_loop3A_467, %parallel_loop3A_978 : i32
        %parallel_loop3A_980 = arith.index_cast %parallel_loop3A_979 : i32 to index
        %parallel_loop3A_981 = arith.constant 48 : index
        %parallel_loop3A_982 = tpu.vector_load %arg9[%parallel_loop3A_980, %parallel_loop3A_981] {strides = array<i32>} : memref<1536x64xf32, #tpu.memory_space<vmem>>, vector<1x16xf32>,
        %parallel_loop3A_983 = vector.shape_cast %parallel_loop3A_982 : vector<1x16xf32> to vector<16xf32>
        %parallel_loop3A_984 = vector.broadcast %parallel_loop3A_947 : f32 to vector<16xf32>
        %parallel_loop3A_985 = arith.mulf %parallel_loop3A_983, %parallel_loop3A_984 : vector<16xf32>
        %parallel_loop3A_986 = arith.addf %parallel_loop3A_944, %parallel_loop3A_985 : vector<16xf32>
        %parallel_loop3A_987 = arith.maximumf %parallel_loop3A_945, %parallel_loop3A_985 : vector<16xf32>
        %parallel_loop3A_988 = vector.extract_strided_slice %parallel_loop3A_464 {offsets = [12], sizes = [1], strides = [1]} : vector<16xf32> to vector<1xf32>
        %parallel_loop3A_989 = vector.extract %parallel_loop3A_988[0] : f32 from vector<1xf32>
        %parallel_loop3A_990 = arith.constant 12 : i32
        %parallel_loop3A_991 = arith.addi %parallel_loop3A_467, %parallel_loop3A_990 : i32
        %parallel_loop3A_992 = arith.index_cast %parallel_loop3A_991 : i32 to index
        %parallel_loop3A_993 = arith.constant 0 : index
        %parallel_loop3A_994 = tpu.vector_load %arg9[%parallel_loop3A_992, %parallel_loop3A_993] {strides = array<i32>} : memref<1536x64xf32, #tpu.memory_space<vmem>>, vector<1x16xf32>,
        %parallel_loop3A_995 = vector.shape_cast %parallel_loop3A_994 : vector<1x16xf32> to vector<16xf32>
        %parallel_loop3A_996 = vector.broadcast %parallel_loop3A_989 : f32 to vector<16xf32>
        %parallel_loop3A_997 = arith.mulf %parallel_loop3A_995, %parallel_loop3A_996 : vector<16xf32>
        %parallel_loop3A_998 = arith.addf %parallel_loop3A_956, %parallel_loop3A_997 : vector<16xf32>
        %parallel_loop3A_999 = arith.maximumf %parallel_loop3A_957, %parallel_loop3A_997 : vector<16xf32>
        %parallel_loop3A_1000 = arith.constant 12 : i32
        %parallel_loop3A_1001 = arith.addi %parallel_loop3A_467, %parallel_loop3A_1000 : i32
        %parallel_loop3A_1002 = arith.index_cast %parallel_loop3A_1001 : i32 to index
        %parallel_loop3A_1003 = arith.constant 16 : index
        %parallel_loop3A_1004 = tpu.vector_load %arg9[%parallel_loop3A_1002, %parallel_loop3A_1003] {strides = array<i32>} : memref<1536x64xf32, #tpu.memory_space<vmem>>, vector<1x16xf32>,
        %parallel_loop3A_1005 = vector.shape_cast %parallel_loop3A_1004 : vector<1x16xf32> to vector<16xf32>
        %parallel_loop3A_1006 = vector.broadcast %parallel_loop3A_989 : f32 to vector<16xf32>
        %parallel_loop3A_1007 = arith.mulf %parallel_loop3A_1005, %parallel_loop3A_1006 : vector<16xf32>
        %parallel_loop3A_1008 = arith.addf %parallel_loop3A_966, %parallel_loop3A_1007 : vector<16xf32>
        %parallel_loop3A_1009 = arith.maximumf %parallel_loop3A_967, %parallel_loop3A_1007 : vector<16xf32>
        %parallel_loop3A_1010 = arith.constant 12 : i32
        %parallel_loop3A_1011 = arith.addi %parallel_loop3A_467, %parallel_loop3A_1010 : i32
        %parallel_loop3A_1012 = arith.index_cast %parallel_loop3A_1011 : i32 to index
        %parallel_loop3A_1013 = arith.constant 32 : index
        %parallel_loop3A_1014 = tpu.vector_load %arg9[%parallel_loop3A_1012, %parallel_loop3A_1013] {strides = array<i32>} : memref<1536x64xf32, #tpu.memory_space<vmem>>, vector<1x16xf32>,
        %parallel_loop3A_1015 = vector.shape_cast %parallel_loop3A_1014 : vector<1x16xf32> to vector<16xf32>
        %parallel_loop3A_1016 = vector.broadcast %parallel_loop3A_989 : f32 to vector<16xf32>
        %parallel_loop3A_1017 = arith.mulf %parallel_loop3A_1015, %parallel_loop3A_1016 : vector<16xf32>
        %parallel_loop3A_1018 = arith.addf %parallel_loop3A_976, %parallel_loop3A_1017 : vector<16xf32>
        %parallel_loop3A_1019 = arith.maximumf %parallel_loop3A_977, %parallel_loop3A_1017 : vector<16xf32>
        %parallel_loop3A_1020 = arith.constant 12 : i32
        %parallel_loop3A_1021 = arith.addi %parallel_loop3A_467, %parallel_loop3A_1020 : i32
        %parallel_loop3A_1022 = arith.index_cast %parallel_loop3A_1021 : i32 to index
        %parallel_loop3A_1023 = arith.constant 48 : index
        %parallel_loop3A_1024 = tpu.vector_load %arg9[%parallel_loop3A_1022, %parallel_loop3A_1023] {strides = array<i32>} : memref<1536x64xf32, #tpu.memory_space<vmem>>, vector<1x16xf32>,
        %parallel_loop3A_1025 = vector.shape_cast %parallel_loop3A_1024 : vector<1x16xf32> to vector<16xf32>
        %parallel_loop3A_1026 = vector.broadcast %parallel_loop3A_989 : f32 to vector<16xf32>
        %parallel_loop3A_1027 = arith.mulf %parallel_loop3A_1025, %parallel_loop3A_1026 : vector<16xf32>
        %parallel_loop3A_1028 = arith.addf %parallel_loop3A_986, %parallel_loop3A_1027 : vector<16xf32>
        %parallel_loop3A_1029 = arith.maximumf %parallel_loop3A_987, %parallel_loop3A_1027 : vector<16xf32>
        %parallel_loop3A_1030 = vector.extract_strided_slice %parallel_loop3A_464 {offsets = [13], sizes = [1], strides = [1]} : vector<16xf32> to vector<1xf32>
        %parallel_loop3A_1031 = vector.extract %parallel_loop3A_1030[0] : f32 from vector<1xf32>
        %parallel_loop3A_1032 = arith.constant 13 : i32
        %parallel_loop3A_1033 = arith.addi %parallel_loop3A_467, %parallel_loop3A_1032 : i32
        %parallel_loop3A_1034 = arith.index_cast %parallel_loop3A_1033 : i32 to index
        %parallel_loop3A_1035 = arith.constant 0 : index
        %parallel_loop3A_1036 = tpu.vector_load %arg9[%parallel_loop3A_1034, %parallel_loop3A_1035] {strides = array<i32>} : memref<1536x64xf32, #tpu.memory_space<vmem>>, vector<1x16xf32>,
        %parallel_loop3A_1037 = vector.shape_cast %parallel_loop3A_1036 : vector<1x16xf32> to vector<16xf32>
        %parallel_loop3A_1038 = vector.broadcast %parallel_loop3A_1031 : f32 to vector<16xf32>
        %parallel_loop3A_1039 = arith.mulf %parallel_loop3A_1037, %parallel_loop3A_1038 : vector<16xf32>
        %parallel_loop3A_1040 = arith.addf %parallel_loop3A_998, %parallel_loop3A_1039 : vector<16xf32>
        %parallel_loop3A_1041 = arith.maximumf %parallel_loop3A_999, %parallel_loop3A_1039 : vector<16xf32>
        %parallel_loop3A_1042 = arith.constant 13 : i32
        %parallel_loop3A_1043 = arith.addi %parallel_loop3A_467, %parallel_loop3A_1042 : i32
        %parallel_loop3A_1044 = arith.index_cast %parallel_loop3A_1043 : i32 to index
        %parallel_loop3A_1045 = arith.constant 16 : index
        %parallel_loop3A_1046 = tpu.vector_load %arg9[%parallel_loop3A_1044, %parallel_loop3A_1045] {strides = array<i32>} : memref<1536x64xf32, #tpu.memory_space<vmem>>, vector<1x16xf32>,
        %parallel_loop3A_1047 = vector.shape_cast %parallel_loop3A_1046 : vector<1x16xf32> to vector<16xf32>
        %parallel_loop3A_1048 = vector.broadcast %parallel_loop3A_1031 : f32 to vector<16xf32>
        %parallel_loop3A_1049 = arith.mulf %parallel_loop3A_1047, %parallel_loop3A_1048 : vector<16xf32>
        %parallel_loop3A_1050 = arith.addf %parallel_loop3A_1008, %parallel_loop3A_1049 : vector<16xf32>
        %parallel_loop3A_1051 = arith.maximumf %parallel_loop3A_1009, %parallel_loop3A_1049 : vector<16xf32>
        %parallel_loop3A_1052 = arith.constant 13 : i32
        %parallel_loop3A_1053 = arith.addi %parallel_loop3A_467, %parallel_loop3A_1052 : i32
        %parallel_loop3A_1054 = arith.index_cast %parallel_loop3A_1053 : i32 to index
        %parallel_loop3A_1055 = arith.constant 32 : index
        %parallel_loop3A_1056 = tpu.vector_load %arg9[%parallel_loop3A_1054, %parallel_loop3A_1055] {strides = array<i32>} : memref<1536x64xf32, #tpu.memory_space<vmem>>, vector<1x16xf32>,
        %parallel_loop3A_1057 = vector.shape_cast %parallel_loop3A_1056 : vector<1x16xf32> to vector<16xf32>
        %parallel_loop3A_1058 = vector.broadcast %parallel_loop3A_1031 : f32 to vector<16xf32>
        %parallel_loop3A_1059 = arith.mulf %parallel_loop3A_1057, %parallel_loop3A_1058 : vector<16xf32>
        %parallel_loop3A_1060 = arith.addf %parallel_loop3A_1018, %parallel_loop3A_1059 : vector<16xf32>
        %parallel_loop3A_1061 = arith.maximumf %parallel_loop3A_1019, %parallel_loop3A_1059 : vector<16xf32>
        %parallel_loop3A_1062 = arith.constant 13 : i32
        %parallel_loop3A_1063 = arith.addi %parallel_loop3A_467, %parallel_loop3A_1062 : i32
        %parallel_loop3A_1064 = arith.index_cast %parallel_loop3A_1063 : i32 to index
        %parallel_loop3A_1065 = arith.constant 48 : index
        %parallel_loop3A_1066 = tpu.vector_load %arg9[%parallel_loop3A_1064, %parallel_loop3A_1065] {strides = array<i32>} : memref<1536x64xf32, #tpu.memory_space<vmem>>, vector<1x16xf32>,
        %parallel_loop3A_1067 = vector.shape_cast %parallel_loop3A_1066 : vector<1x16xf32> to vector<16xf32>
        %parallel_loop3A_1068 = vector.broadcast %parallel_loop3A_1031 : f32 to vector<16xf32>
        %parallel_loop3A_1069 = arith.mulf %parallel_loop3A_1067, %parallel_loop3A_1068 : vector<16xf32>
        %parallel_loop3A_1070 = arith.addf %parallel_loop3A_1028, %parallel_loop3A_1069 : vector<16xf32>
        %parallel_loop3A_1071 = arith.maximumf %parallel_loop3A_1029, %parallel_loop3A_1069 : vector<16xf32>
        %parallel_loop3A_1072 = vector.extract_strided_slice %parallel_loop3A_464 {offsets = [14], sizes = [1], strides = [1]} : vector<16xf32> to vector<1xf32>
        %parallel_loop3A_1073 = vector.extract %parallel_loop3A_1072[0] : f32 from vector<1xf32>
        %parallel_loop3A_1074 = arith.constant 14 : i32
        %parallel_loop3A_1075 = arith.addi %parallel_loop3A_467, %parallel_loop3A_1074 : i32
        %parallel_loop3A_1076 = arith.index_cast %parallel_loop3A_1075 : i32 to index
        %parallel_loop3A_1077 = arith.constant 0 : index
        %parallel_loop3A_1078 = tpu.vector_load %arg9[%parallel_loop3A_1076, %parallel_loop3A_1077] {strides = array<i32>} : memref<1536x64xf32, #tpu.memory_space<vmem>>, vector<1x16xf32>,
        %parallel_loop3A_1079 = vector.shape_cast %parallel_loop3A_1078 : vector<1x16xf32> to vector<16xf32>
        %parallel_loop3A_1080 = vector.broadcast %parallel_loop3A_1073 : f32 to vector<16xf32>
        %parallel_loop3A_1081 = arith.mulf %parallel_loop3A_1079, %parallel_loop3A_1080 : vector<16xf32>
        %parallel_loop3A_1082 = arith.addf %parallel_loop3A_1040, %parallel_loop3A_1081 : vector<16xf32>
        %parallel_loop3A_1083 = arith.maximumf %parallel_loop3A_1041, %parallel_loop3A_1081 : vector<16xf32>
        %parallel_loop3A_1084 = arith.constant 14 : i32
        %parallel_loop3A_1085 = arith.addi %parallel_loop3A_467, %parallel_loop3A_1084 : i32
        %parallel_loop3A_1086 = arith.index_cast %parallel_loop3A_1085 : i32 to index
        %parallel_loop3A_1087 = arith.constant 16 : index
        %parallel_loop3A_1088 = tpu.vector_load %arg9[%parallel_loop3A_1086, %parallel_loop3A_1087] {strides = array<i32>} : memref<1536x64xf32, #tpu.memory_space<vmem>>, vector<1x16xf32>,
        %parallel_loop3A_1089 = vector.shape_cast %parallel_loop3A_1088 : vector<1x16xf32> to vector<16xf32>
        %parallel_loop3A_1090 = vector.broadcast %parallel_loop3A_1073 : f32 to vector<16xf32>
        %parallel_loop3A_1091 = arith.mulf %parallel_loop3A_1089, %parallel_loop3A_1090 : vector<16xf32>
        %parallel_loop3A_1092 = arith.addf %parallel_loop3A_1050, %parallel_loop3A_1091 : vector<16xf32>
        %parallel_loop3A_1093 = arith.maximumf %parallel_loop3A_1051, %parallel_loop3A_1091 : vector<16xf32>
        %parallel_loop3A_1094 = arith.constant 14 : i32
        %parallel_loop3A_1095 = arith.addi %parallel_loop3A_467, %parallel_loop3A_1094 : i32
        %parallel_loop3A_1096 = arith.index_cast %parallel_loop3A_1095 : i32 to index
        %parallel_loop3A_1097 = arith.constant 32 : index
        %parallel_loop3A_1098 = tpu.vector_load %arg9[%parallel_loop3A_1096, %parallel_loop3A_1097] {strides = array<i32>} : memref<1536x64xf32, #tpu.memory_space<vmem>>, vector<1x16xf32>,
        %parallel_loop3A_1099 = vector.shape_cast %parallel_loop3A_1098 : vector<1x16xf32> to vector<16xf32>
        %parallel_loop3A_1100 = vector.broadcast %parallel_loop3A_1073 : f32 to vector<16xf32>
        %parallel_loop3A_1101 = arith.mulf %parallel_loop3A_1099, %parallel_loop3A_1100 : vector<16xf32>
        %parallel_loop3A_1102 = arith.addf %parallel_loop3A_1060, %parallel_loop3A_1101 : vector<16xf32>
        %parallel_loop3A_1103 = arith.maximumf %parallel_loop3A_1061, %parallel_loop3A_1101 : vector<16xf32>
        %parallel_loop3A_1104 = arith.constant 14 : i32
        %parallel_loop3A_1105 = arith.addi %parallel_loop3A_467, %parallel_loop3A_1104 : i32
        %parallel_loop3A_1106 = arith.index_cast %parallel_loop3A_1105 : i32 to index
        %parallel_loop3A_1107 = arith.constant 48 : index
        %parallel_loop3A_1108 = tpu.vector_load %arg9[%parallel_loop3A_1106, %parallel_loop3A_1107] {strides = array<i32>} : memref<1536x64xf32, #tpu.memory_space<vmem>>, vector<1x16xf32>,
        %parallel_loop3A_1109 = vector.shape_cast %parallel_loop3A_1108 : vector<1x16xf32> to vector<16xf32>
        %parallel_loop3A_1110 = vector.broadcast %parallel_loop3A_1073 : f32 to vector<16xf32>
        %parallel_loop3A_1111 = arith.mulf %parallel_loop3A_1109, %parallel_loop3A_1110 : vector<16xf32>
        %parallel_loop3A_1112 = arith.addf %parallel_loop3A_1070, %parallel_loop3A_1111 : vector<16xf32>
        %parallel_loop3A_1113 = arith.maximumf %parallel_loop3A_1071, %parallel_loop3A_1111 : vector<16xf32>
        %parallel_loop3A_1114 = vector.extract_strided_slice %parallel_loop3A_464 {offsets = [15], sizes = [1], strides = [1]} : vector<16xf32> to vector<1xf32>
        %parallel_loop3A_1115 = vector.extract %parallel_loop3A_1114[0] : f32 from vector<1xf32>
        %parallel_loop3A_1116 = arith.constant 15 : i32
        %parallel_loop3A_1117 = arith.addi %parallel_loop3A_467, %parallel_loop3A_1116 : i32
        %parallel_loop3A_1118 = arith.index_cast %parallel_loop3A_1117 : i32 to index
        %parallel_loop3A_1119 = arith.constant 0 : index
        %parallel_loop3A_1120 = tpu.vector_load %arg9[%parallel_loop3A_1118, %parallel_loop3A_1119] {strides = array<i32>} : memref<1536x64xf32, #tpu.memory_space<vmem>>, vector<1x16xf32>,
        %parallel_loop3A_1121 = vector.shape_cast %parallel_loop3A_1120 : vector<1x16xf32> to vector<16xf32>
        %parallel_loop3A_1122 = vector.broadcast %parallel_loop3A_1115 : f32 to vector<16xf32>
        %parallel_loop3A_1123 = arith.mulf %parallel_loop3A_1121, %parallel_loop3A_1122 : vector<16xf32>
        %parallel_loop3A_1124 = arith.addf %parallel_loop3A_1082, %parallel_loop3A_1123 : vector<16xf32>
        %parallel_loop3A_1125 = arith.maximumf %parallel_loop3A_1083, %parallel_loop3A_1123 : vector<16xf32>
        %parallel_loop3A_1126 = arith.constant 15 : i32
        %parallel_loop3A_1127 = arith.addi %parallel_loop3A_467, %parallel_loop3A_1126 : i32
        %parallel_loop3A_1128 = arith.index_cast %parallel_loop3A_1127 : i32 to index
        %parallel_loop3A_1129 = arith.constant 16 : index
        %parallel_loop3A_1130 = tpu.vector_load %arg9[%parallel_loop3A_1128, %parallel_loop3A_1129] {strides = array<i32>} : memref<1536x64xf32, #tpu.memory_space<vmem>>, vector<1x16xf32>,
        %parallel_loop3A_1131 = vector.shape_cast %parallel_loop3A_1130 : vector<1x16xf32> to vector<16xf32>
        %parallel_loop3A_1132 = vector.broadcast %parallel_loop3A_1115 : f32 to vector<16xf32>
        %parallel_loop3A_1133 = arith.mulf %parallel_loop3A_1131, %parallel_loop3A_1132 : vector<16xf32>
        %parallel_loop3A_1134 = arith.addf %parallel_loop3A_1092, %parallel_loop3A_1133 : vector<16xf32>
        %parallel_loop3A_1135 = arith.maximumf %parallel_loop3A_1093, %parallel_loop3A_1133 : vector<16xf32>
        %parallel_loop3A_1136 = arith.constant 15 : i32
        %parallel_loop3A_1137 = arith.addi %parallel_loop3A_467, %parallel_loop3A_1136 : i32
        %parallel_loop3A_1138 = arith.index_cast %parallel_loop3A_1137 : i32 to index
        %parallel_loop3A_1139 = arith.constant 32 : index
        %parallel_loop3A_1140 = tpu.vector_load %arg9[%parallel_loop3A_1138, %parallel_loop3A_1139] {strides = array<i32>} : memref<1536x64xf32, #tpu.memory_space<vmem>>, vector<1x16xf32>,
        %parallel_loop3A_1141 = vector.shape_cast %parallel_loop3A_1140 : vector<1x16xf32> to vector<16xf32>
        %parallel_loop3A_1142 = vector.broadcast %parallel_loop3A_1115 : f32 to vector<16xf32>
        %parallel_loop3A_1143 = arith.mulf %parallel_loop3A_1141, %parallel_loop3A_1142 : vector<16xf32>
        %parallel_loop3A_1144 = arith.addf %parallel_loop3A_1102, %parallel_loop3A_1143 : vector<16xf32>
        %parallel_loop3A_1145 = arith.maximumf %parallel_loop3A_1103, %parallel_loop3A_1143 : vector<16xf32>
        %parallel_loop3A_1146 = arith.constant 15 : i32
        %parallel_loop3A_1147 = arith.addi %parallel_loop3A_467, %parallel_loop3A_1146 : i32
        %parallel_loop3A_1148 = arith.index_cast %parallel_loop3A_1147 : i32 to index
        %parallel_loop3A_1149 = arith.constant 48 : index
        %parallel_loop3A_1150 = tpu.vector_load %arg9[%parallel_loop3A_1148, %parallel_loop3A_1149] {strides = array<i32>} : memref<1536x64xf32, #tpu.memory_space<vmem>>, vector<1x16xf32>,
        %parallel_loop3A_1151 = vector.shape_cast %parallel_loop3A_1150 : vector<1x16xf32> to vector<16xf32>
        %parallel_loop3A_1152 = vector.broadcast %parallel_loop3A_1115 : f32 to vector<16xf32>
        %parallel_loop3A_1153 = arith.mulf %parallel_loop3A_1151, %parallel_loop3A_1152 : vector<16xf32>
        %parallel_loop3A_1154 = arith.addf %parallel_loop3A_1112, %parallel_loop3A_1153 : vector<16xf32>
        %parallel_loop3A_1155 = arith.maximumf %parallel_loop3A_1113, %parallel_loop3A_1153 : vector<16xf32>
        %parallel_loop3A_1156 = arith.addi %mul3A_391, %parallel_loop3A_454 : i32
        %parallel_loop3A_1157 = arith.index_cast %parallel_loop3A_1156 : i32 to index
        %parallel_loop3A_1158 = arith.constant 0 : index
        %parallel_loop3A_1159 = tpu.vector_load %arg8[%parallel_loop3A_1157, %parallel_loop3A_1158] {strides = array<i32>} : memref<128x64xf32, #tpu.memory_space<vmem>>, vector<1x16xf32>,
        %parallel_loop3A_1160 = vector.shape_cast %parallel_loop3A_1159 : vector<1x16xf32> to vector<16xf32>
        %parallel_loop3A_1161 = arith.constant 6.250000e-02 : f32
        %parallel_loop3A_1162 = vector.broadcast %parallel_loop3A_1161 : f32 to vector<16xf32>
        %parallel_loop3A_1163 = arith.mulf %parallel_loop3A_1124, %parallel_loop3A_1162 : vector<16xf32>
        %parallel_loop3A_1164 = arith.subf %parallel_loop3A_1163, %parallel_loop3A_1160 : vector<16xf32>
        %parallel_loop3A_1165 = arith.addi %mul3A_409, %parallel_loop3A_454 : i32
        %parallel_loop3A_1166 = arith.index_cast %parallel_loop3A_1165 : i32 to index
        %parallel_loop3A_1167 = arith.constant 0 : index
        %parallel_loop3A_1168 = tpu.vector_load %arg10[%parallel_loop3A_1166, %parallel_loop3A_1167] {strides = array<i32>} : memref<64x128xf32, #tpu.memory_space<vmem>>, vector<1x16xf32>,
        %parallel_loop3A_1169 = vector.shape_cast %parallel_loop3A_1168 : vector<1x16xf32> to vector<16xf32>
        %parallel_loop3A_1170 = vector.shape_cast %parallel_loop3A_1164 : vector<16xf32> to vector<1x16xf32>
        tpu.vector_store %arg10[%parallel_loop3A_1166, %parallel_loop3A_1167], %parallel_loop3A_1170 {strides = array<i32>} : memref<64x128xf32, #tpu.memory_space<vmem>>, vector<1x16xf32>,
        %parallel_loop3A_1171 = arith.subf %parallel_loop3A_1125, %parallel_loop3A_1160 : vector<16xf32>
        %parallel_loop3A_1172 = arith.addi %mul3A_409, %parallel_loop3A_454 : i32
        %parallel_loop3A_1173 = arith.index_cast %parallel_loop3A_1172 : i32 to index
        %parallel_loop3A_1174 = arith.constant 64 : index
        %parallel_loop3A_1175 = tpu.vector_load %arg10[%parallel_loop3A_1173, %parallel_loop3A_1174] {strides = array<i32>} : memref<64x128xf32, #tpu.memory_space<vmem>>, vector<1x16xf32>,
        %parallel_loop3A_1176 = vector.shape_cast %parallel_loop3A_1175 : vector<1x16xf32> to vector<16xf32>
        %parallel_loop3A_1177 = vector.shape_cast %parallel_loop3A_1171 : vector<16xf32> to vector<1x16xf32>
        tpu.vector_store %arg10[%parallel_loop3A_1173, %parallel_loop3A_1174], %parallel_loop3A_1177 {strides = array<i32>} : memref<64x128xf32, #tpu.memory_space<vmem>>, vector<1x16xf32>,
        %parallel_loop3A_1178 = arith.addi %mul3A_391, %parallel_loop3A_454 : i32
        %parallel_loop3A_1179 = arith.index_cast %parallel_loop3A_1178 : i32 to index
        %parallel_loop3A_1180 = arith.constant 16 : index
        %parallel_loop3A_1181 = tpu.vector_load %arg8[%parallel_loop3A_1179, %parallel_loop3A_1180] {strides = array<i32>} : memref<128x64xf32, #tpu.memory_space<vmem>>, vector<1x16xf32>,
        %parallel_loop3A_1182 = vector.shape_cast %parallel_loop3A_1181 : vector<1x16xf32> to vector<16xf32>
        %parallel_loop3A_1183 = arith.constant 6.250000e-02 : f32
        %parallel_loop3A_1184 = vector.broadcast %parallel_loop3A_1183 : f32 to vector<16xf32>
        %parallel_loop3A_1185 = arith.mulf %parallel_loop3A_1134, %parallel_loop3A_1184 : vector<16xf32>
        %parallel_loop3A_1186 = arith.subf %parallel_loop3A_1185, %parallel_loop3A_1182 : vector<16xf32>
        %parallel_loop3A_1187 = arith.addi %mul3A_409, %parallel_loop3A_454 : i32
        %parallel_loop3A_1188 = arith.index_cast %parallel_loop3A_1187 : i32 to index
        %parallel_loop3A_1189 = arith.constant 16 : index
        %parallel_loop3A_1190 = tpu.vector_load %arg10[%parallel_loop3A_1188, %parallel_loop3A_1189] {strides = array<i32>} : memref<64x128xf32, #tpu.memory_space<vmem>>, vector<1x16xf32>,
        %parallel_loop3A_1191 = vector.shape_cast %parallel_loop3A_1190 : vector<1x16xf32> to vector<16xf32>
        %parallel_loop3A_1192 = vector.shape_cast %parallel_loop3A_1186 : vector<16xf32> to vector<1x16xf32>
        tpu.vector_store %arg10[%parallel_loop3A_1188, %parallel_loop3A_1189], %parallel_loop3A_1192 {strides = array<i32>} : memref<64x128xf32, #tpu.memory_space<vmem>>, vector<1x16xf32>,
        %parallel_loop3A_1193 = arith.subf %parallel_loop3A_1135, %parallel_loop3A_1182 : vector<16xf32>
        %parallel_loop3A_1194 = arith.addi %mul3A_409, %parallel_loop3A_454 : i32
        %parallel_loop3A_1195 = arith.index_cast %parallel_loop3A_1194 : i32 to index
        %parallel_loop3A_1196 = arith.constant 80 : index
        %parallel_loop3A_1197 = tpu.vector_load %arg10[%parallel_loop3A_1195, %parallel_loop3A_1196] {strides = array<i32>} : memref<64x128xf32, #tpu.memory_space<vmem>>, vector<1x16xf32>,
        %parallel_loop3A_1198 = vector.shape_cast %parallel_loop3A_1197 : vector<1x16xf32> to vector<16xf32>
        %parallel_loop3A_1199 = vector.shape_cast %parallel_loop3A_1193 : vector<16xf32> to vector<1x16xf32>
        tpu.vector_store %arg10[%parallel_loop3A_1195, %parallel_loop3A_1196], %parallel_loop3A_1199 {strides = array<i32>} : memref<64x128xf32, #tpu.memory_space<vmem>>, vector<1x16xf32>,
        %parallel_loop3A_1200 = arith.addi %mul3A_391, %parallel_loop3A_454 : i32
        %parallel_loop3A_1201 = arith.index_cast %parallel_loop3A_1200 : i32 to index
        %parallel_loop3A_1202 = arith.constant 32 : index
        %parallel_loop3A_1203 = tpu.vector_load %arg8[%parallel_loop3A_1201, %parallel_loop3A_1202] {strides = array<i32>} : memref<128x64xf32, #tpu.memory_space<vmem>>, vector<1x16xf32>,
        %parallel_loop3A_1204 = vector.shape_cast %parallel_loop3A_1203 : vector<1x16xf32> to vector<16xf32>
        %parallel_loop3A_1205 = arith.constant 6.250000e-02 : f32
        %parallel_loop3A_1206 = vector.broadcast %parallel_loop3A_1205 : f32 to vector<16xf32>
        %parallel_loop3A_1207 = arith.mulf %parallel_loop3A_1144, %parallel_loop3A_1206 : vector<16xf32>
        %parallel_loop3A_1208 = arith.subf %parallel_loop3A_1207, %parallel_loop3A_1204 : vector<16xf32>
        %parallel_loop3A_1209 = arith.addi %mul3A_409, %parallel_loop3A_454 : i32
        %parallel_loop3A_1210 = arith.index_cast %parallel_loop3A_1209 : i32 to index
        %parallel_loop3A_1211 = arith.constant 32 : index
        %parallel_loop3A_1212 = tpu.vector_load %arg10[%parallel_loop3A_1210, %parallel_loop3A_1211] {strides = array<i32>} : memref<64x128xf32, #tpu.memory_space<vmem>>, vector<1x16xf32>,
        %parallel_loop3A_1213 = vector.shape_cast %parallel_loop3A_1212 : vector<1x16xf32> to vector<16xf32>
        %parallel_loop3A_1214 = vector.shape_cast %parallel_loop3A_1208 : vector<16xf32> to vector<1x16xf32>
        tpu.vector_store %arg10[%parallel_loop3A_1210, %parallel_loop3A_1211], %parallel_loop3A_1214 {strides = array<i32>} : memref<64x128xf32, #tpu.memory_space<vmem>>, vector<1x16xf32>,
        %parallel_loop3A_1215 = arith.subf %parallel_loop3A_1145, %parallel_loop3A_1204 : vector<16xf32>
        %parallel_loop3A_1216 = arith.addi %mul3A_409, %parallel_loop3A_454 : i32
        %parallel_loop3A_1217 = arith.index_cast %parallel_loop3A_1216 : i32 to index
        %parallel_loop3A_1218 = arith.constant 96 : index
        %parallel_loop3A_1219 = tpu.vector_load %arg10[%parallel_loop3A_1217, %parallel_loop3A_1218] {strides = array<i32>} : memref<64x128xf32, #tpu.memory_space<vmem>>, vector<1x16xf32>,
        %parallel_loop3A_1220 = vector.shape_cast %parallel_loop3A_1219 : vector<1x16xf32> to vector<16xf32>
        %parallel_loop3A_1221 = vector.shape_cast %parallel_loop3A_1215 : vector<16xf32> to vector<1x16xf32>
        tpu.vector_store %arg10[%parallel_loop3A_1217, %parallel_loop3A_1218], %parallel_loop3A_1221 {strides = array<i32>} : memref<64x128xf32, #tpu.memory_space<vmem>>, vector<1x16xf32>,
        %parallel_loop3A_1222 = arith.addi %mul3A_391, %parallel_loop3A_454 : i32
        %parallel_loop3A_1223 = arith.index_cast %parallel_loop3A_1222 : i32 to index
        %parallel_loop3A_1224 = arith.constant 48 : index
        %parallel_loop3A_1225 = tpu.vector_load %arg8[%parallel_loop3A_1223, %parallel_loop3A_1224] {strides = array<i32>} : memref<128x64xf32, #tpu.memory_space<vmem>>, vector<1x16xf32>,
        %parallel_loop3A_1226 = vector.shape_cast %parallel_loop3A_1225 : vector<1x16xf32> to vector<16xf32>
        %parallel_loop3A_1227 = arith.constant 6.250000e-02 : f32
        %parallel_loop3A_1228 = vector.broadcast %parallel_loop3A_1227 : f32 to vector<16xf32>
        %parallel_loop3A_1229 = arith.mulf %parallel_loop3A_1154, %parallel_loop3A_1228 : vector<16xf32>
        %parallel_loop3A_1230 = arith.subf %parallel_loop3A_1229, %parallel_loop3A_1226 : vector<16xf32>
        %parallel_loop3A_1231 = arith.addi %mul3A_409, %parallel_loop3A_454 : i32
        %parallel_loop3A_1232 = arith.index_cast %parallel_loop3A_1231 : i32 to index
        %parallel_loop3A_1233 = arith.constant 48 : index
        %parallel_loop3A_1234 = tpu.vector_load %arg10[%parallel_loop3A_1232, %parallel_loop3A_1233] {strides = array<i32>} : memref<64x128xf32, #tpu.memory_space<vmem>>, vector<1x16xf32>,
        %parallel_loop3A_1235 = vector.shape_cast %parallel_loop3A_1234 : vector<1x16xf32> to vector<16xf32>
        %parallel_loop3A_1236 = vector.shape_cast %parallel_loop3A_1230 : vector<16xf32> to vector<1x16xf32>
        tpu.vector_store %arg10[%parallel_loop3A_1232, %parallel_loop3A_1233], %parallel_loop3A_1236 {strides = array<i32>} : memref<64x128xf32, #tpu.memory_space<vmem>>, vector<1x16xf32>,
        %parallel_loop3A_1237 = arith.subf %parallel_loop3A_1155, %parallel_loop3A_1226 : vector<16xf32>
        %parallel_loop3A_1238 = arith.addi %mul3A_409, %parallel_loop3A_454 : i32
        %parallel_loop3A_1239 = arith.index_cast %parallel_loop3A_1238 : i32 to index
        %parallel_loop3A_1240 = arith.constant 112 : index
        %parallel_loop3A_1241 = tpu.vector_load %arg10[%parallel_loop3A_1239, %parallel_loop3A_1240] {strides = array<i32>} : memref<64x128xf32, #tpu.memory_space<vmem>>, vector<1x16xf32>,
        %parallel_loop3A_1242 = vector.shape_cast %parallel_loop3A_1241 : vector<1x16xf32> to vector<16xf32>
        %parallel_loop3A_1243 = vector.shape_cast %parallel_loop3A_1237 : vector<16xf32> to vector<1x16xf32>
        tpu.vector_store %arg10[%parallel_loop3A_1239, %parallel_loop3A_1240], %parallel_loop3A_1243 {strides = array<i32>} : memref<64x128xf32, #tpu.memory_space<vmem>>, vector<1x16xf32>,
      } {sc.loop_unroll_factor = 1 : i64, sc.parallel_access}
      %jit3A_412 = arith.constant 2 : i32
      %eq3A_413 = arith.constant 0 : i32
      %eq3A_414 = arith.cmpi eq, %jit3A_412, %eq3A_413 : i32
      %jit3A_415 = arith.constant 1 : i32
      %select_n3A_416 = arith.select %eq3A_414, %jit3A_415, %jit3A_412 : i32
      %rem3A_417 = arith.remsi %scan3A_247, %select_n3A_416 : i32
      %ne3A_418 = arith.constant 0 : i32
      %ne3A_419 = arith.cmpi ne, %rem3A_417, %ne3A_418 : i32
      %lt3A_420 = arith.constant 0 : i32
      %lt3A_421 = arith.cmpi slt, %rem3A_417, %lt3A_420 : i32
      %lt3A_422 = arith.constant 0 : i32
      %lt3A_423 = arith.cmpi slt, %select_n3A_416, %lt3A_422 : i32
      %ne3A_424 = arith.xori %lt3A_421, %lt3A_423 : i1
      %and3A_425 = arith.andi %ne3A_424, %ne3A_419 : i1
      %add3A_426 = arith.addi %rem3A_417, %select_n3A_416 : i32
      %select_n3A_427 = arith.select %and3A_425, %add3A_426, %rem3A_417 : i32
      %eq3A_428 = arith.constant 0 : i32
      %eq3A_429 = arith.cmpi eq, %select_n3A_427, %eq3A_428 : i32
      %convert_element_type3A_430 = arith.extui %eq3A_429 : i1 to i32
      %cond3A_431 = arith.constant 0 : i32
      %cond3A_432 = arith.cmpi ne, %convert_element_type3A_430, %cond3A_431 : i32
      scf.if %cond3A_432 {
        %mul3A_454 = arith.constant 32 : i32
        %mul3A_455 = arith.muli %scan3A_247, %mul3A_454 : i32
        %add3A_456 = arith.addi %mul3A_2, %mul3A_455 : i32
        %min3A_457 = arith.constant 49968 : i32
        %min3A_458 = arith.minsi %add3A_456, %min3A_457 : i32
        %dma_start3A_459 = arith.constant 0 : i32
        %dma_start3A_460 = arith.constant 0 : i32
        %dma_start3A_461 = tpu.memref_slice %arg10[%dma_start3A_459, %dma_start3A_460] : memref<64x128xf32, #tpu.memory_space<vmem>> -> memref<32x128xf32, #tpu.memory_space<vmem>>
        %dma_start3A_462 = arith.constant 0 : i32
        %dma_start3A_463 = tpu.memref_slice %arg5[%min3A_458, %dma_start3A_462] : memref<50000x128xf32, #tpu.memory_space<hbm>> -> memref<32x128xf32, #tpu.memory_space<hbm>>
        %dma_start3A_464 = arith.constant 0 : i32
        %dma_start3A_465 = tpu.memref_slice %arg5[%min3A_458, %dma_start3A_464] : memref<50000x128xf32, #tpu.memory_space<hbm>> -> memref<32x128xf32, #tpu.memory_space<hbm>>
        %dma_start3A_466 = arith.constant 0 : i32
        %dma_start3A_467 = arith.constant 0 : i32
        %dma_start3A_468 = tpu.memref_slice %arg10[%dma_start3A_466, %dma_start3A_467] : memref<64x128xf32, #tpu.memory_space<vmem>> -> memref<32x128xf32, #tpu.memory_space<vmem>>
        tpu.enqueue_dma source(%dma_start3A_468 : memref<32x128xf32, #tpu.memory_space<vmem>>) target(%dma_start3A_465 : memref<32x128xf32, #tpu.memory_space<hbm>>) target_semaphore(%arg14 : memref<!tpu.dma_semaphore, #tpu.memory_space<semaphore_mem>>)
      } else {
      }
      %jit3A_433 = arith.constant 2 : i32
      %eq3A_434 = arith.constant 0 : i32
      %eq3A_435 = arith.cmpi eq, %jit3A_433, %eq3A_434 : i32
      %jit3A_436 = arith.constant 1 : i32
      %select_n3A_437 = arith.select %eq3A_435, %jit3A_436, %jit3A_433 : i32
      %rem3A_438 = arith.remsi %scan3A_247, %select_n3A_437 : i32
      %ne3A_439 = arith.constant 0 : i32
      %ne3A_440 = arith.cmpi ne, %rem3A_438, %ne3A_439 : i32
      %lt3A_441 = arith.constant 0 : i32
      %lt3A_442 = arith.cmpi slt, %rem3A_438, %lt3A_441 : i32
      %lt3A_443 = arith.constant 0 : i32
      %lt3A_444 = arith.cmpi slt, %select_n3A_437, %lt3A_443 : i32
      %ne3A_445 = arith.xori %lt3A_442, %lt3A_444 : i1
      %and3A_446 = arith.andi %ne3A_445, %ne3A_440 : i1
      %add3A_447 = arith.addi %rem3A_438, %select_n3A_437 : i32
      %select_n3A_448 = arith.select %and3A_446, %add3A_447, %rem3A_438 : i32
      %eq3A_449 = arith.constant 1 : i32
      %eq3A_450 = arith.cmpi eq, %select_n3A_448, %eq3A_449 : i32
      %convert_element_type3A_451 = arith.extui %eq3A_450 : i1 to i32
      %cond3A_452 = arith.constant 0 : i32
      %cond3A_453 = arith.cmpi ne, %convert_element_type3A_451, %cond3A_452 : i32
      scf.if %cond3A_453 {
        %mul3A_454 = arith.constant 32 : i32
        %mul3A_455 = arith.muli %scan3A_247, %mul3A_454 : i32
        %add3A_456 = arith.addi %mul3A_2, %mul3A_455 : i32
        %min3A_457 = arith.constant 49968 : i32
        %min3A_458 = arith.minsi %add3A_456, %min3A_457 : i32
        %dma_start3A_459 = arith.constant 32 : i32
        %dma_start3A_460 = arith.constant 0 : i32
        %dma_start3A_461 = tpu.memref_slice %arg10[%dma_start3A_459, %dma_start3A_460] : memref<64x128xf32, #tpu.memory_space<vmem>> -> memref<32x128xf32, #tpu.memory_space<vmem>>
        %dma_start3A_462 = arith.constant 0 : i32
        %dma_start3A_463 = tpu.memref_slice %arg5[%min3A_458, %dma_start3A_462] : memref<50000x128xf32, #tpu.memory_space<hbm>> -> memref<32x128xf32, #tpu.memory_space<hbm>>
        %dma_start3A_464 = arith.constant 0 : i32
        %dma_start3A_465 = tpu.memref_slice %arg5[%min3A_458, %dma_start3A_464] : memref<50000x128xf32, #tpu.memory_space<hbm>> -> memref<32x128xf32, #tpu.memory_space<hbm>>
        %dma_start3A_466 = arith.constant 32 : i32
        %dma_start3A_467 = arith.constant 0 : i32
        %dma_start3A_468 = tpu.memref_slice %arg10[%dma_start3A_466, %dma_start3A_467] : memref<64x128xf32, #tpu.memory_space<vmem>> -> memref<32x128xf32, #tpu.memory_space<vmem>>
        tpu.enqueue_dma source(%dma_start3A_468 : memref<32x128xf32, #tpu.memory_space<vmem>>) target(%dma_start3A_465 : memref<32x128xf32, #tpu.memory_space<hbm>>) target_semaphore(%arg15 : memref<!tpu.dma_semaphore, #tpu.memory_space<semaphore_mem>>)
      } else {
      }
    }
    %scan3A_218 = arith.constant 98 : i32
    %add3A_219 = arith.constant 3072 : i32
    %add3A_220 = arith.addi %mul3A_2, %add3A_219 : i32
    %min3A_221 = arith.constant 49968 : i32
    %min3A_222 = arith.minsi %add3A_220, %min3A_221 : i32
    %dma_wait3A_223 = arith.constant 0 : i32
    %dma_wait3A_224 = arith.constant 0 : i32
    %dma_wait3A_225 = tpu.memref_slice %arg10[%dma_wait3A_223, %dma_wait3A_224] : memref<64x128xf32, #tpu.memory_space<vmem>> -> memref<32x128xf32, #tpu.memory_space<vmem>>
    %dma_wait3A_226 = arith.constant 0 : i32
    %dma_wait3A_227 = tpu.memref_slice %arg5[%min3A_222, %dma_wait3A_226] : memref<50000x128xf32, #tpu.memory_space<hbm>> -> memref<32x128xf32, #tpu.memory_space<hbm>>
    %dma_wait3A_228 = arith.constant 0 : i32
    %dma_wait3A_229 = tpu.memref_slice %arg5[%min3A_222, %dma_wait3A_228] : memref<50000x128xf32, #tpu.memory_space<hbm>> -> memref<32x128xf32, #tpu.memory_space<hbm>>
    %dma_wait3A_230 = arith.constant 0 : i32
    %dma_wait3A_231 = arith.constant 0 : i32
    %dma_wait3A_232 = tpu.memref_slice %arg10[%dma_wait3A_230, %dma_wait3A_231] : memref<64x128xf32, #tpu.memory_space<vmem>> -> memref<32x128xf32, #tpu.memory_space<vmem>>
    tpu.wait_dma2 semaphore(%arg14 : memref<!tpu.dma_semaphore, #tpu.memory_space<semaphore_mem>>) src(%dma_wait3A_232 : memref<32x128xf32, #tpu.memory_space<vmem>>) dst(%dma_wait3A_229 : memref<32x128xf32, #tpu.memory_space<hbm>>)
    %add3A_233 = arith.constant 3104 : i32
    %add3A_234 = arith.addi %mul3A_2, %add3A_233 : i32
    %min3A_235 = arith.constant 49968 : i32
    %min3A_236 = arith.minsi %add3A_234, %min3A_235 : i32
    %dma_wait3A_237 = arith.constant 32 : i32
    %dma_wait3A_238 = arith.constant 0 : i32
    %dma_wait3A_239 = tpu.memref_slice %arg10[%dma_wait3A_237, %dma_wait3A_238] : memref<64x128xf32, #tpu.memory_space<vmem>> -> memref<32x128xf32, #tpu.memory_space<vmem>>
    %dma_wait3A_240 = arith.constant 0 : i32
    %dma_wait3A_241 = tpu.memref_slice %arg5[%min3A_236, %dma_wait3A_240] : memref<50000x128xf32, #tpu.memory_space<hbm>> -> memref<32x128xf32, #tpu.memory_space<hbm>>
    %dma_wait3A_242 = arith.constant 0 : i32
    %dma_wait3A_243 = tpu.memref_slice %arg5[%min3A_236, %dma_wait3A_242] : memref<50000x128xf32, #tpu.memory_space<hbm>> -> memref<32x128xf32, #tpu.memory_space<hbm>>
    %dma_wait3A_244 = arith.constant 32 : i32
    %dma_wait3A_245 = arith.constant 0 : i32
    %dma_wait3A_246 = tpu.memref_slice %arg10[%dma_wait3A_244, %dma_wait3A_245] : memref<64x128xf32, #tpu.memory_space<vmem>> -> memref<32x128xf32, #tpu.memory_space<vmem>>
    tpu.wait_dma2 semaphore(%arg15 : memref<!tpu.dma_semaphore, #tpu.memory_space<semaphore_mem>>) src(%dma_wait3A_246 : memref<32x128xf32, #tpu.memory_space<vmem>>) dst(%dma_wait3A_243 : memref<32x128xf32, #tpu.memory_space<hbm>>)
    return
  }
}

module attributes {stable_mosaic.version = 14 : i64} {
  func.func @_dense_relu_kernel(%arg0: i32, %arg1: memref<5000x128xf32, #tpu.memory_space<vmem>>, %arg2: memref<128x64xf32, #tpu.memory_space<vmem>>, %arg3: memref<1x64xf32, #tpu.memory_space<vmem>>, %arg4: memref<5000x64xf32, #tpu.memory_space<vmem>>) attributes {dimension_semantics = [#tpu.dimension_semantics<arbitrary>], iteration_bounds = array<i64: 10>, scalar_prefetch = 0 : i64, scratch_operands = 0 : i64, tpu.core_type = #tpu.core_type<tc>, window_params = [{transform_indices = @transform_0, window_bounds = array<i64: 5000, 128>}, {pipeline_mode = #tpu.pipeline_mode<synchronous>, transform_indices = @transform_1, window_bounds = array<i64: 128, 64>}, {pipeline_mode = #tpu.pipeline_mode<synchronous>, transform_indices = @transform_2, window_bounds = array<i64: 1, 64>}, {transform_indices = @transform_3, window_bounds = array<i64: 5000, 64>}]} {
    %get3A = arith.constant 0 : index
    %get3A_0 = arith.constant 0 : index
    %get3A_1 = vector.load %arg1[%get3A, %get3A_0] : memref<5000x128xf32, #tpu.memory_space<vmem>>, vector<5000x128xf32>
    %get3A_2 = arith.constant 0 : index
    %get3A_3 = arith.constant 0 : index
    %get3A_4 = vector.load %arg2[%get3A_2, %get3A_3] : memref<128x64xf32, #tpu.memory_space<vmem>>, vector<128x64xf32>
    %dot_general3A = arith.constant dense<0.000000e+00> : vector<5000x64xf32>
    %dot_general3A_5 = tpu.matmul %get3A_1, %get3A_4, %dot_general3A {dimension_numbers = #tpu.dot_dimension_numbers<[1], [0], [0], [1], [0, 0, 1, 1], [], []>, transpose_lhs_hint = false} : vector<5000x128xf32>, vector<128x64xf32>, vector<5000x64xf32> -> vector<5000x64xf32>
    %get3A_6 = arith.constant 0 : index
    %get3A_7 = arith.constant 0 : index
    %get3A_8 = vector.load %arg3[%get3A_6, %get3A_7] : memref<1x64xf32, #tpu.memory_space<vmem>>, vector<1x64xf32>
    %add3A = vector.broadcast %get3A_8 : vector<1x64xf32> to vector<5000x64xf32>
    %add3A_9 = arith.addf %dot_general3A_5, %add3A : vector<5000x64xf32>
    %max3A = arith.constant 0.000000e+00 : f32
    %max3A_10 = vector.broadcast %max3A : f32 to vector<5000x64xf32>
    %max3A_11 = arith.maximumf %add3A_9, %max3A_10 : vector<5000x64xf32>
    %swap3A = arith.constant 0 : index
    %swap3A_12 = arith.constant 0 : index
    %swap3A_13 = vector.load %arg4[%swap3A, %swap3A_12] : memref<5000x64xf32, #tpu.memory_space<vmem>>, vector<5000x64xf32>
    tpu.vector_store %arg4[%swap3A, %swap3A_12], %max3A_11 {strides = array<i32>} : memref<5000x64xf32, #tpu.memory_space<vmem>>, vector<5000x64xf32>,
    return
  }
  func.func @transform_0(%arg0: i32) -> (i32, i32) {
    %c0_i32 = arith.constant 0 : i32
    %c0_i32_0 = arith.constant 0 : i32
    return %arg0, %c0_i32 : i32, i32
  }
  func.func @transform_1(%arg0: i32) -> (i32, i32) {
    %c0_i32 = arith.constant 0 : i32
    %c0_i32_0 = arith.constant 0 : i32
    %c0_i32_1 = arith.constant 0 : i32
    return %c0_i32, %c0_i32_0 : i32, i32
  }
  func.func @transform_2(%arg0: i32) -> (i32, i32) {
    %c0_i32 = arith.constant 0 : i32
    %c0_i32_0 = arith.constant 0 : i32
    %c0_i32_1 = arith.constant 0 : i32
    return %c0_i32, %c0_i32_0 : i32, i32
  }
  func.func @transform_3(%arg0: i32) -> (i32, i32) {
    %c0_i32 = arith.constant 0 : i32
    %c0_i32_0 = arith.constant 0 : i32
    return %arg0, %c0_i32 : i32, i32
  }
}

</mosaic_0001>

<sc_bundles>
// kernel: kernel.6.cloned.1.call-start
scs
__scs_entry_jumppad:
0x0: {  	(pc) =	sbr.rel $0x88, $3  }
0x1: {  	(tag) =	ssettag $0x0;
	lr =	simm.s32 $0x1  }
0x2: {  	[smem:$0x3F9A] =	sst lr;
	_ =	strace $0xD0000000  }
0x3: {  	_ = 	snop  }
0x4: {  	_ = 	snop  }
0x5: {  	_ = 	snop  }
0x6: {  	_ = 	snop  }
0x7: {  	_ = 	snop  }
__scs_overlays_trampoline_lowered:
0x8: {  	[smem:$0x3FA9] =	sst s0  }
0x9: {  	[smem:$0x3FAA] =	sst s1  }
0xa: {  	[smem:$0x3FAB] =	sst s2  }
0xb: {  	[smem:$0x3FAC] =	sst s3  }
0xc: {  	[smem:$0x3FAD] =	sst s4  }
0xd: {  	[smem:$0x3FAE] =	sst s5  }
0xe: {  	[smem:$0x3FAF] =	sst s6  }
0xf: {  	[smem:$0x3FB0] =	sst s7  }
0x10: {  	[smem:$0x3FB1] =	sst s8  }
0x11: {  	[smem:$0x3FB2] =	sst s9;
	s0 =	simm.s32 @!p0 $0x0  }
0x12: {  	s1 =	sld [smem:$0x3F98];
	s0 =	simm.s32 @p0 $0x1  }
0x13: {  	[smem:$0x3FB3] =	sst s0;
	s0 =	simm.s32 @!p1 $0x0  }
0x14: {  	s2 =	sld [smem:$0x3F97];
	s0 =	simm.s32 @p1 $0x1  }
0x15: {  	[smem:$0x3FB4] =	sst s0;
	s0 =	simm.s32 @!p2 $0x0  }
0x16: {  	s3 =	sld [smem:$0x3FDB];
	s0 =	simm.s32 @p2 $0x1  }
0x17: {  	s4 =	simm.s32 $0x1BF5;
	[smem:$0x3FB6] =	sst s0  }
0x18: {  	s0 =	sld [smem:$0x3F99];
	_ =	swait.ge [sflag:s4], $0x0  }
0x19: {  	s7 =	sld [smem:$0x3F9A]  }
0x1a: {  	s8 =	sadd.s32 $0xFFFFE003, lr  }
0x1b: {  	s9 =	sadd.s32 $0xFFFFFEF7, lr;
	s5 =	simm.s32 $0xFFFFFFFF;
	p2 =	slt.u32 s8, $0xFFFFF086  }
0x1c: {  	p1 =	slt.u32 s9, $0xF7A;
	s5 =	simm.s32 @!p2 $0x0  }
0x1d: {  	s5 =	simm.s32 @p1 $0x1;
	p0 =	seq.s32 s7, s2  }
0x1e: {  	s7 =	smul.u32 @!p0 $0xF7A, s2;
	p2 =	seq.s32 @!p0 s5, $0x0  }
0x1f: {  	s9 =	smul.u32 $0xF7A, s1;
	s8 =	simm.s32 @!p0 $0x1BF5;
	p2 =	por !p2, p0  }
0x20: {  	[sflag:s8] =	ssyncset.s32 @!p0 $0xFFFFF086;
	s6 =	sadd.s32 @!p0 s3, s7;
	s7 =	simm.s32 @!p0 $0x108  }
0x21: {  	s3 =	sadd.s32 s3, s9;
	s6 =	sadd.s32 @!p0 $0x88, s6;
	s7 =	simm.s32 @p2 $0x1082  }
0x22: {  	[simem:s7], [sflag:s8] =	dma.local @!p0 [hbm:s6], $0xF7A  }
0x23: {  	s9 =	sor.u32 $0xD0000000, s2;
	s6 =	simm.s32 $0x108;
	_ =	swait.ge @!p0 [sflag:s8], $0x0  }
0x24: {  	s3 =	sadd.s32 $0x88, s3;
	s6 =	simm.s32 @!p1 $0x1082;
	[sflag:s4] =	ssyncset.s32 $0xFFFFF086  }
0x25: {  	[simem:s6], [sflag:s4] =	dma.local [hbm:s3], $0xF7A  }
0x26: {  	[smem:$0x3F9A] =	sst s1;
	(tag) =	ssettag s2;
	_ =	strace s9  }
0x27: {  	s1 =	sld [smem:$0x3FAA]  }
0x28: {  	s2 =	sld [smem:$0x3FAB]  }
0x29: {  	s4 =	sld [smem:$0x3FAD]  }
0x2a: {  	p0 =	seq.s32 s5, $0x0;
	s5 =	sld [smem:$0x3FAE]  }
0x2b: {  	s6 =	sld [smem:$0x3FAF]  }
0x2c: {  	s7 =	sld [smem:$0x3FB0]  }
0x2d: {  	s3 =	simm.s32 $0x108;
	s8 =	sld [smem:$0x3FB1]  }
0x2e: {  	s3 =	simm.s32 @!p0 $0x1082;
	s9 =	sld [smem:$0x3FB2]  }
0x2f: {  	lr =	sadd.s32 s0, s3;
	s0 =	sld [smem:$0x3FA9]  }
0x30: {  	s3 =	sld [smem:$0x3FAC]  }
0x31: {  	[smem:$0x3FB5] =	sst s10  }
0x32: {  	s10 =	sld [smem:$0x3FB3];
	_ =	sdelay $0x3  }
0x33: {  	p0 =	seq.s32 s10, $0x1;
	s10 =	sld [smem:$0x3FB5];
	_ =	sdelay $0x3  }
0x34: {  	[smem:$0x3FB5] =	sst s10  }
0x35: {  	s10 =	sld [smem:$0x3FB4];
	_ =	sdelay $0x3  }
0x36: {  	p1 =	seq.s32 s10, $0x1;
	s10 =	sld [smem:$0x3FB5];
	_ =	sdelay $0x3  }
0x37: {  	[smem:$0x3FB5] =	sst s10  }
0x38: {  	s10 =	sld [smem:$0x3FB6]  }
0x39: {  	_ = 	snop;
	(pc) =	sbr.ind lr, $3  }
0x3a: {  	_ = 	snop  }
0x3b: {  	_ = 	snop  }
0x3c: {  	p2 =	seq.s32 s10, $0x1;
	s10 =	sld [smem:$0x3FB5]  }
0x3d: {  	_ =	shalt  }
0x3e: {  	_ =	shalt  }
0x3f: {  	_ =	shalt  }
0x40: {  	_ =	shalt  }
0x41: {  	_ =	shalt  }
0x42: {  	_ =	shalt  }
0x43: {  	_ =	shalt  }
0x44: {  	_ =	shalt  }
0x45: {  	_ =	shalt  }
0x46: {  	_ =	shalt  }
0x47: {  	_ =	shalt  }
0x48: {  	_ =	shalt  }
0x49: {  	_ =	shalt  }
0x4a: {  	_ =	shalt  }
0x4b: {  	_ =	shalt  }
0x4c: {  	_ =	shalt  }
0x4d: {  	_ =	shalt  }
0x4e: {  	_ =	shalt  }
0x4f: {  	_ =	shalt  }
0x50: {  	_ =	shalt  }
0x51: {  	_ =	shalt  }
0x52: {  	_ =	shalt  }
0x53: {  	_ =	shalt  }
0x54: {  	_ =	shalt  }
0x55: {  	_ =	shalt  }
0x56: {  	_ =	shalt  }
0x57: {  	_ =	shalt  }
0x58: {  	_ =	shalt  }
0x59: {  	_ =	shalt  }
0x5a: {  	_ =	shalt  }
0x5b: {  	_ =	shalt  }
0x5c: {  	_ =	shalt  }
0x5d: {  	_ =	shalt  }
0x5e: {  	_ =	shalt  }
0x5f: {  	_ =	shalt  }
0x60: {  	_ =	shalt  }
0x61: {  	_ =	shalt  }
0x62: {  	_ =	shalt  }
0x63: {  	_ =	shalt  }
0x64: {  	_ =	shalt  }
0x65: {  	_ =	shalt  }
0x66: {  	_ =	shalt  }
0x67: {  	_ =	shalt  }
0x68: {  	_ =	shalt  }
0x69: {  	_ =	shalt  }
0x6a: {  	_ =	shalt  }
0x6b: {  	_ =	shalt  }
0x6c: {  	_ =	shalt  }
0x6d: {  	_ =	shalt  }
0x6e: {  	_ =	shalt  }
0x6f: {  	_ =	shalt  }
0x70: {  	_ =	shalt  }
0x71: {  	_ =	shalt  }
0x72: {  	_ =	shalt  }
0x73: {  	_ =	shalt  }
0x74: {  	_ =	shalt  }
0x75: {  	_ =	shalt  }
0x76: {  	_ =	shalt  }
0x77: {  	_ =	shalt  }
0x78: {  	_ =	shalt  }
0x79: {  	_ =	shalt  }
0x7a: {  	_ =	shalt  }
0x7b: {  	_ =	shalt  }
0x7c: {  	_ =	shalt  }
0x7d: {  	_ =	shalt  }
0x7e: {  	_ =	shalt  }
0x7f: {  	_ =	shalt  }
0x80: {  	_ =	shalt  }
0x81: {  	_ =	shalt  }
0x82: {  	_ =	shalt  }
0x83: {  	_ =	shalt  }
0x84: {  	_ =	shalt  }
0x85: {  	_ =	shalt  }
0x86: {  	_ =	shalt  }
0x87: {  	_ =	shalt  }
.Lfunc_end0:
.L_simem_size_0:
called_computation_lowered:
.L_overlay_start_0:
0x88: {  	s0 =	sld [smem:$0x3FD9]  }
0x89: {  	s1 =	sld [smem:$0x3FFE];
	_ =	sdelay $0x3  }
0x8a: {  	s0 =	sadd.s32 s1, s0  }
0x8b: {  	[smem:$0x3FC1] =	sst s0  }
0x8c: {  	_ = 	snop  }
0x8d: {  	(tm) =	ssettm $0x1  }
0x8e: {  	s15 =	sld [smem:$0x3FFB];
	_ =	sdelay $0x3  }
0x8f: {  	_ =	strace s15  }
0x90: {  	s0 =	sld [smem:$0x3FFC];
	_ =	sdelay $0x3  }
0x91: {  	_ =	strace s0  }
0x92: {  	s0 =	sld [smem:$0x3FFD];
	_ =	sdelay $0x3  }
0x93: {  	_ =	strace s0  }
0x94: {  	_ =	strace $0x8FFFFFFF  }
0x95: {  	s16 =	sld [smem:$0x3FDB];
	_ =	sdelay $0x1  }
0x96: {  	s17 =	simm.s32 $_scs_section_size  }
0x97: {  	s2 =	simm.s32 $_size__tile_overlayer_lowered;
	s3 =	simm.s32 $_tile_overlayer_lowered  }
0x98: {  	s20 =	simm.s32 $0x1BFF;
	s19 =	sshll.u32 s3, $0x1;
	s0 =	sadd.s32 s17, s16  }
0x99: {  	s4 =	simm.s32 $0x0;
	s18 =	sshll.u32 s2, $0x1;
	s2 =	sadd.s32 s19, s0  }
0x9a: {  	[timem:s4], [sflag:s20] =	dma.local [hbm:s2], s18  }
0x9b: {  	_ =	swait.ge [sflag:s20], s18  }
0x9c: {  	s1 =	ssub.s32 $0x0, s18;
	[sflag:s20] =	ssyncset.done $0x0  }
0x9d: {  	[sflag:s20] =	ssyncadd.s32 s1;
	_ =	sdelay $0x1  }
0x9e: {  	s21 =	simm.s32 $0x1B8B  }
0x9f: {  	_ =	swait.ge [sflag:s21], $0x1  }
0xa0: {  	[sflag:s21] =	ssyncset.done $0x0  }
0xa1: {  	s23 =	simm.s32 $0x1B8E;
	s22 =	sld [smem:$0x3FFE];
	[sflag:s21] =	ssyncadd.s32 $0xFFFFFFFF  }
0xa2: {  	s24 =	simm.s32 $execute0_lowered;
	[smem:$0x3FD2] =	sst s23  }
0xa3: {  	s2 =	sshll.u32 s24, $0x1;
	_ =	strace $0x80000046;
	[dreg:$0x1] =	wrdreg $0xFFFFFFFF  }
0xa4: {  	s25 =	simm.s32 $_size_execute0_lowered;
	s0 =	sadd.s32 s0, s2;
	[dreg:$0x0] =	wrdreg $0x0  }
0xa5: {  	s2 =	sshll.u32 s25, $0x1;
	[dreg:$0x2] =	wrdreg s0  }
0xa6: {  	[dreg:$0x3] =	wrdreg s2  }
0xa7: {  	[dreg:$0x4] =	wrdreg $0xC0  }
0xa8: {  	_ =	task [dreg:s4], $0x5FFFF  }
0xa9: {  	[dreg:$0x1] =	wrdreg $0xFFFFFFFF  }
0xaa: {  	[dreg:$0x0] =	wrdreg $0x60  }
0xab: {  	[dreg:$0x2] =	wrdreg s22  }
0xac: {  	[dreg:$0x3] =	wrdreg $0x9  }
0xad: {  	_ =	task.clear_ibuf [dreg:s4], $0x4FFFF;
	_ =	strace $0x90000046  }
0xae: {  	s26 =	simm.s32 $0x9;
	_ =	strace $0x80000048  }
0xaf: {  	_ =	swait.ge [sflag:s26], $0x1  }
0xb0: {  	[sflag:s26] =	ssyncadd.s32 $0xFFFFFFFF  }
0xb1: {  	_ =	strace $0x90000048  }
0xb2: {  	_ =	sfence  }
0xb3: {  	s28 =	sld [smem:$0x0];
	_ =	sdelay $0x1  }
0xb4: {  	s29 =	srdreg.scid  }
0xb5: {  	s30 =	sshll.u32 s29, $0xD;
	s31 =	sshrl.u32 s29, $0x2  }
0xb6: {  	s1 =	sand.u32 $0x1, s29;
	s2 =	sand.u32 $0x4000, s30;
	s0 =	sadd.s32 s31, s28  }
0xb7: {  	s1 =	sor.u32 s2, s1;
	s0 =	sshll.u32 s0, $0x11  }
0xb8: {  	s0 =	sor.u32 s0, s1  }
0xb9: {  	s0 =	sadd.s32 $0x8F2B, s0  }
0xba: {  	[sflag:s0] =	ssyncadd.remote.s32 $0x1  }
0xbb: {  	_ =	sfence.sel $0xFFFF  }
0xbc: {  	[dreg:$0x0] =	wrdreg $0xFFFFFFFF;
	(pc) =	sbr.abs _section_cstart, $3  }
0xbd: {  	[dreg:$0x1] =	wrdreg $0xFFFFFFFF  }
0xbe: {  	_ =	task.clear_ibuf [dreg:s4], $0x2FFFF;
	_ =	strace $0x9FFFFFFF  }
0xbf: {  	(tm) =	ssettm $0x7FFFFFFF  }
tec
execute0_lowered:
.L_overlay_start_1:
0x0: {  	(tag) =	ssettag $0x1  }
0x1: {  	s9 =	rddreg [dreg:$0x0];
	s1 =	stileid.u32  }
0x2: {  	s0 =	rddreg [dreg:$0x1];
	s2 =	simm.s32 $0x0;
	s6 =	smul.u32 $0x1880, s1  }
0x3: {  	s8 =	simm.s32 $0x800;
	[smem:$0x7FF] =	sst s2;
	s3 =	sadd.s32 $0x63000, s9  }
0x4: {  	s5 =	sadd.s32 $0x7B800, s9;
	_ =	strace $0x80000047;
	s7 =	sadd.s32 s3, s6  }
0x5: {  	[tilespmem:s2], [sflag:$0x1] =	stream.linear.gather [hbm4b:s7+s2], $0x200, $0x38;
	[tilespmem:$0x1D000] =	vst v63  }
0x6: {  	s4 =	sadd.s32 $0x1400, s9;
	s25 =	smul.u32 $0x6200, s1;
	s6 =	sadd.s32 s5, s6  }
0x7: {  	[tilespmem:s8], [sflag:$0x1] =	stream.linear.gather [hbm4b:s6+s2], $0x200, $0x38;
	[tilespmem:$0x1D000] =	vst v63  }
0x8: {  	s28 =	simm.s32 $0x1000;
	s10 =	simm.s32 $0x1;
	s26 =	sadd.s32 s4, s25  }
0x9: {  	[tilespmem:s28], [sflag:$0x1] =	stream.linear.gather [hbm4b:s26+s2], $0x800, $0x38;
	[tilespmem:$0x1D000] =	vst v63  }
0xa: {  	_ =	swait.ge [sflag:s10], $0x200  }
0xb: {  	[sflag:s10] =	ssyncset.done $0x0  }
0xc: {  	[sflag:s10] =	ssyncadd.s32 $0xFFFFFE00  }
0xd: {  	_ =	swait.ge [sflag:s10], $0x200  }
0xe: {  	[sflag:s10] =	ssyncset.done $0x0  }
0xf: {  	[sflag:s10] =	ssyncadd.s32 $0xFFFFFE00  }
0x10: {  	_ =	swait.ge [sflag:s10], $0x800  }
0x11: {  	[sflag:s10] =	ssyncset.done $0x0  }
0x12: {  	s7 =	simm.s32 $0x3000;
	s6 =	simm.s32 $0x80;
	[sflag:s10] =	ssyncadd.s32 $0xFFFFF800  }
0x13: {  	[tilespmem:s7], [sflag:$0x2] =	stream.indirect.gather [hbm4b:s4+s6], $0x40, s2, s6, $0xb8;
	[tilespmem:$0x1D000] =	vst v63  }
0x14: {  	s11 =	simm.s32 $0x5000;
	s8 =	smul.u32 $0xC40, s1  }
0x15: {  	[tilespmem:s11], [sflag:$0x2] =	stream.indirect.gather [hbm4b:s4+s6], $0x40, s6, s6, $0xb8;
	[tilespmem:$0x1D000] =	vst v63  }
0x16: {  	s12 =	simm.s32 $0x100;
	s13 =	simm.s32 $0x7000;
	s29 =	sor.u32 $0x20, s8  }
0x17: {  	[tilespmem:s13], [sflag:$0x2] =	stream.indirect.gather [hbm4b:s4+s6], $0x40, s12, s6, $0xb8;
	[tilespmem:$0x1D000] =	vst v63  }
0x18: {  	s31 =	simm.s32 $0x180;
	s14 =	simm.s32 $0x9000;
	s30 =	sshll.u32 s29, $0x1  }
0x19: {  	[tilespmem:s14], [sflag:$0x2] =	stream.indirect.gather [hbm4b:s4+s6], $0x40, s31, s6, $0xb8;
	[tilespmem:$0x1D000] =	vst v63  }
0x1a: {  	s15 =	simm.s32 $0x200;
	s14 =	sadd.s32 s3, s30  }
0x1b: {  	[tilespmem:s15], [sflag:$0x1] =	stream.linear.gather [hbm4b:s14+s2], $0x200, $0x38;
	[tilespmem:$0x1D000] =	vst v63  }
0x1c: {  	s16 =	simm.s32 $0xA00;
	s11 =	sshll.u32 s29, $0x3;
	s12 =	sadd.s32 s5, s30  }
0x1d: {  	[tilespmem:s16], [sflag:$0x1] =	stream.linear.gather [hbm4b:s12+s2], $0x200, $0x38;
	[tilespmem:$0x1D000] =	vst v63  }
0x1e: {  	s17 =	simm.s32 $0x1800;
	s11 =	sadd.s32 s4, s11  }
0x1f: {  	[tilespmem:s17], [sflag:$0x1] =	stream.linear.gather [hbm4b:s11+s2], $0x800, $0x38;
	[tilespmem:$0x1D000] =	vst v63  }
0x20: {  	_ =	swait.ge [sflag:s10], $0x200  }
0x21: {  	[sflag:s10] =	ssyncset.done $0x0  }
0x22: {  	[sflag:s10] =	ssyncadd.s32 $0xFFFFFE00  }
0x23: {  	_ =	swait.ge [sflag:s10], $0x200  }
0x24: {  	[sflag:s10] =	ssyncset.done $0x0  }
0x25: {  	[sflag:s10] =	ssyncadd.s32 $0xFFFFFE00  }
0x26: {  	_ =	swait.ge [sflag:s10], $0x800  }
0x27: {  	[sflag:s10] =	ssyncset.done $0x0  }
0x28: {  	s18 =	simm.s32 $0xB000;
	[sflag:s10] =	ssyncadd.s32 $0xFFFFF800  }
0x29: {  	[tilespmem:s18], [sflag:$0x3] =	stream.indirect.gather [hbm4b:s4+s6], $0x40, s15, s6, $0xb8;
	[tilespmem:$0x1D000] =	vst v63  }
0x2a: {  	s19 =	simm.s32 $0x280;
	s20 =	simm.s32 $0xD000  }
0x2b: {  	[tilespmem:s20], [sflag:$0x3] =	stream.indirect.gather [hbm4b:s4+s6], $0x40, s19, s6, $0xb8;
	[tilespmem:$0x1D000] =	vst v63  }
0x2c: {  	s22 =	simm.s32 $0x300;
	s23 =	simm.s32 $0xF000;
	s21 =	sadd.s32 $0x40, s8  }
0x2d: {  	[tilespmem:s23], [sflag:$0x3] =	stream.indirect.gather [hbm4b:s4+s6], $0x40, s22, s6, $0xb8;
	[tilespmem:$0x1D000] =	vst v63  }
0x2e: {  	s25 =	simm.s32 $0x380;
	s26 =	simm.s32 $0x11000;
	s24 =	sshll.u32 s21, $0x1  }
0x2f: {  	[tilespmem:s26], [sflag:$0x3] =	stream.indirect.gather [hbm4b:s4+s6], $0x40, s25, s6, $0xb8;
	[tilespmem:$0x1D000] =	vst v63  }
0x30: {  	s28 =	sadd.s32 s3, s24;
	s29 =	simm.s32 $0x400  }
0x31: {  	[tilespmem:s29], [sflag:$0x1] =	stream.linear.gather [hbm4b:s28+s2], $0x200, $0x38;
	[tilespmem:$0x1D000] =	vst v63  }
0x32: {  	s30 =	simm.s32 $0xC00;
	s11 =	sadd.s32 s5, s24;
	s10 =	sshll.u32 s21, $0x3  }
0x33: {  	[tilespmem:s30], [sflag:$0x1] =	stream.linear.gather [hbm4b:s11+s2], $0x200, $0x38;
	[tilespmem:$0x1D000] =	vst v63  }
0x34: {  	p0 =	por $0x0, $0x0;
	s31 =	simm.s32 $0x2000;
	s10 =	sadd.s32 s4, s10  }
0x35: {  	[tilespmem:s31], [sflag:$0x1] =	stream.linear.gather [hbm4b:s10+s2], $0x800, $0x38;
	[tilespmem:$0x1D000] =	vst v63  }
0x36: {  	s9 =	sadd.s32 $0x94000, s9;
	s11 =	simm.s32 $0x0;
	s10 =	simm.s32 $0x3  }
.LBB2_1:
0x37: {  	p2 =	sgt.u32 s11, $0x5F  }
0x38: {  	s13 =	simm.s32 @!p2 $0x1  }
0x39: {  	_ =	swait.ge @!p2 [sflag:s13], $0x200  }
0x3a: {  	[sflag:s13] =	ssyncset.done @!p2 $0x0  }
0x3b: {  	[sflag:s13] =	ssyncadd.s32 @!p2 $0xFFFFFE00  }
0x3c: {  	_ =	swait.ge @!p2 [sflag:s13], $0x200  }
0x3d: {  	[sflag:s13] =	ssyncset.done @!p2 $0x0  }
0x3e: {  	[sflag:s13] =	ssyncadd.s32 @!p2 $0xFFFFFE00  }
0x3f: {  	s12 =	sand.u32 $0x1, s11;
	_ =	swait.ge @!p2 [sflag:s13], $0x800  }
0x40: {  	p1 =	seq.s32 s12, $0x1;
	[sflag:s13] =	ssyncset.done @!p2 $0x0  }
0x41: {  	[sflag:s13] =	ssyncadd.s32 @!p2 $0xFFFFF800;
	s13 =	simm.s32 @!p1 $0x2  }
0x42: {  	p3 =	sgt.u32 @!p1 s11, $0x5F;
	_ =	swait.ge @!p1 [sflag:s13], $0x2000  }
0x43: {  	p3 =	por p3, p1;
	[sflag:s13] =	ssyncset.done @!p1 $0x0  }
0x44: {  	s14 =	sadd.s32 @!p3 $0x2, s11;
	[sflag:s13] =	ssyncadd.s32 @!p1 $0xFFFFE000  }
0x45: {  	s15 =	smul.u32 @!p3 $0xAB, s14;
	_ =	swait.ge @!p1 [sflag:s13], $0x2000  }
0x46: {  	[sflag:s13] =	ssyncset.done @!p1 $0x0  }
0x47: {  	s15 =	sshrl.u32 @!p3 s15, $0x9;
	[sflag:s13] =	ssyncadd.s32 @!p1 $0xFFFFE000  }
0x48: {  	s15 =	sand.u32 @!p3 $0x7F, s15;
	_ =	swait.ge @!p1 [sflag:s13], $0x2000  }
0x49: {  	s15 =	smul.u32 @!p3 $0x3, s15;
	[sflag:s13] =	ssyncset.done @!p1 $0x0  }
0x4a: {  	[sflag:s13] =	ssyncadd.s32 @!p1 $0xFFFFE000  }
0x4b: {  	s15 =	ssub.s32 @!p3 s14, s15;
	_ =	swait.ge @!p1 [sflag:s13], $0x2000  }
0x4c: {  	s15 =	sand.u32 @!p3 $0xFF, s15;
	[sflag:s13] =	ssyncset.done @!p1 $0x0  }
0x4d: {  	[sflag:s13] =	ssyncadd.s32 @!p1 $0xFFFFE000;
	s13 =	sshll.u32 @!p3 s14, $0x9;
	s14 =	sshll.u32 @!p3 s15, $0xF  }
0x4e: {  	s16 =	simm.s32 @!p3 $0x80;
	s13 =	sand.u32 @!p3 $0x400, s13;
	s15 =	sor.u32 @!p3 $0x3000, s14  }
0x4f: {  	[tilespmem:s15], [sflag:$0x2] =	stream.indirect.gather @!p3 [hbm4b:s4+s16], $0x40, s13, s16, $0xb8;
	[tilespmem:$0x1D000] =	vst v63  }
0x50: {  	s15 =	sor.u32 @!p3 $0x5000, s14;
	s17 =	sor.u32 @!p3 $0x80, s13  }
0x51: {  	[tilespmem:s15], [sflag:$0x2] =	stream.indirect.gather @!p3 [hbm4b:s4+s16], $0x40, s17, s16, $0xb8;
	[tilespmem:$0x1D000] =	vst v63  }
0x52: {  	s15 =	sor.u32 @!p3 $0x7000, s14;
	s17 =	sor.u32 @!p3 $0x100, s13  }
0x53: {  	[tilespmem:s15], [sflag:$0x2] =	stream.indirect.gather @!p3 [hbm4b:s4+s16], $0x40, s17, s16, $0xb8;
	[tilespmem:$0x1D000] =	vst v63  }
0x54: {  	s14 =	sadd.s32 @!p3 $0x9000, s14;
	s13 =	sor.u32 @!p3 $0x180, s13  }
0x55: {  	[tilespmem:s14], [sflag:$0x2] =	stream.indirect.gather @!p3 [hbm4b:s4+s16], $0x40, s13, s16, $0xb8;
	[tilespmem:$0x1D000] =	vst v63  }
0x56: {  	p3 =	seq.s32 s12, $0x0  }
.Ltmp0:
0x57: {  	_ = 	snop;
	(pc) =	sbr.rel @p3 .LBB2_4-.Ltmp0, $1  }
0x58: {  	_ =	sdelay $0x3  }
0x59: {  	_ =	swait.ge [sflag:s10], $0x2000  }
0x5a: {  	[sflag:s10] =	ssyncset.done $0x0  }
0x5b: {  	[sflag:s10] =	ssyncadd.s32 $0xFFFFE000  }
0x5c: {  	_ =	swait.ge [sflag:s10], $0x2000  }
0x5d: {  	[sflag:s10] =	ssyncset.done $0x0  }
0x5e: {  	[sflag:s10] =	ssyncadd.s32 $0xFFFFE000  }
0x5f: {  	_ =	swait.ge [sflag:s10], $0x2000  }
.Ltmp1:
0x60: {  	[sflag:s10] =	ssyncset.done $0x0;
	(pc) =	sbr.rel @p2 .LBB2_5-.Ltmp1, $4  }
0x61: {  	[sflag:s10] =	ssyncadd.s32 $0xFFFFE000  }
0x62: {  	_ =	swait.ge [sflag:s10], $0x2000  }
0x63: {  	[sflag:s10] =	ssyncset.done $0x0  }
0x64: {  	[sflag:s10] =	ssyncadd.s32 $0xFFFFE000  }
0x65: {  	s13 =	sadd.s32 $0x2, s11  }
0x66: {  	s14 =	smul.u32 $0xAB, s13;
	_ =	sdelay $0x1  }
0x67: {  	s14 =	sshrl.u32 s14, $0x9  }
0x68: {  	s14 =	sand.u32 $0x7F, s14  }
0x69: {  	s14 =	smul.u32 $0x3, s14;
	_ =	sdelay $0x1  }
0x6a: {  	s14 =	ssub.s32 s13, s14  }
0x6b: {  	s14 =	sand.u32 $0xFF, s14  }
0x6c: {  	s13 =	sshll.u32 s13, $0x9;
	s14 =	sshll.u32 s14, $0xF  }
0x6d: {  	s13 =	sand.u32 $0x600, s13;
	s15 =	sor.u32 $0x3000, s14  }
0x6e: {  	[tilespmem:s15], [sflag:$0x3] =	stream.indirect.gather [hbm4b:s4+s6], $0x40, s13, s6, $0xb8;
	[tilespmem:$0x1D000] =	vst v63  }
0x6f: {  	s16 =	sor.u32 $0x80, s13;
	s29 =	sor.u32 $0x5000, s14  }
0x70: {  	[tilespmem:s29], [sflag:$0x3] =	stream.indirect.gather [hbm4b:s4+s6], $0x40, s16, s6, $0xb8;
	[tilespmem:$0x1D000] =	vst v63  }
0x71: {  	s31 =	sor.u32 $0x100, s13;
	s30 =	sor.u32 $0x7000, s14  }
0x72: {  	[tilespmem:s30], [sflag:$0x3] =	stream.indirect.gather [hbm4b:s4+s6], $0x40, s31, s6, $0xb8;
	[tilespmem:$0x1D000] =	vst v63  }
0x73: {  	s14 =	sadd.s32 $0x9000, s14;
	s13 =	sor.u32 $0x180, s13  }
0x74: {  	[tilespmem:s14], [sflag:$0x3] =	stream.indirect.gather [hbm4b:s4+s6], $0x40, s13, s6, $0xb8;
	[tilespmem:$0x1D000] =	vst v63  }
.LBB2_4:
0x75: {  	p2 =	sgt.u32 s11, $0x5E  }
0x76: {  	s13 =	sadd.s32 @!p2 $0x3, s11  }
0x77: {  	s14 =	sshll.u32 @!p2 s13, $0x5  }
0x78: {  	s14 =	sadd.s32 @!p2 s8, s14  }
0x79: {  	s14 =	smin.u32 @!p2 s14, $0xC330  }
0x7a: {  	s18 =	simm.s32 @!p2 $0x0;
	s13 =	sand.u32 @!p2 $0x3, s13;
	s15 =	sshll.u32 @!p2 s14, $0x1  }
0x7b: {  	s16 =	sshll.u32 @!p2 s13, $0x9;
	s13 =	sshll.u32 @!p2 s13, $0xB;
	s17 =	sadd.s32 @!p2 s3, s15  }
0x7c: {  	[tilespmem:s16], [sflag:$0x1] =	stream.linear.gather @!p2 [hbm4b:s17+s18], $0x200, $0x38;
	[tilespmem:$0x1D000] =	vst v63  }
0x7d: {  	s14 =	sshll.u32 @!p2 s14, $0x3;
	s15 =	sadd.s32 @!p2 s5, s15;
	s16 =	sor.u32 @!p2 $0x800, s16  }
0x7e: {  	[tilespmem:s16], [sflag:$0x1] =	stream.linear.gather @!p2 [hbm4b:s15+s18], $0x200, $0x38;
	[tilespmem:$0x1D000] =	vst v63  }
0x7f: {  	s13 =	sadd.s32 @!p2 $0x1000, s13;
	s14 =	sadd.s32 @!p2 s4, s14  }
0x80: {  	[tilespmem:s13], [sflag:$0x1] =	stream.linear.gather @!p2 [hbm4b:s14+s18], $0x800, $0x38;
	[tilespmem:$0x1D000] =	vst v63  }
.LBB2_5:
0x81: {  	p2 =	slt.u32 s11, $0x2  }
0x82: {  	p3 =	sne.s32 @!p2 s12, $0x0  }
0x83: {  	p3 =	por p3, p2  }
0x84: {  	s13 =	smulhi.u32 $0xAAAAAAAB, s11;
	s14 =	simm.s32 @!p3 $0x4  }
0x85: {  	p4 =	por !p1, !p1;
	s29 =	sshll.u32 s2, $0xB;
	_ =	swait.ge @!p3 [sflag:s14], $0x1000  }
0x86: {  	s13 =	sshrl.u32 s13, $0x1;
	p2 =	por p2, p4;
	[sflag:s14] =	ssyncset.done @!p3 $0x0  }
0x87: {  	s15 =	smul.u32 $0xFFFA0000, s13;
	[sflag:s14] =	ssyncadd.s32 @!p3 $0xFFFFF000;
	s14 =	simm.s32 @!p2 $0x5  }
0x88: {  	s13 =	sand.u32 $0x1800, s29;
	_ =	swait.ge @!p2 [sflag:s14], $0x1000  }
0x89: {  	s16 =	sshrl.u32 s13, $0x2;
	s15 =	sshra.s32 s15, $0x2;
	[sflag:s14] =	ssyncset.done @!p2 $0x0  }
0x8a: {  	s30 =	sor.u32 $0x800, s16;
	s17 =	sadd.s32 s15, s7;
	[sflag:s14] =	ssyncadd.s32 @!p2 $0xFFFFF000  }
0x8b: {  	v0 =	vmov s17;
	v1 =	vld [tilespmem:s30+$0x0];
	_ =	sdelay $0x3  }
0x8c: {  	s31 =	simm.s32 $0x0  }
0x8d: {  	v9 =	vld.idx.msk [tilespmem:v0+s31+$0x260 ss:$0x1], $0xffff;
	v1 =	vmul.f32 $-1.000000000e+01, v1  }
0x8e: {  	v4 =	vld.idx.msk [tilespmem:v0+s31+$0x30 ss:$0x1], $0xffff  }
0x8f: {  	v2 =	vld.idx.msk [tilespmem:v0+s31+$0x0 ss:$0x1], $0xffff;
	v1 =	vmul.f32 $1.442695020e+00, v1  }
0x90: {  	v16 =	vld.idx.msk [tilespmem:v0+s31+$0x120 ss:$0x1], $0xffff  }
0x91: {  	v8 =	vld.idx.msk [tilespmem:v0+s31+$0x60 ss:$0x1], $0xffff;
	(erf) = vpow2.f32 v1  }
0x92: {  	v5 =	vld.idx.msk [tilespmem:v0+s31+$0x100 ss:$0x1], $0xffff  }
0x93: {  	v17 =	vld.idx.msk [tilespmem:v0+s31+$0x220 ss:$0x1], $0xffff  }
0x94: {  	v18 =	vld.idx.msk [tilespmem:v0+s31+$0xA0 ss:$0x1], $0xffff  }
0x95: {  	v6 =	vld.idx.msk [tilespmem:v0+s31+$0xE0 ss:$0x1], $0xffff  }
0x96: {  	v10 =	vld.idx.msk [tilespmem:v0+s31+$0x20 ss:$0x1], $0xffff  }
0x97: {  	v11 =	vld.idx.msk [tilespmem:v0+s31+$0x90 ss:$0x1], $0xffff  }
0x98: {  	v12 =	vld.idx.msk [tilespmem:v0+s31+$0x130 ss:$0x1], $0xffff  }
0x99: {  	v19 =	vld.idx.msk [tilespmem:v0+s31+$0x50 ss:$0x1], $0xffff  }
0x9a: {  	v13 =	vld.idx.msk [tilespmem:v0+s31+$0x10 ss:$0x1], $0xffff;
	v20 =	vpop (erf)  }
0x9b: {  	v15 =	vld.idx.msk [tilespmem:v0+s31+$0x40 ss:$0x1], $0xffff;
	v22 =	vbroadcast v20, $0x0  }
0x9c: {  	v21 =	vld.idx.msk [tilespmem:v0+s31+$0x3D0 ss:$0x1], $0xffff;
	v3 =	vbroadcast v20, $0x8;
	v14 =	vbroadcast v20, $0x3  }
0x9d: {  	v23 =	vld.idx.msk [tilespmem:v0+s31+$0x80 ss:$0x1], $0xffff;
	v7 =	vbroadcast v20, $0x6;
	v27 =	vbroadcast v20, $0x4  }
0x9e: {  	v24 =	vld.idx.msk [tilespmem:v0+s31+$0x1A0 ss:$0x1], $0xffff;
	v1 =	vbroadcast v20, $0xF;
	v33 =	vbroadcast v20, $0x2  }
0x9f: {  	v26 =	vld.idx.msk [tilespmem:v0+s31+$0xC0 ss:$0x1], $0xffff;
	v34 =	vbroadcast v20, $0x1;
	v25 =	vmul.f32 v22, v2  }
0xa0: {  	v28 =	vld.idx.msk [tilespmem:v0+s31+$0x190 ss:$0x1], $0xffff;
	v2 =	vbroadcast v20, $0xA;
	v29 =	vmul.f32 v22, v13  }
0xa1: {  	v31 =	vld.idx.msk [tilespmem:v0+s31+$0x150 ss:$0x1], $0xffff;
	v30 =	vmul.f32 v6, v14;
	v32 =	vmul.f32 v22, v4  }
0xa2: {  	v35 =	vld.idx.msk [tilespmem:v0+s31+$0x180 ss:$0x1], $0xffff;
	v6 =	vmul.f32 v21, v1;
	v22 =	vmul.f32 v22, v10  }
0xa3: {  	v37 =	vld.idx.msk [tilespmem:v0+s31+$0x1C0 ss:$0x1], $0xffff;
	v13 =	vmul.f32 v12, v27;
	v12 =	vbroadcast v20, $0x5  }
0xa4: {  	v39 =	vld.idx.msk [tilespmem:v0+s31+$0x200 ss:$0x1], $0xffff;
	v26 =	vmul.f32 v26, v14;
	v23 =	vmul.f32 v23, v33  }
0xa5: {  	v42 =	vld.idx.msk [tilespmem:v0+s31+$0x240 ss:$0x1], $0xffff;
	v36 =	vmul.f32 v5, v27;
	v4 =	vbroadcast v20, $0xB  }
0xa6: {  	v45 =	vld.idx.msk [tilespmem:v0+s31+$0x1D0 ss:$0x1], $0xffff;
	v40 =	vmul.f32 v11, v33;
	v5 =	vbroadcast v20, $0xD  }
0xa7: {  	v49 =	vld.idx.msk [tilespmem:v0+s31+$0x210 ss:$0x1], $0xffff;
	v43 =	vmul.f32 v15, v34;
	v11 =	vbroadcast v20, $0x7  }
0xa8: {  	v47 =	vld.idx.msk [tilespmem:v0+s31+$0x280 ss:$0x1], $0xffff;
	v19 =	vmul.f32 v19, v34;
	v35 =	vmul.f32 v35, v7  }
0xa9: {  	v48 =	vld.idx.msk [tilespmem:v0+s31+$0x300 ss:$0x1], $0xffff;
	v24 =	vmul.f32 v24, v7;
	v39 =	vmul.f32 v39, v3  }
0xaa: {  	v52 =	vld.idx.msk [tilespmem:v0+s31+$0x310 ss:$0x1], $0xffff;
	v28 =	vmul.f32 v28, v7;
	v51 =	vmul.f32 v8, v34  }
0xab: {  	v54 =	vld.idx.msk [tilespmem:v0+s31+$0x340 ss:$0x1], $0xffff;
	v8 =	vbroadcast v20, $0xC;
	v17 =	vmul.f32 v17, v3  }
0xac: {  	v50 =	vld.idx.msk [tilespmem:v0+s31+$0x110 ss:$0x1], $0xffff;
	v49 =	vmul.f32 v49, v3;
	v38 =	vadd.f32 $0.0e+00, v25;
	v41 =	vadd.f32 $0.0e+00, v29  }
0xad: {  	v57 =	vld.idx.msk [tilespmem:v0+s31+$0x2C0 ss:$0x1], $0xffff;
	v18 =	vmul.f32 v18, v33;
	v15 =	vadd.f32 $0.0e+00, v32;
	v46 =	vadd.f32 $0.0e+00, v22  }
0xae: {  	v10 =	vld.idx.msk [tilespmem:v0+s31+$0x140 ss:$0x1], $0xffff;
	v37 =	vmul.f32 v37, v11;
	v29 =	vmax.f32 v29, v19;
	v45 =	vmul.f32 v45, v11  }
0xaf: {  	v21 =	vld.idx.msk [tilespmem:v0+s31+$0xD0 ss:$0x1], $0xffff;
	v25 =	vmax.f32 v25, v43;
	v48 =	vmul.f32 v48, v8;
	v31 =	vmul.f32 v31, v12  }
0xb0: {  	v58 =	vld.idx.msk [tilespmem:v0+s31+$0x290 ss:$0x1], $0xffff;
	v22 =	vmax.f32 v22, v51;
	v52 =	vmul.f32 v52, v8;
	v54 =	vmul.f32 v54, v5  }
0xb1: {  	v62 =	vld.idx.msk [tilespmem:v0+s31+$0x160 ss:$0x1], $0xffff;
	v25 =	vmax.f32 v25, v23;
	v29 =	vmax.f32 v29, v40;
	v22 =	vmax.f32 v22, v18  }
0xb2: {  	v63 =	vld.idx.msk [tilespmem:v0+s31+$0x250 ss:$0x1], $0xffff;
	v38 =	vadd.f32 v43, v38;
	v19 =	vadd.f32 v19, v41;
	v41 =	vmul.f32 v47, v2  }
0xb3: {  	v61 =	vld.idx.msk [tilespmem:v0+s31+$0x3A0 ss:$0x1], $0xffff;
	v25 =	vmax.f32 v25, v26;
	v46 =	vadd.f32 v51, v46;
	v44 =	vmul.f32 v10, v12  }
0xb4: {  	v59 =	vld.idx.msk [tilespmem:v0+s31+$0x380 ss:$0x1], $0xffff;
	v22 =	vmax.f32 v22, v30;
	v21 =	vmul.f32 v21, v14;
	v10 =	vbroadcast v20, $0x9  }
0xb5: {  	v60 =	vld.idx.msk [tilespmem:v0+s31+$0x350 ss:$0x1], $0xffff;
	v20 =	vbroadcast v20, $0xE;
	v23 =	vadd.f32 v23, v38;
	v38 =	vmul.f32 v57, v4  }
0xb6: {  	v55 =	vld.idx.msk [tilespmem:v0+s31+$0x390 ss:$0x1], $0xffff;
	v19 =	vadd.f32 v40, v19;
	v40 =	vmul.f32 v58, v2;
	v57 =	vmul.f32 v62, v12  }
0xb7: {  	v56 =	vld.idx.msk [tilespmem:v0+s31+$0xB0 ss:$0x1], $0xffff;
	v25 =	vmax.f32 v25, v36;
	v42 =	vmul.f32 v42, v10;
	v53 =	vmul.f32 v9, v10  }
0xb8: {  	v18 =	vadd.f32 v18, v46;
	v62 =	vld.idx.msk [tilespmem:v0+s31+$0x320 ss:$0x1], $0xffff;
	v43 =	vmul.f32 v63, v10;
	v51 =	vmul.f32 v61, v20  }
0xb9: {  	v9 =	vld.idx.msk [tilespmem:v0+s31+$0x2D0 ss:$0x1], $0xffff;
	v25 =	vmax.f32 v25, v44;
	v23 =	vadd.f32 v26, v23;
	v26 =	vmul.f32 v16, v27  }
0xba: {  	v61 =	vld.idx.msk [tilespmem:v0+s31+$0x2E0 ss:$0x1], $0xffff;
	v19 =	vadd.f32 v21, v19;
	v27 =	vmul.f32 v50, v27;
	v18 =	vadd.f32 v30, v18  }
0xbb: {  	v16 =	vld.idx.msk [tilespmem:v0+s31+$0x3B0 ss:$0x1], $0xffff;
	v21 =	vmax.f32 v29, v21;
	v30 =	vmul.f32 v59, v20;
	v23 =	vadd.f32 v36, v23  }
0xbc: {  	v29 =	vld.idx.msk [tilespmem:v0+s31+$0x3C0 ss:$0x1], $0xffff;
	v19 =	vadd.f32 v27, v19;
	v18 =	vadd.f32 v26, v18;
	v22 =	vmax.f32 v22, v26  }
0xbd: {  	v63 =	vld.idx.msk [tilespmem:v0+s31+$0x70 ss:$0x1], $0xffff;
	v21 =	vmax.f32 v21, v27;
	v27 =	vmul.f32 v55, v20;
	v22 =	vmax.f32 v22, v57  }
0xbe: {  	v47 =	vmul.f32 v62, v8;
	v46 =	vmul.f32 v9, v4;
	v23 =	vadd.f32 v44, v23  }
0xbf: {  	v19 =	vadd.f32 v31, v19;
	v18 =	vadd.f32 v57, v18;
	v36 =	vmul.f32 v61, v4  }
0xc0: {  	v26 =	vld.idx.msk [tilespmem:v0+s31+$0xF0 ss:$0x1], $0xffff;
	v22 =	vmax.f32 v22, v24;
	v9 =	vmul.f32 v16, v20;
	v16 =	vmul.f32 v60, v5  }
0xc1: {  	v29 =	vmul.f32 v29, v1;
	v20 =	vmax.f32 v21, v31;
	v21 =	vmax.f32 v25, v35  }
0xc2: {  	v25 =	vmul.f32 v63, v34;
	v31 =	vmul.f32 v56, v33;
	v23 =	vadd.f32 v35, v23  }
0xc3: {  	v19 =	vadd.f32 v28, v19;
	v21 =	vmax.f32 v21, v37;
	v20 =	vmax.f32 v20, v28  }
0xc4: {  	v44 =	vld.idx.msk [tilespmem:v0+s31+$0x170 ss:$0x1], $0xffff;
	v18 =	vadd.f32 v24, v18;
	v21 =	vmax.f32 v21, v39;
	v32 =	vmax.f32 v32, v25  }
0xc5: {  	v60 =	vld.idx.msk [tilespmem:v0+s31+$0x2A0 ss:$0x1], $0xffff;
	v26 =	vmul.f32 v26, v14;
	v58 =	vmax.f32 v20, v45;
	v15 =	vadd.f32 v25, v15  }
0xc6: {  	v28 =	vld.idx.msk [tilespmem:v0+s31+$0x1E0 ss:$0x1], $0xffff;
	v23 =	vadd.f32 v37, v23;
	v19 =	vadd.f32 v45, v19;
	v32 =	vmax.f32 v32, v31  }
0xc7: {  	v34 =	vmax.f32 v58, v49;
	v21 =	vmax.f32 v21, v42;
	v32 =	vmax.f32 v32, v26  }
0xc8: {  	v25 =	vld.idx.msk [tilespmem:v0+s31+$0x270 ss:$0x1], $0xffff;
	v34 =	vmax.f32 v34, v43;
	v21 =	vmax.f32 v21, v41;
	v15 =	vadd.f32 v31, v15  }
0xc9: {  	v12 =	vmul.f32 v44, v12;
	v23 =	vadd.f32 v39, v23;
	v19 =	vadd.f32 v49, v19  }
0xca: {  	v45 =	vld.idx.msk [tilespmem:v0+s31+$0x230 ss:$0x1], $0xffff;
	v32 =	vmax.f32 v32, v13;
	v33 =	vmul.f32 v60, v2;
	v21 =	vmax.f32 v21, v38  }
0xcb: {  	v31 =	vld.idx.msk [tilespmem:v0+s31+$0x3E0 ss:$0x1], $0xffff;
	v24 =	vmul.f32 v28, v11;
	v21 =	vmax.f32 v21, v48;
	v23 =	vadd.f32 v42, v23  }
0xcc: {  	v59 =	vld.idx.msk [tilespmem:v0+s31+$0x330 ss:$0x1], $0xffff;
	v15 =	vadd.f32 v26, v15;
	v26 =	vmax.f32 v34, v40;
	v19 =	vadd.f32 v43, v19  }
0xcd: {  	s19 =	simm.s32 $0x400;
	v49 =	vld.idx.msk [tilespmem:v0+s31+$0x1B0 ss:$0x1], $0xffff;
	v21 =	vmax.f32 v21, v54;
	v10 =	vmul.f32 v25, v10;
	v23 =	vadd.f32 v41, v23  }
0xce: {  	v50 =	vld.idx.msk [tilespmem:v0+s19+$0x0 ss:$0x1], $0xffff;
	v18 =	vadd.f32 v24, v18;
	v22 =	vmax.f32 v22, v24;
	v13 =	vadd.f32 v13, v15  }
0xcf: {  	v55 =	vld.idx.msk [tilespmem:v0+s19+$0x80 ss:$0x1], $0xffff;
	v3 =	vmul.f32 v45, v3;
	v19 =	vadd.f32 v40, v19;
	v23 =	vadd.f32 v38, v23  }
0xd0: {  	s18 =	sadd.s32 $0x10, s30;
	v62 =	vld.idx.msk [tilespmem:v0+s19+$0x1D0 ss:$0x1], $0xffff;
	v22 =	vmax.f32 v22, v17;
	v31 =	vmul.f32 v31, v1;
	v17 =	vadd.f32 v17, v18  }
0xd1: {  	v18 =	vmax.f32 v22, v53;
	v13 =	vadd.f32 v12, v13;
	v23 =	vadd.f32 v48, v23;
	v48 =	vld [tilespmem:s18+$0x0]  }
0xd2: {  	v22 =	vld.idx.msk [tilespmem:v0+s31+$0x360 ss:$0x1], $0xffff;
	v7 =	vmul.f32 v49, v7;
	v12 =	vmax.f32 v32, v12;
	v17 =	vadd.f32 v53, v17  }
0xd3: {  	s13 =	sadd.s32 $0x1020, s13;
	v61 =	vld.idx.msk [tilespmem:v0+s19+$0x200 ss:$0x1], $0xffff;
	v19 =	vadd.f32 v46, v19;
	v18 =	vmax.f32 v18, v33;
	v23 =	vadd.f32 v54, v23  }
0xd4: {  	v63 =	vld [tilespmem:s13+$0xFFFFFFE0];
	v15 =	vmax.f32 v18, v36;
	v13 =	vadd.f32 v7, v13;
	v17 =	vadd.f32 v33, v17  }
0xd5: {  	v56 =	vld.idx.msk [tilespmem:v0+s19+$0xC0 ss:$0x1], $0xffff;
	v18 =	vmax.f32 v21, v30;
	v19 =	vadd.f32 v52, v19;
	v23 =	vadd.f32 v30, v23  }
0xd6: {  	v35 =	vld.idx.msk [tilespmem:v0+s19+$0x1A0 ss:$0x1], $0xffff;
	v15 =	vmax.f32 v15, v47;
	v17 =	vadd.f32 v36, v17;
	v37 =	vmul.f32 $-1.000000000e+01, v48  }
0xd7: {  	v21 =	vmul.f32 v22, v5;
	v22 =	vld.idx.msk [tilespmem:v0+s31+$0x1F0 ss:$0x1], $0xffff;
	v30 =	vadd.f32 v16, v19;
	v23 =	vadd.f32 v29, v23  }
0xd8: {  	s14 =	simm.s32 $0x1;
	v14 =	vld.idx.msk [tilespmem:v0+s31+$0x3F0 ss:$0x1], $0xffff;
	v19 =	vmax.f32 v18, v29;
	v17 =	vadd.f32 v47, v17;
	v37 =	vmul.f32 $1.442695020e+00, v37  }
0xd9: {  	s14 =	simm.s32 @!p0 $0x0;
	v28 =	vld.idx.msk [tilespmem:v0+s31+$0x2F0 ss:$0x1], $0xffff;
	v15 =	vmax.f32 v15, v21;
	v29 =	vsub.f32 v19, v63;
	v23 =	vmul.f32 $6.250000000e-02, v23  }
0xda: {  	s14 =	sshll.u32 s14, $0xC;
	v20 =	vld.idx.msk [tilespmem:v0+s31+$0x370 ss:$0x1], $0xffff;
	v17 =	vadd.f32 v21, v17;
	v21 =	vmax.f32 v26, v46;
	(erf) = vpow2.f32 v37  }
0xdb: {  	s14 =	sadd.s32 $0x1B040, s14;
	v24 =	vld.idx.msk [tilespmem:v0+s31+$0x2B0 ss:$0x1], $0xffff;
	v30 =	vadd.f32 v27, v30;
	v21 =	vmax.f32 v21, v52;
	v23 =	vsub.f32 v23, v63  }
0xdc: {  	v7 =	vmax.f32 v12, v7;
	v11 =	vmul.f32 v22, v11;
	[tilespmem:s14+$0x0] =	vst v29;
	v16 =	vmax.f32 v21, v16  }
0xdd: {  	v22 =	vadd.f32 v6, v30;
	v17 =	vadd.f32 v51, v17;
	v12 =	vmax.f32 v16, v27;
	[tilespmem:s14+$0xFFFFFFC0] =	vst v23  }
0xde: {  	v4 =	vmul.f32 v28, v4;
	v6 =	vmax.f32 v12, v6;
	v12 =	vadd.f32 v11, v13;
	v21 =	vld [tilespmem:s13+$0xFFFFFFF0]  }
0xdf: {  	v44 =	vld.idx.msk [tilespmem:v0+s19+$0x150 ss:$0x1], $0xffff;
	v7 =	vmax.f32 v7, v11;
	v22 =	vmul.f32 $6.250000000e-02, v22;
	v17 =	vadd.f32 v31, v17  }
0xe0: {  	v39 =	vld.idx.msk [tilespmem:v0+s19+$0x60 ss:$0x1], $0xffff;
	v2 =	vmul.f32 v24, v2;
	v7 =	vmax.f32 v7, v3;
	v3 =	vadd.f32 v3, v12  }
0xe1: {  	v28 =	vmul.f32 v14, v1;
	v38 =	vld.idx.msk [tilespmem:v0+s19+$0x190 ss:$0x1], $0xffff;
	v7 =	vmax.f32 v7, v10;
	v16 =	vmul.f32 $6.250000000e-02, v17  }
0xe2: {  	v26 =	vld.idx.msk [tilespmem:v0+s19+$0x30 ss:$0x1], $0xffff;
	v3 =	vadd.f32 v10, v3;
	v10 =	vmul.f32 v20, v5;
	v5 =	vmax.f32 v7, v2  }
0xe3: {  	v13 =	vld.idx.msk [tilespmem:v0+s19+$0x20 ss:$0x1], $0xffff;
	v7 =	vmul.f32 v59, v8;
	v1 =	vmax.f32 v5, v4;
	v17 =	vsub.f32 v22, v21;
	v22 =	vpop (erf)  }
0xe4: {  	v23 =	vld.idx.msk [tilespmem:v0+s19+$0xE0 ss:$0x1], $0xffff;
	v24 =	vadd.f32 v2, v3;
	v14 =	vbroadcast v22, $0x0;
	v3 =	vbroadcast v22, $0x8  }
0xe5: {  	v8 =	vld.idx.msk [tilespmem:v0+s19+$0x3D0 ss:$0x1], $0xffff;
	v25 =	vsub.f32 v6, v21;
	v21 =	vbroadcast v22, $0x3;
	v5 =	vbroadcast v22, $0x6  }
0xe6: {  	v11 =	vld.idx.msk [tilespmem:v0+s19+$0x130 ss:$0x1], $0xffff;
	v2 =	vbroadcast v22, $0xA;
	v37 =	vbroadcast v22, $0x4  }
0xe7: {  	v53 =	vld.idx.msk [tilespmem:v0+s19+$0x100 ss:$0x1], $0xffff;
	v27 =	vmax.f32 v1, v7;
	v1 =	vbroadcast v22, $0xF;
	v47 =	vbroadcast v22, $0x2  }
0xe8: {  	v54 =	vld.idx.msk [tilespmem:v0+s19+$0x90 ss:$0x1], $0xffff;
	v15 =	vmax.f32 v15, v51;
	v49 =	vbroadcast v22, $0x1;
	v33 =	vmul.f32 v14, v50  }
0xe9: {  	v20 =	vld.idx.msk [tilespmem:v0+s19+$0x40 ss:$0x1], $0xffff;
	v4 =	vadd.f32 v4, v24;
	v23 =	vmul.f32 v23, v21;
	v24 =	vmul.f32 v14, v26  }
0xea: {  	v15 =	vmax.f32 v15, v31;
	v12 =	vld.idx.msk [tilespmem:v0+s19+$0x50 ss:$0x1], $0xffff;
	v8 =	vmul.f32 v8, v1;
	v45 =	vmul.f32 v14, v13  }
0xeb: {  	v31 =	vld.idx.msk [tilespmem:v0+s19+$0xA0 ss:$0x1], $0xffff;
	v57 =	vmax.f32 v27, v10;
	v27 =	vmul.f32 v11, v37;
	v11 =	vbroadcast v22, $0x5  }
0xec: {  	v6 =	vld.idx.msk [tilespmem:v0+s19+$0x10 ss:$0x1], $0xffff;
	v36 =	vmul.f32 v56, v21;
	v34 =	vmul.f32 v55, v47  }
0xed: {  	v60 =	vld.idx.msk [tilespmem:v0+s19+$0x1C0 ss:$0x1], $0xffff;
	v4 =	vadd.f32 v7, v4;
	v40 =	vmul.f32 v53, v37;
	v7 =	vbroadcast v22, $0xB  }
0xee: {  	v18 =	vld.idx.msk [tilespmem:v0+s19+$0x260 ss:$0x1], $0xffff;
	v32 =	vmul.f32 v54, v47;
	v20 =	vmul.f32 v20, v49  }
0xef: {  	v48 =	vld.idx.msk [tilespmem:v0+s19+$0x110 ss:$0x1], $0xffff;
	v12 =	vmul.f32 v12, v49;
	v38 =	vmul.f32 v38, v5  }
0xf0: {  	v29 =	vld.idx.msk [tilespmem:v0+s19+$0x220 ss:$0x1], $0xffff;
	v39 =	vmul.f32 v39, v49;
	v31 =	vmul.f32 v31, v47  }
0xf1: {  	v26 =	vld.idx.msk [tilespmem:v0+s19+$0xD0 ss:$0x1], $0xffff;
	v58 =	vmul.f32 v14, v6;
	v59 =	vadd.f32 $0.0e+00, v33;
	v10 =	vadd.f32 v10, v4  }
0xf2: {  	v13 =	vld.idx.msk [tilespmem:v0+s19+$0x180 ss:$0x1], $0xffff;
	v30 =	vadd.f32 $0.0e+00, v24;
	v14 =	vmax.f32 v57, v9;
	v41 =	vadd.f32 $0.0e+00, v45  }
0xf3: {  	v56 =	vld.idx.msk [tilespmem:v0+s19+$0x210 ss:$0x1], $0xffff;
	v4 =	vbroadcast v22, $0xD;
	v45 =	vmax.f32 v45, v39;
	v46 =	vadd.f32 $0.0e+00, v58  }
0xf4: {  	v6 =	vld.idx.msk [tilespmem:v0+s19+$0x140 ss:$0x1], $0xffff;
	v44 =	vmul.f32 v44, v11;
	v9 =	vadd.f32 v9, v10;
	v43 =	vadd.f32 v20, v59  }
0xf5: {  	v19 =	vld.idx.msk [tilespmem:v0+s19+$0x120 ss:$0x1], $0xffff;
	v20 =	vmax.f32 v33, v20;
	v33 =	vmul.f32 v35, v5;
	v35 =	vmul.f32 v61, v3  }
0xf6: {  	v51 =	vld.idx.msk [tilespmem:v0+s19+$0x3A0 ss:$0x1], $0xffff;
	v42 =	vmax.f32 v58, v12;
	v59 =	vmul.f32 v29, v3;
	v26 =	vmul.f32 v26, v21  }
0xf7: {  	v10 =	vld.idx.msk [tilespmem:v0+s19+$0x240 ss:$0x1], $0xffff;
	v54 =	vmul.f32 v13, v5;
	v13 =	vbroadcast v22, $0x9;
	v20 =	vmax.f32 v20, v34  }
0xf8: {  	v63 =	vld.idx.msk [tilespmem:v0+s19+$0x300 ss:$0x1], $0xffff;
	v56 =	vmul.f32 v56, v3;
	v9 =	vadd.f32 v28, v9;
	v34 =	vadd.f32 v34, v43  }
0xf9: {  	v58 =	vld.idx.msk [tilespmem:v0+s19+$0x250 ss:$0x1], $0xffff;
	v12 =	vadd.f32 v12, v46;
	v52 =	vmul.f32 v6, v11;
	v6 =	vmax.f32 v14, v28  }
0xfa: {  	v29 =	vld.idx.msk [tilespmem:v0+s19+$0x310 ss:$0x1], $0xffff;
	v14 =	vbroadcast v22, $0x7;
	v34 =	vadd.f32 v36, v34;
	v36 =	vmax.f32 v20, v36  }
0xfb: {  	v61 =	vld.idx.msk [tilespmem:v0+s19+$0x2D0 ss:$0x1], $0xffff;
	v20 =	vadd.f32 v39, v41;
	v41 =	vmax.f32 v45, v31;
	v45 =	vbroadcast v22, $0xE  }
0xfc: {  	v43 =	vld.idx.msk [tilespmem:v0+s19+$0x2C0 ss:$0x1], $0xffff;
	v12 =	vadd.f32 v32, v12;
	v50 =	vmul.f32 v60, v14;
	v57 =	vmul.f32 v10, v13  }
0xfd: {  	v28 =	vld.idx.msk [tilespmem:v0+s19+$0x280 ss:$0x1], $0xffff;
	v32 =	vmax.f32 v42, v32;
	v10 =	vbroadcast v22, $0xC;
	v46 =	vmul.f32 v62, v14  }
0xfe: {  	v60 =	vmul.f32 v18, v13;
	v62 =	vld.idx.msk [tilespmem:v0+s19+$0x340 ss:$0x1], $0xffff;
	v58 =	vmul.f32 v58, v13;
	v36 =	vmax.f32 v36, v40  }
0xff: {  	v12 =	vadd.f32 v26, v12;
	v55 =	vmul.f32 v63, v10;
	v63 =	vmul.f32 v19, v37;
	v19 =	vld.idx.msk [tilespmem:v0+s19+$0x3B0 ss:$0x1], $0xffff  }
0x100: {  	v31 =	vadd.f32 v31, v20;
	v34 =	vadd.f32 v40, v34;
	v37 =	vmul.f32 v48, v37;
	v48 =	vld.idx.msk [tilespmem:v0+s19+$0x380 ss:$0x1], $0xffff  }
0x101: {  	v20 =	vmul.f32 v61, v7;
	v26 =	vmax.f32 v32, v26;
	v18 =	vmul.f32 v29, v10;
	v29 =	vld.idx.msk [tilespmem:v0+s19+$0x3C0 ss:$0x1], $0xffff  }
0x102: {  	v36 =	vmax.f32 v36, v52;
	v43 =	vmul.f32 v43, v7;
	v53 =	vmul.f32 v28, v2;
	v28 =	vld.idx.msk [tilespmem:v0+s19+$0x290 ss:$0x1], $0xffff  }
0x103: {  	v32 =	vld.idx.msk [tilespmem:v0+s19+$0x390 ss:$0x1], $0xffff;
	v36 =	vmax.f32 v36, v54;
	v31 =	vadd.f32 v23, v31;
	v22 =	vadd.f32 v52, v34  }
0x104: {  	v23 =	vmax.f32 v41, v23;
	v36 =	vmax.f32 v36, v50;
	v34 =	vadd.f32 v37, v12  }
0x105: {  	v26 =	vmax.f32 v26, v37;
	v61 =	vadd.f32 v54, v22;
	v41 =	vmul.f32 v48, v45;
	v48 =	vld.idx.msk [tilespmem:v0+s19+$0x160 ss:$0x1], $0xffff  }
0x106: {  	v42 =	vmul.f32 v62, v4;
	v34 =	vadd.f32 v44, v34;
	v40 =	vmul.f32 v29, v1;
	v29 =	vld.idx.msk [tilespmem:v0+s19+$0xB0 ss:$0x1], $0xffff  }
0x107: {  	v12 =	vmul.f32 v19, v45;
	v61 =	vadd.f32 v50, v61;
	v39 =	vmul.f32 v28, v2;
	v28 =	vld.idx.msk [tilespmem:v0+s19+$0x350 ss:$0x1], $0xffff  }
0x108: {  	v19 =	vmul.f32 v51, v45;
	v51 =	vmax.f32 v23, v63;
	v23 =	vmul.f32 v32, v45;
	v45 =	vld.idx.msk [tilespmem:v0+s19+$0xF0 ss:$0x1], $0xffff  }
0x109: {  	v26 =	vmax.f32 v26, v44;
	v50 =	vld.idx.msk [tilespmem:v0+s19+$0x2A0 ss:$0x1], $0xffff;
	v52 =	vadd.f32 v35, v61;
	v35 =	vmax.f32 v36, v35  }
0x10a: {  	v26 =	vmax.f32 v26, v38;
	v34 =	vadd.f32 v38, v34;
	v35 =	vmax.f32 v35, v57  }
0x10b: {  	v31 =	vadd.f32 v63, v31;
	v54 =	vld.idx.msk [tilespmem:v0+s19+$0x1E0 ss:$0x1], $0xffff;
	v26 =	vmax.f32 v26, v46;
	v35 =	vmax.f32 v35, v53  }
0x10c: {  	v61 =	vmul.f32 v29, v47;
	v29 =	vadd.f32 v46, v34;
	v22 =	vmul.f32 v28, v4;
	v28 =	vld.idx.msk [tilespmem:v0+s19+$0x70 ss:$0x1], $0xffff  }
0x10d: {  	v62 =	vmul.f32 v45, v21;
	v21 =	vmul.f32 v48, v11;
	v35 =	vmax.f32 v35, v43  }
0x10e: {  	[tilespmem:s14+$0xFFFFFFD0] =	vst v17;
	v36 =	vmul.f32 v50, v2;
	v35 =	vmax.f32 v35, v55;
	v29 =	vadd.f32 v56, v29  }
0x10f: {  	[tilespmem:s14+$0x10] =	vst v25;
	v31 =	vadd.f32 v21, v31;
	v48 =	vmax.f32 v51, v21;
	v51 =	vmax.f32 v26, v56  }
0x110: {  	v25 =	vld.idx.msk [tilespmem:v0+s19+$0x270 ss:$0x1], $0xffff;
	v35 =	vmax.f32 v35, v42;
	v44 =	vmax.f32 v48, v33;
	v29 =	vadd.f32 v58, v29  }
0x111: {  	v21 =	vld.idx.msk [tilespmem:v0+s19+$0x370 ss:$0x1], $0xffff;
	v31 =	vadd.f32 v33, v31;
	v38 =	vmul.f32 v28, v49;
	v49 =	vmul.f32 v54, v14  }
0x112: {  	v26 =	vld.idx.msk [tilespmem:v0+s19+$0x2F0 ss:$0x1], $0xffff;
	v45 =	vmax.f32 v51, v58;
	v28 =	vadd.f32 v57, v52;
	v52 =	vadd.f32 v39, v29  }
0x113: {  	v56 =	vld.idx.msk [tilespmem:v0+s19+$0x320 ss:$0x1], $0xffff;
	v35 =	vmax.f32 v35, v41;
	v34 =	vmax.f32 v45, v39;
	v31 =	vadd.f32 v49, v31  }
0x114: {  	v54 =	vld.idx.msk [tilespmem:v0+s19+$0x2E0 ss:$0x1], $0xffff;
	v63 =	vadd.f32 v53, v28;
	v33 =	vmax.f32 v44, v49;
	v44 =	vadd.f32 v20, v52  }
0x115: {  	v29 =	vld.idx.msk [tilespmem:v0+s19+$0x2B0 ss:$0x1], $0xffff;
	v17 =	vmax.f32 v24, v38;
	v30 =	vadd.f32 v38, v30;
	v31 =	vadd.f32 v59, v31  }
0x116: {  	v57 =	vld.idx.msk [tilespmem:v0+s19+$0x360 ss:$0x1], $0xffff;
	v24 =	vmax.f32 v17, v61;
	v33 =	vmax.f32 v33, v59;
	v32 =	vadd.f32 v43, v63  }
0x117: {  	v38 =	vld.idx.msk [tilespmem:v0+s19+$0x1B0 ss:$0x1], $0xffff;
	v24 =	vmax.f32 v24, v62;
	v30 =	vadd.f32 v61, v30;
	v31 =	vadd.f32 v60, v31  }
0x118: {  	v33 =	vmax.f32 v33, v60;
	v59 =	vld [tilespmem:s13+$0x0];
	v44 =	vadd.f32 v18, v44;
	v32 =	vadd.f32 v55, v32  }
0x119: {  	v17 =	vld.idx.msk [tilespmem:v0+s19+$0x3F0 ss:$0x1], $0xffff;
	v61 =	vmul.f32 v56, v10;
	v58 =	vmul.f32 v54, v7;
	v31 =	vadd.f32 v36, v31  }
0x11a: {  	s15 =	sadd.s32 $0x40, s13;
	v28 =	vmax.f32 v24, v27;
	v24 =	vld.idx.msk [tilespmem:v0+s19+$0x330 ss:$0x1], $0xffff;
	v37 =	vadd.f32 v62, v30;
	v32 =	vadd.f32 v42, v32  }
0x11b: {  	v63 =	vmul.f32 v57, v4;
	v30 =	vld [tilespmem:s15+$0xFFFFFFE0];
	v39 =	vadd.f32 v22, v44;
	v60 =	vadd.f32 v58, v31  }
0x11c: {  	v36 =	vmax.f32 v33, v36;
	v33 =	vadd.f32 v27, v37;
	v32 =	vadd.f32 v41, v32;
	v31 =	vld.idx.msk [tilespmem:v0+s19+$0x3E0 ss:$0x1], $0xffff  }
0x11d: {  	v37 =	vld.idx.msk [tilespmem:v0+s19+$0x170 ss:$0x1], $0xffff;
	v36 =	vmax.f32 v36, v58;
	v15 =	vsub.f32 v15, v59;
	v62 =	vadd.f32 v61, v60  }
0x11e: {  	v27 =	vld.idx.msk [tilespmem:v0+s19+$0x230 ss:$0x1], $0xffff;
	v16 =	vsub.f32 v16, v59;
	v36 =	vmax.f32 v36, v61;
	v32 =	vadd.f32 v40, v32  }
0x11f: {  	s17 =	simm.s32 $0x2000;
	s16 =	sadd.s32 $0x80, s14;
	s18 =	sadd.s32 $0x10, s18;
	v41 =	vmax.f32 v35, v40;
	v35 =	vld.idx.msk [tilespmem:v0+s19+$0x1F0 ss:$0x1], $0xffff;
	v36 =	vmax.f32 v36, v63;
	v40 =	vadd.f32 v63, v62  }
.LBB2_6:
0x120: {  	v42 =	vld [tilespmem:s18+$0x0];
	s19 =	sshra.s32 s17, $0x2;
	p2 =	sne.s32 s17, $0x1F000;
	s17 =	sadd.s32 $0x1000, s17;
	v34 =	vmax.f32 v34, v20;
	v32 =	vmul.f32 $6.250000000e-02, v32;
	v41 =	vsub.f32 v41, v30;
	[tilespmem:s14+$0x20] =	vst v15  }
0x121: {  	v20 =	vld.idx.msk [tilespmem:v0+s19+$0x260 ss:$0x1], $0xffff;
	v34 =	vmax.f32 v34, v18;
	v15 =	vadd.f32 v19, v40;
	v18 =	vmul.f32 v31, v1  }
0x122: {  	v11 =	vmul.f32 v37, v11;
	v19 =	vmax.f32 v36, v19;
	v31 =	vld.idx.msk [tilespmem:v0+s19+$0x30 ss:$0x1], $0xffff;
	[tilespmem:s16+$0x0] =	vst v41  }
0x123: {  	v37 =	vadd.f32 v23, v39;
	v36 =	vld.idx.msk [tilespmem:v0+s19+$0x0 ss:$0x1], $0xffff;
	v39 =	vadd.f32 v18, v15;
	v15 =	vmax.f32 v19, v18  }
0x124: {  	v22 =	vmax.f32 v34, v22;
	v33 =	vadd.f32 v11, v33;
	v5 =	vmul.f32 v38, v5;
	v18 =	vld.idx.msk [tilespmem:v0+s19+$0x120 ss:$0x1], $0xffff  }
0x125: {  	v11 =	vmax.f32 v28, v11;
	v28 =	vadd.f32 v8, v37;
	v34 =	vmul.f32 $-1.000000000e+01, v42;
	v19 =	vld.idx.msk [tilespmem:v0+s19+$0x60 ss:$0x1], $0xffff;
	[tilespmem:s14+$0xFFFFFFE0] =	vst v16  }
0x126: {  	v33 =	vadd.f32 v5, v33;
	v5 =	vmax.f32 v11, v5;
	v11 =	vmax.f32 v22, v23;
	v37 =	vld [tilespmem:s13+$0x10];
	s13 =	smov.u32 s15  }
0x127: {  	v30 =	vsub.f32 v32, v30;
	v14 =	vmul.f32 v35, v14;
	v16 =	vmul.f32 $1.442695020e+00, v34;
	v34 =	vld.idx.msk [tilespmem:v0+s19+$0x100 ss:$0x1], $0xffff  }
0x128: {  	v9 =	vmul.f32 $6.250000000e-02, v9;
	v8 =	vmax.f32 v11, v8;
	v11 =	vmul.f32 $6.250000000e-02, v28;
	v23 =	vld.idx.msk [tilespmem:v0+s19+$0x220 ss:$0x1], $0xffff  }
0x129: {  	v3 =	vmul.f32 v27, v3;
	v22 =	vld.idx.msk [tilespmem:v0+s19+$0xA0 ss:$0x1], $0xffff;
	(erf) = vpow2.f32 v16;
	[tilespmem:s16+$0xFFFFFFC0] =	vst v30  }
0x12a: {  	v5 =	vmax.f32 v5, v14;
	v16 =	vmul.f32 $6.250000000e-02, v39;
	v27 =	vld [tilespmem:s15+$0xFFFFFFF0]  }
0x12b: {  	v13 =	vmul.f32 v25, v13;
	v14 =	vadd.f32 v14, v33;
	v28 =	vld.idx.msk [tilespmem:v0+s19+$0xE0 ss:$0x1], $0xffff;
	v6 =	vsub.f32 v6, v37  }
0x12c: {  	v5 =	vmax.f32 v5, v3;
	v9 =	vsub.f32 v9, v37;
	v30 =	vld.idx.msk [tilespmem:v0+s19+$0x20 ss:$0x1], $0xffff  }
0x12d: {  	v2 =	vmul.f32 v29, v2;
	v5 =	vmax.f32 v5, v13;
	v32 =	vld.idx.msk [tilespmem:v0+s19+$0x90 ss:$0x1], $0xffff;
	[tilespmem:s14+$0x30] =	vst v6  }
0x12e: {  	v3 =	vadd.f32 v3, v14;
	v6 =	vld.idx.msk [tilespmem:v0+s19+$0x130 ss:$0x1], $0xffff;
	[tilespmem:s14+$0xFFFFFFF0] =	vst v9;
	s14 =	smov.u32 s16  }
0x12f: {  	v7 =	vmul.f32 v26, v7;
	v14 =	vld.idx.msk [tilespmem:v0+s19+$0x50 ss:$0x1], $0xffff;
	v9 =	vsub.f32 v11, v27;
	v25 =	vsub.f32 v8, v27  }
0x130: {  	v4 =	vmul.f32 v21, v4;
	v3 =	vadd.f32 v13, v3;
	v8 =	vld.idx.msk [tilespmem:v0+s19+$0x10 ss:$0x1], $0xffff  }
0x131: {  	v10 =	vmul.f32 v24, v10;
	v5 =	vmax.f32 v5, v2;
	v13 =	vld.idx.msk [tilespmem:v0+s19+$0x40 ss:$0x1], $0xffff;
	[tilespmem:s16+$0xFFFFFFD0] =	vst v9  }
0x132: {  	v29 =	vmul.f32 v17, v1;
	v11 =	vadd.f32 v2, v3;
	v2 =	vmax.f32 v5, v7;
	v9 =	vld.idx.msk [tilespmem:v0+s19+$0x3D0 ss:$0x1], $0xffff;
	v26 =	vpop (erf)  }
0x133: {  	v24 =	vbroadcast v26, $0x0;
	v33 =	vld.idx.msk [tilespmem:v0+s19+$0x80 ss:$0x1], $0xffff;
	v3 =	vbroadcast v26, $0x8  }
0x134: {  	v21 =	vmax.f32 v2, v10;
	v17 =	vbroadcast v26, $0x3;
	v5 =	vbroadcast v26, $0x6;
	v35 =	vld.idx.msk [tilespmem:v0+s19+$0x1A0 ss:$0x1], $0xffff  }
0x135: {  	v7 =	vadd.f32 v7, v11;
	v2 =	vbroadcast v26, $0xA;
	v36 =	vmul.f32 v24, v36;
	v37 =	vld.idx.msk [tilespmem:v0+s19+$0xC0 ss:$0x1], $0xffff  }
0x136: {  	v40 =	vmax.f32 v21, v4;
	v38 =	vbroadcast v26, $0x4;
	v1 =	vbroadcast v26, $0xF;
	v39 =	vld.idx.msk [tilespmem:v0+s19+$0x190 ss:$0x1], $0xffff  }
0x137: {  	v42 =	vmul.f32 v24, v8;
	v43 =	vmul.f32 v28, v17;
	v41 =	vadd.f32 $0.0e+00, v36;
	v44 =	vld.idx.msk [tilespmem:v0+s19+$0x150 ss:$0x1], $0xffff  }
0x138: {  	v7 =	vadd.f32 v10, v7;
	v21 =	vmul.f32 v24, v31;
	v8 =	vmul.f32 v9, v1;
	v31 =	vld.idx.msk [tilespmem:v0+s19+$0xD0 ss:$0x1], $0xffff  }
0x139: {  	v46 =	vmul.f32 v24, v30;
	v27 =	vmul.f32 v6, v38;
	v45 =	vadd.f32 $0.0e+00, v42;
	v9 =	vld.idx.msk [tilespmem:v0+s19+$0x140 ss:$0x1], $0xffff  }
0x13a: {  	v11 =	vbroadcast v26, $0x5;
	v24 =	vbroadcast v26, $0x2;
	v4 =	vadd.f32 v4, v7;
	v47 =	vld.idx.msk [tilespmem:v0+s19+$0x110 ss:$0x1], $0xffff  }
0x13b: {  	v28 =	vbroadcast v26, $0x1;
	v30 =	vadd.f32 $0.0e+00, v21;
	v37 =	vmul.f32 v37, v17;
	v10 =	vld.idx.msk [tilespmem:v0+s19+$0x180 ss:$0x1], $0xffff  }
0x13c: {  	v34 =	vmul.f32 v34, v38;
	v6 =	vmax.f32 v40, v12;
	v33 =	vmul.f32 v33, v24;
	v48 =	vld.idx.msk [tilespmem:v0+s19+$0x1C0 ss:$0x1], $0xffff  }
0x13d: {  	v7 =	vbroadcast v26, $0xB;
	v40 =	vadd.f32 $0.0e+00, v46;
	v12 =	vadd.f32 v12, v4;
	v49 =	vld.idx.msk [tilespmem:v0+s19+$0x200 ss:$0x1], $0xffff  }
0x13e: {  	v6 =	vmax.f32 v6, v29;
	v50 =	vmul.f32 v32, v24;
	v4 =	vbroadcast v26, $0xD;
	v32 =	vld.idx.msk [tilespmem:v0+s19+$0x240 ss:$0x1], $0xffff  }
0x13f: {  	v51 =	vmul.f32 v13, v28;
	v52 =	vmul.f32 v9, v11;
	v9 =	vadd.f32 v29, v12;
	v53 =	vld.idx.msk [tilespmem:v0+s19+$0x1D0 ss:$0x1], $0xffff  }
0x140: {  	v12 =	vmul.f32 v14, v28;
	v14 =	vbroadcast v26, $0x7;
	v29 =	vld.idx.msk [tilespmem:v0+s19+$0x280 ss:$0x1], $0xffff  }
0x141: {  	v41 =	vadd.f32 v51, v41;
	v54 =	vmul.f32 v31, v17;
	v55 =	vmul.f32 v10, v5;
	v31 =	vld.idx.msk [tilespmem:v0+s19+$0x300 ss:$0x1], $0xffff  }
0x142: {  	v13 =	vbroadcast v26, $0x9;
	v42 =	vmax.f32 v42, v12;
	v48 =	vmul.f32 v48, v14;
	v56 =	vld.idx.msk [tilespmem:v0+s19+$0x210 ss:$0x1], $0xffff  }
0x143: {  	v35 =	vmul.f32 v35, v5;
	v10 =	vmax.f32 v36, v51;
	v36 =	vmul.f32 v49, v3;
	v49 =	vld.idx.msk [tilespmem:v0+s19+$0x3A0 ss:$0x1], $0xffff  }
0x144: {  	v39 =	vmul.f32 v39, v5;
	v51 =	vmax.f32 v10, v33;
	v57 =	vmul.f32 v32, v13;
	v58 =	vld.idx.msk [tilespmem:v0+s19+$0x250 ss:$0x1], $0xffff  }
0x145: {  	v19 =	vmul.f32 v19, v28;
	v41 =	vadd.f32 v33, v41;
	v10 =	vbroadcast v26, $0xC;
	v59 =	vld.idx.msk [tilespmem:v0+s19+$0x2C0 ss:$0x1], $0xffff  }
0x146: {  	v12 =	vadd.f32 v12, v45;
	v45 =	vmul.f32 v53, v14;
	v32 =	vmul.f32 v29, v2;
	v29 =	vld.idx.msk [tilespmem:v0+s19+$0x290 ss:$0x1], $0xffff  }
0x147: {  	v46 =	vmax.f32 v46, v19;
	v53 =	vmul.f32 v23, v3;
	v31 =	vmul.f32 v31, v10;
	v23 =	vld.idx.msk [tilespmem:v0+s19+$0x310 ss:$0x1], $0xffff  }
0x148: {  	v33 =	vmul.f32 v20, v13;
	v12 =	vadd.f32 v50, v12;
	v56 =	vmul.f32 v56, v3;
	v20 =	vld.idx.msk [tilespmem:v0+s19+$0x2D0 ss:$0x1], $0xffff  }
0x149: {  	v22 =	vmul.f32 v22, v24;
	v44 =	vmul.f32 v44, v11;
	v41 =	vadd.f32 v37, v41;
	v60 =	vld.idx.msk [tilespmem:v0+s19+$0x340 ss:$0x1], $0xffff  }
0x14a: {  	v37 =	vmax.f32 v51, v37;
	v51 =	vmul.f32 v18, v38;
	v58 =	vmul.f32 v58, v13;
	v61 =	vld.idx.msk [tilespmem:v0+s19+$0x3B0 ss:$0x1], $0xffff  }
0x14b: {  	v38 =	vmul.f32 v47, v38;
	v12 =	vadd.f32 v54, v12;
	v47 =	vmul.f32 v59, v7;
	v59 =	vld.idx.msk [tilespmem:v0+s19+$0x380 ss:$0x1], $0xffff  }
0x14c: {  	v19 =	vadd.f32 v19, v40;
	v18 =	vmax.f32 v42, v50;
	v40 =	vmul.f32 v29, v2;
	v29 =	vld.idx.msk [tilespmem:v0+s19+$0x350 ss:$0x1], $0xffff  }
0x14d: {  	v42 =	vmax.f32 v46, v22;
	v46 =	vmax.f32 v18, v54;
	v18 =	vmul.f32 v23, v10;
	v23 =	vld.idx.msk [tilespmem:v0+s19+$0x3C0 ss:$0x1], $0xffff  }
0x14e: {  	v19 =	vadd.f32 v22, v19;
	v22 =	vadd.f32 v34, v41;
	v20 =	vmul.f32 v20, v7;
	v41 =	vld.idx.msk [tilespmem:v0+s19+$0x390 ss:$0x1], $0xffff  }
0x14f: {  	v26 =	vbroadcast v26, $0xE;
	v50 =	vmul.f32 v60, v4  }
0x150: {  	s15 =	sadd.s32 $0x40, s15;
	v42 =	vmax.f32 v42, v43;
	v54 =	vadd.f32 v43, v19;
	v19 =	vadd.f32 v52, v22  }
0x151: {  	v43 =	vadd.f32 v38, v12;
	v12 =	vmul.f32 v61, v26;
	v59 =	vmul.f32 v59, v26;
	v60 =	vld.idx.msk [tilespmem:v0+s19+$0x160 ss:$0x1], $0xffff  }
0x152: {  	v62 =	vadd.f32 v55, v19;
	v19 =	vmul.f32 v49, v26;
	v22 =	vmul.f32 v29, v4;
	v61 =	vld.idx.msk [tilespmem:v0+s19+$0x70 ss:$0x1], $0xffff  }
0x153: {  	v34 =	vmax.f32 v37, v34;
	v37 =	vadd.f32 v51, v54;
	v49 =	vmul.f32 v23, v1;
	v29 =	vld.idx.msk [tilespmem:v0+s19+$0xB0 ss:$0x1], $0xffff  }
0x154: {  	v42 =	vmax.f32 v42, v51;
	v51 =	vadd.f32 v48, v62;
	v23 =	vmul.f32 v41, v26;
	v54 =	vld.idx.msk [tilespmem:v0+s19+$0xF0 ss:$0x1], $0xffff  }
0x155: {  	v34 =	vmax.f32 v34, v52;
	v26 =	vmax.f32 v46, v38;
	v38 =	vadd.f32 v44, v43  }
0x156: {  	v34 =	vmax.f32 v34, v55;
	v41 =	vadd.f32 v36, v51;
	v26 =	vmax.f32 v26, v44  }
0x157: {  	s16 =	sadd.s32 $0x80, s16;
	v34 =	vmax.f32 v34, v48;
	v38 =	vadd.f32 v39, v38;
	v26 =	vmax.f32 v26, v39  }
0x158: {  	v34 =	vmax.f32 v34, v36;
	v39 =	vmul.f32 v61, v28;
	v28 =	vadd.f32 v57, v41;
	v43 =	vld.idx.msk [tilespmem:v0+s19+$0x1E0 ss:$0x1], $0xffff  }
0x159: {  	v26 =	vmax.f32 v26, v45;
	v36 =	vmul.f32 v29, v24;
	v24 =	vadd.f32 v45, v38  }
0x15a: {  	v29 =	vmul.f32 v60, v11;
	v21 =	vmax.f32 v21, v39;
	v38 =	vmul.f32 v54, v17  }
0x15b: {  	v21 =	vmax.f32 v21, v36;
	v41 =	vadd.f32 v56, v24;
	v24 =	vadd.f32 v32, v28;
	v17 =	vld.idx.msk [tilespmem:v0+s19+$0x3F0 ss:$0x1], $0xffff  }
0x15c: {  	v37 =	vadd.f32 v29, v37;
	v29 =	vmax.f32 v42, v29;
	v28 =	vmax.f32 v21, v38;
	v21 =	vld.idx.msk [tilespmem:v0+s19+$0x370 ss:$0x1], $0xffff  }
0x15d: {  	v29 =	vmax.f32 v29, v35;
	v28 =	vmax.f32 v28, v27;
	v42 =	vadd.f32 v47, v24;
	v24 =	vld.idx.msk [tilespmem:v0+s19+$0x330 ss:$0x1], $0xffff  }
0x15e: {  	v35 =	vadd.f32 v35, v37;
	v41 =	vadd.f32 v58, v41;
	v37 =	vmul.f32 v43, v14;
	v43 =	vld.idx.msk [tilespmem:v0+s19+$0x2A0 ss:$0x1], $0xffff  }
0x15f: {  	v34 =	vmax.f32 v34, v57;
	v44 =	vmax.f32 v26, v56;
	v42 =	vadd.f32 v31, v42;
	v26 =	vld.idx.msk [tilespmem:v0+s19+$0x2F0 ss:$0x1], $0xffff  }
0x160: {  	v35 =	vadd.f32 v37, v35;
	v29 =	vmax.f32 v29, v37;
	v37 =	vadd.f32 v40, v41;
	v41 =	vld.idx.msk [tilespmem:v0+s19+$0x2E0 ss:$0x1], $0xffff  }
0x161: {  	v44 =	vmax.f32 v44, v58;
	v45 =	vmax.f32 v29, v53;
	v42 =	vadd.f32 v50, v42;
	v29 =	vld.idx.msk [tilespmem:v0+s19+$0x2B0 ss:$0x1], $0xffff  }
0x162: {  	v35 =	vadd.f32 v53, v35;
	v45 =	vmax.f32 v45, v33;
	v37 =	vadd.f32 v20, v37;
	v46 =	vld.idx.msk [tilespmem:v0+s19+$0x320 ss:$0x1], $0xffff  }
0x163: {  	v30 =	vadd.f32 v39, v30;
	v32 =	vmax.f32 v34, v32;
	v34 =	vadd.f32 v59, v42;
	[tilespmem:s14+$0x10] =	vst v25  }
0x164: {  	v32 =	vmax.f32 v32, v47;
	v33 =	vadd.f32 v33, v35;
	v35 =	vmul.f32 v43, v2;
	v42 =	vld.idx.msk [tilespmem:v0+s19+$0x360 ss:$0x1], $0xffff  }
0x165: {  	v30 =	vadd.f32 v36, v30;
	v31 =	vmax.f32 v32, v31;
	v32 =	vadd.f32 v49, v34;
	v25 =	vld.idx.msk [tilespmem:v0+s19+$0x270 ss:$0x1], $0xffff  }
0x166: {  	v39 =	vmax.f32 v31, v50;
	v33 =	vadd.f32 v35, v33;
	v36 =	vmul.f32 v41, v7;
	v43 =	vld [tilespmem:s13+$0x0]  }
0x167: {  	v38 =	vadd.f32 v38, v30;
	v34 =	vmax.f32 v44, v40;
	v35 =	vmax.f32 v45, v35;
	v30 =	vld [tilespmem:s15+$0xFFFFFFE0]  }
.Ltmp2:
0x168: {  	v41 =	vadd.f32 v18, v37;
	v40 =	vadd.f32 v36, v33;
	v44 =	vmul.f32 v46, v10;
	v31 =	vld.idx.msk [tilespmem:v0+s19+$0x3E0 ss:$0x1], $0xffff;
	(pc) =	sbr.rel @p2 .LBB2_6-.Ltmp2, $4  }
0x169: {  	v33 =	vadd.f32 v27, v38;
	v35 =	vmax.f32 v35, v36;
	v36 =	vmax.f32 v39, v59;
	v37 =	vld.idx.msk [tilespmem:v0+s19+$0x170 ss:$0x1], $0xffff  }
0x16a: {  	v39 =	vadd.f32 v22, v41;
	v40 =	vadd.f32 v44, v40;
	v42 =	vmul.f32 v42, v4;
	v27 =	vld.idx.msk [tilespmem:v0+s19+$0x230 ss:$0x1], $0xffff  }
0x16b: {  	v41 =	vmax.f32 v36, v49;
	v44 =	vmax.f32 v35, v44;
	v38 =	vld.idx.msk [tilespmem:v0+s19+$0x1B0 ss:$0x1], $0xffff;
	v15 =	vsub.f32 v15, v43  }
0x16c: {  	s18 =	sadd.s32 $0x10, s18;
	v40 =	vadd.f32 v42, v40;
	v36 =	vmax.f32 v44, v42;
	v16 =	vsub.f32 v16, v43;
	v35 =	vld.idx.msk [tilespmem:v0+s19+$0x1F0 ss:$0x1], $0xffff  }
0x16d: {  	v0 =	vmul.f32 $6.250000000e-02, v32  }
0x16e: {  	v47 =	vsub.f32 v41, v30  }
0x16f: {  	v0 =	vsub.f32 v0, v30  }
0x170: {  	v11 =	vmul.f32 v37, v11;
	[tilespmem:s16+$0x0] =	vst v47  }
0x171: {  	v48 =	vadd.f32 v23, v39;
	[tilespmem:s16+$0xFFFFFFC0] =	vst v0  }
0x172: {  	v49 =	vadd.f32 v11, v33;
	v5 =	vmul.f32 v38, v5;
	v32 =	vld [tilespmem:s15+$0xFFFFFFF0]  }
0x173: {  	v20 =	vmax.f32 v34, v20;
	v30 =	vadd.f32 v8, v48  }
0x174: {  	v18 =	vmax.f32 v20, v18;
	v14 =	vmul.f32 v35, v14;
	v0 =	vadd.f32 v5, v49  }
0x175: {  	v18 =	vmax.f32 v18, v22;
	v50 =	vmul.f32 $6.250000000e-02, v30  }
0x176: {  	v3 =	vmul.f32 v27, v3;
	v18 =	vmax.f32 v18, v23;
	v0 =	vadd.f32 v14, v0  }
0x177: {  	v51 =	vmax.f32 v18, v8;
	v52 =	vsub.f32 v50, v32  }
0x178: {  	v13 =	vmul.f32 v25, v13;
	v0 =	vadd.f32 v3, v0;
	v8 =	vsub.f32 v51, v32  }
0x179: {  	[tilespmem:s16+$0xFFFFFFD0] =	vst v52  }
0x17a: {  	v2 =	vmul.f32 v29, v2;
	v0 =	vadd.f32 v13, v0;
	[tilespmem:s16+$0x10] =	vst v8  }
0x17b: {  	v54 =	vmul.f32 v31, v1;
	v53 =	vadd.f32 v19, v40;
	v55 =	vld [tilespmem:s15+$0x0]  }
0x17c: {  	v7 =	vmul.f32 v26, v7;
	v0 =	vadd.f32 v2, v0  }
0x17d: {  	v56 =	vmax.f32 v36, v19;
	v10 =	vmul.f32 v24, v10;
	v8 =	vadd.f32 v54, v53  }
0x17e: {  	v4 =	vmul.f32 v21, v4;
	v11 =	vmax.f32 v28, v11;
	v0 =	vadd.f32 v7, v0  }
0x17f: {  	v57 =	vmax.f32 v56, v54;
	v5 =	vmax.f32 v11, v5;
	v8 =	vmul.f32 $6.250000000e-02, v8  }
0x180: {  	[tilespmem:s14+$0x20] =	vst v15;
	v5 =	vmax.f32 v5, v14;
	v0 =	vadd.f32 v10, v0;
	v11 =	vsub.f32 v57, v55  }
0x181: {  	[tilespmem:s14+$0xFFFFFFE0] =	vst v16;
	v3 =	vmax.f32 v5, v3;
	v58 =	vsub.f32 v8, v55  }
0x182: {  	v59 =	vld [tilespmem:s13+$0x10];
	v3 =	vmax.f32 v3, v13;
	v0 =	vadd.f32 v4, v0;
	[tilespmem:s16+$0x20] =	vst v11  }
0x183: {  	v2 =	vmax.f32 v3, v2;
	[tilespmem:s16+$0xFFFFFFE0] =	vst v58  }
0x184: {  	v60 =	vmul.f32 v17, v1;
	v2 =	vmax.f32 v2, v7;
	v0 =	vadd.f32 v12, v0;
	v61 =	vld [tilespmem:s15+$0x10]  }
0x185: {  	v2 =	vmax.f32 v2, v10  }
0x186: {  	v62 =	vmul.f32 $6.250000000e-02, v9;
	v2 =	vmax.f32 v2, v4;
	v0 =	vadd.f32 v60, v0  }
0x187: {  	p2 =	sne.s32 s12, $0x0;
	v63 =	vsub.f32 v6, v59;
	v2 =	vmax.f32 v2, v12  }
0x188: {  	s12 =	sshll.u32 @!p2 s11, $0x5;
	v5 =	vsub.f32 v62, v59;
	v1 =	vmax.f32 v2, v60;
	v0 =	vmul.f32 $6.250000000e-02, v0  }
0x189: {  	s12 =	sadd.s32 @!p2 s8, s12;
	[tilespmem:s14+$0x30] =	vst v63;
	v1 =	vsub.f32 v1, v61  }
0x18a: {  	s12 =	smin.u32 @!p2 s12, $0xC330;
	[tilespmem:s14+$0xFFFFFFF0] =	vst v5;
	v0 =	vsub.f32 v0, v61  }
0x18b: {  	s12 =	sshll.u32 @!p2 s12, $0x4;
	[tilespmem:s16+$0x30] =	vst v1  }
0x18c: {  	s13 =	simm.s32 @!p2 $0x0;
	s12 =	sadd.s32 @!p2 s9, s12;
	s14 =	simm.s32 @!p2 $0x1B000;
	[tilespmem:s16+$0xFFFFFFF0] =	vst v0  }
0x18d: {  	[hbm4b:s12+s13] =	stream.linear.scatter @!p2 [tilespmem:s14], [sflag:$0x4], $0x1000, $0x38;
	[tilespmem:$0x1D000] =	vst v63  }
0x18e: {  	s12 =	sshll.u32 @p1 s11, $0x5  }
0x18f: {  	s12 =	sadd.s32 @p1 s8, s12  }
0x190: {  	s12 =	smin.u32 @p1 s12, $0xC330  }
0x191: {  	s13 =	simm.s32 @p1 $0x0;
	s12 =	sshll.u32 @p1 s12, $0x4  }
0x192: {  	s14 =	simm.s32 @p1 $0x1C000;
	s11 =	sadd.s32 $0x1, s11;
	s12 =	sadd.s32 @p1 s9, s12  }
0x193: {  	[hbm4b:s12+s13] =	stream.linear.scatter @p1 [tilespmem:s14], [sflag:$0x5], $0x1000, $0x38;
	[tilespmem:$0x1D000] =	vst v63  }
0x194: {  	p1 =	sne.s32 s11, $0x62  }
.Ltmp3:
0x195: {  	_ = 	snop;
	(pc) =	sbr.rel @p1 .LBB2_1-.Ltmp3, $2  }
0x196: {  	_ =	sdelay $0x2  }
0x197: {  	s2 =	sadd.s32 $0x1, s2;
	p0 =	por !p0, !p0;
	s7 =	sadd.s32 $0x8000, s7  }
0x198: {  	s2 =	simm.s32 $0x4  }
0x199: {  	_ =	swait.ge [sflag:s2], $0x1000  }
0x19a: {  	[sflag:s2] =	ssyncset.done $0x0  }
0x19b: {  	s31 =	simm.s32 $0x5;
	[sflag:s2] =	ssyncadd.s32 $0xFFFFF000  }
0x19c: {  	_ =	swait.ge [sflag:s31], $0x1000  }
0x19d: {  	[sflag:s31] =	ssyncset.done $0x0  }
0x19e: {  	[sflag:s31] =	ssyncadd.s32 $0xFFFFF000  }
0x19f: {  	_ =	sfence.sel $0x180000  }
0x1a0: {  	[bflag:$0x0] =	sbarrier.arrive $0xFFFF  }
0x1a1: {  	p0 =	sne.s32 s1, $0x0;
	_ =	strace $0x90000047  }
0x1a2: {  	s0 =	sadd.s32 @!p0 $0x100000, s0;
	[bflag:$0x2] =	sbarrier.arrive $0xFFFF  }
0x1a3: {  	[sflag:s0] =	ssyncadd.tile.s32 @!p0 $0x1;
	_ =	shalt  }
.Lfunc_end2:
_tile_overlayer_lowered:
.L_overlay_start_2:
0x1a4: {  	(tag) =	ssettag $0x2  }
0x1a5: {  	s0 =	rddreg [dreg:$0x0];
	s2 =	stileid.u32  }
0x1a6: {  	s1 =	rddreg [dreg:$0x1];
	p0 =	sne.s32 s2, $0x0  }
0x1a7: {  	s3 =	rddreg [dreg:$0x2];
	[bflag:$0x3] =	sbarrier.arrive $0xFFFF;
	s2 =	simm.s32 @!p0 $0x1C06  }
0x1a8: {  	[timem:s3], [sflag:s2] =	dma.local @!p0 [hbm:s0], s1  }
0x1a9: {  	s0 =	simm.s32 @!p0 $0x6  }
0x1aa: {  	_ =	swait.ge @!p0 [sflag:s0], s1  }
0x1ab: {  	s1 =	ssub.s32 @!p0 $0x0, s1;
	[sflag:s0] =	ssyncset.done @!p0 $0x0  }
0x1ac: {  	[sflag:s0] =	ssyncadd.s32 @!p0 s1  }
0x1ad: {  	[bflag:$0x3] =	sbarrier.arrive $0xFFFF  }
0x1ae: {  	_ =	shalt  }

// kernel: kernel.9.cloned.1.call-start
scs
__scs_entry_jumppad:
0x0: {  	(pc) =	sbr.rel $0x88, $3  }
0x1: {  	(tag) =	ssettag $0x0;
	lr =	simm.s32 $0x1  }
0x2: {  	[smem:$0x3F9A] =	sst lr;
	_ =	strace $0xD0000000  }
0x3: {  	_ = 	snop  }
0x4: {  	_ = 	snop  }
0x5: {  	_ = 	snop  }
0x6: {  	_ = 	snop  }
0x7: {  	_ = 	snop  }
__scs_overlays_trampoline_lowered:
0x8: {  	[smem:$0x3FA9] =	sst s0  }
0x9: {  	[smem:$0x3FAA] =	sst s1  }
0xa: {  	[smem:$0x3FAB] =	sst s2  }
0xb: {  	[smem:$0x3FAC] =	sst s3  }
0xc: {  	[smem:$0x3FAD] =	sst s4  }
0xd: {  	[smem:$0x3FAE] =	sst s5  }
0xe: {  	[smem:$0x3FAF] =	sst s6  }
0xf: {  	[smem:$0x3FB0] =	sst s7  }
0x10: {  	[smem:$0x3FB1] =	sst s8  }
0x11: {  	[smem:$0x3FB2] =	sst s9;
	s0 =	simm.s32 @!p0 $0x0  }
0x12: {  	s1 =	sld [smem:$0x3F98];
	s0 =	simm.s32 @p0 $0x1  }
0x13: {  	[smem:$0x3FB3] =	sst s0;
	s0 =	simm.s32 @!p1 $0x0  }
0x14: {  	s2 =	sld [smem:$0x3F97];
	s0 =	simm.s32 @p1 $0x1  }
0x15: {  	[smem:$0x3FB4] =	sst s0;
	s0 =	simm.s32 @!p2 $0x0  }
0x16: {  	s3 =	sld [smem:$0x3FDB];
	s0 =	simm.s32 @p2 $0x1  }
0x17: {  	s4 =	simm.s32 $0x1BF5;
	[smem:$0x3FB6] =	sst s0  }
0x18: {  	s0 =	sld [smem:$0x3F99];
	_ =	swait.ge [sflag:s4], $0x0  }
0x19: {  	s7 =	sld [smem:$0x3F9A]  }
0x1a: {  	s8 =	sadd.s32 $0xFFFFE003, lr  }
0x1b: {  	s9 =	sadd.s32 $0xFFFFFEF7, lr;
	s5 =	simm.s32 $0xFFFFFFFF;
	p2 =	slt.u32 s8, $0xFFFFF086  }
0x1c: {  	p1 =	slt.u32 s9, $0xF7A;
	s5 =	simm.s32 @!p2 $0x0  }
0x1d: {  	s5 =	simm.s32 @p1 $0x1;
	p0 =	seq.s32 s7, s2  }
0x1e: {  	s7 =	smul.u32 @!p0 $0xF7A, s2;
	p2 =	seq.s32 @!p0 s5, $0x0  }
0x1f: {  	s9 =	smul.u32 $0xF7A, s1;
	s8 =	simm.s32 @!p0 $0x1BF5;
	p2 =	por !p2, p0  }
0x20: {  	[sflag:s8] =	ssyncset.s32 @!p0 $0xFFFFF086;
	s6 =	sadd.s32 @!p0 s3, s7;
	s7 =	simm.s32 @!p0 $0x108  }
0x21: {  	s3 =	sadd.s32 s3, s9;
	s6 =	sadd.s32 @!p0 $0x88, s6;
	s7 =	simm.s32 @p2 $0x1082  }
0x22: {  	[simem:s7], [sflag:s8] =	dma.local @!p0 [hbm:s6], $0xF7A  }
0x23: {  	s9 =	sor.u32 $0xD0000000, s2;
	s6 =	simm.s32 $0x108;
	_ =	swait.ge @!p0 [sflag:s8], $0x0  }
0x24: {  	s3 =	sadd.s32 $0x88, s3;
	s6 =	simm.s32 @!p1 $0x1082;
	[sflag:s4] =	ssyncset.s32 $0xFFFFF086  }
0x25: {  	[simem:s6], [sflag:s4] =	dma.local [hbm:s3], $0xF7A  }
0x26: {  	[smem:$0x3F9A] =	sst s1;
	(tag) =	ssettag s2;
	_ =	strace s9  }
0x27: {  	s1 =	sld [smem:$0x3FAA]  }
0x28: {  	s2 =	sld [smem:$0x3FAB]  }
0x29: {  	s4 =	sld [smem:$0x3FAD]  }
0x2a: {  	p0 =	seq.s32 s5, $0x0;
	s5 =	sld [smem:$0x3FAE]  }
0x2b: {  	s6 =	sld [smem:$0x3FAF]  }
0x2c: {  	s7 =	sld [smem:$0x3FB0]  }
0x2d: {  	s3 =	simm.s32 $0x108;
	s8 =	sld [smem:$0x3FB1]  }
0x2e: {  	s3 =	simm.s32 @!p0 $0x1082;
	s9 =	sld [smem:$0x3FB2]  }
0x2f: {  	lr =	sadd.s32 s0, s3;
	s0 =	sld [smem:$0x3FA9]  }
0x30: {  	s3 =	sld [smem:$0x3FAC]  }
0x31: {  	[smem:$0x3FB5] =	sst s10  }
0x32: {  	s10 =	sld [smem:$0x3FB3];
	_ =	sdelay $0x3  }
0x33: {  	p0 =	seq.s32 s10, $0x1;
	s10 =	sld [smem:$0x3FB5];
	_ =	sdelay $0x3  }
0x34: {  	[smem:$0x3FB5] =	sst s10  }
0x35: {  	s10 =	sld [smem:$0x3FB4];
	_ =	sdelay $0x3  }
0x36: {  	p1 =	seq.s32 s10, $0x1;
	s10 =	sld [smem:$0x3FB5];
	_ =	sdelay $0x3  }
0x37: {  	[smem:$0x3FB5] =	sst s10  }
0x38: {  	s10 =	sld [smem:$0x3FB6]  }
0x39: {  	_ = 	snop;
	(pc) =	sbr.ind lr, $3  }
0x3a: {  	_ = 	snop  }
0x3b: {  	_ = 	snop  }
0x3c: {  	p2 =	seq.s32 s10, $0x1;
	s10 =	sld [smem:$0x3FB5]  }
0x3d: {  	_ =	shalt  }
0x3e: {  	_ =	shalt  }
0x3f: {  	_ =	shalt  }
0x40: {  	_ =	shalt  }
0x41: {  	_ =	shalt  }
0x42: {  	_ =	shalt  }
0x43: {  	_ =	shalt  }
0x44: {  	_ =	shalt  }
0x45: {  	_ =	shalt  }
0x46: {  	_ =	shalt  }
0x47: {  	_ =	shalt  }
0x48: {  	_ =	shalt  }
0x49: {  	_ =	shalt  }
0x4a: {  	_ =	shalt  }
0x4b: {  	_ =	shalt  }
0x4c: {  	_ =	shalt  }
0x4d: {  	_ =	shalt  }
0x4e: {  	_ =	shalt  }
0x4f: {  	_ =	shalt  }
0x50: {  	_ =	shalt  }
0x51: {  	_ =	shalt  }
0x52: {  	_ =	shalt  }
0x53: {  	_ =	shalt  }
0x54: {  	_ =	shalt  }
0x55: {  	_ =	shalt  }
0x56: {  	_ =	shalt  }
0x57: {  	_ =	shalt  }
0x58: {  	_ =	shalt  }
0x59: {  	_ =	shalt  }
0x5a: {  	_ =	shalt  }
0x5b: {  	_ =	shalt  }
0x5c: {  	_ =	shalt  }
0x5d: {  	_ =	shalt  }
0x5e: {  	_ =	shalt  }
0x5f: {  	_ =	shalt  }
0x60: {  	_ =	shalt  }
0x61: {  	_ =	shalt  }
0x62: {  	_ =	shalt  }
0x63: {  	_ =	shalt  }
0x64: {  	_ =	shalt  }
0x65: {  	_ =	shalt  }
0x66: {  	_ =	shalt  }
0x67: {  	_ =	shalt  }
0x68: {  	_ =	shalt  }
0x69: {  	_ =	shalt  }
0x6a: {  	_ =	shalt  }
0x6b: {  	_ =	shalt  }
0x6c: {  	_ =	shalt  }
0x6d: {  	_ =	shalt  }
0x6e: {  	_ =	shalt  }
0x6f: {  	_ =	shalt  }
0x70: {  	_ =	shalt  }
0x71: {  	_ =	shalt  }
0x72: {  	_ =	shalt  }
0x73: {  	_ =	shalt  }
0x74: {  	_ =	shalt  }
0x75: {  	_ =	shalt  }
0x76: {  	_ =	shalt  }
0x77: {  	_ =	shalt  }
0x78: {  	_ =	shalt  }
0x79: {  	_ =	shalt  }
0x7a: {  	_ =	shalt  }
0x7b: {  	_ =	shalt  }
0x7c: {  	_ =	shalt  }
0x7d: {  	_ =	shalt  }
0x7e: {  	_ =	shalt  }
0x7f: {  	_ =	shalt  }
0x80: {  	_ =	shalt  }
0x81: {  	_ =	shalt  }
0x82: {  	_ =	shalt  }
0x83: {  	_ =	shalt  }
0x84: {  	_ =	shalt  }
0x85: {  	_ =	shalt  }
0x86: {  	_ =	shalt  }
0x87: {  	_ =	shalt  }
.Lfunc_end0:
.L_simem_size_0:
called_computation.1_lowered:
.L_overlay_start_0:
0x88: {  	s0 =	sld [smem:$0x3FD9]  }
0x89: {  	s1 =	sld [smem:$0x3FFE];
	_ =	sdelay $0x3  }
0x8a: {  	s0 =	sadd.s32 s1, s0  }
0x8b: {  	[smem:$0x3FC1] =	sst s0  }
0x8c: {  	_ = 	snop  }
0x8d: {  	(tm) =	ssettm $0x1  }
0x8e: {  	s15 =	sld [smem:$0x3FFB];
	_ =	sdelay $0x3  }
0x8f: {  	_ =	strace s15  }
0x90: {  	s0 =	sld [smem:$0x3FFC];
	_ =	sdelay $0x3  }
0x91: {  	_ =	strace s0  }
0x92: {  	s0 =	sld [smem:$0x3FFD];
	_ =	sdelay $0x3  }
0x93: {  	_ =	strace s0  }
0x94: {  	_ =	strace $0x8FFFFFFF  }
0x95: {  	s16 =	sld [smem:$0x3FDB];
	_ =	sdelay $0x1  }
0x96: {  	s17 =	simm.s32 $_scs_section_size  }
0x97: {  	s2 =	simm.s32 $_size__tile_overlayer_lowered;
	s3 =	simm.s32 $_tile_overlayer_lowered  }
0x98: {  	s20 =	simm.s32 $0x1BFF;
	s19 =	sshll.u32 s3, $0x1;
	s0 =	sadd.s32 s17, s16  }
0x99: {  	s4 =	simm.s32 $0x0;
	s18 =	sshll.u32 s2, $0x1;
	s2 =	sadd.s32 s19, s0  }
0x9a: {  	[timem:s4], [sflag:s20] =	dma.local [hbm:s2], s18  }
0x9b: {  	_ =	swait.ge [sflag:s20], s18  }
0x9c: {  	s1 =	ssub.s32 $0x0, s18;
	[sflag:s20] =	ssyncset.done $0x0  }
0x9d: {  	[sflag:s20] =	ssyncadd.s32 s1;
	_ =	sdelay $0x1  }
0x9e: {  	s21 =	simm.s32 $0x1B8B  }
0x9f: {  	_ =	swait.ge [sflag:s21], $0x1  }
0xa0: {  	[sflag:s21] =	ssyncset.done $0x0  }
0xa1: {  	s23 =	simm.s32 $0x1B8E;
	s22 =	sld [smem:$0x3FFE];
	[sflag:s21] =	ssyncadd.s32 $0xFFFFFFFF  }
0xa2: {  	s24 =	simm.s32 $execute0_lowered;
	[smem:$0x3FD2] =	sst s23  }
0xa3: {  	s2 =	sshll.u32 s24, $0x1;
	_ =	strace $0x80000049;
	[dreg:$0x1] =	wrdreg $0xFFFFFFFF  }
0xa4: {  	s25 =	simm.s32 $_size_execute0_lowered;
	s0 =	sadd.s32 s0, s2;
	[dreg:$0x0] =	wrdreg $0x0  }
0xa5: {  	s2 =	sshll.u32 s25, $0x1;
	[dreg:$0x2] =	wrdreg s0  }
0xa6: {  	[dreg:$0x3] =	wrdreg s2  }
0xa7: {  	[dreg:$0x4] =	wrdreg $0xC0  }
0xa8: {  	_ =	task [dreg:s4], $0x5FFFF  }
0xa9: {  	[dreg:$0x1] =	wrdreg $0xFFFFFFFF  }
0xaa: {  	[dreg:$0x0] =	wrdreg $0x60  }
0xab: {  	[dreg:$0x2] =	wrdreg s22  }
0xac: {  	[dreg:$0x3] =	wrdreg $0x9  }
0xad: {  	_ =	task.clear_ibuf [dreg:s4], $0x4FFFF;
	_ =	strace $0x90000049  }
0xae: {  	s26 =	simm.s32 $0x9;
	_ =	strace $0x8000004B  }
0xaf: {  	_ =	swait.ge [sflag:s26], $0x1  }
0xb0: {  	[sflag:s26] =	ssyncadd.s32 $0xFFFFFFFF  }
0xb1: {  	_ =	strace $0x9000004B  }
0xb2: {  	_ =	sfence  }
0xb3: {  	s28 =	sld [smem:$0x0];
	_ =	sdelay $0x1  }
0xb4: {  	s29 =	srdreg.scid  }
0xb5: {  	s30 =	sshll.u32 s29, $0xD;
	s31 =	sshrl.u32 s29, $0x2  }
0xb6: {  	s1 =	sand.u32 $0x1, s29;
	s2 =	sand.u32 $0x4000, s30;
	s0 =	sadd.s32 s31, s28  }
0xb7: {  	s1 =	sor.u32 s2, s1;
	s0 =	sshll.u32 s0, $0x11  }
0xb8: {  	s0 =	sor.u32 s0, s1  }
0xb9: {  	s0 =	sadd.s32 $0x8F2B, s0  }
0xba: {  	[sflag:s0] =	ssyncadd.remote.s32 $0x1  }
0xbb: {  	_ =	sfence.sel $0xFFFF  }
0xbc: {  	[dreg:$0x0] =	wrdreg $0xFFFFFFFF;
	(pc) =	sbr.abs _section_cstart, $3  }
0xbd: {  	[dreg:$0x1] =	wrdreg $0xFFFFFFFF  }
0xbe: {  	_ =	task.clear_ibuf [dreg:s4], $0x2FFFF;
	_ =	strace $0x9FFFFFFF  }
0xbf: {  	(tm) =	ssettm $0x7FFFFFFF  }
tec
execute0_lowered:
.L_overlay_start_1:
0x0: {  	(tag) =	ssettag $0x1  }
0x1: {  	s9 =	rddreg [dreg:$0x0];
	s1 =	stileid.u32  }
0x2: {  	s0 =	rddreg [dreg:$0x1];
	s2 =	simm.s32 $0x0;
	s6 =	smul.u32 $0x1880, s1  }
0x3: {  	s8 =	simm.s32 $0x800;
	[smem:$0x7FF] =	sst s2;
	s3 =	sadd.s32 $0x63000, s9  }
0x4: {  	s5 =	sadd.s32 $0x7B800, s9;
	_ =	strace $0x8000004A;
	s7 =	sadd.s32 s3, s6  }
0x5: {  	[tilespmem:s2], [sflag:$0x1] =	stream.linear.gather [hbm4b:s7+s2], $0x200, $0x38;
	[tilespmem:$0x1D000] =	vst v63  }
0x6: {  	s4 =	sadd.s32 $0x1400, s9;
	s25 =	smul.u32 $0x6200, s1;
	s6 =	sadd.s32 s5, s6  }
0x7: {  	[tilespmem:s8], [sflag:$0x1] =	stream.linear.gather [hbm4b:s6+s2], $0x200, $0x38;
	[tilespmem:$0x1D000] =	vst v63  }
0x8: {  	s28 =	simm.s32 $0x1000;
	s10 =	simm.s32 $0x1;
	s26 =	sadd.s32 s4, s25  }
0x9: {  	[tilespmem:s28], [sflag:$0x1] =	stream.linear.gather [hbm4b:s26+s2], $0x800, $0x38;
	[tilespmem:$0x1D000] =	vst v63  }
0xa: {  	_ =	swait.ge [sflag:s10], $0x200  }
0xb: {  	[sflag:s10] =	ssyncset.done $0x0  }
0xc: {  	[sflag:s10] =	ssyncadd.s32 $0xFFFFFE00  }
0xd: {  	_ =	swait.ge [sflag:s10], $0x200  }
0xe: {  	[sflag:s10] =	ssyncset.done $0x0  }
0xf: {  	[sflag:s10] =	ssyncadd.s32 $0xFFFFFE00  }
0x10: {  	_ =	swait.ge [sflag:s10], $0x800  }
0x11: {  	[sflag:s10] =	ssyncset.done $0x0  }
0x12: {  	s7 =	simm.s32 $0x3000;
	s6 =	simm.s32 $0x80;
	[sflag:s10] =	ssyncadd.s32 $0xFFFFF800  }
0x13: {  	[tilespmem:s7], [sflag:$0x2] =	stream.indirect.gather [hbm4b:s4+s6], $0x40, s2, s6, $0xb8;
	[tilespmem:$0x1D000] =	vst v63  }
0x14: {  	s11 =	simm.s32 $0x5000;
	s8 =	smul.u32 $0xC40, s1  }
0x15: {  	[tilespmem:s11], [sflag:$0x2] =	stream.indirect.gather [hbm4b:s4+s6], $0x40, s6, s6, $0xb8;
	[tilespmem:$0x1D000] =	vst v63  }
0x16: {  	s12 =	simm.s32 $0x100;
	s13 =	simm.s32 $0x7000;
	s29 =	sor.u32 $0x20, s8  }
0x17: {  	[tilespmem:s13], [sflag:$0x2] =	stream.indirect.gather [hbm4b:s4+s6], $0x40, s12, s6, $0xb8;
	[tilespmem:$0x1D000] =	vst v63  }
0x18: {  	s31 =	simm.s32 $0x180;
	s14 =	simm.s32 $0x9000;
	s30 =	sshll.u32 s29, $0x1  }
0x19: {  	[tilespmem:s14], [sflag:$0x2] =	stream.indirect.gather [hbm4b:s4+s6], $0x40, s31, s6, $0xb8;
	[tilespmem:$0x1D000] =	vst v63  }
0x1a: {  	s15 =	simm.s32 $0x200;
	s14 =	sadd.s32 s3, s30  }
0x1b: {  	[tilespmem:s15], [sflag:$0x1] =	stream.linear.gather [hbm4b:s14+s2], $0x200, $0x38;
	[tilespmem:$0x1D000] =	vst v63  }
0x1c: {  	s16 =	simm.s32 $0xA00;
	s11 =	sshll.u32 s29, $0x3;
	s12 =	sadd.s32 s5, s30  }
0x1d: {  	[tilespmem:s16], [sflag:$0x1] =	stream.linear.gather [hbm4b:s12+s2], $0x200, $0x38;
	[tilespmem:$0x1D000] =	vst v63  }
0x1e: {  	s17 =	simm.s32 $0x1800;
	s11 =	sadd.s32 s4, s11  }
0x1f: {  	[tilespmem:s17], [sflag:$0x1] =	stream.linear.gather [hbm4b:s11+s2], $0x800, $0x38;
	[tilespmem:$0x1D000] =	vst v63  }
0x20: {  	_ =	swait.ge [sflag:s10], $0x200  }
0x21: {  	[sflag:s10] =	ssyncset.done $0x0  }
0x22: {  	[sflag:s10] =	ssyncadd.s32 $0xFFFFFE00  }
0x23: {  	_ =	swait.ge [sflag:s10], $0x200  }
0x24: {  	[sflag:s10] =	ssyncset.done $0x0  }
0x25: {  	[sflag:s10] =	ssyncadd.s32 $0xFFFFFE00  }
0x26: {  	_ =	swait.ge [sflag:s10], $0x800  }
0x27: {  	[sflag:s10] =	ssyncset.done $0x0  }
0x28: {  	s18 =	simm.s32 $0xB000;
	[sflag:s10] =	ssyncadd.s32 $0xFFFFF800  }
0x29: {  	[tilespmem:s18], [sflag:$0x3] =	stream.indirect.gather [hbm4b:s4+s6], $0x40, s15, s6, $0xb8;
	[tilespmem:$0x1D000] =	vst v63  }
0x2a: {  	s19 =	simm.s32 $0x280;
	s20 =	simm.s32 $0xD000  }
0x2b: {  	[tilespmem:s20], [sflag:$0x3] =	stream.indirect.gather [hbm4b:s4+s6], $0x40, s19, s6, $0xb8;
	[tilespmem:$0x1D000] =	vst v63  }
0x2c: {  	s22 =	simm.s32 $0x300;
	s23 =	simm.s32 $0xF000;
	s21 =	sadd.s32 $0x40, s8  }
0x2d: {  	[tilespmem:s23], [sflag:$0x3] =	stream.indirect.gather [hbm4b:s4+s6], $0x40, s22, s6, $0xb8;
	[tilespmem:$0x1D000] =	vst v63  }
0x2e: {  	s25 =	simm.s32 $0x380;
	s26 =	simm.s32 $0x11000;
	s24 =	sshll.u32 s21, $0x1  }
0x2f: {  	[tilespmem:s26], [sflag:$0x3] =	stream.indirect.gather [hbm4b:s4+s6], $0x40, s25, s6, $0xb8;
	[tilespmem:$0x1D000] =	vst v63  }
0x30: {  	s28 =	sadd.s32 s3, s24;
	s29 =	simm.s32 $0x400  }
0x31: {  	[tilespmem:s29], [sflag:$0x1] =	stream.linear.gather [hbm4b:s28+s2], $0x200, $0x38;
	[tilespmem:$0x1D000] =	vst v63  }
0x32: {  	s30 =	simm.s32 $0xC00;
	s11 =	sadd.s32 s5, s24;
	s10 =	sshll.u32 s21, $0x3  }
0x33: {  	[tilespmem:s30], [sflag:$0x1] =	stream.linear.gather [hbm4b:s11+s2], $0x200, $0x38;
	[tilespmem:$0x1D000] =	vst v63  }
0x34: {  	p0 =	por $0x0, $0x0;
	s31 =	simm.s32 $0x2000;
	s10 =	sadd.s32 s4, s10  }
0x35: {  	[tilespmem:s31], [sflag:$0x1] =	stream.linear.gather [hbm4b:s10+s2], $0x800, $0x38;
	[tilespmem:$0x1D000] =	vst v63  }
0x36: {  	s9 =	sadd.s32 $0x157600, s9;
	s11 =	simm.s32 $0x0;
	s10 =	simm.s32 $0x3  }
.LBB2_1:
0x37: {  	p2 =	sgt.u32 s11, $0x5F  }
0x38: {  	s13 =	simm.s32 @!p2 $0x1  }
0x39: {  	_ =	swait.ge @!p2 [sflag:s13], $0x200  }
0x3a: {  	[sflag:s13] =	ssyncset.done @!p2 $0x0  }
0x3b: {  	[sflag:s13] =	ssyncadd.s32 @!p2 $0xFFFFFE00  }
0x3c: {  	_ =	swait.ge @!p2 [sflag:s13], $0x200  }
0x3d: {  	[sflag:s13] =	ssyncset.done @!p2 $0x0  }
0x3e: {  	[sflag:s13] =	ssyncadd.s32 @!p2 $0xFFFFFE00  }
0x3f: {  	s12 =	sand.u32 $0x1, s11;
	_ =	swait.ge @!p2 [sflag:s13], $0x800  }
0x40: {  	p1 =	seq.s32 s12, $0x1;
	[sflag:s13] =	ssyncset.done @!p2 $0x0  }
0x41: {  	[sflag:s13] =	ssyncadd.s32 @!p2 $0xFFFFF800;
	s13 =	simm.s32 @!p1 $0x2  }
0x42: {  	p3 =	sgt.u32 @!p1 s11, $0x5F;
	_ =	swait.ge @!p1 [sflag:s13], $0x2000  }
0x43: {  	p3 =	por p3, p1;
	[sflag:s13] =	ssyncset.done @!p1 $0x0  }
0x44: {  	s14 =	sadd.s32 @!p3 $0x2, s11;
	[sflag:s13] =	ssyncadd.s32 @!p1 $0xFFFFE000  }
0x45: {  	s15 =	smul.u32 @!p3 $0xAB, s14;
	_ =	swait.ge @!p1 [sflag:s13], $0x2000  }
0x46: {  	[sflag:s13] =	ssyncset.done @!p1 $0x0  }
0x47: {  	s15 =	sshrl.u32 @!p3 s15, $0x9;
	[sflag:s13] =	ssyncadd.s32 @!p1 $0xFFFFE000  }
0x48: {  	s15 =	sand.u32 @!p3 $0x7F, s15;
	_ =	swait.ge @!p1 [sflag:s13], $0x2000  }
0x49: {  	s15 =	smul.u32 @!p3 $0x3, s15;
	[sflag:s13] =	ssyncset.done @!p1 $0x0  }
0x4a: {  	[sflag:s13] =	ssyncadd.s32 @!p1 $0xFFFFE000  }
0x4b: {  	s15 =	ssub.s32 @!p3 s14, s15;
	_ =	swait.ge @!p1 [sflag:s13], $0x2000  }
0x4c: {  	s15 =	sand.u32 @!p3 $0xFF, s15;
	[sflag:s13] =	ssyncset.done @!p1 $0x0  }
0x4d: {  	[sflag:s13] =	ssyncadd.s32 @!p1 $0xFFFFE000;
	s13 =	sshll.u32 @!p3 s14, $0x9;
	s14 =	sshll.u32 @!p3 s15, $0xF  }
0x4e: {  	s16 =	simm.s32 @!p3 $0x80;
	s13 =	sand.u32 @!p3 $0x400, s13;
	s15 =	sor.u32 @!p3 $0x3000, s14  }
0x4f: {  	[tilespmem:s15], [sflag:$0x2] =	stream.indirect.gather @!p3 [hbm4b:s4+s16], $0x40, s13, s16, $0xb8;
	[tilespmem:$0x1D000] =	vst v63  }
0x50: {  	s15 =	sor.u32 @!p3 $0x5000, s14;
	s17 =	sor.u32 @!p3 $0x80, s13  }
0x51: {  	[tilespmem:s15], [sflag:$0x2] =	stream.indirect.gather @!p3 [hbm4b:s4+s16], $0x40, s17, s16, $0xb8;
	[tilespmem:$0x1D000] =	vst v63  }
0x52: {  	s15 =	sor.u32 @!p3 $0x7000, s14;
	s17 =	sor.u32 @!p3 $0x100, s13  }
0x53: {  	[tilespmem:s15], [sflag:$0x2] =	stream.indirect.gather @!p3 [hbm4b:s4+s16], $0x40, s17, s16, $0xb8;
	[tilespmem:$0x1D000] =	vst v63  }
0x54: {  	s14 =	sadd.s32 @!p3 $0x9000, s14;
	s13 =	sor.u32 @!p3 $0x180, s13  }
0x55: {  	[tilespmem:s14], [sflag:$0x2] =	stream.indirect.gather @!p3 [hbm4b:s4+s16], $0x40, s13, s16, $0xb8;
	[tilespmem:$0x1D000] =	vst v63  }
0x56: {  	p3 =	seq.s32 s12, $0x0  }
.Ltmp0:
0x57: {  	_ = 	snop;
	(pc) =	sbr.rel @p3 .LBB2_4-.Ltmp0, $1  }
0x58: {  	_ =	sdelay $0x3  }
0x59: {  	_ =	swait.ge [sflag:s10], $0x2000  }
0x5a: {  	[sflag:s10] =	ssyncset.done $0x0  }
0x5b: {  	[sflag:s10] =	ssyncadd.s32 $0xFFFFE000  }
0x5c: {  	_ =	swait.ge [sflag:s10], $0x2000  }
0x5d: {  	[sflag:s10] =	ssyncset.done $0x0  }
0x5e: {  	[sflag:s10] =	ssyncadd.s32 $0xFFFFE000  }
0x5f: {  	_ =	swait.ge [sflag:s10], $0x2000  }
.Ltmp1:
0x60: {  	[sflag:s10] =	ssyncset.done $0x0;
	(pc) =	sbr.rel @p2 .LBB2_5-.Ltmp1, $4  }
0x61: {  	[sflag:s10] =	ssyncadd.s32 $0xFFFFE000  }
0x62: {  	_ =	swait.ge [sflag:s10], $0x2000  }
0x63: {  	[sflag:s10] =	ssyncset.done $0x0  }
0x64: {  	[sflag:s10] =	ssyncadd.s32 $0xFFFFE000  }
0x65: {  	s13 =	sadd.s32 $0x2, s11  }
0x66: {  	s14 =	smul.u32 $0xAB, s13;
	_ =	sdelay $0x1  }
0x67: {  	s14 =	sshrl.u32 s14, $0x9  }
0x68: {  	s14 =	sand.u32 $0x7F, s14  }
0x69: {  	s14 =	smul.u32 $0x3, s14;
	_ =	sdelay $0x1  }
0x6a: {  	s14 =	ssub.s32 s13, s14  }
0x6b: {  	s14 =	sand.u32 $0xFF, s14  }
0x6c: {  	s13 =	sshll.u32 s13, $0x9;
	s14 =	sshll.u32 s14, $0xF  }
0x6d: {  	s13 =	sand.u32 $0x600, s13;
	s15 =	sor.u32 $0x3000, s14  }
0x6e: {  	[tilespmem:s15], [sflag:$0x3] =	stream.indirect.gather [hbm4b:s4+s6], $0x40, s13, s6, $0xb8;
	[tilespmem:$0x1D000] =	vst v63  }
0x6f: {  	s16 =	sor.u32 $0x80, s13;
	s29 =	sor.u32 $0x5000, s14  }
0x70: {  	[tilespmem:s29], [sflag:$0x3] =	stream.indirect.gather [hbm4b:s4+s6], $0x40, s16, s6, $0xb8;
	[tilespmem:$0x1D000] =	vst v63  }
0x71: {  	s31 =	sor.u32 $0x100, s13;
	s30 =	sor.u32 $0x7000, s14  }
0x72: {  	[tilespmem:s30], [sflag:$0x3] =	stream.indirect.gather [hbm4b:s4+s6], $0x40, s31, s6, $0xb8;
	[tilespmem:$0x1D000] =	vst v63  }
0x73: {  	s14 =	sadd.s32 $0x9000, s14;
	s13 =	sor.u32 $0x180, s13  }
0x74: {  	[tilespmem:s14], [sflag:$0x3] =	stream.indirect.gather [hbm4b:s4+s6], $0x40, s13, s6, $0xb8;
	[tilespmem:$0x1D000] =	vst v63  }
.LBB2_4:
0x75: {  	p2 =	sgt.u32 s11, $0x5E  }
0x76: {  	s13 =	sadd.s32 @!p2 $0x3, s11  }
0x77: {  	s14 =	sshll.u32 @!p2 s13, $0x5  }
0x78: {  	s14 =	sadd.s32 @!p2 s8, s14  }
0x79: {  	s14 =	smin.u32 @!p2 s14, $0xC330  }
0x7a: {  	s18 =	simm.s32 @!p2 $0x0;
	s13 =	sand.u32 @!p2 $0x3, s13;
	s15 =	sshll.u32 @!p2 s14, $0x1  }
0x7b: {  	s16 =	sshll.u32 @!p2 s13, $0x9;
	s13 =	sshll.u32 @!p2 s13, $0xB;
	s17 =	sadd.s32 @!p2 s3, s15  }
0x7c: {  	[tilespmem:s16], [sflag:$0x1] =	stream.linear.gather @!p2 [hbm4b:s17+s18], $0x200, $0x38;
	[tilespmem:$0x1D000] =	vst v63  }
0x7d: {  	s14 =	sshll.u32 @!p2 s14, $0x3;
	s15 =	sadd.s32 @!p2 s5, s15;
	s16 =	sor.u32 @!p2 $0x800, s16  }
0x7e: {  	[tilespmem:s16], [sflag:$0x1] =	stream.linear.gather @!p2 [hbm4b:s15+s18], $0x200, $0x38;
	[tilespmem:$0x1D000] =	vst v63  }
0x7f: {  	s13 =	sadd.s32 @!p2 $0x1000, s13;
	s14 =	sadd.s32 @!p2 s4, s14  }
0x80: {  	[tilespmem:s13], [sflag:$0x1] =	stream.linear.gather @!p2 [hbm4b:s14+s18], $0x800, $0x38;
	[tilespmem:$0x1D000] =	vst v63  }
.LBB2_5:
0x81: {  	p2 =	slt.u32 s11, $0x2  }
0x82: {  	p3 =	sne.s32 @!p2 s12, $0x0  }
0x83: {  	p3 =	por p3, p2  }
0x84: {  	s13 =	smulhi.u32 $0xAAAAAAAB, s11;
	s14 =	simm.s32 @!p3 $0x4  }
0x85: {  	p4 =	por !p1, !p1;
	s29 =	sshll.u32 s2, $0xB;
	_ =	swait.ge @!p3 [sflag:s14], $0x1000  }
0x86: {  	s13 =	sshrl.u32 s13, $0x1;
	p2 =	por p2, p4;
	[sflag:s14] =	ssyncset.done @!p3 $0x0  }
0x87: {  	s15 =	smul.u32 $0xFFFA0000, s13;
	[sflag:s14] =	ssyncadd.s32 @!p3 $0xFFFFF000;
	s14 =	simm.s32 @!p2 $0x5  }
0x88: {  	s13 =	sand.u32 $0x1800, s29;
	_ =	swait.ge @!p2 [sflag:s14], $0x1000  }
0x89: {  	s16 =	sshrl.u32 s13, $0x2;
	s15 =	sshra.s32 s15, $0x2;
	[sflag:s14] =	ssyncset.done @!p2 $0x0  }
0x8a: {  	s30 =	sor.u32 $0x800, s16;
	s17 =	sadd.s32 s15, s7;
	[sflag:s14] =	ssyncadd.s32 @!p2 $0xFFFFF000  }
0x8b: {  	v0 =	vmov s17;
	v1 =	vld [tilespmem:s30+$0x0];
	_ =	sdelay $0x3  }
0x8c: {  	s31 =	simm.s32 $0x0  }
0x8d: {  	v9 =	vld.idx.msk [tilespmem:v0+s31+$0x260 ss:$0x1], $0xffff;
	v1 =	vmul.f32 $-1.000000000e+01, v1  }
0x8e: {  	v4 =	vld.idx.msk [tilespmem:v0+s31+$0x30 ss:$0x1], $0xffff  }
0x8f: {  	v2 =	vld.idx.msk [tilespmem:v0+s31+$0x0 ss:$0x1], $0xffff;
	v1 =	vmul.f32 $1.442695020e+00, v1  }
0x90: {  	v16 =	vld.idx.msk [tilespmem:v0+s31+$0x120 ss:$0x1], $0xffff  }
0x91: {  	v8 =	vld.idx.msk [tilespmem:v0+s31+$0x60 ss:$0x1], $0xffff;
	(erf) = vpow2.f32 v1  }
0x92: {  	v5 =	vld.idx.msk [tilespmem:v0+s31+$0x100 ss:$0x1], $0xffff  }
0x93: {  	v17 =	vld.idx.msk [tilespmem:v0+s31+$0x220 ss:$0x1], $0xffff  }
0x94: {  	v18 =	vld.idx.msk [tilespmem:v0+s31+$0xA0 ss:$0x1], $0xffff  }
0x95: {  	v6 =	vld.idx.msk [tilespmem:v0+s31+$0xE0 ss:$0x1], $0xffff  }
0x96: {  	v10 =	vld.idx.msk [tilespmem:v0+s31+$0x20 ss:$0x1], $0xffff  }
0x97: {  	v11 =	vld.idx.msk [tilespmem:v0+s31+$0x90 ss:$0x1], $0xffff  }
0x98: {  	v12 =	vld.idx.msk [tilespmem:v0+s31+$0x130 ss:$0x1], $0xffff  }
0x99: {  	v19 =	vld.idx.msk [tilespmem:v0+s31+$0x50 ss:$0x1], $0xffff  }
0x9a: {  	v13 =	vld.idx.msk [tilespmem:v0+s31+$0x10 ss:$0x1], $0xffff;
	v20 =	vpop (erf)  }
0x9b: {  	v15 =	vld.idx.msk [tilespmem:v0+s31+$0x40 ss:$0x1], $0xffff;
	v22 =	vbroadcast v20, $0x0  }
0x9c: {  	v21 =	vld.idx.msk [tilespmem:v0+s31+$0x3D0 ss:$0x1], $0xffff;
	v3 =	vbroadcast v20, $0x8;
	v14 =	vbroadcast v20, $0x3  }
0x9d: {  	v23 =	vld.idx.msk [tilespmem:v0+s31+$0x80 ss:$0x1], $0xffff;
	v7 =	vbroadcast v20, $0x6;
	v27 =	vbroadcast v20, $0x4  }
0x9e: {  	v24 =	vld.idx.msk [tilespmem:v0+s31+$0x1A0 ss:$0x1], $0xffff;
	v1 =	vbroadcast v20, $0xF;
	v33 =	vbroadcast v20, $0x2  }
0x9f: {  	v26 =	vld.idx.msk [tilespmem:v0+s31+$0xC0 ss:$0x1], $0xffff;
	v34 =	vbroadcast v20, $0x1;
	v25 =	vmul.f32 v22, v2  }
0xa0: {  	v28 =	vld.idx.msk [tilespmem:v0+s31+$0x190 ss:$0x1], $0xffff;
	v2 =	vbroadcast v20, $0xA;
	v29 =	vmul.f32 v22, v13  }
0xa1: {  	v31 =	vld.idx.msk [tilespmem:v0+s31+$0x150 ss:$0x1], $0xffff;
	v30 =	vmul.f32 v6, v14;
	v32 =	vmul.f32 v22, v4  }
0xa2: {  	v35 =	vld.idx.msk [tilespmem:v0+s31+$0x180 ss:$0x1], $0xffff;
	v6 =	vmul.f32 v21, v1;
	v22 =	vmul.f32 v22, v10  }
0xa3: {  	v37 =	vld.idx.msk [tilespmem:v0+s31+$0x1C0 ss:$0x1], $0xffff;
	v13 =	vmul.f32 v12, v27;
	v12 =	vbroadcast v20, $0x5  }
0xa4: {  	v39 =	vld.idx.msk [tilespmem:v0+s31+$0x200 ss:$0x1], $0xffff;
	v26 =	vmul.f32 v26, v14;
	v23 =	vmul.f32 v23, v33  }
0xa5: {  	v42 =	vld.idx.msk [tilespmem:v0+s31+$0x240 ss:$0x1], $0xffff;
	v36 =	vmul.f32 v5, v27;
	v4 =	vbroadcast v20, $0xB  }
0xa6: {  	v45 =	vld.idx.msk [tilespmem:v0+s31+$0x1D0 ss:$0x1], $0xffff;
	v40 =	vmul.f32 v11, v33;
	v5 =	vbroadcast v20, $0xD  }
0xa7: {  	v49 =	vld.idx.msk [tilespmem:v0+s31+$0x210 ss:$0x1], $0xffff;
	v43 =	vmul.f32 v15, v34;
	v11 =	vbroadcast v20, $0x7  }
0xa8: {  	v47 =	vld.idx.msk [tilespmem:v0+s31+$0x280 ss:$0x1], $0xffff;
	v19 =	vmul.f32 v19, v34;
	v35 =	vmul.f32 v35, v7  }
0xa9: {  	v48 =	vld.idx.msk [tilespmem:v0+s31+$0x300 ss:$0x1], $0xffff;
	v24 =	vmul.f32 v24, v7;
	v39 =	vmul.f32 v39, v3  }
0xaa: {  	v52 =	vld.idx.msk [tilespmem:v0+s31+$0x310 ss:$0x1], $0xffff;
	v28 =	vmul.f32 v28, v7;
	v51 =	vmul.f32 v8, v34  }
0xab: {  	v54 =	vld.idx.msk [tilespmem:v0+s31+$0x340 ss:$0x1], $0xffff;
	v8 =	vbroadcast v20, $0xC;
	v17 =	vmul.f32 v17, v3  }
0xac: {  	v50 =	vld.idx.msk [tilespmem:v0+s31+$0x110 ss:$0x1], $0xffff;
	v49 =	vmul.f32 v49, v3;
	v38 =	vadd.f32 $0.0e+00, v25;
	v41 =	vadd.f32 $0.0e+00, v29  }
0xad: {  	v57 =	vld.idx.msk [tilespmem:v0+s31+$0x2C0 ss:$0x1], $0xffff;
	v18 =	vmul.f32 v18, v33;
	v15 =	vadd.f32 $0.0e+00, v32;
	v46 =	vadd.f32 $0.0e+00, v22  }
0xae: {  	v10 =	vld.idx.msk [tilespmem:v0+s31+$0x140 ss:$0x1], $0xffff;
	v37 =	vmul.f32 v37, v11;
	v29 =	vmax.f32 v29, v19;
	v45 =	vmul.f32 v45, v11  }
0xaf: {  	v21 =	vld.idx.msk [tilespmem:v0+s31+$0xD0 ss:$0x1], $0xffff;
	v25 =	vmax.f32 v25, v43;
	v48 =	vmul.f32 v48, v8;
	v31 =	vmul.f32 v31, v12  }
0xb0: {  	v58 =	vld.idx.msk [tilespmem:v0+s31+$0x290 ss:$0x1], $0xffff;
	v22 =	vmax.f32 v22, v51;
	v52 =	vmul.f32 v52, v8;
	v54 =	vmul.f32 v54, v5  }
0xb1: {  	v62 =	vld.idx.msk [tilespmem:v0+s31+$0x160 ss:$0x1], $0xffff;
	v25 =	vmax.f32 v25, v23;
	v29 =	vmax.f32 v29, v40;
	v22 =	vmax.f32 v22, v18  }
0xb2: {  	v63 =	vld.idx.msk [tilespmem:v0+s31+$0x250 ss:$0x1], $0xffff;
	v38 =	vadd.f32 v43, v38;
	v19 =	vadd.f32 v19, v41;
	v41 =	vmul.f32 v47, v2  }
0xb3: {  	v61 =	vld.idx.msk [tilespmem:v0+s31+$0x3A0 ss:$0x1], $0xffff;
	v25 =	vmax.f32 v25, v26;
	v46 =	vadd.f32 v51, v46;
	v44 =	vmul.f32 v10, v12  }
0xb4: {  	v59 =	vld.idx.msk [tilespmem:v0+s31+$0x380 ss:$0x1], $0xffff;
	v22 =	vmax.f32 v22, v30;
	v21 =	vmul.f32 v21, v14;
	v10 =	vbroadcast v20, $0x9  }
0xb5: {  	v60 =	vld.idx.msk [tilespmem:v0+s31+$0x350 ss:$0x1], $0xffff;
	v20 =	vbroadcast v20, $0xE;
	v23 =	vadd.f32 v23, v38;
	v38 =	vmul.f32 v57, v4  }
0xb6: {  	v55 =	vld.idx.msk [tilespmem:v0+s31+$0x390 ss:$0x1], $0xffff;
	v19 =	vadd.f32 v40, v19;
	v40 =	vmul.f32 v58, v2;
	v57 =	vmul.f32 v62, v12  }
0xb7: {  	v56 =	vld.idx.msk [tilespmem:v0+s31+$0xB0 ss:$0x1], $0xffff;
	v25 =	vmax.f32 v25, v36;
	v42 =	vmul.f32 v42, v10;
	v53 =	vmul.f32 v9, v10  }
0xb8: {  	v18 =	vadd.f32 v18, v46;
	v62 =	vld.idx.msk [tilespmem:v0+s31+$0x320 ss:$0x1], $0xffff;
	v43 =	vmul.f32 v63, v10;
	v51 =	vmul.f32 v61, v20  }
0xb9: {  	v9 =	vld.idx.msk [tilespmem:v0+s31+$0x2D0 ss:$0x1], $0xffff;
	v25 =	vmax.f32 v25, v44;
	v23 =	vadd.f32 v26, v23;
	v26 =	vmul.f32 v16, v27  }
0xba: {  	v61 =	vld.idx.msk [tilespmem:v0+s31+$0x2E0 ss:$0x1], $0xffff;
	v19 =	vadd.f32 v21, v19;
	v27 =	vmul.f32 v50, v27;
	v18 =	vadd.f32 v30, v18  }
0xbb: {  	v16 =	vld.idx.msk [tilespmem:v0+s31+$0x3B0 ss:$0x1], $0xffff;
	v21 =	vmax.f32 v29, v21;
	v30 =	vmul.f32 v59, v20;
	v23 =	vadd.f32 v36, v23  }
0xbc: {  	v29 =	vld.idx.msk [tilespmem:v0+s31+$0x3C0 ss:$0x1], $0xffff;
	v19 =	vadd.f32 v27, v19;
	v18 =	vadd.f32 v26, v18;
	v22 =	vmax.f32 v22, v26  }
0xbd: {  	v63 =	vld.idx.msk [tilespmem:v0+s31+$0x70 ss:$0x1], $0xffff;
	v21 =	vmax.f32 v21, v27;
	v27 =	vmul.f32 v55, v20;
	v22 =	vmax.f32 v22, v57  }
0xbe: {  	v47 =	vmul.f32 v62, v8;
	v46 =	vmul.f32 v9, v4;
	v23 =	vadd.f32 v44, v23  }
0xbf: {  	v19 =	vadd.f32 v31, v19;
	v18 =	vadd.f32 v57, v18;
	v36 =	vmul.f32 v61, v4  }
0xc0: {  	v26 =	vld.idx.msk [tilespmem:v0+s31+$0xF0 ss:$0x1], $0xffff;
	v22 =	vmax.f32 v22, v24;
	v9 =	vmul.f32 v16, v20;
	v16 =	vmul.f32 v60, v5  }
0xc1: {  	v29 =	vmul.f32 v29, v1;
	v20 =	vmax.f32 v21, v31;
	v21 =	vmax.f32 v25, v35  }
0xc2: {  	v25 =	vmul.f32 v63, v34;
	v31 =	vmul.f32 v56, v33;
	v23 =	vadd.f32 v35, v23  }
0xc3: {  	v19 =	vadd.f32 v28, v19;
	v21 =	vmax.f32 v21, v37;
	v20 =	vmax.f32 v20, v28  }
0xc4: {  	v44 =	vld.idx.msk [tilespmem:v0+s31+$0x170 ss:$0x1], $0xffff;
	v18 =	vadd.f32 v24, v18;
	v21 =	vmax.f32 v21, v39;
	v32 =	vmax.f32 v32, v25  }
0xc5: {  	v60 =	vld.idx.msk [tilespmem:v0+s31+$0x2A0 ss:$0x1], $0xffff;
	v26 =	vmul.f32 v26, v14;
	v58 =	vmax.f32 v20, v45;
	v15 =	vadd.f32 v25, v15  }
0xc6: {  	v28 =	vld.idx.msk [tilespmem:v0+s31+$0x1E0 ss:$0x1], $0xffff;
	v23 =	vadd.f32 v37, v23;
	v19 =	vadd.f32 v45, v19;
	v32 =	vmax.f32 v32, v31  }
0xc7: {  	v34 =	vmax.f32 v58, v49;
	v21 =	vmax.f32 v21, v42;
	v32 =	vmax.f32 v32, v26  }
0xc8: {  	v25 =	vld.idx.msk [tilespmem:v0+s31+$0x270 ss:$0x1], $0xffff;
	v34 =	vmax.f32 v34, v43;
	v21 =	vmax.f32 v21, v41;
	v15 =	vadd.f32 v31, v15  }
0xc9: {  	v12 =	vmul.f32 v44, v12;
	v23 =	vadd.f32 v39, v23;
	v19 =	vadd.f32 v49, v19  }
0xca: {  	v45 =	vld.idx.msk [tilespmem:v0+s31+$0x230 ss:$0x1], $0xffff;
	v32 =	vmax.f32 v32, v13;
	v33 =	vmul.f32 v60, v2;
	v21 =	vmax.f32 v21, v38  }
0xcb: {  	v31 =	vld.idx.msk [tilespmem:v0+s31+$0x3E0 ss:$0x1], $0xffff;
	v24 =	vmul.f32 v28, v11;
	v21 =	vmax.f32 v21, v48;
	v23 =	vadd.f32 v42, v23  }
0xcc: {  	v59 =	vld.idx.msk [tilespmem:v0+s31+$0x330 ss:$0x1], $0xffff;
	v15 =	vadd.f32 v26, v15;
	v26 =	vmax.f32 v34, v40;
	v19 =	vadd.f32 v43, v19  }
0xcd: {  	s19 =	simm.s32 $0x400;
	v49 =	vld.idx.msk [tilespmem:v0+s31+$0x1B0 ss:$0x1], $0xffff;
	v21 =	vmax.f32 v21, v54;
	v10 =	vmul.f32 v25, v10;
	v23 =	vadd.f32 v41, v23  }
0xce: {  	v50 =	vld.idx.msk [tilespmem:v0+s19+$0x0 ss:$0x1], $0xffff;
	v18 =	vadd.f32 v24, v18;
	v22 =	vmax.f32 v22, v24;
	v13 =	vadd.f32 v13, v15  }
0xcf: {  	v55 =	vld.idx.msk [tilespmem:v0+s19+$0x80 ss:$0x1], $0xffff;
	v3 =	vmul.f32 v45, v3;
	v19 =	vadd.f32 v40, v19;
	v23 =	vadd.f32 v38, v23  }
0xd0: {  	s18 =	sadd.s32 $0x10, s30;
	v62 =	vld.idx.msk [tilespmem:v0+s19+$0x1D0 ss:$0x1], $0xffff;
	v22 =	vmax.f32 v22, v17;
	v31 =	vmul.f32 v31, v1;
	v17 =	vadd.f32 v17, v18  }
0xd1: {  	v18 =	vmax.f32 v22, v53;
	v13 =	vadd.f32 v12, v13;
	v23 =	vadd.f32 v48, v23;
	v48 =	vld [tilespmem:s18+$0x0]  }
0xd2: {  	v22 =	vld.idx.msk [tilespmem:v0+s31+$0x360 ss:$0x1], $0xffff;
	v7 =	vmul.f32 v49, v7;
	v12 =	vmax.f32 v32, v12;
	v17 =	vadd.f32 v53, v17  }
0xd3: {  	s13 =	sadd.s32 $0x1020, s13;
	v61 =	vld.idx.msk [tilespmem:v0+s19+$0x200 ss:$0x1], $0xffff;
	v19 =	vadd.f32 v46, v19;
	v18 =	vmax.f32 v18, v33;
	v23 =	vadd.f32 v54, v23  }
0xd4: {  	v63 =	vld [tilespmem:s13+$0xFFFFFFE0];
	v15 =	vmax.f32 v18, v36;
	v13 =	vadd.f32 v7, v13;
	v17 =	vadd.f32 v33, v17  }
0xd5: {  	v56 =	vld.idx.msk [tilespmem:v0+s19+$0xC0 ss:$0x1], $0xffff;
	v18 =	vmax.f32 v21, v30;
	v19 =	vadd.f32 v52, v19;
	v23 =	vadd.f32 v30, v23  }
0xd6: {  	v35 =	vld.idx.msk [tilespmem:v0+s19+$0x1A0 ss:$0x1], $0xffff;
	v15 =	vmax.f32 v15, v47;
	v17 =	vadd.f32 v36, v17;
	v37 =	vmul.f32 $-1.000000000e+01, v48  }
0xd7: {  	v21 =	vmul.f32 v22, v5;
	v22 =	vld.idx.msk [tilespmem:v0+s31+$0x1F0 ss:$0x1], $0xffff;
	v30 =	vadd.f32 v16, v19;
	v23 =	vadd.f32 v29, v23  }
0xd8: {  	s14 =	simm.s32 $0x1;
	v14 =	vld.idx.msk [tilespmem:v0+s31+$0x3F0 ss:$0x1], $0xffff;
	v19 =	vmax.f32 v18, v29;
	v17 =	vadd.f32 v47, v17;
	v37 =	vmul.f32 $1.442695020e+00, v37  }
0xd9: {  	s14 =	simm.s32 @!p0 $0x0;
	v28 =	vld.idx.msk [tilespmem:v0+s31+$0x2F0 ss:$0x1], $0xffff;
	v15 =	vmax.f32 v15, v21;
	v29 =	vsub.f32 v19, v63;
	v23 =	vmul.f32 $6.250000000e-02, v23  }
0xda: {  	s14 =	sshll.u32 s14, $0xC;
	v20 =	vld.idx.msk [tilespmem:v0+s31+$0x370 ss:$0x1], $0xffff;
	v17 =	vadd.f32 v21, v17;
	v21 =	vmax.f32 v26, v46;
	(erf) = vpow2.f32 v37  }
0xdb: {  	s14 =	sadd.s32 $0x1B040, s14;
	v24 =	vld.idx.msk [tilespmem:v0+s31+$0x2B0 ss:$0x1], $0xffff;
	v30 =	vadd.f32 v27, v30;
	v21 =	vmax.f32 v21, v52;
	v23 =	vsub.f32 v23, v63  }
0xdc: {  	v7 =	vmax.f32 v12, v7;
	v11 =	vmul.f32 v22, v11;
	[tilespmem:s14+$0x0] =	vst v29;
	v16 =	vmax.f32 v21, v16  }
0xdd: {  	v22 =	vadd.f32 v6, v30;
	v17 =	vadd.f32 v51, v17;
	v12 =	vmax.f32 v16, v27;
	[tilespmem:s14+$0xFFFFFFC0] =	vst v23  }
0xde: {  	v4 =	vmul.f32 v28, v4;
	v6 =	vmax.f32 v12, v6;
	v12 =	vadd.f32 v11, v13;
	v21 =	vld [tilespmem:s13+$0xFFFFFFF0]  }
0xdf: {  	v44 =	vld.idx.msk [tilespmem:v0+s19+$0x150 ss:$0x1], $0xffff;
	v7 =	vmax.f32 v7, v11;
	v22 =	vmul.f32 $6.250000000e-02, v22;
	v17 =	vadd.f32 v31, v17  }
0xe0: {  	v39 =	vld.idx.msk [tilespmem:v0+s19+$0x60 ss:$0x1], $0xffff;
	v2 =	vmul.f32 v24, v2;
	v7 =	vmax.f32 v7, v3;
	v3 =	vadd.f32 v3, v12  }
0xe1: {  	v28 =	vmul.f32 v14, v1;
	v38 =	vld.idx.msk [tilespmem:v0+s19+$0x190 ss:$0x1], $0xffff;
	v7 =	vmax.f32 v7, v10;
	v16 =	vmul.f32 $6.250000000e-02, v17  }
0xe2: {  	v26 =	vld.idx.msk [tilespmem:v0+s19+$0x30 ss:$0x1], $0xffff;
	v3 =	vadd.f32 v10, v3;
	v10 =	vmul.f32 v20, v5;
	v5 =	vmax.f32 v7, v2  }
0xe3: {  	v13 =	vld.idx.msk [tilespmem:v0+s19+$0x20 ss:$0x1], $0xffff;
	v7 =	vmul.f32 v59, v8;
	v1 =	vmax.f32 v5, v4;
	v17 =	vsub.f32 v22, v21;
	v22 =	vpop (erf)  }
0xe4: {  	v23 =	vld.idx.msk [tilespmem:v0+s19+$0xE0 ss:$0x1], $0xffff;
	v24 =	vadd.f32 v2, v3;
	v14 =	vbroadcast v22, $0x0;
	v3 =	vbroadcast v22, $0x8  }
0xe5: {  	v8 =	vld.idx.msk [tilespmem:v0+s19+$0x3D0 ss:$0x1], $0xffff;
	v25 =	vsub.f32 v6, v21;
	v21 =	vbroadcast v22, $0x3;
	v5 =	vbroadcast v22, $0x6  }
0xe6: {  	v11 =	vld.idx.msk [tilespmem:v0+s19+$0x130 ss:$0x1], $0xffff;
	v2 =	vbroadcast v22, $0xA;
	v37 =	vbroadcast v22, $0x4  }
0xe7: {  	v53 =	vld.idx.msk [tilespmem:v0+s19+$0x100 ss:$0x1], $0xffff;
	v27 =	vmax.f32 v1, v7;
	v1 =	vbroadcast v22, $0xF;
	v47 =	vbroadcast v22, $0x2  }
0xe8: {  	v54 =	vld.idx.msk [tilespmem:v0+s19+$0x90 ss:$0x1], $0xffff;
	v15 =	vmax.f32 v15, v51;
	v49 =	vbroadcast v22, $0x1;
	v33 =	vmul.f32 v14, v50  }
0xe9: {  	v20 =	vld.idx.msk [tilespmem:v0+s19+$0x40 ss:$0x1], $0xffff;
	v4 =	vadd.f32 v4, v24;
	v23 =	vmul.f32 v23, v21;
	v24 =	vmul.f32 v14, v26  }
0xea: {  	v15 =	vmax.f32 v15, v31;
	v12 =	vld.idx.msk [tilespmem:v0+s19+$0x50 ss:$0x1], $0xffff;
	v8 =	vmul.f32 v8, v1;
	v45 =	vmul.f32 v14, v13  }
0xeb: {  	v31 =	vld.idx.msk [tilespmem:v0+s19+$0xA0 ss:$0x1], $0xffff;
	v57 =	vmax.f32 v27, v10;
	v27 =	vmul.f32 v11, v37;
	v11 =	vbroadcast v22, $0x5  }
0xec: {  	v6 =	vld.idx.msk [tilespmem:v0+s19+$0x10 ss:$0x1], $0xffff;
	v36 =	vmul.f32 v56, v21;
	v34 =	vmul.f32 v55, v47  }
0xed: {  	v60 =	vld.idx.msk [tilespmem:v0+s19+$0x1C0 ss:$0x1], $0xffff;
	v4 =	vadd.f32 v7, v4;
	v40 =	vmul.f32 v53, v37;
	v7 =	vbroadcast v22, $0xB  }
0xee: {  	v18 =	vld.idx.msk [tilespmem:v0+s19+$0x260 ss:$0x1], $0xffff;
	v32 =	vmul.f32 v54, v47;
	v20 =	vmul.f32 v20, v49  }
0xef: {  	v48 =	vld.idx.msk [tilespmem:v0+s19+$0x110 ss:$0x1], $0xffff;
	v12 =	vmul.f32 v12, v49;
	v38 =	vmul.f32 v38, v5  }
0xf0: {  	v29 =	vld.idx.msk [tilespmem:v0+s19+$0x220 ss:$0x1], $0xffff;
	v39 =	vmul.f32 v39, v49;
	v31 =	vmul.f32 v31, v47  }
0xf1: {  	v26 =	vld.idx.msk [tilespmem:v0+s19+$0xD0 ss:$0x1], $0xffff;
	v58 =	vmul.f32 v14, v6;
	v59 =	vadd.f32 $0.0e+00, v33;
	v10 =	vadd.f32 v10, v4  }
0xf2: {  	v13 =	vld.idx.msk [tilespmem:v0+s19+$0x180 ss:$0x1], $0xffff;
	v30 =	vadd.f32 $0.0e+00, v24;
	v14 =	vmax.f32 v57, v9;
	v41 =	vadd.f32 $0.0e+00, v45  }
0xf3: {  	v56 =	vld.idx.msk [tilespmem:v0+s19+$0x210 ss:$0x1], $0xffff;
	v4 =	vbroadcast v22, $0xD;
	v45 =	vmax.f32 v45, v39;
	v46 =	vadd.f32 $0.0e+00, v58  }
0xf4: {  	v6 =	vld.idx.msk [tilespmem:v0+s19+$0x140 ss:$0x1], $0xffff;
	v44 =	vmul.f32 v44, v11;
	v9 =	vadd.f32 v9, v10;
	v43 =	vadd.f32 v20, v59  }
0xf5: {  	v19 =	vld.idx.msk [tilespmem:v0+s19+$0x120 ss:$0x1], $0xffff;
	v20 =	vmax.f32 v33, v20;
	v33 =	vmul.f32 v35, v5;
	v35 =	vmul.f32 v61, v3  }
0xf6: {  	v51 =	vld.idx.msk [tilespmem:v0+s19+$0x3A0 ss:$0x1], $0xffff;
	v42 =	vmax.f32 v58, v12;
	v59 =	vmul.f32 v29, v3;
	v26 =	vmul.f32 v26, v21  }
0xf7: {  	v10 =	vld.idx.msk [tilespmem:v0+s19+$0x240 ss:$0x1], $0xffff;
	v54 =	vmul.f32 v13, v5;
	v13 =	vbroadcast v22, $0x9;
	v20 =	vmax.f32 v20, v34  }
0xf8: {  	v63 =	vld.idx.msk [tilespmem:v0+s19+$0x300 ss:$0x1], $0xffff;
	v56 =	vmul.f32 v56, v3;
	v9 =	vadd.f32 v28, v9;
	v34 =	vadd.f32 v34, v43  }
0xf9: {  	v58 =	vld.idx.msk [tilespmem:v0+s19+$0x250 ss:$0x1], $0xffff;
	v12 =	vadd.f32 v12, v46;
	v52 =	vmul.f32 v6, v11;
	v6 =	vmax.f32 v14, v28  }
0xfa: {  	v29 =	vld.idx.msk [tilespmem:v0+s19+$0x310 ss:$0x1], $0xffff;
	v14 =	vbroadcast v22, $0x7;
	v34 =	vadd.f32 v36, v34;
	v36 =	vmax.f32 v20, v36  }
0xfb: {  	v61 =	vld.idx.msk [tilespmem:v0+s19+$0x2D0 ss:$0x1], $0xffff;
	v20 =	vadd.f32 v39, v41;
	v41 =	vmax.f32 v45, v31;
	v45 =	vbroadcast v22, $0xE  }
0xfc: {  	v43 =	vld.idx.msk [tilespmem:v0+s19+$0x2C0 ss:$0x1], $0xffff;
	v12 =	vadd.f32 v32, v12;
	v50 =	vmul.f32 v60, v14;
	v57 =	vmul.f32 v10, v13  }
0xfd: {  	v28 =	vld.idx.msk [tilespmem:v0+s19+$0x280 ss:$0x1], $0xffff;
	v32 =	vmax.f32 v42, v32;
	v10 =	vbroadcast v22, $0xC;
	v46 =	vmul.f32 v62, v14  }
0xfe: {  	v60 =	vmul.f32 v18, v13;
	v62 =	vld.idx.msk [tilespmem:v0+s19+$0x340 ss:$0x1], $0xffff;
	v58 =	vmul.f32 v58, v13;
	v36 =	vmax.f32 v36, v40  }
0xff: {  	v12 =	vadd.f32 v26, v12;
	v55 =	vmul.f32 v63, v10;
	v63 =	vmul.f32 v19, v37;
	v19 =	vld.idx.msk [tilespmem:v0+s19+$0x3B0 ss:$0x1], $0xffff  }
0x100: {  	v31 =	vadd.f32 v31, v20;
	v34 =	vadd.f32 v40, v34;
	v37 =	vmul.f32 v48, v37;
	v48 =	vld.idx.msk [tilespmem:v0+s19+$0x380 ss:$0x1], $0xffff  }
0x101: {  	v20 =	vmul.f32 v61, v7;
	v26 =	vmax.f32 v32, v26;
	v18 =	vmul.f32 v29, v10;
	v29 =	vld.idx.msk [tilespmem:v0+s19+$0x3C0 ss:$0x1], $0xffff  }
0x102: {  	v36 =	vmax.f32 v36, v52;
	v43 =	vmul.f32 v43, v7;
	v53 =	vmul.f32 v28, v2;
	v28 =	vld.idx.msk [tilespmem:v0+s19+$0x290 ss:$0x1], $0xffff  }
0x103: {  	v32 =	vld.idx.msk [tilespmem:v0+s19+$0x390 ss:$0x1], $0xffff;
	v36 =	vmax.f32 v36, v54;
	v31 =	vadd.f32 v23, v31;
	v22 =	vadd.f32 v52, v34  }
0x104: {  	v23 =	vmax.f32 v41, v23;
	v36 =	vmax.f32 v36, v50;
	v34 =	vadd.f32 v37, v12  }
0x105: {  	v26 =	vmax.f32 v26, v37;
	v61 =	vadd.f32 v54, v22;
	v41 =	vmul.f32 v48, v45;
	v48 =	vld.idx.msk [tilespmem:v0+s19+$0x160 ss:$0x1], $0xffff  }
0x106: {  	v42 =	vmul.f32 v62, v4;
	v34 =	vadd.f32 v44, v34;
	v40 =	vmul.f32 v29, v1;
	v29 =	vld.idx.msk [tilespmem:v0+s19+$0xB0 ss:$0x1], $0xffff  }
0x107: {  	v12 =	vmul.f32 v19, v45;
	v61 =	vadd.f32 v50, v61;
	v39 =	vmul.f32 v28, v2;
	v28 =	vld.idx.msk [tilespmem:v0+s19+$0x350 ss:$0x1], $0xffff  }
0x108: {  	v19 =	vmul.f32 v51, v45;
	v51 =	vmax.f32 v23, v63;
	v23 =	vmul.f32 v32, v45;
	v45 =	vld.idx.msk [tilespmem:v0+s19+$0xF0 ss:$0x1], $0xffff  }
0x109: {  	v26 =	vmax.f32 v26, v44;
	v50 =	vld.idx.msk [tilespmem:v0+s19+$0x2A0 ss:$0x1], $0xffff;
	v52 =	vadd.f32 v35, v61;
	v35 =	vmax.f32 v36, v35  }
0x10a: {  	v26 =	vmax.f32 v26, v38;
	v34 =	vadd.f32 v38, v34;
	v35 =	vmax.f32 v35, v57  }
0x10b: {  	v31 =	vadd.f32 v63, v31;
	v54 =	vld.idx.msk [tilespmem:v0+s19+$0x1E0 ss:$0x1], $0xffff;
	v26 =	vmax.f32 v26, v46;
	v35 =	vmax.f32 v35, v53  }
0x10c: {  	v61 =	vmul.f32 v29, v47;
	v29 =	vadd.f32 v46, v34;
	v22 =	vmul.f32 v28, v4;
	v28 =	vld.idx.msk [tilespmem:v0+s19+$0x70 ss:$0x1], $0xffff  }
0x10d: {  	v62 =	vmul.f32 v45, v21;
	v21 =	vmul.f32 v48, v11;
	v35 =	vmax.f32 v35, v43  }
0x10e: {  	[tilespmem:s14+$0xFFFFFFD0] =	vst v17;
	v36 =	vmul.f32 v50, v2;
	v35 =	vmax.f32 v35, v55;
	v29 =	vadd.f32 v56, v29  }
0x10f: {  	[tilespmem:s14+$0x10] =	vst v25;
	v31 =	vadd.f32 v21, v31;
	v48 =	vmax.f32 v51, v21;
	v51 =	vmax.f32 v26, v56  }
0x110: {  	v25 =	vld.idx.msk [tilespmem:v0+s19+$0x270 ss:$0x1], $0xffff;
	v35 =	vmax.f32 v35, v42;
	v44 =	vmax.f32 v48, v33;
	v29 =	vadd.f32 v58, v29  }
0x111: {  	v21 =	vld.idx.msk [tilespmem:v0+s19+$0x370 ss:$0x1], $0xffff;
	v31 =	vadd.f32 v33, v31;
	v38 =	vmul.f32 v28, v49;
	v49 =	vmul.f32 v54, v14  }
0x112: {  	v26 =	vld.idx.msk [tilespmem:v0+s19+$0x2F0 ss:$0x1], $0xffff;
	v45 =	vmax.f32 v51, v58;
	v28 =	vadd.f32 v57, v52;
	v52 =	vadd.f32 v39, v29  }
0x113: {  	v56 =	vld.idx.msk [tilespmem:v0+s19+$0x320 ss:$0x1], $0xffff;
	v35 =	vmax.f32 v35, v41;
	v34 =	vmax.f32 v45, v39;
	v31 =	vadd.f32 v49, v31  }
0x114: {  	v54 =	vld.idx.msk [tilespmem:v0+s19+$0x2E0 ss:$0x1], $0xffff;
	v63 =	vadd.f32 v53, v28;
	v33 =	vmax.f32 v44, v49;
	v44 =	vadd.f32 v20, v52  }
0x115: {  	v29 =	vld.idx.msk [tilespmem:v0+s19+$0x2B0 ss:$0x1], $0xffff;
	v17 =	vmax.f32 v24, v38;
	v30 =	vadd.f32 v38, v30;
	v31 =	vadd.f32 v59, v31  }
0x116: {  	v57 =	vld.idx.msk [tilespmem:v0+s19+$0x360 ss:$0x1], $0xffff;
	v24 =	vmax.f32 v17, v61;
	v33 =	vmax.f32 v33, v59;
	v32 =	vadd.f32 v43, v63  }
0x117: {  	v38 =	vld.idx.msk [tilespmem:v0+s19+$0x1B0 ss:$0x1], $0xffff;
	v24 =	vmax.f32 v24, v62;
	v30 =	vadd.f32 v61, v30;
	v31 =	vadd.f32 v60, v31  }
0x118: {  	v33 =	vmax.f32 v33, v60;
	v59 =	vld [tilespmem:s13+$0x0];
	v44 =	vadd.f32 v18, v44;
	v32 =	vadd.f32 v55, v32  }
0x119: {  	v17 =	vld.idx.msk [tilespmem:v0+s19+$0x3F0 ss:$0x1], $0xffff;
	v61 =	vmul.f32 v56, v10;
	v58 =	vmul.f32 v54, v7;
	v31 =	vadd.f32 v36, v31  }
0x11a: {  	s15 =	sadd.s32 $0x40, s13;
	v28 =	vmax.f32 v24, v27;
	v24 =	vld.idx.msk [tilespmem:v0+s19+$0x330 ss:$0x1], $0xffff;
	v37 =	vadd.f32 v62, v30;
	v32 =	vadd.f32 v42, v32  }
0x11b: {  	v63 =	vmul.f32 v57, v4;
	v30 =	vld [tilespmem:s15+$0xFFFFFFE0];
	v39 =	vadd.f32 v22, v44;
	v60 =	vadd.f32 v58, v31  }
0x11c: {  	v36 =	vmax.f32 v33, v36;
	v33 =	vadd.f32 v27, v37;
	v32 =	vadd.f32 v41, v32;
	v31 =	vld.idx.msk [tilespmem:v0+s19+$0x3E0 ss:$0x1], $0xffff  }
0x11d: {  	v37 =	vld.idx.msk [tilespmem:v0+s19+$0x170 ss:$0x1], $0xffff;
	v36 =	vmax.f32 v36, v58;
	v15 =	vsub.f32 v15, v59;
	v62 =	vadd.f32 v61, v60  }
0x11e: {  	v27 =	vld.idx.msk [tilespmem:v0+s19+$0x230 ss:$0x1], $0xffff;
	v16 =	vsub.f32 v16, v59;
	v36 =	vmax.f32 v36, v61;
	v32 =	vadd.f32 v40, v32  }
0x11f: {  	s17 =	simm.s32 $0x2000;
	s16 =	sadd.s32 $0x80, s14;
	s18 =	sadd.s32 $0x10, s18;
	v41 =	vmax.f32 v35, v40;
	v35 =	vld.idx.msk [tilespmem:v0+s19+$0x1F0 ss:$0x1], $0xffff;
	v36 =	vmax.f32 v36, v63;
	v40 =	vadd.f32 v63, v62  }
.LBB2_6:
0x120: {  	v42 =	vld [tilespmem:s18+$0x0];
	s19 =	sshra.s32 s17, $0x2;
	p2 =	sne.s32 s17, $0x1F000;
	s17 =	sadd.s32 $0x1000, s17;
	v34 =	vmax.f32 v34, v20;
	v32 =	vmul.f32 $6.250000000e-02, v32;
	v41 =	vsub.f32 v41, v30;
	[tilespmem:s14+$0x20] =	vst v15  }
0x121: {  	v20 =	vld.idx.msk [tilespmem:v0+s19+$0x260 ss:$0x1], $0xffff;
	v34 =	vmax.f32 v34, v18;
	v15 =	vadd.f32 v19, v40;
	v18 =	vmul.f32 v31, v1  }
0x122: {  	v11 =	vmul.f32 v37, v11;
	v19 =	vmax.f32 v36, v19;
	v31 =	vld.idx.msk [tilespmem:v0+s19+$0x30 ss:$0x1], $0xffff;
	[tilespmem:s16+$0x0] =	vst v41  }
0x123: {  	v37 =	vadd.f32 v23, v39;
	v36 =	vld.idx.msk [tilespmem:v0+s19+$0x0 ss:$0x1], $0xffff;
	v39 =	vadd.f32 v18, v15;
	v15 =	vmax.f32 v19, v18  }
0x124: {  	v22 =	vmax.f32 v34, v22;
	v33 =	vadd.f32 v11, v33;
	v5 =	vmul.f32 v38, v5;
	v18 =	vld.idx.msk [tilespmem:v0+s19+$0x120 ss:$0x1], $0xffff  }
0x125: {  	v11 =	vmax.f32 v28, v11;
	v28 =	vadd.f32 v8, v37;
	v34 =	vmul.f32 $-1.000000000e+01, v42;
	v19 =	vld.idx.msk [tilespmem:v0+s19+$0x60 ss:$0x1], $0xffff;
	[tilespmem:s14+$0xFFFFFFE0] =	vst v16  }
0x126: {  	v33 =	vadd.f32 v5, v33;
	v5 =	vmax.f32 v11, v5;
	v11 =	vmax.f32 v22, v23;
	v37 =	vld [tilespmem:s13+$0x10];
	s13 =	smov.u32 s15  }
0x127: {  	v30 =	vsub.f32 v32, v30;
	v14 =	vmul.f32 v35, v14;
	v16 =	vmul.f32 $1.442695020e+00, v34;
	v34 =	vld.idx.msk [tilespmem:v0+s19+$0x100 ss:$0x1], $0xffff  }
0x128: {  	v9 =	vmul.f32 $6.250000000e-02, v9;
	v8 =	vmax.f32 v11, v8;
	v11 =	vmul.f32 $6.250000000e-02, v28;
	v23 =	vld.idx.msk [tilespmem:v0+s19+$0x220 ss:$0x1], $0xffff  }
0x129: {  	v3 =	vmul.f32 v27, v3;
	v22 =	vld.idx.msk [tilespmem:v0+s19+$0xA0 ss:$0x1], $0xffff;
	(erf) = vpow2.f32 v16;
	[tilespmem:s16+$0xFFFFFFC0] =	vst v30  }
0x12a: {  	v5 =	vmax.f32 v5, v14;
	v16 =	vmul.f32 $6.250000000e-02, v39;
	v27 =	vld [tilespmem:s15+$0xFFFFFFF0]  }
0x12b: {  	v13 =	vmul.f32 v25, v13;
	v14 =	vadd.f32 v14, v33;
	v28 =	vld.idx.msk [tilespmem:v0+s19+$0xE0 ss:$0x1], $0xffff;
	v6 =	vsub.f32 v6, v37  }
0x12c: {  	v5 =	vmax.f32 v5, v3;
	v9 =	vsub.f32 v9, v37;
	v30 =	vld.idx.msk [tilespmem:v0+s19+$0x20 ss:$0x1], $0xffff  }
0x12d: {  	v2 =	vmul.f32 v29, v2;
	v5 =	vmax.f32 v5, v13;
	v32 =	vld.idx.msk [tilespmem:v0+s19+$0x90 ss:$0x1], $0xffff;
	[tilespmem:s14+$0x30] =	vst v6  }
0x12e: {  	v3 =	vadd.f32 v3, v14;
	v6 =	vld.idx.msk [tilespmem:v0+s19+$0x130 ss:$0x1], $0xffff;
	[tilespmem:s14+$0xFFFFFFF0] =	vst v9;
	s14 =	smov.u32 s16  }
0x12f: {  	v7 =	vmul.f32 v26, v7;
	v14 =	vld.idx.msk [tilespmem:v0+s19+$0x50 ss:$0x1], $0xffff;
	v9 =	vsub.f32 v11, v27;
	v25 =	vsub.f32 v8, v27  }
0x130: {  	v4 =	vmul.f32 v21, v4;
	v3 =	vadd.f32 v13, v3;
	v8 =	vld.idx.msk [tilespmem:v0+s19+$0x10 ss:$0x1], $0xffff  }
0x131: {  	v10 =	vmul.f32 v24, v10;
	v5 =	vmax.f32 v5, v2;
	v13 =	vld.idx.msk [tilespmem:v0+s19+$0x40 ss:$0x1], $0xffff;
	[tilespmem:s16+$0xFFFFFFD0] =	vst v9  }
0x132: {  	v29 =	vmul.f32 v17, v1;
	v11 =	vadd.f32 v2, v3;
	v2 =	vmax.f32 v5, v7;
	v9 =	vld.idx.msk [tilespmem:v0+s19+$0x3D0 ss:$0x1], $0xffff;
	v26 =	vpop (erf)  }
0x133: {  	v24 =	vbroadcast v26, $0x0;
	v33 =	vld.idx.msk [tilespmem:v0+s19+$0x80 ss:$0x1], $0xffff;
	v3 =	vbroadcast v26, $0x8  }
0x134: {  	v21 =	vmax.f32 v2, v10;
	v17 =	vbroadcast v26, $0x3;
	v5 =	vbroadcast v26, $0x6;
	v35 =	vld.idx.msk [tilespmem:v0+s19+$0x1A0 ss:$0x1], $0xffff  }
0x135: {  	v7 =	vadd.f32 v7, v11;
	v2 =	vbroadcast v26, $0xA;
	v36 =	vmul.f32 v24, v36;
	v37 =	vld.idx.msk [tilespmem:v0+s19+$0xC0 ss:$0x1], $0xffff  }
0x136: {  	v40 =	vmax.f32 v21, v4;
	v38 =	vbroadcast v26, $0x4;
	v1 =	vbroadcast v26, $0xF;
	v39 =	vld.idx.msk [tilespmem:v0+s19+$0x190 ss:$0x1], $0xffff  }
0x137: {  	v42 =	vmul.f32 v24, v8;
	v43 =	vmul.f32 v28, v17;
	v41 =	vadd.f32 $0.0e+00, v36;
	v44 =	vld.idx.msk [tilespmem:v0+s19+$0x150 ss:$0x1], $0xffff  }
0x138: {  	v7 =	vadd.f32 v10, v7;
	v21 =	vmul.f32 v24, v31;
	v8 =	vmul.f32 v9, v1;
	v31 =	vld.idx.msk [tilespmem:v0+s19+$0xD0 ss:$0x1], $0xffff  }
0x139: {  	v46 =	vmul.f32 v24, v30;
	v27 =	vmul.f32 v6, v38;
	v45 =	vadd.f32 $0.0e+00, v42;
	v9 =	vld.idx.msk [tilespmem:v0+s19+$0x140 ss:$0x1], $0xffff  }
0x13a: {  	v11 =	vbroadcast v26, $0x5;
	v24 =	vbroadcast v26, $0x2;
	v4 =	vadd.f32 v4, v7;
	v47 =	vld.idx.msk [tilespmem:v0+s19+$0x110 ss:$0x1], $0xffff  }
0x13b: {  	v28 =	vbroadcast v26, $0x1;
	v30 =	vadd.f32 $0.0e+00, v21;
	v37 =	vmul.f32 v37, v17;
	v10 =	vld.idx.msk [tilespmem:v0+s19+$0x180 ss:$0x1], $0xffff  }
0x13c: {  	v34 =	vmul.f32 v34, v38;
	v6 =	vmax.f32 v40, v12;
	v33 =	vmul.f32 v33, v24;
	v48 =	vld.idx.msk [tilespmem:v0+s19+$0x1C0 ss:$0x1], $0xffff  }
0x13d: {  	v7 =	vbroadcast v26, $0xB;
	v40 =	vadd.f32 $0.0e+00, v46;
	v12 =	vadd.f32 v12, v4;
	v49 =	vld.idx.msk [tilespmem:v0+s19+$0x200 ss:$0x1], $0xffff  }
0x13e: {  	v6 =	vmax.f32 v6, v29;
	v50 =	vmul.f32 v32, v24;
	v4 =	vbroadcast v26, $0xD;
	v32 =	vld.idx.msk [tilespmem:v0+s19+$0x240 ss:$0x1], $0xffff  }
0x13f: {  	v51 =	vmul.f32 v13, v28;
	v52 =	vmul.f32 v9, v11;
	v9 =	vadd.f32 v29, v12;
	v53 =	vld.idx.msk [tilespmem:v0+s19+$0x1D0 ss:$0x1], $0xffff  }
0x140: {  	v12 =	vmul.f32 v14, v28;
	v14 =	vbroadcast v26, $0x7;
	v29 =	vld.idx.msk [tilespmem:v0+s19+$0x280 ss:$0x1], $0xffff  }
0x141: {  	v41 =	vadd.f32 v51, v41;
	v54 =	vmul.f32 v31, v17;
	v55 =	vmul.f32 v10, v5;
	v31 =	vld.idx.msk [tilespmem:v0+s19+$0x300 ss:$0x1], $0xffff  }
0x142: {  	v13 =	vbroadcast v26, $0x9;
	v42 =	vmax.f32 v42, v12;
	v48 =	vmul.f32 v48, v14;
	v56 =	vld.idx.msk [tilespmem:v0+s19+$0x210 ss:$0x1], $0xffff  }
0x143: {  	v35 =	vmul.f32 v35, v5;
	v10 =	vmax.f32 v36, v51;
	v36 =	vmul.f32 v49, v3;
	v49 =	vld.idx.msk [tilespmem:v0+s19+$0x3A0 ss:$0x1], $0xffff  }
0x144: {  	v39 =	vmul.f32 v39, v5;
	v51 =	vmax.f32 v10, v33;
	v57 =	vmul.f32 v32, v13;
	v58 =	vld.idx.msk [tilespmem:v0+s19+$0x250 ss:$0x1], $0xffff  }
0x145: {  	v19 =	vmul.f32 v19, v28;
	v41 =	vadd.f32 v33, v41;
	v10 =	vbroadcast v26, $0xC;
	v59 =	vld.idx.msk [tilespmem:v0+s19+$0x2C0 ss:$0x1], $0xffff  }
0x146: {  	v12 =	vadd.f32 v12, v45;
	v45 =	vmul.f32 v53, v14;
	v32 =	vmul.f32 v29, v2;
	v29 =	vld.idx.msk [tilespmem:v0+s19+$0x290 ss:$0x1], $0xffff  }
0x147: {  	v46 =	vmax.f32 v46, v19;
	v53 =	vmul.f32 v23, v3;
	v31 =	vmul.f32 v31, v10;
	v23 =	vld.idx.msk [tilespmem:v0+s19+$0x310 ss:$0x1], $0xffff  }
0x148: {  	v33 =	vmul.f32 v20, v13;
	v12 =	vadd.f32 v50, v12;
	v56 =	vmul.f32 v56, v3;
	v20 =	vld.idx.msk [tilespmem:v0+s19+$0x2D0 ss:$0x1], $0xffff  }
0x149: {  	v22 =	vmul.f32 v22, v24;
	v44 =	vmul.f32 v44, v11;
	v41 =	vadd.f32 v37, v41;
	v60 =	vld.idx.msk [tilespmem:v0+s19+$0x340 ss:$0x1], $0xffff  }
0x14a: {  	v37 =	vmax.f32 v51, v37;
	v51 =	vmul.f32 v18, v38;
	v58 =	vmul.f32 v58, v13;
	v61 =	vld.idx.msk [tilespmem:v0+s19+$0x3B0 ss:$0x1], $0xffff  }
0x14b: {  	v38 =	vmul.f32 v47, v38;
	v12 =	vadd.f32 v54, v12;
	v47 =	vmul.f32 v59, v7;
	v59 =	vld.idx.msk [tilespmem:v0+s19+$0x380 ss:$0x1], $0xffff  }
0x14c: {  	v19 =	vadd.f32 v19, v40;
	v18 =	vmax.f32 v42, v50;
	v40 =	vmul.f32 v29, v2;
	v29 =	vld.idx.msk [tilespmem:v0+s19+$0x350 ss:$0x1], $0xffff  }
0x14d: {  	v42 =	vmax.f32 v46, v22;
	v46 =	vmax.f32 v18, v54;
	v18 =	vmul.f32 v23, v10;
	v23 =	vld.idx.msk [tilespmem:v0+s19+$0x3C0 ss:$0x1], $0xffff  }
0x14e: {  	v19 =	vadd.f32 v22, v19;
	v22 =	vadd.f32 v34, v41;
	v20 =	vmul.f32 v20, v7;
	v41 =	vld.idx.msk [tilespmem:v0+s19+$0x390 ss:$0x1], $0xffff  }
0x14f: {  	v26 =	vbroadcast v26, $0xE;
	v50 =	vmul.f32 v60, v4  }
0x150: {  	s15 =	sadd.s32 $0x40, s15;
	v42 =	vmax.f32 v42, v43;
	v54 =	vadd.f32 v43, v19;
	v19 =	vadd.f32 v52, v22  }
0x151: {  	v43 =	vadd.f32 v38, v12;
	v12 =	vmul.f32 v61, v26;
	v59 =	vmul.f32 v59, v26;
	v60 =	vld.idx.msk [tilespmem:v0+s19+$0x160 ss:$0x1], $0xffff  }
0x152: {  	v62 =	vadd.f32 v55, v19;
	v19 =	vmul.f32 v49, v26;
	v22 =	vmul.f32 v29, v4;
	v61 =	vld.idx.msk [tilespmem:v0+s19+$0x70 ss:$0x1], $0xffff  }
0x153: {  	v34 =	vmax.f32 v37, v34;
	v37 =	vadd.f32 v51, v54;
	v49 =	vmul.f32 v23, v1;
	v29 =	vld.idx.msk [tilespmem:v0+s19+$0xB0 ss:$0x1], $0xffff  }
0x154: {  	v42 =	vmax.f32 v42, v51;
	v51 =	vadd.f32 v48, v62;
	v23 =	vmul.f32 v41, v26;
	v54 =	vld.idx.msk [tilespmem:v0+s19+$0xF0 ss:$0x1], $0xffff  }
0x155: {  	v34 =	vmax.f32 v34, v52;
	v26 =	vmax.f32 v46, v38;
	v38 =	vadd.f32 v44, v43  }
0x156: {  	v34 =	vmax.f32 v34, v55;
	v41 =	vadd.f32 v36, v51;
	v26 =	vmax.f32 v26, v44  }
0x157: {  	s16 =	sadd.s32 $0x80, s16;
	v34 =	vmax.f32 v34, v48;
	v38 =	vadd.f32 v39, v38;
	v26 =	vmax.f32 v26, v39  }
0x158: {  	v34 =	vmax.f32 v34, v36;
	v39 =	vmul.f32 v61, v28;
	v28 =	vadd.f32 v57, v41;
	v43 =	vld.idx.msk [tilespmem:v0+s19+$0x1E0 ss:$0x1], $0xffff  }
0x159: {  	v26 =	vmax.f32 v26, v45;
	v36 =	vmul.f32 v29, v24;
	v24 =	vadd.f32 v45, v38  }
0x15a: {  	v29 =	vmul.f32 v60, v11;
	v21 =	vmax.f32 v21, v39;
	v38 =	vmul.f32 v54, v17  }
0x15b: {  	v21 =	vmax.f32 v21, v36;
	v41 =	vadd.f32 v56, v24;
	v24 =	vadd.f32 v32, v28;
	v17 =	vld.idx.msk [tilespmem:v0+s19+$0x3F0 ss:$0x1], $0xffff  }
0x15c: {  	v37 =	vadd.f32 v29, v37;
	v29 =	vmax.f32 v42, v29;
	v28 =	vmax.f32 v21, v38;
	v21 =	vld.idx.msk [tilespmem:v0+s19+$0x370 ss:$0x1], $0xffff  }
0x15d: {  	v29 =	vmax.f32 v29, v35;
	v28 =	vmax.f32 v28, v27;
	v42 =	vadd.f32 v47, v24;
	v24 =	vld.idx.msk [tilespmem:v0+s19+$0x330 ss:$0x1], $0xffff  }
0x15e: {  	v35 =	vadd.f32 v35, v37;
	v41 =	vadd.f32 v58, v41;
	v37 =	vmul.f32 v43, v14;
	v43 =	vld.idx.msk [tilespmem:v0+s19+$0x2A0 ss:$0x1], $0xffff  }
0x15f: {  	v34 =	vmax.f32 v34, v57;
	v44 =	vmax.f32 v26, v56;
	v42 =	vadd.f32 v31, v42;
	v26 =	vld.idx.msk [tilespmem:v0+s19+$0x2F0 ss:$0x1], $0xffff  }
0x160: {  	v35 =	vadd.f32 v37, v35;
	v29 =	vmax.f32 v29, v37;
	v37 =	vadd.f32 v40, v41;
	v41 =	vld.idx.msk [tilespmem:v0+s19+$0x2E0 ss:$0x1], $0xffff  }
0x161: {  	v44 =	vmax.f32 v44, v58;
	v45 =	vmax.f32 v29, v53;
	v42 =	vadd.f32 v50, v42;
	v29 =	vld.idx.msk [tilespmem:v0+s19+$0x2B0 ss:$0x1], $0xffff  }
0x162: {  	v35 =	vadd.f32 v53, v35;
	v45 =	vmax.f32 v45, v33;
	v37 =	vadd.f32 v20, v37;
	v46 =	vld.idx.msk [tilespmem:v0+s19+$0x320 ss:$0x1], $0xffff  }
0x163: {  	v30 =	vadd.f32 v39, v30;
	v32 =	vmax.f32 v34, v32;
	v34 =	vadd.f32 v59, v42;
	[tilespmem:s14+$0x10] =	vst v25  }
0x164: {  	v32 =	vmax.f32 v32, v47;
	v33 =	vadd.f32 v33, v35;
	v35 =	vmul.f32 v43, v2;
	v42 =	vld.idx.msk [tilespmem:v0+s19+$0x360 ss:$0x1], $0xffff  }
0x165: {  	v30 =	vadd.f32 v36, v30;
	v31 =	vmax.f32 v32, v31;
	v32 =	vadd.f32 v49, v34;
	v25 =	vld.idx.msk [tilespmem:v0+s19+$0x270 ss:$0x1], $0xffff  }
0x166: {  	v39 =	vmax.f32 v31, v50;
	v33 =	vadd.f32 v35, v33;
	v36 =	vmul.f32 v41, v7;
	v43 =	vld [tilespmem:s13+$0x0]  }
0x167: {  	v38 =	vadd.f32 v38, v30;
	v34 =	vmax.f32 v44, v40;
	v35 =	vmax.f32 v45, v35;
	v30 =	vld [tilespmem:s15+$0xFFFFFFE0]  }
.Ltmp2:
0x168: {  	v41 =	vadd.f32 v18, v37;
	v40 =	vadd.f32 v36, v33;
	v44 =	vmul.f32 v46, v10;
	v31 =	vld.idx.msk [tilespmem:v0+s19+$0x3E0 ss:$0x1], $0xffff;
	(pc) =	sbr.rel @p2 .LBB2_6-.Ltmp2, $4  }
0x169: {  	v33 =	vadd.f32 v27, v38;
	v35 =	vmax.f32 v35, v36;
	v36 =	vmax.f32 v39, v59;
	v37 =	vld.idx.msk [tilespmem:v0+s19+$0x170 ss:$0x1], $0xffff  }
0x16a: {  	v39 =	vadd.f32 v22, v41;
	v40 =	vadd.f32 v44, v40;
	v42 =	vmul.f32 v42, v4;
	v27 =	vld.idx.msk [tilespmem:v0+s19+$0x230 ss:$0x1], $0xffff  }
0x16b: {  	v41 =	vmax.f32 v36, v49;
	v44 =	vmax.f32 v35, v44;
	v38 =	vld.idx.msk [tilespmem:v0+s19+$0x1B0 ss:$0x1], $0xffff;
	v15 =	vsub.f32 v15, v43  }
0x16c: {  	s18 =	sadd.s32 $0x10, s18;
	v40 =	vadd.f32 v42, v40;
	v36 =	vmax.f32 v44, v42;
	v16 =	vsub.f32 v16, v43;
	v35 =	vld.idx.msk [tilespmem:v0+s19+$0x1F0 ss:$0x1], $0xffff  }
0x16d: {  	v0 =	vmul.f32 $6.250000000e-02, v32  }
0x16e: {  	v47 =	vsub.f32 v41, v30  }
0x16f: {  	v0 =	vsub.f32 v0, v30  }
0x170: {  	v11 =	vmul.f32 v37, v11;
	[tilespmem:s16+$0x0] =	vst v47  }
0x171: {  	v48 =	vadd.f32 v23, v39;
	[tilespmem:s16+$0xFFFFFFC0] =	vst v0  }
0x172: {  	v49 =	vadd.f32 v11, v33;
	v5 =	vmul.f32 v38, v5;
	v32 =	vld [tilespmem:s15+$0xFFFFFFF0]  }
0x173: {  	v20 =	vmax.f32 v34, v20;
	v30 =	vadd.f32 v8, v48  }
0x174: {  	v18 =	vmax.f32 v20, v18;
	v14 =	vmul.f32 v35, v14;
	v0 =	vadd.f32 v5, v49  }
0x175: {  	v18 =	vmax.f32 v18, v22;
	v50 =	vmul.f32 $6.250000000e-02, v30  }
0x176: {  	v3 =	vmul.f32 v27, v3;
	v18 =	vmax.f32 v18, v23;
	v0 =	vadd.f32 v14, v0  }
0x177: {  	v51 =	vmax.f32 v18, v8;
	v52 =	vsub.f32 v50, v32  }
0x178: {  	v13 =	vmul.f32 v25, v13;
	v0 =	vadd.f32 v3, v0;
	v8 =	vsub.f32 v51, v32  }
0x179: {  	[tilespmem:s16+$0xFFFFFFD0] =	vst v52  }
0x17a: {  	v2 =	vmul.f32 v29, v2;
	v0 =	vadd.f32 v13, v0;
	[tilespmem:s16+$0x10] =	vst v8  }
0x17b: {  	v54 =	vmul.f32 v31, v1;
	v53 =	vadd.f32 v19, v40;
	v55 =	vld [tilespmem:s15+$0x0]  }
0x17c: {  	v7 =	vmul.f32 v26, v7;
	v0 =	vadd.f32 v2, v0  }
0x17d: {  	v56 =	vmax.f32 v36, v19;
	v10 =	vmul.f32 v24, v10;
	v8 =	vadd.f32 v54, v53  }
0x17e: {  	v4 =	vmul.f32 v21, v4;
	v11 =	vmax.f32 v28, v11;
	v0 =	vadd.f32 v7, v0  }
0x17f: {  	v57 =	vmax.f32 v56, v54;
	v5 =	vmax.f32 v11, v5;
	v8 =	vmul.f32 $6.250000000e-02, v8  }
0x180: {  	[tilespmem:s14+$0x20] =	vst v15;
	v5 =	vmax.f32 v5, v14;
	v0 =	vadd.f32 v10, v0;
	v11 =	vsub.f32 v57, v55  }
0x181: {  	[tilespmem:s14+$0xFFFFFFE0] =	vst v16;
	v3 =	vmax.f32 v5, v3;
	v58 =	vsub.f32 v8, v55  }
0x182: {  	v59 =	vld [tilespmem:s13+$0x10];
	v3 =	vmax.f32 v3, v13;
	v0 =	vadd.f32 v4, v0;
	[tilespmem:s16+$0x20] =	vst v11  }
0x183: {  	v2 =	vmax.f32 v3, v2;
	[tilespmem:s16+$0xFFFFFFE0] =	vst v58  }
0x184: {  	v60 =	vmul.f32 v17, v1;
	v2 =	vmax.f32 v2, v7;
	v0 =	vadd.f32 v12, v0;
	v61 =	vld [tilespmem:s15+$0x10]  }
0x185: {  	v2 =	vmax.f32 v2, v10  }
0x186: {  	v62 =	vmul.f32 $6.250000000e-02, v9;
	v2 =	vmax.f32 v2, v4;
	v0 =	vadd.f32 v60, v0  }
0x187: {  	p2 =	sne.s32 s12, $0x0;
	v63 =	vsub.f32 v6, v59;
	v2 =	vmax.f32 v2, v12  }
0x188: {  	s12 =	sshll.u32 @!p2 s11, $0x5;
	v5 =	vsub.f32 v62, v59;
	v1 =	vmax.f32 v2, v60;
	v0 =	vmul.f32 $6.250000000e-02, v0  }
0x189: {  	s12 =	sadd.s32 @!p2 s8, s12;
	[tilespmem:s14+$0x30] =	vst v63;
	v1 =	vsub.f32 v1, v61  }
0x18a: {  	s12 =	smin.u32 @!p2 s12, $0xC330;
	[tilespmem:s14+$0xFFFFFFF0] =	vst v5;
	v0 =	vsub.f32 v0, v61  }
0x18b: {  	s12 =	sshll.u32 @!p2 s12, $0x4;
	[tilespmem:s16+$0x30] =	vst v1  }
0x18c: {  	s13 =	simm.s32 @!p2 $0x0;
	s12 =	sadd.s32 @!p2 s9, s12;
	s14 =	simm.s32 @!p2 $0x1B000;
	[tilespmem:s16+$0xFFFFFFF0] =	vst v0  }
0x18d: {  	[hbm4b:s12+s13] =	stream.linear.scatter @!p2 [tilespmem:s14], [sflag:$0x4], $0x1000, $0x38;
	[tilespmem:$0x1D000] =	vst v63  }
0x18e: {  	s12 =	sshll.u32 @p1 s11, $0x5  }
0x18f: {  	s12 =	sadd.s32 @p1 s8, s12  }
0x190: {  	s12 =	smin.u32 @p1 s12, $0xC330  }
0x191: {  	s13 =	simm.s32 @p1 $0x0;
	s12 =	sshll.u32 @p1 s12, $0x4  }
0x192: {  	s14 =	simm.s32 @p1 $0x1C000;
	s11 =	sadd.s32 $0x1, s11;
	s12 =	sadd.s32 @p1 s9, s12  }
0x193: {  	[hbm4b:s12+s13] =	stream.linear.scatter @p1 [tilespmem:s14], [sflag:$0x5], $0x1000, $0x38;
	[tilespmem:$0x1D000] =	vst v63  }
0x194: {  	p1 =	sne.s32 s11, $0x62  }
.Ltmp3:
0x195: {  	_ = 	snop;
	(pc) =	sbr.rel @p1 .LBB2_1-.Ltmp3, $2  }
0x196: {  	_ =	sdelay $0x2  }
0x197: {  	s2 =	sadd.s32 $0x1, s2;
	p0 =	por !p0, !p0;
	s7 =	sadd.s32 $0x8000, s7  }
0x198: {  	s2 =	simm.s32 $0x4  }
0x199: {  	_ =	swait.ge [sflag:s2], $0x1000  }
0x19a: {  	[sflag:s2] =	ssyncset.done $0x0  }
0x19b: {  	s31 =	simm.s32 $0x5;
	[sflag:s2] =	ssyncadd.s32 $0xFFFFF000  }
0x19c: {  	_ =	swait.ge [sflag:s31], $0x1000  }
0x19d: {  	[sflag:s31] =	ssyncset.done $0x0  }
0x19e: {  	[sflag:s31] =	ssyncadd.s32 $0xFFFFF000  }
0x19f: {  	_ =	sfence.sel $0x180000  }
0x1a0: {  	[bflag:$0x0] =	sbarrier.arrive $0xFFFF  }
0x1a1: {  	p0 =	sne.s32 s1, $0x0;
	_ =	strace $0x9000004A  }
0x1a2: {  	s0 =	sadd.s32 @!p0 $0x100000, s0;
	[bflag:$0x2] =	sbarrier.arrive $0xFFFF  }
0x1a3: {  	[sflag:s0] =	ssyncadd.tile.s32 @!p0 $0x1;
	_ =	shalt  }
.Lfunc_end2:
_tile_overlayer_lowered:
.L_overlay_start_2:
0x1a4: {  	(tag) =	ssettag $0x2  }
0x1a5: {  	s0 =	rddreg [dreg:$0x0];
	s2 =	stileid.u32  }
0x1a6: {  	s1 =	rddreg [dreg:$0x1];
	p0 =	sne.s32 s2, $0x0  }
0x1a7: {  	s3 =	rddreg [dreg:$0x2];
	[bflag:$0x3] =	sbarrier.arrive $0xFFFF;
	s2 =	simm.s32 @!p0 $0x1C06  }
0x1a8: {  	[timem:s3], [sflag:s2] =	dma.local @!p0 [hbm:s0], s1  }
0x1a9: {  	s0 =	simm.s32 @!p0 $0x6  }
0x1aa: {  	_ =	swait.ge @!p0 [sflag:s0], s1  }
0x1ab: {  	s1 =	ssub.s32 @!p0 $0x0, s1;
	[sflag:s0] =	ssyncset.done @!p0 $0x0  }
0x1ac: {  	[sflag:s0] =	ssyncadd.s32 @!p0 s1  }
0x1ad: {  	[bflag:$0x3] =	sbarrier.arrive $0xFFFF  }
0x1ae: {  	_ =	shalt  }

</sc_bundles>
